<compile_context>
chip_gen: v7x
topology: tpu7x:2x2x1
jax: 0.10.2.dev20260603
libtpu: 0.0.44.dev20260713+nightly
codegen_flags: <defaults>
</compile_context>

<pallas_src>
import functools

import jax
import jax.numpy as jnp
from jax import lax
from jax.experimental import pallas as pl
from jax.experimental.pallas import tpu as pltpu
from jax.experimental.pallas import tpu_sc as plsc

_VOC_LEN = 1000000
_D = 32
_S = 50
_SCALE = float(_D) ** 0.5

_info = plsc.get_sparse_core_info()
_NC, _NS, _L = _info.num_cores, _info.num_subcores, _info.num_lanes
_NW = _NC * _NS
_NBUF = 2


def _make_lookup(NB: int, R: int, S: int):
    b_per_w = NB // _NW
    assert NB % _NW == 0 and b_per_w % R == 0
    n_chunks = b_per_w // R
    assert n_chunks % _NBUF == 0 and n_chunks >= 2 * _NBUF
    C = R * S
    mesh = plsc.VectorSubcoreMesh(core_axis_name="c", subcore_axis_name="s")

    @functools.partial(
        pl.kernel,
        mesh=mesh,
        compiler_params=pltpu.CompilerParams(use_tc_tiling_on_sc=False),
        out_type=jax.ShapeDtypeStruct((NB, S, _D), jnp.float32),
        scratch_types=[
            [pltpu.VMEM((C,), jnp.int32) for _ in range(_NBUF)],
            [pltpu.VMEM((C, _D), jnp.float32) for _ in range(_NBUF)],
            [pltpu.SemaphoreType.DMA for _ in range(_NBUF)],
            [pltpu.SemaphoreType.DMA for _ in range(_NBUF)],
        ],
    )
    def lookup(x_hbm, tab_hbm, out_hbm, idx_v, rows_v, gsem, wsem):
        wid = lax.axis_index("s") * _NC + lax.axis_index("c")
        g_base = wid * b_per_w * S
        row_base = wid * b_per_w

        def drain_gather(k):
            pltpu.make_async_copy(tab_hbm.at[idx_v[k]], rows_v[k], gsem[k]).wait()

        def scale_chunk(k):
            def body(r, carry):
                rows_v[k][r, pl.ds(0, _L)] = rows_v[k][r, pl.ds(0, _L)] * _SCALE
                rows_v[k][r, pl.ds(_L, _L)] = rows_v[k][r, pl.ds(_L, _L)] * _SCALE
                return carry

            lax.fori_loop(0, C, body, 0, unroll=8)

        def write_chunk(j, k):
            b0 = row_base + j * R
            for r in range(R):
                pltpu.make_async_copy(
                    rows_v[k].at[pl.ds(r * S, S), :], out_hbm.at[b0 + r], wsem[k]
                ).start()

        def drain_writes(j, k):
            b0 = row_base + j * R
            for r in range(R):
                pltpu.make_async_copy(
                    rows_v[k].at[pl.ds(r * S, S), :], out_hbm.at[b0 + r], wsem[k]
                ).wait()

        for k in range(_NBUF):
            pltpu.sync_copy(x_hbm.at[pl.ds(g_base + k * C, C)], idx_v[k])
            pltpu.make_async_copy(tab_hbm.at[idx_v[k]], rows_v[k], gsem[k]).start()

        def group_body(g, carry):
            for k in range(_NBUF):
                j = g * _NBUF + k
                drain_gather(k)
                scale_chunk(k)
                write_chunk(j, k)
                jn = j + _NBUF

                @pl.when(jn < n_chunks)
                def _():
                    pltpu.sync_copy(x_hbm.at[pl.ds(g_base + jn * C, C)], idx_v[k])
                    drain_writes(j, k)
                    pltpu.make_async_copy(
                        tab_hbm.at[idx_v[k]], rows_v[k], gsem[k]
                    ).start()

            return carry

        lax.fori_loop(0, n_chunks // _NBUF, group_body, 0)

        for k in range(_NBUF):
            drain_writes(n_chunks - _NBUF + k, k)

    return lookup


_NB = 16384
_lookup = _make_lookup(_NB, 32, _S)


def kernel(x, table):
    xf = x.reshape(-1).astype(jnp.int32)
    return _lookup(xf, table)

# --- scband reference (transcript-rebuilt; emitter-appended) ---
"""Pipeline reference for scband-embedding-65996467470784 (READ-ONLY COPY).

The authoritative reference and input builder live on the scoring server;
editing this copy changes nothing except your own understanding.
"""

import jax, jax.numpy as jnp
import numpy as np

VOC_LEN = 1000000
EMB_DIM = 32
PAD_ID = 0

def setup_inputs(seed: int = 0) -> dict:
    key = jax.random.key(seed)
    k_idx, k_tab = jax.random.split(key)
    x = jax.random.randint(k_idx, (16384, 50), 0, VOC_LEN, dtype=jnp.int64)
    table = jax.random.normal(k_tab, (VOC_LEN, EMB_DIM), dtype=jnp.float32)
    # padding_idx row is zero-initialized, matching nn.Embedding(padding_idx=PAD_ID)
    table = table.at[PAD_ID].set(0.0)
    return {"x": x, "table": table}

def reference(x, table):
    # Embedding.forward: lut(x) * emb_dim ** 0.5  (scale=True)
    emb = jnp.take(table, x, axis=0)
    return emb * (EMB_DIM ** 0.5)

if __name__ == "__main__":
    import jax
    _d = setup_inputs()
    print(jax.jit(kernel)(*tuple(_d.values())))

</pallas_src>

<mosaic_0001>
#map = affine_map<(d0, d1) -> (0)>
#map1 = affine_map<(d0, d1) -> (0, 0)>
#map2 = affine_map<(d0, d1) -> (0, 0, 0)>
module attributes {stable_mosaic.version = 14 : i64} {
  func.func @lookup(%arg0: i32, %arg1: i32, %arg2: memref<819200xi32, #tpu.memory_space<hbm>>, %arg3: memref<1000000x32xf32, #tpu.memory_space<hbm>>, %arg4: memref<16384x50x32xf32, #tpu.memory_space<hbm>>, %arg5: memref<1600xi32, #tpu.memory_space<vmem>>, %arg6: memref<1600xi32, #tpu.memory_space<vmem>>, %arg7: memref<1600x32xf32, #tpu.memory_space<vmem>>, %arg8: memref<1600x32xf32, #tpu.memory_space<vmem>>, %arg9: memref<!tpu.dma_semaphore, #tpu.memory_space<semaphore_mem>>, %arg10: memref<!tpu.dma_semaphore, #tpu.memory_space<semaphore_mem>>, %arg11: memref<!tpu.dma_semaphore, #tpu.memory_space<semaphore_mem>>, %arg12: memref<!tpu.dma_semaphore, #tpu.memory_space<semaphore_mem>>) attributes {dimension_semantics = [#tpu.dimension_semantics<core_parallel>, #tpu.dimension_semantics<subcore_parallel>], iteration_bounds = array<i64: 2, 16>, scalar_prefetch = 0 : i64, scratch_operands = 8 : i64, tpu.core_type = #tpu.core_type<sc_vector_subcore>, window_params = [{transform_indices = #map}, {transform_indices = #map1}, {transform_indices = #map2}]} {
    %mul3A = arith.constant 2 : i32
    %mul3A_0 = arith.muli %arg1, %mul3A : i32
    %add3A = arith.addi %mul3A_0, %arg0 : i32
    %mul3A_1 = arith.constant 512 : i32
    %mul3A_2 = arith.muli %add3A, %mul3A_1 : i32
    %mul3A_3 = arith.constant 50 : i32
    %mul3A_4 = arith.muli %mul3A_2, %mul3A_3 : i32
    %mul3A_5 = arith.constant 512 : i32
    %mul3A_6 = arith.muli %add3A, %mul3A_5 : i32
    %add3A_7 = arith.constant 0 : i32
    %add3A_8 = arith.addi %mul3A_4, %add3A_7 : i32
    "tpu.region"() ({
      %run_scoped3A = tpu.sem_alloc : memref<!tpu.dma_semaphore, #tpu.memory_space<semaphore_mem>>
      %dma_start3A_1048 = tpu.memref_slice %arg2[%add3A_8] : memref<819200xi32, #tpu.memory_space<hbm>> -> memref<1600xi32, #tpu.memory_space<hbm>>
      %dma_start3A_1049 = tpu.memref_slice %arg2[%add3A_8] : memref<819200xi32, #tpu.memory_space<hbm>> -> memref<1600xi32, #tpu.memory_space<hbm>>
      tpu.enqueue_dma source(%dma_start3A_1049 : memref<1600xi32, #tpu.memory_space<hbm>>) target(%arg5 : memref<1600xi32, #tpu.memory_space<vmem>>) target_semaphore(%run_scoped3A : memref<!tpu.dma_semaphore, #tpu.memory_space<semaphore_mem>>)
      %dma_wait3A_1050 = tpu.memref_slice %arg2[%add3A_8] : memref<819200xi32, #tpu.memory_space<hbm>> -> memref<1600xi32, #tpu.memory_space<hbm>>
      %dma_wait3A_1051 = tpu.memref_slice %arg2[%add3A_8] : memref<819200xi32, #tpu.memory_space<hbm>> -> memref<1600xi32, #tpu.memory_space<hbm>>
      tpu.wait_dma2 semaphore(%run_scoped3A : memref<!tpu.dma_semaphore, #tpu.memory_space<semaphore_mem>>) src(%dma_wait3A_1051 : memref<1600xi32, #tpu.memory_space<hbm>>) dst(%arg5 : memref<1600xi32, #tpu.memory_space<vmem>>)
      tpu.yield
    }) : () -> ()
    %dma_start3A = arith.constant 0 : i32
    %dma_start3A_9 = arith.constant 0 : i32
    %dma_start3A_10 = tpu.memref_slice %arg3[%dma_start3A, %dma_start3A_9] : memref<1000000x32xf32, #tpu.memory_space<hbm>> -> memref<1000000x32xf32, #tpu.memory_space<hbm>>
    tpu.enqueue_indirect_dma source(%dma_start3A_10 : memref<1000000x32xf32, #tpu.memory_space<hbm>>) target(%arg7 : memref<1600x32xf32, #tpu.memory_space<vmem>>) offsets(%arg5 : memref<1600xi32, #tpu.memory_space<vmem>>) semaphore(%arg9 : memref<!tpu.dma_semaphore, #tpu.memory_space<semaphore_mem>>)
    %add3A_11 = arith.constant 1600 : i32
    %add3A_12 = arith.addi %mul3A_4, %add3A_11 : i32
    "tpu.region"() ({
      %run_scoped3A = tpu.sem_alloc : memref<!tpu.dma_semaphore, #tpu.memory_space<semaphore_mem>>
      %dma_start3A_1048 = tpu.memref_slice %arg2[%add3A_12] : memref<819200xi32, #tpu.memory_space<hbm>> -> memref<1600xi32, #tpu.memory_space<hbm>>
      %dma_start3A_1049 = tpu.memref_slice %arg2[%add3A_12] : memref<819200xi32, #tpu.memory_space<hbm>> -> memref<1600xi32, #tpu.memory_space<hbm>>
      tpu.enqueue_dma source(%dma_start3A_1049 : memref<1600xi32, #tpu.memory_space<hbm>>) target(%arg6 : memref<1600xi32, #tpu.memory_space<vmem>>) target_semaphore(%run_scoped3A : memref<!tpu.dma_semaphore, #tpu.memory_space<semaphore_mem>>)
      %dma_wait3A_1050 = tpu.memref_slice %arg2[%add3A_12] : memref<819200xi32, #tpu.memory_space<hbm>> -> memref<1600xi32, #tpu.memory_space<hbm>>
      %dma_wait3A_1051 = tpu.memref_slice %arg2[%add3A_12] : memref<819200xi32, #tpu.memory_space<hbm>> -> memref<1600xi32, #tpu.memory_space<hbm>>
      tpu.wait_dma2 semaphore(%run_scoped3A : memref<!tpu.dma_semaphore, #tpu.memory_space<semaphore_mem>>) src(%dma_wait3A_1051 : memref<1600xi32, #tpu.memory_space<hbm>>) dst(%arg6 : memref<1600xi32, #tpu.memory_space<vmem>>)
      tpu.yield
    }) : () -> ()
    %dma_start3A_13 = arith.constant 0 : i32
    %dma_start3A_14 = arith.constant 0 : i32
    %dma_start3A_15 = tpu.memref_slice %arg3[%dma_start3A_13, %dma_start3A_14] : memref<1000000x32xf32, #tpu.memory_space<hbm>> -> memref<1000000x32xf32, #tpu.memory_space<hbm>>
    tpu.enqueue_indirect_dma source(%dma_start3A_15 : memref<1000000x32xf32, #tpu.memory_space<hbm>>) target(%arg8 : memref<1600x32xf32, #tpu.memory_space<vmem>>) offsets(%arg6 : memref<1600xi32, #tpu.memory_space<vmem>>) semaphore(%arg10 : memref<!tpu.dma_semaphore, #tpu.memory_space<semaphore_mem>>)
    %scan3A = arith.constant 0 : i32
    %scan3A_16 = arith.constant 0 : i32
    %scan3A_17 = arith.constant 8 : i32
    %scan3A_18 = arith.addi %scan3A_16, %scan3A_17 : i32
    %scan3A_19 = arith.constant 1 : i32
    scf.for %scan3A_1048 = %scan3A_16 to %scan3A_18 step %scan3A_19  : i32 {
      %mul3A_1049 = arith.constant 2 : i32
      %mul3A_1050 = arith.muli %scan3A_1048, %mul3A_1049 : i32
      %add3A_1051 = arith.constant 0 : i32
      %add3A_1052 = arith.addi %mul3A_1050, %add3A_1051 : i32
      %dma_wait3A_1053 = arith.constant 0 : i32
      %dma_wait3A_1054 = arith.constant 0 : i32
      %dma_wait3A_1055 = tpu.memref_slice %arg3[%dma_wait3A_1053, %dma_wait3A_1054] : memref<1000000x32xf32, #tpu.memory_space<hbm>> -> memref<1000000x32xf32, #tpu.memory_space<hbm>>
      tpu.wait_indirect_dma semaphore(%arg9 : memref<!tpu.dma_semaphore, #tpu.memory_space<semaphore_mem>>) src(%dma_wait3A_1055 : memref<1000000x32xf32, #tpu.memory_space<hbm>>) dst(%arg7 : memref<1600x32xf32, #tpu.memory_space<vmem>>)
      %scan3A_1056 = arith.constant 0 : i32
      %scan3A_1057 = arith.constant 0 : i32
      %scan3A_1058 = arith.constant 1600 : i32
      %scan3A_1059 = arith.addi %scan3A_1057, %scan3A_1058 : i32
      %scan3A_1060 = arith.constant 8 : i32
      scf.for %scan3A_2116 = %scan3A_1057 to %scan3A_1059 step %scan3A_1060  : i32 {
        %get3A = arith.index_cast %scan3A_2116 : i32 to index
        %get3A_2117 = arith.constant 0 : index
        %get3A_2118 = tpu.vector_load %arg7[%get3A, %get3A_2117] {strides = array<i32>} : memref<1600x32xf32, #tpu.memory_space<vmem>>, vector<1x16xf32>,
        %get3A_2119 = vector.shape_cast %get3A_2118 : vector<1x16xf32> to vector<16xf32>
        %mul3A_2120 = arith.constant 5.65685415 : f32
        %mul3A_2121 = vector.broadcast %mul3A_2120 : f32 to vector<16xf32>
        %mul3A_2122 = arith.mulf %get3A_2119, %mul3A_2121 : vector<16xf32>
        %swap3A = arith.index_cast %scan3A_2116 : i32 to index
        %swap3A_2123 = arith.constant 0 : index
        %swap3A_2124 = tpu.vector_load %arg7[%swap3A, %swap3A_2123] {strides = array<i32>} : memref<1600x32xf32, #tpu.memory_space<vmem>>, vector<1x16xf32>,
        %swap3A_2125 = vector.shape_cast %swap3A_2124 : vector<1x16xf32> to vector<16xf32>
        %swap3A_2126 = vector.shape_cast %mul3A_2122 : vector<16xf32> to vector<1x16xf32>
        tpu.vector_store %arg7[%swap3A, %swap3A_2123], %swap3A_2126 {strides = array<i32>} : memref<1600x32xf32, #tpu.memory_space<vmem>>, vector<1x16xf32>,
        %get3A_2127 = arith.index_cast %scan3A_2116 : i32 to index
        %get3A_2128 = arith.constant 16 : index
        %get3A_2129 = tpu.vector_load %arg7[%get3A_2127, %get3A_2128] {strides = array<i32>} : memref<1600x32xf32, #tpu.memory_space<vmem>>, vector<1x16xf32>,
        %get3A_2130 = vector.shape_cast %get3A_2129 : vector<1x16xf32> to vector<16xf32>
        %mul3A_2131 = arith.constant 5.65685415 : f32
        %mul3A_2132 = vector.broadcast %mul3A_2131 : f32 to vector<16xf32>
        %mul3A_2133 = arith.mulf %get3A_2130, %mul3A_2132 : vector<16xf32>
        %swap3A_2134 = arith.index_cast %scan3A_2116 : i32 to index
        %swap3A_2135 = arith.constant 16 : index
        %swap3A_2136 = tpu.vector_load %arg7[%swap3A_2134, %swap3A_2135] {strides = array<i32>} : memref<1600x32xf32, #tpu.memory_space<vmem>>, vector<1x16xf32>,
        %swap3A_2137 = vector.shape_cast %swap3A_2136 : vector<1x16xf32> to vector<16xf32>
        %swap3A_2138 = vector.shape_cast %mul3A_2133 : vector<16xf32> to vector<1x16xf32>
        tpu.vector_store %arg7[%swap3A_2134, %swap3A_2135], %swap3A_2138 {strides = array<i32>} : memref<1600x32xf32, #tpu.memory_space<vmem>>, vector<1x16xf32>,
        %scan3A_2139 = arith.constant 1 : i32
        %scan3A_2140 = arith.addi %scan3A_2116, %scan3A_2139 : i32
        %get3A_2141 = arith.index_cast %scan3A_2140 : i32 to index
        %get3A_2142 = arith.constant 0 : index
        %get3A_2143 = tpu.vector_load %arg7[%get3A_2141, %get3A_2142] {strides = array<i32>} : memref<1600x32xf32, #tpu.memory_space<vmem>>, vector<1x16xf32>,
        %get3A_2144 = vector.shape_cast %get3A_2143 : vector<1x16xf32> to vector<16xf32>
        %mul3A_2145 = arith.constant 5.65685415 : f32
        %mul3A_2146 = vector.broadcast %mul3A_2145 : f32 to vector<16xf32>
        %mul3A_2147 = arith.mulf %get3A_2144, %mul3A_2146 : vector<16xf32>
        %swap3A_2148 = arith.index_cast %scan3A_2140 : i32 to index
        %swap3A_2149 = arith.constant 0 : index
        %swap3A_2150 = tpu.vector_load %arg7[%swap3A_2148, %swap3A_2149] {strides = array<i32>} : memref<1600x32xf32, #tpu.memory_space<vmem>>, vector<1x16xf32>,
        %swap3A_2151 = vector.shape_cast %swap3A_2150 : vector<1x16xf32> to vector<16xf32>
        %swap3A_2152 = vector.shape_cast %mul3A_2147 : vector<16xf32> to vector<1x16xf32>
        tpu.vector_store %arg7[%swap3A_2148, %swap3A_2149], %swap3A_2152 {strides = array<i32>} : memref<1600x32xf32, #tpu.memory_space<vmem>>, vector<1x16xf32>,
        %get3A_2153 = arith.index_cast %scan3A_2140 : i32 to index
        %get3A_2154 = arith.constant 16 : index
        %get3A_2155 = tpu.vector_load %arg7[%get3A_2153, %get3A_2154] {strides = array<i32>} : memref<1600x32xf32, #tpu.memory_space<vmem>>, vector<1x16xf32>,
        %get3A_2156 = vector.shape_cast %get3A_2155 : vector<1x16xf32> to vector<16xf32>
        %mul3A_2157 = arith.constant 5.65685415 : f32
        %mul3A_2158 = vector.broadcast %mul3A_2157 : f32 to vector<16xf32>
        %mul3A_2159 = arith.mulf %get3A_2156, %mul3A_2158 : vector<16xf32>
        %swap3A_2160 = arith.index_cast %scan3A_2140 : i32 to index
        %swap3A_2161 = arith.constant 16 : index
        %swap3A_2162 = tpu.vector_load %arg7[%swap3A_2160, %swap3A_2161] {strides = array<i32>} : memref<1600x32xf32, #tpu.memory_space<vmem>>, vector<1x16xf32>,
        %swap3A_2163 = vector.shape_cast %swap3A_2162 : vector<1x16xf32> to vector<16xf32>
        %swap3A_2164 = vector.shape_cast %mul3A_2159 : vector<16xf32> to vector<1x16xf32>
        tpu.vector_store %arg7[%swap3A_2160, %swap3A_2161], %swap3A_2164 {strides = array<i32>} : memref<1600x32xf32, #tpu.memory_space<vmem>>, vector<1x16xf32>,
        %scan3A_2165 = arith.constant 2 : i32
        %scan3A_2166 = arith.addi %scan3A_2116, %scan3A_2165 : i32
        %get3A_2167 = arith.index_cast %scan3A_2166 : i32 to index
        %get3A_2168 = arith.constant 0 : index
        %get3A_2169 = tpu.vector_load %arg7[%get3A_2167, %get3A_2168] {strides = array<i32>} : memref<1600x32xf32, #tpu.memory_space<vmem>>, vector<1x16xf32>,
        %get3A_2170 = vector.shape_cast %get3A_2169 : vector<1x16xf32> to vector<16xf32>
        %mul3A_2171 = arith.constant 5.65685415 : f32
        %mul3A_2172 = vector.broadcast %mul3A_2171 : f32 to vector<16xf32>
        %mul3A_2173 = arith.mulf %get3A_2170, %mul3A_2172 : vector<16xf32>
        %swap3A_2174 = arith.index_cast %scan3A_2166 : i32 to index
        %swap3A_2175 = arith.constant 0 : index
        %swap3A_2176 = tpu.vector_load %arg7[%swap3A_2174, %swap3A_2175] {strides = array<i32>} : memref<1600x32xf32, #tpu.memory_space<vmem>>, vector<1x16xf32>,
        %swap3A_2177 = vector.shape_cast %swap3A_2176 : vector<1x16xf32> to vector<16xf32>
        %swap3A_2178 = vector.shape_cast %mul3A_2173 : vector<16xf32> to vector<1x16xf32>
        tpu.vector_store %arg7[%swap3A_2174, %swap3A_2175], %swap3A_2178 {strides = array<i32>} : memref<1600x32xf32, #tpu.memory_space<vmem>>, vector<1x16xf32>,
        %get3A_2179 = arith.index_cast %scan3A_2166 : i32 to index
        %get3A_2180 = arith.constant 16 : index
        %get3A_2181 = tpu.vector_load %arg7[%get3A_2179, %get3A_2180] {strides = array<i32>} : memref<1600x32xf32, #tpu.memory_space<vmem>>, vector<1x16xf32>,
        %get3A_2182 = vector.shape_cast %get3A_2181 : vector<1x16xf32> to vector<16xf32>
        %mul3A_2183 = arith.constant 5.65685415 : f32
        %mul3A_2184 = vector.broadcast %mul3A_2183 : f32 to vector<16xf32>
        %mul3A_2185 = arith.mulf %get3A_2182, %mul3A_2184 : vector<16xf32>
        %swap3A_2186 = arith.index_cast %scan3A_2166 : i32 to index
        %swap3A_2187 = arith.constant 16 : index
        %swap3A_2188 = tpu.vector_load %arg7[%swap3A_2186, %swap3A_2187] {strides = array<i32>} : memref<1600x32xf32, #tpu.memory_space<vmem>>, vector<1x16xf32>,
        %swap3A_2189 = vector.shape_cast %swap3A_2188 : vector<1x16xf32> to vector<16xf32>
        %swap3A_2190 = vector.shape_cast %mul3A_2185 : vector<16xf32> to vector<1x16xf32>
        tpu.vector_store %arg7[%swap3A_2186, %swap3A_2187], %swap3A_2190 {strides = array<i32>} : memref<1600x32xf32, #tpu.memory_space<vmem>>, vector<1x16xf32>,
        %scan3A_2191 = arith.constant 3 : i32
        %scan3A_2192 = arith.addi %scan3A_2116, %scan3A_2191 : i32
        %get3A_2193 = arith.index_cast %scan3A_2192 : i32 to index
        %get3A_2194 = arith.constant 0 : index
        %get3A_2195 = tpu.vector_load %arg7[%get3A_2193, %get3A_2194] {strides = array<i32>} : memref<1600x32xf32, #tpu.memory_space<vmem>>, vector<1x16xf32>,
        %get3A_2196 = vector.shape_cast %get3A_2195 : vector<1x16xf32> to vector<16xf32>
        %mul3A_2197 = arith.constant 5.65685415 : f32
        %mul3A_2198 = vector.broadcast %mul3A_2197 : f32 to vector<16xf32>
        %mul3A_2199 = arith.mulf %get3A_2196, %mul3A_2198 : vector<16xf32>
        %swap3A_2200 = arith.index_cast %scan3A_2192 : i32 to index
        %swap3A_2201 = arith.constant 0 : index
        %swap3A_2202 = tpu.vector_load %arg7[%swap3A_2200, %swap3A_2201] {strides = array<i32>} : memref<1600x32xf32, #tpu.memory_space<vmem>>, vector<1x16xf32>,
        %swap3A_2203 = vector.shape_cast %swap3A_2202 : vector<1x16xf32> to vector<16xf32>
        %swap3A_2204 = vector.shape_cast %mul3A_2199 : vector<16xf32> to vector<1x16xf32>
        tpu.vector_store %arg7[%swap3A_2200, %swap3A_2201], %swap3A_2204 {strides = array<i32>} : memref<1600x32xf32, #tpu.memory_space<vmem>>, vector<1x16xf32>,
        %get3A_2205 = arith.index_cast %scan3A_2192 : i32 to index
        %get3A_2206 = arith.constant 16 : index
        %get3A_2207 = tpu.vector_load %arg7[%get3A_2205, %get3A_2206] {strides = array<i32>} : memref<1600x32xf32, #tpu.memory_space<vmem>>, vector<1x16xf32>,
        %get3A_2208 = vector.shape_cast %get3A_2207 : vector<1x16xf32> to vector<16xf32>
        %mul3A_2209 = arith.constant 5.65685415 : f32
        %mul3A_2210 = vector.broadcast %mul3A_2209 : f32 to vector<16xf32>
        %mul3A_2211 = arith.mulf %get3A_2208, %mul3A_2210 : vector<16xf32>
        %swap3A_2212 = arith.index_cast %scan3A_2192 : i32 to index
        %swap3A_2213 = arith.constant 16 : index
        %swap3A_2214 = tpu.vector_load %arg7[%swap3A_2212, %swap3A_2213] {strides = array<i32>} : memref<1600x32xf32, #tpu.memory_space<vmem>>, vector<1x16xf32>,
        %swap3A_2215 = vector.shape_cast %swap3A_2214 : vector<1x16xf32> to vector<16xf32>
        %swap3A_2216 = vector.shape_cast %mul3A_2211 : vector<16xf32> to vector<1x16xf32>
        tpu.vector_store %arg7[%swap3A_2212, %swap3A_2213], %swap3A_2216 {strides = array<i32>} : memref<1600x32xf32, #tpu.memory_space<vmem>>, vector<1x16xf32>,
        %scan3A_2217 = arith.constant 4 : i32
        %scan3A_2218 = arith.addi %scan3A_2116, %scan3A_2217 : i32
        %get3A_2219 = arith.index_cast %scan3A_2218 : i32 to index
        %get3A_2220 = arith.constant 0 : index
        %get3A_2221 = tpu.vector_load %arg7[%get3A_2219, %get3A_2220] {strides = array<i32>} : memref<1600x32xf32, #tpu.memory_space<vmem>>, vector<1x16xf32>,
        %get3A_2222 = vector.shape_cast %get3A_2221 : vector<1x16xf32> to vector<16xf32>
        %mul3A_2223 = arith.constant 5.65685415 : f32
        %mul3A_2224 = vector.broadcast %mul3A_2223 : f32 to vector<16xf32>
        %mul3A_2225 = arith.mulf %get3A_2222, %mul3A_2224 : vector<16xf32>
        %swap3A_2226 = arith.index_cast %scan3A_2218 : i32 to index
        %swap3A_2227 = arith.constant 0 : index
        %swap3A_2228 = tpu.vector_load %arg7[%swap3A_2226, %swap3A_2227] {strides = array<i32>} : memref<1600x32xf32, #tpu.memory_space<vmem>>, vector<1x16xf32>,
        %swap3A_2229 = vector.shape_cast %swap3A_2228 : vector<1x16xf32> to vector<16xf32>
        %swap3A_2230 = vector.shape_cast %mul3A_2225 : vector<16xf32> to vector<1x16xf32>
        tpu.vector_store %arg7[%swap3A_2226, %swap3A_2227], %swap3A_2230 {strides = array<i32>} : memref<1600x32xf32, #tpu.memory_space<vmem>>, vector<1x16xf32>,
        %get3A_2231 = arith.index_cast %scan3A_2218 : i32 to index
        %get3A_2232 = arith.constant 16 : index
        %get3A_2233 = tpu.vector_load %arg7[%get3A_2231, %get3A_2232] {strides = array<i32>} : memref<1600x32xf32, #tpu.memory_space<vmem>>, vector<1x16xf32>,
        %get3A_2234 = vector.shape_cast %get3A_2233 : vector<1x16xf32> to vector<16xf32>
        %mul3A_2235 = arith.constant 5.65685415 : f32
        %mul3A_2236 = vector.broadcast %mul3A_2235 : f32 to vector<16xf32>
        %mul3A_2237 = arith.mulf %get3A_2234, %mul3A_2236 : vector<16xf32>
        %swap3A_2238 = arith.index_cast %scan3A_2218 : i32 to index
        %swap3A_2239 = arith.constant 16 : index
        %swap3A_2240 = tpu.vector_load %arg7[%swap3A_2238, %swap3A_2239] {strides = array<i32>} : memref<1600x32xf32, #tpu.memory_space<vmem>>, vector<1x16xf32>,
        %swap3A_2241 = vector.shape_cast %swap3A_2240 : vector<1x16xf32> to vector<16xf32>
        %swap3A_2242 = vector.shape_cast %mul3A_2237 : vector<16xf32> to vector<1x16xf32>
        tpu.vector_store %arg7[%swap3A_2238, %swap3A_2239], %swap3A_2242 {strides = array<i32>} : memref<1600x32xf32, #tpu.memory_space<vmem>>, vector<1x16xf32>,
        %scan3A_2243 = arith.constant 5 : i32
        %scan3A_2244 = arith.addi %scan3A_2116, %scan3A_2243 : i32
        %get3A_2245 = arith.index_cast %scan3A_2244 : i32 to index
        %get3A_2246 = arith.constant 0 : index
        %get3A_2247 = tpu.vector_load %arg7[%get3A_2245, %get3A_2246] {strides = array<i32>} : memref<1600x32xf32, #tpu.memory_space<vmem>>, vector<1x16xf32>,
        %get3A_2248 = vector.shape_cast %get3A_2247 : vector<1x16xf32> to vector<16xf32>
        %mul3A_2249 = arith.constant 5.65685415 : f32
        %mul3A_2250 = vector.broadcast %mul3A_2249 : f32 to vector<16xf32>
        %mul3A_2251 = arith.mulf %get3A_2248, %mul3A_2250 : vector<16xf32>
        %swap3A_2252 = arith.index_cast %scan3A_2244 : i32 to index
        %swap3A_2253 = arith.constant 0 : index
        %swap3A_2254 = tpu.vector_load %arg7[%swap3A_2252, %swap3A_2253] {strides = array<i32>} : memref<1600x32xf32, #tpu.memory_space<vmem>>, vector<1x16xf32>,
        %swap3A_2255 = vector.shape_cast %swap3A_2254 : vector<1x16xf32> to vector<16xf32>
        %swap3A_2256 = vector.shape_cast %mul3A_2251 : vector<16xf32> to vector<1x16xf32>
        tpu.vector_store %arg7[%swap3A_2252, %swap3A_2253], %swap3A_2256 {strides = array<i32>} : memref<1600x32xf32, #tpu.memory_space<vmem>>, vector<1x16xf32>,
        %get3A_2257 = arith.index_cast %scan3A_2244 : i32 to index
        %get3A_2258 = arith.constant 16 : index
        %get3A_2259 = tpu.vector_load %arg7[%get3A_2257, %get3A_2258] {strides = array<i32>} : memref<1600x32xf32, #tpu.memory_space<vmem>>, vector<1x16xf32>,
        %get3A_2260 = vector.shape_cast %get3A_2259 : vector<1x16xf32> to vector<16xf32>
        %mul3A_2261 = arith.constant 5.65685415 : f32
        %mul3A_2262 = vector.broadcast %mul3A_2261 : f32 to vector<16xf32>
        %mul3A_2263 = arith.mulf %get3A_2260, %mul3A_2262 : vector<16xf32>
        %swap3A_2264 = arith.index_cast %scan3A_2244 : i32 to index
        %swap3A_2265 = arith.constant 16 : index
        %swap3A_2266 = tpu.vector_load %arg7[%swap3A_2264, %swap3A_2265] {strides = array<i32>} : memref<1600x32xf32, #tpu.memory_space<vmem>>, vector<1x16xf32>,
        %swap3A_2267 = vector.shape_cast %swap3A_2266 : vector<1x16xf32> to vector<16xf32>
        %swap3A_2268 = vector.shape_cast %mul3A_2263 : vector<16xf32> to vector<1x16xf32>
        tpu.vector_store %arg7[%swap3A_2264, %swap3A_2265], %swap3A_2268 {strides = array<i32>} : memref<1600x32xf32, #tpu.memory_space<vmem>>, vector<1x16xf32>,
        %scan3A_2269 = arith.constant 6 : i32
        %scan3A_2270 = arith.addi %scan3A_2116, %scan3A_2269 : i32
        %get3A_2271 = arith.index_cast %scan3A_2270 : i32 to index
        %get3A_2272 = arith.constant 0 : index
        %get3A_2273 = tpu.vector_load %arg7[%get3A_2271, %get3A_2272] {strides = array<i32>} : memref<1600x32xf32, #tpu.memory_space<vmem>>, vector<1x16xf32>,
        %get3A_2274 = vector.shape_cast %get3A_2273 : vector<1x16xf32> to vector<16xf32>
        %mul3A_2275 = arith.constant 5.65685415 : f32
        %mul3A_2276 = vector.broadcast %mul3A_2275 : f32 to vector<16xf32>
        %mul3A_2277 = arith.mulf %get3A_2274, %mul3A_2276 : vector<16xf32>
        %swap3A_2278 = arith.index_cast %scan3A_2270 : i32 to index
        %swap3A_2279 = arith.constant 0 : index
        %swap3A_2280 = tpu.vector_load %arg7[%swap3A_2278, %swap3A_2279] {strides = array<i32>} : memref<1600x32xf32, #tpu.memory_space<vmem>>, vector<1x16xf32>,
        %swap3A_2281 = vector.shape_cast %swap3A_2280 : vector<1x16xf32> to vector<16xf32>
        %swap3A_2282 = vector.shape_cast %mul3A_2277 : vector<16xf32> to vector<1x16xf32>
        tpu.vector_store %arg7[%swap3A_2278, %swap3A_2279], %swap3A_2282 {strides = array<i32>} : memref<1600x32xf32, #tpu.memory_space<vmem>>, vector<1x16xf32>,
        %get3A_2283 = arith.index_cast %scan3A_2270 : i32 to index
        %get3A_2284 = arith.constant 16 : index
        %get3A_2285 = tpu.vector_load %arg7[%get3A_2283, %get3A_2284] {strides = array<i32>} : memref<1600x32xf32, #tpu.memory_space<vmem>>, vector<1x16xf32>,
        %get3A_2286 = vector.shape_cast %get3A_2285 : vector<1x16xf32> to vector<16xf32>
        %mul3A_2287 = arith.constant 5.65685415 : f32
        %mul3A_2288 = vector.broadcast %mul3A_2287 : f32 to vector<16xf32>
        %mul3A_2289 = arith.mulf %get3A_2286, %mul3A_2288 : vector<16xf32>
        %swap3A_2290 = arith.index_cast %scan3A_2270 : i32 to index
        %swap3A_2291 = arith.constant 16 : index
        %swap3A_2292 = tpu.vector_load %arg7[%swap3A_2290, %swap3A_2291] {strides = array<i32>} : memref<1600x32xf32, #tpu.memory_space<vmem>>, vector<1x16xf32>,
        %swap3A_2293 = vector.shape_cast %swap3A_2292 : vector<1x16xf32> to vector<16xf32>
        %swap3A_2294 = vector.shape_cast %mul3A_2289 : vector<16xf32> to vector<1x16xf32>
        tpu.vector_store %arg7[%swap3A_2290, %swap3A_2291], %swap3A_2294 {strides = array<i32>} : memref<1600x32xf32, #tpu.memory_space<vmem>>, vector<1x16xf32>,
        %scan3A_2295 = arith.constant 7 : i32
        %scan3A_2296 = arith.addi %scan3A_2116, %scan3A_2295 : i32
        %get3A_2297 = arith.index_cast %scan3A_2296 : i32 to index
        %get3A_2298 = arith.constant 0 : index
        %get3A_2299 = tpu.vector_load %arg7[%get3A_2297, %get3A_2298] {strides = array<i32>} : memref<1600x32xf32, #tpu.memory_space<vmem>>, vector<1x16xf32>,
        %get3A_2300 = vector.shape_cast %get3A_2299 : vector<1x16xf32> to vector<16xf32>
        %mul3A_2301 = arith.constant 5.65685415 : f32
        %mul3A_2302 = vector.broadcast %mul3A_2301 : f32 to vector<16xf32>
        %mul3A_2303 = arith.mulf %get3A_2300, %mul3A_2302 : vector<16xf32>
        %swap3A_2304 = arith.index_cast %scan3A_2296 : i32 to index
        %swap3A_2305 = arith.constant 0 : index
        %swap3A_2306 = tpu.vector_load %arg7[%swap3A_2304, %swap3A_2305] {strides = array<i32>} : memref<1600x32xf32, #tpu.memory_space<vmem>>, vector<1x16xf32>,
        %swap3A_2307 = vector.shape_cast %swap3A_2306 : vector<1x16xf32> to vector<16xf32>
        %swap3A_2308 = vector.shape_cast %mul3A_2303 : vector<16xf32> to vector<1x16xf32>
        tpu.vector_store %arg7[%swap3A_2304, %swap3A_2305], %swap3A_2308 {strides = array<i32>} : memref<1600x32xf32, #tpu.memory_space<vmem>>, vector<1x16xf32>,
        %get3A_2309 = arith.index_cast %scan3A_2296 : i32 to index
        %get3A_2310 = arith.constant 16 : index
        %get3A_2311 = tpu.vector_load %arg7[%get3A_2309, %get3A_2310] {strides = array<i32>} : memref<1600x32xf32, #tpu.memory_space<vmem>>, vector<1x16xf32>,
        %get3A_2312 = vector.shape_cast %get3A_2311 : vector<1x16xf32> to vector<16xf32>
        %mul3A_2313 = arith.constant 5.65685415 : f32
        %mul3A_2314 = vector.broadcast %mul3A_2313 : f32 to vector<16xf32>
        %mul3A_2315 = arith.mulf %get3A_2312, %mul3A_2314 : vector<16xf32>
        %swap3A_2316 = arith.index_cast %scan3A_2296 : i32 to index
        %swap3A_2317 = arith.constant 16 : index
        %swap3A_2318 = tpu.vector_load %arg7[%swap3A_2316, %swap3A_2317] {strides = array<i32>} : memref<1600x32xf32, #tpu.memory_space<vmem>>, vector<1x16xf32>,
        %swap3A_2319 = vector.shape_cast %swap3A_2318 : vector<1x16xf32> to vector<16xf32>
        %swap3A_2320 = vector.shape_cast %mul3A_2315 : vector<16xf32> to vector<1x16xf32>
        tpu.vector_store %arg7[%swap3A_2316, %swap3A_2317], %swap3A_2320 {strides = array<i32>} : memref<1600x32xf32, #tpu.memory_space<vmem>>, vector<1x16xf32>,
      }
      %scan3A_1061 = arith.constant 1600 : i32
      %mul3A_1062 = arith.constant 32 : i32
      %mul3A_1063 = arith.muli %add3A_1052, %mul3A_1062 : i32
      %add3A_1064 = arith.addi %mul3A_6, %mul3A_1063 : i32
      %add3A_1065 = arith.constant 0 : i32
      %add3A_1066 = arith.addi %add3A_1064, %add3A_1065 : i32
      %dma_start3A_1067 = arith.constant 0 : i32
      %dma_start3A_1068 = arith.constant 0 : i32
      %dma_start3A_1069 = tpu.memref_slice %arg7[%dma_start3A_1067, %dma_start3A_1068] : memref<1600x32xf32, #tpu.memory_space<vmem>> -> memref<50x32xf32, #tpu.memory_space<vmem>>
      %dma_start3A_1070 = arith.constant 0 : i32
      %dma_start3A_1071 = arith.constant 0 : i32
      %dma_start3A_1072 = tpu.memref_slice %arg4[%add3A_1066, %dma_start3A_1070, %dma_start3A_1071] : memref<16384x50x32xf32, #tpu.memory_space<hbm>> -> memref<1x50x32xf32, #tpu.memory_space<hbm>>
      %dma_start3A_1073 = tpu.memref_squeeze %dma_start3A_1072 : memref<1x50x32xf32, #tpu.memory_space<hbm>> -> memref<50x32xf32, #tpu.memory_space<hbm>>
      %dma_start3A_1074 = arith.constant 0 : i32
      %dma_start3A_1075 = arith.constant 0 : i32
      %dma_start3A_1076 = tpu.memref_slice %arg4[%add3A_1066, %dma_start3A_1074, %dma_start3A_1075] : memref<16384x50x32xf32, #tpu.memory_space<hbm>> -> memref<1x50x32xf32, #tpu.memory_space<hbm>>
      %dma_start3A_1077 = tpu.memref_squeeze %dma_start3A_1076 : memref<1x50x32xf32, #tpu.memory_space<hbm>> -> memref<50x32xf32, #tpu.memory_space<hbm>>
      %dma_start3A_1078 = arith.constant 0 : i32
      %dma_start3A_1079 = arith.constant 0 : i32
      %dma_start3A_1080 = tpu.memref_slice %arg7[%dma_start3A_1078, %dma_start3A_1079] : memref<1600x32xf32, #tpu.memory_space<vmem>> -> memref<50x32xf32, #tpu.memory_space<vmem>>
      tpu.enqueue_dma source(%dma_start3A_1080 : memref<50x32xf32, #tpu.memory_space<vmem>>) target(%dma_start3A_1077 : memref<50x32xf32, #tpu.memory_space<hbm>>) target_semaphore(%arg11 : memref<!tpu.dma_semaphore, #tpu.memory_space<semaphore_mem>>)
      %add3A_1081 = arith.constant 1 : i32
      %add3A_1082 = arith.addi %add3A_1064, %add3A_1081 : i32
      %dma_start3A_1083 = arith.constant 50 : i32
      %dma_start3A_1084 = arith.constant 0 : i32
      %dma_start3A_1085 = tpu.memref_slice %arg7[%dma_start3A_1083, %dma_start3A_1084] : memref<1600x32xf32, #tpu.memory_space<vmem>> -> memref<50x32xf32, #tpu.memory_space<vmem>>
      %dma_start3A_1086 = arith.constant 0 : i32
      %dma_start3A_1087 = arith.constant 0 : i32
      %dma_start3A_1088 = tpu.memref_slice %arg4[%add3A_1082, %dma_start3A_1086, %dma_start3A_1087] : memref<16384x50x32xf32, #tpu.memory_space<hbm>> -> memref<1x50x32xf32, #tpu.memory_space<hbm>>
      %dma_start3A_1089 = tpu.memref_squeeze %dma_start3A_1088 : memref<1x50x32xf32, #tpu.memory_space<hbm>> -> memref<50x32xf32, #tpu.memory_space<hbm>>
      %dma_start3A_1090 = arith.constant 0 : i32
      %dma_start3A_1091 = arith.constant 0 : i32
      %dma_start3A_1092 = tpu.memref_slice %arg4[%add3A_1082, %dma_start3A_1090, %dma_start3A_1091] : memref<16384x50x32xf32, #tpu.memory_space<hbm>> -> memref<1x50x32xf32, #tpu.memory_space<hbm>>
      %dma_start3A_1093 = tpu.memref_squeeze %dma_start3A_1092 : memref<1x50x32xf32, #tpu.memory_space<hbm>> -> memref<50x32xf32, #tpu.memory_space<hbm>>
      %dma_start3A_1094 = arith.constant 50 : i32
      %dma_start3A_1095 = arith.constant 0 : i32
      %dma_start3A_1096 = tpu.memref_slice %arg7[%dma_start3A_1094, %dma_start3A_1095] : memref<1600x32xf32, #tpu.memory_space<vmem>> -> memref<50x32xf32, #tpu.memory_space<vmem>>
      tpu.enqueue_dma source(%dma_start3A_1096 : memref<50x32xf32, #tpu.memory_space<vmem>>) target(%dma_start3A_1093 : memref<50x32xf32, #tpu.memory_space<hbm>>) target_semaphore(%arg11 : memref<!tpu.dma_semaphore, #tpu.memory_space<semaphore_mem>>)
      %add3A_1097 = arith.constant 2 : i32
      %add3A_1098 = arith.addi %add3A_1064, %add3A_1097 : i32
      %dma_start3A_1099 = arith.constant 100 : i32
      %dma_start3A_1100 = arith.constant 0 : i32
      %dma_start3A_1101 = tpu.memref_slice %arg7[%dma_start3A_1099, %dma_start3A_1100] : memref<1600x32xf32, #tpu.memory_space<vmem>> -> memref<50x32xf32, #tpu.memory_space<vmem>>
      %dma_start3A_1102 = arith.constant 0 : i32
      %dma_start3A_1103 = arith.constant 0 : i32
      %dma_start3A_1104 = tpu.memref_slice %arg4[%add3A_1098, %dma_start3A_1102, %dma_start3A_1103] : memref<16384x50x32xf32, #tpu.memory_space<hbm>> -> memref<1x50x32xf32, #tpu.memory_space<hbm>>
      %dma_start3A_1105 = tpu.memref_squeeze %dma_start3A_1104 : memref<1x50x32xf32, #tpu.memory_space<hbm>> -> memref<50x32xf32, #tpu.memory_space<hbm>>
      %dma_start3A_1106 = arith.constant 0 : i32
      %dma_start3A_1107 = arith.constant 0 : i32
      %dma_start3A_1108 = tpu.memref_slice %arg4[%add3A_1098, %dma_start3A_1106, %dma_start3A_1107] : memref<16384x50x32xf32, #tpu.memory_space<hbm>> -> memref<1x50x32xf32, #tpu.memory_space<hbm>>
      %dma_start3A_1109 = tpu.memref_squeeze %dma_start3A_1108 : memref<1x50x32xf32, #tpu.memory_space<hbm>> -> memref<50x32xf32, #tpu.memory_space<hbm>>
      %dma_start3A_1110 = arith.constant 100 : i32
      %dma_start3A_1111 = arith.constant 0 : i32
      %dma_start3A_1112 = tpu.memref_slice %arg7[%dma_start3A_1110, %dma_start3A_1111] : memref<1600x32xf32, #tpu.memory_space<vmem>> -> memref<50x32xf32, #tpu.memory_space<vmem>>
      tpu.enqueue_dma source(%dma_start3A_1112 : memref<50x32xf32, #tpu.memory_space<vmem>>) target(%dma_start3A_1109 : memref<50x32xf32, #tpu.memory_space<hbm>>) target_semaphore(%arg11 : memref<!tpu.dma_semaphore, #tpu.memory_space<semaphore_mem>>)
      %add3A_1113 = arith.constant 3 : i32
      %add3A_1114 = arith.addi %add3A_1064, %add3A_1113 : i32
      %dma_start3A_1115 = arith.constant 150 : i32
      %dma_start3A_1116 = arith.constant 0 : i32
      %dma_start3A_1117 = tpu.memref_slice %arg7[%dma_start3A_1115, %dma_start3A_1116] : memref<1600x32xf32, #tpu.memory_space<vmem>> -> memref<50x32xf32, #tpu.memory_space<vmem>>
      %dma_start3A_1118 = arith.constant 0 : i32
      %dma_start3A_1119 = arith.constant 0 : i32
      %dma_start3A_1120 = tpu.memref_slice %arg4[%add3A_1114, %dma_start3A_1118, %dma_start3A_1119] : memref<16384x50x32xf32, #tpu.memory_space<hbm>> -> memref<1x50x32xf32, #tpu.memory_space<hbm>>
      %dma_start3A_1121 = tpu.memref_squeeze %dma_start3A_1120 : memref<1x50x32xf32, #tpu.memory_space<hbm>> -> memref<50x32xf32, #tpu.memory_space<hbm>>
      %dma_start3A_1122 = arith.constant 0 : i32
      %dma_start3A_1123 = arith.constant 0 : i32
      %dma_start3A_1124 = tpu.memref_slice %arg4[%add3A_1114, %dma_start3A_1122, %dma_start3A_1123] : memref<16384x50x32xf32, #tpu.memory_space<hbm>> -> memref<1x50x32xf32, #tpu.memory_space<hbm>>
      %dma_start3A_1125 = tpu.memref_squeeze %dma_start3A_1124 : memref<1x50x32xf32, #tpu.memory_space<hbm>> -> memref<50x32xf32, #tpu.memory_space<hbm>>
      %dma_start3A_1126 = arith.constant 150 : i32
      %dma_start3A_1127 = arith.constant 0 : i32
      %dma_start3A_1128 = tpu.memref_slice %arg7[%dma_start3A_1126, %dma_start3A_1127] : memref<1600x32xf32, #tpu.memory_space<vmem>> -> memref<50x32xf32, #tpu.memory_space<vmem>>
      tpu.enqueue_dma source(%dma_start3A_1128 : memref<50x32xf32, #tpu.memory_space<vmem>>) target(%dma_start3A_1125 : memref<50x32xf32, #tpu.memory_space<hbm>>) target_semaphore(%arg11 : memref<!tpu.dma_semaphore, #tpu.memory_space<semaphore_mem>>)
      %add3A_1129 = arith.constant 4 : i32
      %add3A_1130 = arith.addi %add3A_1064, %add3A_1129 : i32
      %dma_start3A_1131 = arith.constant 200 : i32
      %dma_start3A_1132 = arith.constant 0 : i32
      %dma_start3A_1133 = tpu.memref_slice %arg7[%dma_start3A_1131, %dma_start3A_1132] : memref<1600x32xf32, #tpu.memory_space<vmem>> -> memref<50x32xf32, #tpu.memory_space<vmem>>
      %dma_start3A_1134 = arith.constant 0 : i32
      %dma_start3A_1135 = arith.constant 0 : i32
      %dma_start3A_1136 = tpu.memref_slice %arg4[%add3A_1130, %dma_start3A_1134, %dma_start3A_1135] : memref<16384x50x32xf32, #tpu.memory_space<hbm>> -> memref<1x50x32xf32, #tpu.memory_space<hbm>>
      %dma_start3A_1137 = tpu.memref_squeeze %dma_start3A_1136 : memref<1x50x32xf32, #tpu.memory_space<hbm>> -> memref<50x32xf32, #tpu.memory_space<hbm>>
      %dma_start3A_1138 = arith.constant 0 : i32
      %dma_start3A_1139 = arith.constant 0 : i32
      %dma_start3A_1140 = tpu.memref_slice %arg4[%add3A_1130, %dma_start3A_1138, %dma_start3A_1139] : memref<16384x50x32xf32, #tpu.memory_space<hbm>> -> memref<1x50x32xf32, #tpu.memory_space<hbm>>
      %dma_start3A_1141 = tpu.memref_squeeze %dma_start3A_1140 : memref<1x50x32xf32, #tpu.memory_space<hbm>> -> memref<50x32xf32, #tpu.memory_space<hbm>>
      %dma_start3A_1142 = arith.constant 200 : i32
      %dma_start3A_1143 = arith.constant 0 : i32
      %dma_start3A_1144 = tpu.memref_slice %arg7[%dma_start3A_1142, %dma_start3A_1143] : memref<1600x32xf32, #tpu.memory_space<vmem>> -> memref<50x32xf32, #tpu.memory_space<vmem>>
      tpu.enqueue_dma source(%dma_start3A_1144 : memref<50x32xf32, #tpu.memory_space<vmem>>) target(%dma_start3A_1141 : memref<50x32xf32, #tpu.memory_space<hbm>>) target_semaphore(%arg11 : memref<!tpu.dma_semaphore, #tpu.memory_space<semaphore_mem>>)
      %add3A_1145 = arith.constant 5 : i32
      %add3A_1146 = arith.addi %add3A_1064, %add3A_1145 : i32
      %dma_start3A_1147 = arith.constant 250 : i32
      %dma_start3A_1148 = arith.constant 0 : i32
      %dma_start3A_1149 = tpu.memref_slice %arg7[%dma_start3A_1147, %dma_start3A_1148] : memref<1600x32xf32, #tpu.memory_space<vmem>> -> memref<50x32xf32, #tpu.memory_space<vmem>>
      %dma_start3A_1150 = arith.constant 0 : i32
      %dma_start3A_1151 = arith.constant 0 : i32
      %dma_start3A_1152 = tpu.memref_slice %arg4[%add3A_1146, %dma_start3A_1150, %dma_start3A_1151] : memref<16384x50x32xf32, #tpu.memory_space<hbm>> -> memref<1x50x32xf32, #tpu.memory_space<hbm>>
      %dma_start3A_1153 = tpu.memref_squeeze %dma_start3A_1152 : memref<1x50x32xf32, #tpu.memory_space<hbm>> -> memref<50x32xf32, #tpu.memory_space<hbm>>
      %dma_start3A_1154 = arith.constant 0 : i32
      %dma_start3A_1155 = arith.constant 0 : i32
      %dma_start3A_1156 = tpu.memref_slice %arg4[%add3A_1146, %dma_start3A_1154, %dma_start3A_1155] : memref<16384x50x32xf32, #tpu.memory_space<hbm>> -> memref<1x50x32xf32, #tpu.memory_space<hbm>>
      %dma_start3A_1157 = tpu.memref_squeeze %dma_start3A_1156 : memref<1x50x32xf32, #tpu.memory_space<hbm>> -> memref<50x32xf32, #tpu.memory_space<hbm>>
      %dma_start3A_1158 = arith.constant 250 : i32
      %dma_start3A_1159 = arith.constant 0 : i32
      %dma_start3A_1160 = tpu.memref_slice %arg7[%dma_start3A_1158, %dma_start3A_1159] : memref<1600x32xf32, #tpu.memory_space<vmem>> -> memref<50x32xf32, #tpu.memory_space<vmem>>
      tpu.enqueue_dma source(%dma_start3A_1160 : memref<50x32xf32, #tpu.memory_space<vmem>>) target(%dma_start3A_1157 : memref<50x32xf32, #tpu.memory_space<hbm>>) target_semaphore(%arg11 : memref<!tpu.dma_semaphore, #tpu.memory_space<semaphore_mem>>)
      %add3A_1161 = arith.constant 6 : i32
      %add3A_1162 = arith.addi %add3A_1064, %add3A_1161 : i32
      %dma_start3A_1163 = arith.constant 300 : i32
      %dma_start3A_1164 = arith.constant 0 : i32
      %dma_start3A_1165 = tpu.memref_slice %arg7[%dma_start3A_1163, %dma_start3A_1164] : memref<1600x32xf32, #tpu.memory_space<vmem>> -> memref<50x32xf32, #tpu.memory_space<vmem>>
      %dma_start3A_1166 = arith.constant 0 : i32
      %dma_start3A_1167 = arith.constant 0 : i32
      %dma_start3A_1168 = tpu.memref_slice %arg4[%add3A_1162, %dma_start3A_1166, %dma_start3A_1167] : memref<16384x50x32xf32, #tpu.memory_space<hbm>> -> memref<1x50x32xf32, #tpu.memory_space<hbm>>
      %dma_start3A_1169 = tpu.memref_squeeze %dma_start3A_1168 : memref<1x50x32xf32, #tpu.memory_space<hbm>> -> memref<50x32xf32, #tpu.memory_space<hbm>>
      %dma_start3A_1170 = arith.constant 0 : i32
      %dma_start3A_1171 = arith.constant 0 : i32
      %dma_start3A_1172 = tpu.memref_slice %arg4[%add3A_1162, %dma_start3A_1170, %dma_start3A_1171] : memref<16384x50x32xf32, #tpu.memory_space<hbm>> -> memref<1x50x32xf32, #tpu.memory_space<hbm>>
      %dma_start3A_1173 = tpu.memref_squeeze %dma_start3A_1172 : memref<1x50x32xf32, #tpu.memory_space<hbm>> -> memref<50x32xf32, #tpu.memory_space<hbm>>
      %dma_start3A_1174 = arith.constant 300 : i32
      %dma_start3A_1175 = arith.constant 0 : i32
      %dma_start3A_1176 = tpu.memref_slice %arg7[%dma_start3A_1174, %dma_start3A_1175] : memref<1600x32xf32, #tpu.memory_space<vmem>> -> memref<50x32xf32, #tpu.memory_space<vmem>>
      tpu.enqueue_dma source(%dma_start3A_1176 : memref<50x32xf32, #tpu.memory_space<vmem>>) target(%dma_start3A_1173 : memref<50x32xf32, #tpu.memory_space<hbm>>) target_semaphore(%arg11 : memref<!tpu.dma_semaphore, #tpu.memory_space<semaphore_mem>>)
      %add3A_1177 = arith.constant 7 : i32
      %add3A_1178 = arith.addi %add3A_1064, %add3A_1177 : i32
      %dma_start3A_1179 = arith.constant 350 : i32
      %dma_start3A_1180 = arith.constant 0 : i32
      %dma_start3A_1181 = tpu.memref_slice %arg7[%dma_start3A_1179, %dma_start3A_1180] : memref<1600x32xf32, #tpu.memory_space<vmem>> -> memref<50x32xf32, #tpu.memory_space<vmem>>
      %dma_start3A_1182 = arith.constant 0 : i32
      %dma_start3A_1183 = arith.constant 0 : i32
      %dma_start3A_1184 = tpu.memref_slice %arg4[%add3A_1178, %dma_start3A_1182, %dma_start3A_1183] : memref<16384x50x32xf32, #tpu.memory_space<hbm>> -> memref<1x50x32xf32, #tpu.memory_space<hbm>>
      %dma_start3A_1185 = tpu.memref_squeeze %dma_start3A_1184 : memref<1x50x32xf32, #tpu.memory_space<hbm>> -> memref<50x32xf32, #tpu.memory_space<hbm>>
      %dma_start3A_1186 = arith.constant 0 : i32
      %dma_start3A_1187 = arith.constant 0 : i32
      %dma_start3A_1188 = tpu.memref_slice %arg4[%add3A_1178, %dma_start3A_1186, %dma_start3A_1187] : memref<16384x50x32xf32, #tpu.memory_space<hbm>> -> memref<1x50x32xf32, #tpu.memory_space<hbm>>
      %dma_start3A_1189 = tpu.memref_squeeze %dma_start3A_1188 : memref<1x50x32xf32, #tpu.memory_space<hbm>> -> memref<50x32xf32, #tpu.memory_space<hbm>>
      %dma_start3A_1190 = arith.constant 350 : i32
      %dma_start3A_1191 = arith.constant 0 : i32
      %dma_start3A_1192 = tpu.memref_slice %arg7[%dma_start3A_1190, %dma_start3A_1191] : memref<1600x32xf32, #tpu.memory_space<vmem>> -> memref<50x32xf32, #tpu.memory_space<vmem>>
      tpu.enqueue_dma source(%dma_start3A_1192 : memref<50x32xf32, #tpu.memory_space<vmem>>) target(%dma_start3A_1189 : memref<50x32xf32, #tpu.memory_space<hbm>>) target_semaphore(%arg11 : memref<!tpu.dma_semaphore, #tpu.memory_space<semaphore_mem>>)
      %add3A_1193 = arith.constant 8 : i32
      %add3A_1194 = arith.addi %add3A_1064, %add3A_1193 : i32
      %dma_start3A_1195 = arith.constant 400 : i32
      %dma_start3A_1196 = arith.constant 0 : i32
      %dma_start3A_1197 = tpu.memref_slice %arg7[%dma_start3A_1195, %dma_start3A_1196] : memref<1600x32xf32, #tpu.memory_space<vmem>> -> memref<50x32xf32, #tpu.memory_space<vmem>>
      %dma_start3A_1198 = arith.constant 0 : i32
      %dma_start3A_1199 = arith.constant 0 : i32
      %dma_start3A_1200 = tpu.memref_slice %arg4[%add3A_1194, %dma_start3A_1198, %dma_start3A_1199] : memref<16384x50x32xf32, #tpu.memory_space<hbm>> -> memref<1x50x32xf32, #tpu.memory_space<hbm>>
      %dma_start3A_1201 = tpu.memref_squeeze %dma_start3A_1200 : memref<1x50x32xf32, #tpu.memory_space<hbm>> -> memref<50x32xf32, #tpu.memory_space<hbm>>
      %dma_start3A_1202 = arith.constant 0 : i32
      %dma_start3A_1203 = arith.constant 0 : i32
      %dma_start3A_1204 = tpu.memref_slice %arg4[%add3A_1194, %dma_start3A_1202, %dma_start3A_1203] : memref<16384x50x32xf32, #tpu.memory_space<hbm>> -> memref<1x50x32xf32, #tpu.memory_space<hbm>>
      %dma_start3A_1205 = tpu.memref_squeeze %dma_start3A_1204 : memref<1x50x32xf32, #tpu.memory_space<hbm>> -> memref<50x32xf32, #tpu.memory_space<hbm>>
      %dma_start3A_1206 = arith.constant 400 : i32
      %dma_start3A_1207 = arith.constant 0 : i32
      %dma_start3A_1208 = tpu.memref_slice %arg7[%dma_start3A_1206, %dma_start3A_1207] : memref<1600x32xf32, #tpu.memory_space<vmem>> -> memref<50x32xf32, #tpu.memory_space<vmem>>
      tpu.enqueue_dma source(%dma_start3A_1208 : memref<50x32xf32, #tpu.memory_space<vmem>>) target(%dma_start3A_1205 : memref<50x32xf32, #tpu.memory_space<hbm>>) target_semaphore(%arg11 : memref<!tpu.dma_semaphore, #tpu.memory_space<semaphore_mem>>)
      %add3A_1209 = arith.constant 9 : i32
      %add3A_1210 = arith.addi %add3A_1064, %add3A_1209 : i32
      %dma_start3A_1211 = arith.constant 450 : i32
      %dma_start3A_1212 = arith.constant 0 : i32
      %dma_start3A_1213 = tpu.memref_slice %arg7[%dma_start3A_1211, %dma_start3A_1212] : memref<1600x32xf32, #tpu.memory_space<vmem>> -> memref<50x32xf32, #tpu.memory_space<vmem>>
      %dma_start3A_1214 = arith.constant 0 : i32
      %dma_start3A_1215 = arith.constant 0 : i32
      %dma_start3A_1216 = tpu.memref_slice %arg4[%add3A_1210, %dma_start3A_1214, %dma_start3A_1215] : memref<16384x50x32xf32, #tpu.memory_space<hbm>> -> memref<1x50x32xf32, #tpu.memory_space<hbm>>
      %dma_start3A_1217 = tpu.memref_squeeze %dma_start3A_1216 : memref<1x50x32xf32, #tpu.memory_space<hbm>> -> memref<50x32xf32, #tpu.memory_space<hbm>>
      %dma_start3A_1218 = arith.constant 0 : i32
      %dma_start3A_1219 = arith.constant 0 : i32
      %dma_start3A_1220 = tpu.memref_slice %arg4[%add3A_1210, %dma_start3A_1218, %dma_start3A_1219] : memref<16384x50x32xf32, #tpu.memory_space<hbm>> -> memref<1x50x32xf32, #tpu.memory_space<hbm>>
      %dma_start3A_1221 = tpu.memref_squeeze %dma_start3A_1220 : memref<1x50x32xf32, #tpu.memory_space<hbm>> -> memref<50x32xf32, #tpu.memory_space<hbm>>
      %dma_start3A_1222 = arith.constant 450 : i32
      %dma_start3A_1223 = arith.constant 0 : i32
      %dma_start3A_1224 = tpu.memref_slice %arg7[%dma_start3A_1222, %dma_start3A_1223] : memref<1600x32xf32, #tpu.memory_space<vmem>> -> memref<50x32xf32, #tpu.memory_space<vmem>>
      tpu.enqueue_dma source(%dma_start3A_1224 : memref<50x32xf32, #tpu.memory_space<vmem>>) target(%dma_start3A_1221 : memref<50x32xf32, #tpu.memory_space<hbm>>) target_semaphore(%arg11 : memref<!tpu.dma_semaphore, #tpu.memory_space<semaphore_mem>>)
      %add3A_1225 = arith.constant 10 : i32
      %add3A_1226 = arith.addi %add3A_1064, %add3A_1225 : i32
      %dma_start3A_1227 = arith.constant 500 : i32
      %dma_start3A_1228 = arith.constant 0 : i32
      %dma_start3A_1229 = tpu.memref_slice %arg7[%dma_start3A_1227, %dma_start3A_1228] : memref<1600x32xf32, #tpu.memory_space<vmem>> -> memref<50x32xf32, #tpu.memory_space<vmem>>
      %dma_start3A_1230 = arith.constant 0 : i32
      %dma_start3A_1231 = arith.constant 0 : i32
      %dma_start3A_1232 = tpu.memref_slice %arg4[%add3A_1226, %dma_start3A_1230, %dma_start3A_1231] : memref<16384x50x32xf32, #tpu.memory_space<hbm>> -> memref<1x50x32xf32, #tpu.memory_space<hbm>>
      %dma_start3A_1233 = tpu.memref_squeeze %dma_start3A_1232 : memref<1x50x32xf32, #tpu.memory_space<hbm>> -> memref<50x32xf32, #tpu.memory_space<hbm>>
      %dma_start3A_1234 = arith.constant 0 : i32
      %dma_start3A_1235 = arith.constant 0 : i32
      %dma_start3A_1236 = tpu.memref_slice %arg4[%add3A_1226, %dma_start3A_1234, %dma_start3A_1235] : memref<16384x50x32xf32, #tpu.memory_space<hbm>> -> memref<1x50x32xf32, #tpu.memory_space<hbm>>
      %dma_start3A_1237 = tpu.memref_squeeze %dma_start3A_1236 : memref<1x50x32xf32, #tpu.memory_space<hbm>> -> memref<50x32xf32, #tpu.memory_space<hbm>>
      %dma_start3A_1238 = arith.constant 500 : i32
      %dma_start3A_1239 = arith.constant 0 : i32
      %dma_start3A_1240 = tpu.memref_slice %arg7[%dma_start3A_1238, %dma_start3A_1239] : memref<1600x32xf32, #tpu.memory_space<vmem>> -> memref<50x32xf32, #tpu.memory_space<vmem>>
      tpu.enqueue_dma source(%dma_start3A_1240 : memref<50x32xf32, #tpu.memory_space<vmem>>) target(%dma_start3A_1237 : memref<50x32xf32, #tpu.memory_space<hbm>>) target_semaphore(%arg11 : memref<!tpu.dma_semaphore, #tpu.memory_space<semaphore_mem>>)
      %add3A_1241 = arith.constant 11 : i32
      %add3A_1242 = arith.addi %add3A_1064, %add3A_1241 : i32
      %dma_start3A_1243 = arith.constant 550 : i32
      %dma_start3A_1244 = arith.constant 0 : i32
      %dma_start3A_1245 = tpu.memref_slice %arg7[%dma_start3A_1243, %dma_start3A_1244] : memref<1600x32xf32, #tpu.memory_space<vmem>> -> memref<50x32xf32, #tpu.memory_space<vmem>>
      %dma_start3A_1246 = arith.constant 0 : i32
      %dma_start3A_1247 = arith.constant 0 : i32
      %dma_start3A_1248 = tpu.memref_slice %arg4[%add3A_1242, %dma_start3A_1246, %dma_start3A_1247] : memref<16384x50x32xf32, #tpu.memory_space<hbm>> -> memref<1x50x32xf32, #tpu.memory_space<hbm>>
      %dma_start3A_1249 = tpu.memref_squeeze %dma_start3A_1248 : memref<1x50x32xf32, #tpu.memory_space<hbm>> -> memref<50x32xf32, #tpu.memory_space<hbm>>
      %dma_start3A_1250 = arith.constant 0 : i32
      %dma_start3A_1251 = arith.constant 0 : i32
      %dma_start3A_1252 = tpu.memref_slice %arg4[%add3A_1242, %dma_start3A_1250, %dma_start3A_1251] : memref<16384x50x32xf32, #tpu.memory_space<hbm>> -> memref<1x50x32xf32, #tpu.memory_space<hbm>>
      %dma_start3A_1253 = tpu.memref_squeeze %dma_start3A_1252 : memref<1x50x32xf32, #tpu.memory_space<hbm>> -> memref<50x32xf32, #tpu.memory_space<hbm>>
      %dma_start3A_1254 = arith.constant 550 : i32
      %dma_start3A_1255 = arith.constant 0 : i32
      %dma_start3A_1256 = tpu.memref_slice %arg7[%dma_start3A_1254, %dma_start3A_1255] : memref<1600x32xf32, #tpu.memory_space<vmem>> -> memref<50x32xf32, #tpu.memory_space<vmem>>
      tpu.enqueue_dma source(%dma_start3A_1256 : memref<50x32xf32, #tpu.memory_space<vmem>>) target(%dma_start3A_1253 : memref<50x32xf32, #tpu.memory_space<hbm>>) target_semaphore(%arg11 : memref<!tpu.dma_semaphore, #tpu.memory_space<semaphore_mem>>)
      %add3A_1257 = arith.constant 12 : i32
      %add3A_1258 = arith.addi %add3A_1064, %add3A_1257 : i32
      %dma_start3A_1259 = arith.constant 600 : i32
      %dma_start3A_1260 = arith.constant 0 : i32
      %dma_start3A_1261 = tpu.memref_slice %arg7[%dma_start3A_1259, %dma_start3A_1260] : memref<1600x32xf32, #tpu.memory_space<vmem>> -> memref<50x32xf32, #tpu.memory_space<vmem>>
      %dma_start3A_1262 = arith.constant 0 : i32
      %dma_start3A_1263 = arith.constant 0 : i32
      %dma_start3A_1264 = tpu.memref_slice %arg4[%add3A_1258, %dma_start3A_1262, %dma_start3A_1263] : memref<16384x50x32xf32, #tpu.memory_space<hbm>> -> memref<1x50x32xf32, #tpu.memory_space<hbm>>
      %dma_start3A_1265 = tpu.memref_squeeze %dma_start3A_1264 : memref<1x50x32xf32, #tpu.memory_space<hbm>> -> memref<50x32xf32, #tpu.memory_space<hbm>>
      %dma_start3A_1266 = arith.constant 0 : i32
      %dma_start3A_1267 = arith.constant 0 : i32
      %dma_start3A_1268 = tpu.memref_slice %arg4[%add3A_1258, %dma_start3A_1266, %dma_start3A_1267] : memref<16384x50x32xf32, #tpu.memory_space<hbm>> -> memref<1x50x32xf32, #tpu.memory_space<hbm>>
      %dma_start3A_1269 = tpu.memref_squeeze %dma_start3A_1268 : memref<1x50x32xf32, #tpu.memory_space<hbm>> -> memref<50x32xf32, #tpu.memory_space<hbm>>
      %dma_start3A_1270 = arith.constant 600 : i32
      %dma_start3A_1271 = arith.constant 0 : i32
      %dma_start3A_1272 = tpu.memref_slice %arg7[%dma_start3A_1270, %dma_start3A_1271] : memref<1600x32xf32, #tpu.memory_space<vmem>> -> memref<50x32xf32, #tpu.memory_space<vmem>>
      tpu.enqueue_dma source(%dma_start3A_1272 : memref<50x32xf32, #tpu.memory_space<vmem>>) target(%dma_start3A_1269 : memref<50x32xf32, #tpu.memory_space<hbm>>) target_semaphore(%arg11 : memref<!tpu.dma_semaphore, #tpu.memory_space<semaphore_mem>>)
      %add3A_1273 = arith.constant 13 : i32
      %add3A_1274 = arith.addi %add3A_1064, %add3A_1273 : i32
      %dma_start3A_1275 = arith.constant 650 : i32
      %dma_start3A_1276 = arith.constant 0 : i32
      %dma_start3A_1277 = tpu.memref_slice %arg7[%dma_start3A_1275, %dma_start3A_1276] : memref<1600x32xf32, #tpu.memory_space<vmem>> -> memref<50x32xf32, #tpu.memory_space<vmem>>
      %dma_start3A_1278 = arith.constant 0 : i32
      %dma_start3A_1279 = arith.constant 0 : i32
      %dma_start3A_1280 = tpu.memref_slice %arg4[%add3A_1274, %dma_start3A_1278, %dma_start3A_1279] : memref<16384x50x32xf32, #tpu.memory_space<hbm>> -> memref<1x50x32xf32, #tpu.memory_space<hbm>>
      %dma_start3A_1281 = tpu.memref_squeeze %dma_start3A_1280 : memref<1x50x32xf32, #tpu.memory_space<hbm>> -> memref<50x32xf32, #tpu.memory_space<hbm>>
      %dma_start3A_1282 = arith.constant 0 : i32
      %dma_start3A_1283 = arith.constant 0 : i32
      %dma_start3A_1284 = tpu.memref_slice %arg4[%add3A_1274, %dma_start3A_1282, %dma_start3A_1283] : memref<16384x50x32xf32, #tpu.memory_space<hbm>> -> memref<1x50x32xf32, #tpu.memory_space<hbm>>
      %dma_start3A_1285 = tpu.memref_squeeze %dma_start3A_1284 : memref<1x50x32xf32, #tpu.memory_space<hbm>> -> memref<50x32xf32, #tpu.memory_space<hbm>>
      %dma_start3A_1286 = arith.constant 650 : i32
      %dma_start3A_1287 = arith.constant 0 : i32
      %dma_start3A_1288 = tpu.memref_slice %arg7[%dma_start3A_1286, %dma_start3A_1287] : memref<1600x32xf32, #tpu.memory_space<vmem>> -> memref<50x32xf32, #tpu.memory_space<vmem>>
      tpu.enqueue_dma source(%dma_start3A_1288 : memref<50x32xf32, #tpu.memory_space<vmem>>) target(%dma_start3A_1285 : memref<50x32xf32, #tpu.memory_space<hbm>>) target_semaphore(%arg11 : memref<!tpu.dma_semaphore, #tpu.memory_space<semaphore_mem>>)
      %add3A_1289 = arith.constant 14 : i32
      %add3A_1290 = arith.addi %add3A_1064, %add3A_1289 : i32
      %dma_start3A_1291 = arith.constant 700 : i32
      %dma_start3A_1292 = arith.constant 0 : i32
      %dma_start3A_1293 = tpu.memref_slice %arg7[%dma_start3A_1291, %dma_start3A_1292] : memref<1600x32xf32, #tpu.memory_space<vmem>> -> memref<50x32xf32, #tpu.memory_space<vmem>>
      %dma_start3A_1294 = arith.constant 0 : i32
      %dma_start3A_1295 = arith.constant 0 : i32
      %dma_start3A_1296 = tpu.memref_slice %arg4[%add3A_1290, %dma_start3A_1294, %dma_start3A_1295] : memref<16384x50x32xf32, #tpu.memory_space<hbm>> -> memref<1x50x32xf32, #tpu.memory_space<hbm>>
      %dma_start3A_1297 = tpu.memref_squeeze %dma_start3A_1296 : memref<1x50x32xf32, #tpu.memory_space<hbm>> -> memref<50x32xf32, #tpu.memory_space<hbm>>
      %dma_start3A_1298 = arith.constant 0 : i32
      %dma_start3A_1299 = arith.constant 0 : i32
      %dma_start3A_1300 = tpu.memref_slice %arg4[%add3A_1290, %dma_start3A_1298, %dma_start3A_1299] : memref<16384x50x32xf32, #tpu.memory_space<hbm>> -> memref<1x50x32xf32, #tpu.memory_space<hbm>>
      %dma_start3A_1301 = tpu.memref_squeeze %dma_start3A_1300 : memref<1x50x32xf32, #tpu.memory_space<hbm>> -> memref<50x32xf32, #tpu.memory_space<hbm>>
      %dma_start3A_1302 = arith.constant 700 : i32
      %dma_start3A_1303 = arith.constant 0 : i32
      %dma_start3A_1304 = tpu.memref_slice %arg7[%dma_start3A_1302, %dma_start3A_1303] : memref<1600x32xf32, #tpu.memory_space<vmem>> -> memref<50x32xf32, #tpu.memory_space<vmem>>
      tpu.enqueue_dma source(%dma_start3A_1304 : memref<50x32xf32, #tpu.memory_space<vmem>>) target(%dma_start3A_1301 : memref<50x32xf32, #tpu.memory_space<hbm>>) target_semaphore(%arg11 : memref<!tpu.dma_semaphore, #tpu.memory_space<semaphore_mem>>)
      %add3A_1305 = arith.constant 15 : i32
      %add3A_1306 = arith.addi %add3A_1064, %add3A_1305 : i32
      %dma_start3A_1307 = arith.constant 750 : i32
      %dma_start3A_1308 = arith.constant 0 : i32
      %dma_start3A_1309 = tpu.memref_slice %arg7[%dma_start3A_1307, %dma_start3A_1308] : memref<1600x32xf32, #tpu.memory_space<vmem>> -> memref<50x32xf32, #tpu.memory_space<vmem>>
      %dma_start3A_1310 = arith.constant 0 : i32
      %dma_start3A_1311 = arith.constant 0 : i32
      %dma_start3A_1312 = tpu.memref_slice %arg4[%add3A_1306, %dma_start3A_1310, %dma_start3A_1311] : memref<16384x50x32xf32, #tpu.memory_space<hbm>> -> memref<1x50x32xf32, #tpu.memory_space<hbm>>
      %dma_start3A_1313 = tpu.memref_squeeze %dma_start3A_1312 : memref<1x50x32xf32, #tpu.memory_space<hbm>> -> memref<50x32xf32, #tpu.memory_space<hbm>>
      %dma_start3A_1314 = arith.constant 0 : i32
      %dma_start3A_1315 = arith.constant 0 : i32
      %dma_start3A_1316 = tpu.memref_slice %arg4[%add3A_1306, %dma_start3A_1314, %dma_start3A_1315] : memref<16384x50x32xf32, #tpu.memory_space<hbm>> -> memref<1x50x32xf32, #tpu.memory_space<hbm>>
      %dma_start3A_1317 = tpu.memref_squeeze %dma_start3A_1316 : memref<1x50x32xf32, #tpu.memory_space<hbm>> -> memref<50x32xf32, #tpu.memory_space<hbm>>
      %dma_start3A_1318 = arith.constant 750 : i32
      %dma_start3A_1319 = arith.constant 0 : i32
      %dma_start3A_1320 = tpu.memref_slice %arg7[%dma_start3A_1318, %dma_start3A_1319] : memref<1600x32xf32, #tpu.memory_space<vmem>> -> memref<50x32xf32, #tpu.memory_space<vmem>>
      tpu.enqueue_dma source(%dma_start3A_1320 : memref<50x32xf32, #tpu.memory_space<vmem>>) target(%dma_start3A_1317 : memref<50x32xf32, #tpu.memory_space<hbm>>) target_semaphore(%arg11 : memref<!tpu.dma_semaphore, #tpu.memory_space<semaphore_mem>>)
      %add3A_1321 = arith.constant 16 : i32
      %add3A_1322 = arith.addi %add3A_1064, %add3A_1321 : i32
      %dma_start3A_1323 = arith.constant 800 : i32
      %dma_start3A_1324 = arith.constant 0 : i32
      %dma_start3A_1325 = tpu.memref_slice %arg7[%dma_start3A_1323, %dma_start3A_1324] : memref<1600x32xf32, #tpu.memory_space<vmem>> -> memref<50x32xf32, #tpu.memory_space<vmem>>
      %dma_start3A_1326 = arith.constant 0 : i32
      %dma_start3A_1327 = arith.constant 0 : i32
      %dma_start3A_1328 = tpu.memref_slice %arg4[%add3A_1322, %dma_start3A_1326, %dma_start3A_1327] : memref<16384x50x32xf32, #tpu.memory_space<hbm>> -> memref<1x50x32xf32, #tpu.memory_space<hbm>>
      %dma_start3A_1329 = tpu.memref_squeeze %dma_start3A_1328 : memref<1x50x32xf32, #tpu.memory_space<hbm>> -> memref<50x32xf32, #tpu.memory_space<hbm>>
      %dma_start3A_1330 = arith.constant 0 : i32
      %dma_start3A_1331 = arith.constant 0 : i32
      %dma_start3A_1332 = tpu.memref_slice %arg4[%add3A_1322, %dma_start3A_1330, %dma_start3A_1331] : memref<16384x50x32xf32, #tpu.memory_space<hbm>> -> memref<1x50x32xf32, #tpu.memory_space<hbm>>
      %dma_start3A_1333 = tpu.memref_squeeze %dma_start3A_1332 : memref<1x50x32xf32, #tpu.memory_space<hbm>> -> memref<50x32xf32, #tpu.memory_space<hbm>>
      %dma_start3A_1334 = arith.constant 800 : i32
      %dma_start3A_1335 = arith.constant 0 : i32
      %dma_start3A_1336 = tpu.memref_slice %arg7[%dma_start3A_1334, %dma_start3A_1335] : memref<1600x32xf32, #tpu.memory_space<vmem>> -> memref<50x32xf32, #tpu.memory_space<vmem>>
      tpu.enqueue_dma source(%dma_start3A_1336 : memref<50x32xf32, #tpu.memory_space<vmem>>) target(%dma_start3A_1333 : memref<50x32xf32, #tpu.memory_space<hbm>>) target_semaphore(%arg11 : memref<!tpu.dma_semaphore, #tpu.memory_space<semaphore_mem>>)
      %add3A_1337 = arith.constant 17 : i32
      %add3A_1338 = arith.addi %add3A_1064, %add3A_1337 : i32
      %dma_start3A_1339 = arith.constant 850 : i32
      %dma_start3A_1340 = arith.constant 0 : i32
      %dma_start3A_1341 = tpu.memref_slice %arg7[%dma_start3A_1339, %dma_start3A_1340] : memref<1600x32xf32, #tpu.memory_space<vmem>> -> memref<50x32xf32, #tpu.memory_space<vmem>>
      %dma_start3A_1342 = arith.constant 0 : i32
      %dma_start3A_1343 = arith.constant 0 : i32
      %dma_start3A_1344 = tpu.memref_slice %arg4[%add3A_1338, %dma_start3A_1342, %dma_start3A_1343] : memref<16384x50x32xf32, #tpu.memory_space<hbm>> -> memref<1x50x32xf32, #tpu.memory_space<hbm>>
      %dma_start3A_1345 = tpu.memref_squeeze %dma_start3A_1344 : memref<1x50x32xf32, #tpu.memory_space<hbm>> -> memref<50x32xf32, #tpu.memory_space<hbm>>
      %dma_start3A_1346 = arith.constant 0 : i32
      %dma_start3A_1347 = arith.constant 0 : i32
      %dma_start3A_1348 = tpu.memref_slice %arg4[%add3A_1338, %dma_start3A_1346, %dma_start3A_1347] : memref<16384x50x32xf32, #tpu.memory_space<hbm>> -> memref<1x50x32xf32, #tpu.memory_space<hbm>>
      %dma_start3A_1349 = tpu.memref_squeeze %dma_start3A_1348 : memref<1x50x32xf32, #tpu.memory_space<hbm>> -> memref<50x32xf32, #tpu.memory_space<hbm>>
      %dma_start3A_1350 = arith.constant 850 : i32
      %dma_start3A_1351 = arith.constant 0 : i32
      %dma_start3A_1352 = tpu.memref_slice %arg7[%dma_start3A_1350, %dma_start3A_1351] : memref<1600x32xf32, #tpu.memory_space<vmem>> -> memref<50x32xf32, #tpu.memory_space<vmem>>
      tpu.enqueue_dma source(%dma_start3A_1352 : memref<50x32xf32, #tpu.memory_space<vmem>>) target(%dma_start3A_1349 : memref<50x32xf32, #tpu.memory_space<hbm>>) target_semaphore(%arg11 : memref<!tpu.dma_semaphore, #tpu.memory_space<semaphore_mem>>)
      %add3A_1353 = arith.constant 18 : i32
      %add3A_1354 = arith.addi %add3A_1064, %add3A_1353 : i32
      %dma_start3A_1355 = arith.constant 900 : i32
      %dma_start3A_1356 = arith.constant 0 : i32
      %dma_start3A_1357 = tpu.memref_slice %arg7[%dma_start3A_1355, %dma_start3A_1356] : memref<1600x32xf32, #tpu.memory_space<vmem>> -> memref<50x32xf32, #tpu.memory_space<vmem>>
      %dma_start3A_1358 = arith.constant 0 : i32
      %dma_start3A_1359 = arith.constant 0 : i32
      %dma_start3A_1360 = tpu.memref_slice %arg4[%add3A_1354, %dma_start3A_1358, %dma_start3A_1359] : memref<16384x50x32xf32, #tpu.memory_space<hbm>> -> memref<1x50x32xf32, #tpu.memory_space<hbm>>
      %dma_start3A_1361 = tpu.memref_squeeze %dma_start3A_1360 : memref<1x50x32xf32, #tpu.memory_space<hbm>> -> memref<50x32xf32, #tpu.memory_space<hbm>>
      %dma_start3A_1362 = arith.constant 0 : i32
      %dma_start3A_1363 = arith.constant 0 : i32
      %dma_start3A_1364 = tpu.memref_slice %arg4[%add3A_1354, %dma_start3A_1362, %dma_start3A_1363] : memref<16384x50x32xf32, #tpu.memory_space<hbm>> -> memref<1x50x32xf32, #tpu.memory_space<hbm>>
      %dma_start3A_1365 = tpu.memref_squeeze %dma_start3A_1364 : memref<1x50x32xf32, #tpu.memory_space<hbm>> -> memref<50x32xf32, #tpu.memory_space<hbm>>
      %dma_start3A_1366 = arith.constant 900 : i32
      %dma_start3A_1367 = arith.constant 0 : i32
      %dma_start3A_1368 = tpu.memref_slice %arg7[%dma_start3A_1366, %dma_start3A_1367] : memref<1600x32xf32, #tpu.memory_space<vmem>> -> memref<50x32xf32, #tpu.memory_space<vmem>>
      tpu.enqueue_dma source(%dma_start3A_1368 : memref<50x32xf32, #tpu.memory_space<vmem>>) target(%dma_start3A_1365 : memref<50x32xf32, #tpu.memory_space<hbm>>) target_semaphore(%arg11 : memref<!tpu.dma_semaphore, #tpu.memory_space<semaphore_mem>>)
      %add3A_1369 = arith.constant 19 : i32
      %add3A_1370 = arith.addi %add3A_1064, %add3A_1369 : i32
      %dma_start3A_1371 = arith.constant 950 : i32
      %dma_start3A_1372 = arith.constant 0 : i32
      %dma_start3A_1373 = tpu.memref_slice %arg7[%dma_start3A_1371, %dma_start3A_1372] : memref<1600x32xf32, #tpu.memory_space<vmem>> -> memref<50x32xf32, #tpu.memory_space<vmem>>
      %dma_start3A_1374 = arith.constant 0 : i32
      %dma_start3A_1375 = arith.constant 0 : i32
      %dma_start3A_1376 = tpu.memref_slice %arg4[%add3A_1370, %dma_start3A_1374, %dma_start3A_1375] : memref<16384x50x32xf32, #tpu.memory_space<hbm>> -> memref<1x50x32xf32, #tpu.memory_space<hbm>>
      %dma_start3A_1377 = tpu.memref_squeeze %dma_start3A_1376 : memref<1x50x32xf32, #tpu.memory_space<hbm>> -> memref<50x32xf32, #tpu.memory_space<hbm>>
      %dma_start3A_1378 = arith.constant 0 : i32
      %dma_start3A_1379 = arith.constant 0 : i32
      %dma_start3A_1380 = tpu.memref_slice %arg4[%add3A_1370, %dma_start3A_1378, %dma_start3A_1379] : memref<16384x50x32xf32, #tpu.memory_space<hbm>> -> memref<1x50x32xf32, #tpu.memory_space<hbm>>
      %dma_start3A_1381 = tpu.memref_squeeze %dma_start3A_1380 : memref<1x50x32xf32, #tpu.memory_space<hbm>> -> memref<50x32xf32, #tpu.memory_space<hbm>>
      %dma_start3A_1382 = arith.constant 950 : i32
      %dma_start3A_1383 = arith.constant 0 : i32
      %dma_start3A_1384 = tpu.memref_slice %arg7[%dma_start3A_1382, %dma_start3A_1383] : memref<1600x32xf32, #tpu.memory_space<vmem>> -> memref<50x32xf32, #tpu.memory_space<vmem>>
      tpu.enqueue_dma source(%dma_start3A_1384 : memref<50x32xf32, #tpu.memory_space<vmem>>) target(%dma_start3A_1381 : memref<50x32xf32, #tpu.memory_space<hbm>>) target_semaphore(%arg11 : memref<!tpu.dma_semaphore, #tpu.memory_space<semaphore_mem>>)
      %add3A_1385 = arith.constant 20 : i32
      %add3A_1386 = arith.addi %add3A_1064, %add3A_1385 : i32
      %dma_start3A_1387 = arith.constant 1000 : i32
      %dma_start3A_1388 = arith.constant 0 : i32
      %dma_start3A_1389 = tpu.memref_slice %arg7[%dma_start3A_1387, %dma_start3A_1388] : memref<1600x32xf32, #tpu.memory_space<vmem>> -> memref<50x32xf32, #tpu.memory_space<vmem>>
      %dma_start3A_1390 = arith.constant 0 : i32
      %dma_start3A_1391 = arith.constant 0 : i32
      %dma_start3A_1392 = tpu.memref_slice %arg4[%add3A_1386, %dma_start3A_1390, %dma_start3A_1391] : memref<16384x50x32xf32, #tpu.memory_space<hbm>> -> memref<1x50x32xf32, #tpu.memory_space<hbm>>
      %dma_start3A_1393 = tpu.memref_squeeze %dma_start3A_1392 : memref<1x50x32xf32, #tpu.memory_space<hbm>> -> memref<50x32xf32, #tpu.memory_space<hbm>>
      %dma_start3A_1394 = arith.constant 0 : i32
      %dma_start3A_1395 = arith.constant 0 : i32
      %dma_start3A_1396 = tpu.memref_slice %arg4[%add3A_1386, %dma_start3A_1394, %dma_start3A_1395] : memref<16384x50x32xf32, #tpu.memory_space<hbm>> -> memref<1x50x32xf32, #tpu.memory_space<hbm>>
      %dma_start3A_1397 = tpu.memref_squeeze %dma_start3A_1396 : memref<1x50x32xf32, #tpu.memory_space<hbm>> -> memref<50x32xf32, #tpu.memory_space<hbm>>
      %dma_start3A_1398 = arith.constant 1000 : i32
      %dma_start3A_1399 = arith.constant 0 : i32
      %dma_start3A_1400 = tpu.memref_slice %arg7[%dma_start3A_1398, %dma_start3A_1399] : memref<1600x32xf32, #tpu.memory_space<vmem>> -> memref<50x32xf32, #tpu.memory_space<vmem>>
      tpu.enqueue_dma source(%dma_start3A_1400 : memref<50x32xf32, #tpu.memory_space<vmem>>) target(%dma_start3A_1397 : memref<50x32xf32, #tpu.memory_space<hbm>>) target_semaphore(%arg11 : memref<!tpu.dma_semaphore, #tpu.memory_space<semaphore_mem>>)
      %add3A_1401 = arith.constant 21 : i32
      %add3A_1402 = arith.addi %add3A_1064, %add3A_1401 : i32
      %dma_start3A_1403 = arith.constant 1050 : i32
      %dma_start3A_1404 = arith.constant 0 : i32
      %dma_start3A_1405 = tpu.memref_slice %arg7[%dma_start3A_1403, %dma_start3A_1404] : memref<1600x32xf32, #tpu.memory_space<vmem>> -> memref<50x32xf32, #tpu.memory_space<vmem>>
      %dma_start3A_1406 = arith.constant 0 : i32
      %dma_start3A_1407 = arith.constant 0 : i32
      %dma_start3A_1408 = tpu.memref_slice %arg4[%add3A_1402, %dma_start3A_1406, %dma_start3A_1407] : memref<16384x50x32xf32, #tpu.memory_space<hbm>> -> memref<1x50x32xf32, #tpu.memory_space<hbm>>
      %dma_start3A_1409 = tpu.memref_squeeze %dma_start3A_1408 : memref<1x50x32xf32, #tpu.memory_space<hbm>> -> memref<50x32xf32, #tpu.memory_space<hbm>>
      %dma_start3A_1410 = arith.constant 0 : i32
      %dma_start3A_1411 = arith.constant 0 : i32
      %dma_start3A_1412 = tpu.memref_slice %arg4[%add3A_1402, %dma_start3A_1410, %dma_start3A_1411] : memref<16384x50x32xf32, #tpu.memory_space<hbm>> -> memref<1x50x32xf32, #tpu.memory_space<hbm>>
      %dma_start3A_1413 = tpu.memref_squeeze %dma_start3A_1412 : memref<1x50x32xf32, #tpu.memory_space<hbm>> -> memref<50x32xf32, #tpu.memory_space<hbm>>
      %dma_start3A_1414 = arith.constant 1050 : i32
      %dma_start3A_1415 = arith.constant 0 : i32
      %dma_start3A_1416 = tpu.memref_slice %arg7[%dma_start3A_1414, %dma_start3A_1415] : memref<1600x32xf32, #tpu.memory_space<vmem>> -> memref<50x32xf32, #tpu.memory_space<vmem>>
      tpu.enqueue_dma source(%dma_start3A_1416 : memref<50x32xf32, #tpu.memory_space<vmem>>) target(%dma_start3A_1413 : memref<50x32xf32, #tpu.memory_space<hbm>>) target_semaphore(%arg11 : memref<!tpu.dma_semaphore, #tpu.memory_space<semaphore_mem>>)
      %add3A_1417 = arith.constant 22 : i32
      %add3A_1418 = arith.addi %add3A_1064, %add3A_1417 : i32
      %dma_start3A_1419 = arith.constant 1100 : i32
      %dma_start3A_1420 = arith.constant 0 : i32
      %dma_start3A_1421 = tpu.memref_slice %arg7[%dma_start3A_1419, %dma_start3A_1420] : memref<1600x32xf32, #tpu.memory_space<vmem>> -> memref<50x32xf32, #tpu.memory_space<vmem>>
      %dma_start3A_1422 = arith.constant 0 : i32
      %dma_start3A_1423 = arith.constant 0 : i32
      %dma_start3A_1424 = tpu.memref_slice %arg4[%add3A_1418, %dma_start3A_1422, %dma_start3A_1423] : memref<16384x50x32xf32, #tpu.memory_space<hbm>> -> memref<1x50x32xf32, #tpu.memory_space<hbm>>
      %dma_start3A_1425 = tpu.memref_squeeze %dma_start3A_1424 : memref<1x50x32xf32, #tpu.memory_space<hbm>> -> memref<50x32xf32, #tpu.memory_space<hbm>>
      %dma_start3A_1426 = arith.constant 0 : i32
      %dma_start3A_1427 = arith.constant 0 : i32
      %dma_start3A_1428 = tpu.memref_slice %arg4[%add3A_1418, %dma_start3A_1426, %dma_start3A_1427] : memref<16384x50x32xf32, #tpu.memory_space<hbm>> -> memref<1x50x32xf32, #tpu.memory_space<hbm>>
      %dma_start3A_1429 = tpu.memref_squeeze %dma_start3A_1428 : memref<1x50x32xf32, #tpu.memory_space<hbm>> -> memref<50x32xf32, #tpu.memory_space<hbm>>
      %dma_start3A_1430 = arith.constant 1100 : i32
      %dma_start3A_1431 = arith.constant 0 : i32
      %dma_start3A_1432 = tpu.memref_slice %arg7[%dma_start3A_1430, %dma_start3A_1431] : memref<1600x32xf32, #tpu.memory_space<vmem>> -> memref<50x32xf32, #tpu.memory_space<vmem>>
      tpu.enqueue_dma source(%dma_start3A_1432 : memref<50x32xf32, #tpu.memory_space<vmem>>) target(%dma_start3A_1429 : memref<50x32xf32, #tpu.memory_space<hbm>>) target_semaphore(%arg11 : memref<!tpu.dma_semaphore, #tpu.memory_space<semaphore_mem>>)
      %add3A_1433 = arith.constant 23 : i32
      %add3A_1434 = arith.addi %add3A_1064, %add3A_1433 : i32
      %dma_start3A_1435 = arith.constant 1150 : i32
      %dma_start3A_1436 = arith.constant 0 : i32
      %dma_start3A_1437 = tpu.memref_slice %arg7[%dma_start3A_1435, %dma_start3A_1436] : memref<1600x32xf32, #tpu.memory_space<vmem>> -> memref<50x32xf32, #tpu.memory_space<vmem>>
      %dma_start3A_1438 = arith.constant 0 : i32
      %dma_start3A_1439 = arith.constant 0 : i32
      %dma_start3A_1440 = tpu.memref_slice %arg4[%add3A_1434, %dma_start3A_1438, %dma_start3A_1439] : memref<16384x50x32xf32, #tpu.memory_space<hbm>> -> memref<1x50x32xf32, #tpu.memory_space<hbm>>
      %dma_start3A_1441 = tpu.memref_squeeze %dma_start3A_1440 : memref<1x50x32xf32, #tpu.memory_space<hbm>> -> memref<50x32xf32, #tpu.memory_space<hbm>>
      %dma_start3A_1442 = arith.constant 0 : i32
      %dma_start3A_1443 = arith.constant 0 : i32
      %dma_start3A_1444 = tpu.memref_slice %arg4[%add3A_1434, %dma_start3A_1442, %dma_start3A_1443] : memref<16384x50x32xf32, #tpu.memory_space<hbm>> -> memref<1x50x32xf32, #tpu.memory_space<hbm>>
      %dma_start3A_1445 = tpu.memref_squeeze %dma_start3A_1444 : memref<1x50x32xf32, #tpu.memory_space<hbm>> -> memref<50x32xf32, #tpu.memory_space<hbm>>
      %dma_start3A_1446 = arith.constant 1150 : i32
      %dma_start3A_1447 = arith.constant 0 : i32
      %dma_start3A_1448 = tpu.memref_slice %arg7[%dma_start3A_1446, %dma_start3A_1447] : memref<1600x32xf32, #tpu.memory_space<vmem>> -> memref<50x32xf32, #tpu.memory_space<vmem>>
      tpu.enqueue_dma source(%dma_start3A_1448 : memref<50x32xf32, #tpu.memory_space<vmem>>) target(%dma_start3A_1445 : memref<50x32xf32, #tpu.memory_space<hbm>>) target_semaphore(%arg11 : memref<!tpu.dma_semaphore, #tpu.memory_space<semaphore_mem>>)
      %add3A_1449 = arith.constant 24 : i32
      %add3A_1450 = arith.addi %add3A_1064, %add3A_1449 : i32
      %dma_start3A_1451 = arith.constant 1200 : i32
      %dma_start3A_1452 = arith.constant 0 : i32
      %dma_start3A_1453 = tpu.memref_slice %arg7[%dma_start3A_1451, %dma_start3A_1452] : memref<1600x32xf32, #tpu.memory_space<vmem>> -> memref<50x32xf32, #tpu.memory_space<vmem>>
      %dma_start3A_1454 = arith.constant 0 : i32
      %dma_start3A_1455 = arith.constant 0 : i32
      %dma_start3A_1456 = tpu.memref_slice %arg4[%add3A_1450, %dma_start3A_1454, %dma_start3A_1455] : memref<16384x50x32xf32, #tpu.memory_space<hbm>> -> memref<1x50x32xf32, #tpu.memory_space<hbm>>
      %dma_start3A_1457 = tpu.memref_squeeze %dma_start3A_1456 : memref<1x50x32xf32, #tpu.memory_space<hbm>> -> memref<50x32xf32, #tpu.memory_space<hbm>>
      %dma_start3A_1458 = arith.constant 0 : i32
      %dma_start3A_1459 = arith.constant 0 : i32
      %dma_start3A_1460 = tpu.memref_slice %arg4[%add3A_1450, %dma_start3A_1458, %dma_start3A_1459] : memref<16384x50x32xf32, #tpu.memory_space<hbm>> -> memref<1x50x32xf32, #tpu.memory_space<hbm>>
      %dma_start3A_1461 = tpu.memref_squeeze %dma_start3A_1460 : memref<1x50x32xf32, #tpu.memory_space<hbm>> -> memref<50x32xf32, #tpu.memory_space<hbm>>
      %dma_start3A_1462 = arith.constant 1200 : i32
      %dma_start3A_1463 = arith.constant 0 : i32
      %dma_start3A_1464 = tpu.memref_slice %arg7[%dma_start3A_1462, %dma_start3A_1463] : memref<1600x32xf32, #tpu.memory_space<vmem>> -> memref<50x32xf32, #tpu.memory_space<vmem>>
      tpu.enqueue_dma source(%dma_start3A_1464 : memref<50x32xf32, #tpu.memory_space<vmem>>) target(%dma_start3A_1461 : memref<50x32xf32, #tpu.memory_space<hbm>>) target_semaphore(%arg11 : memref<!tpu.dma_semaphore, #tpu.memory_space<semaphore_mem>>)
      %add3A_1465 = arith.constant 25 : i32
      %add3A_1466 = arith.addi %add3A_1064, %add3A_1465 : i32
      %dma_start3A_1467 = arith.constant 1250 : i32
      %dma_start3A_1468 = arith.constant 0 : i32
      %dma_start3A_1469 = tpu.memref_slice %arg7[%dma_start3A_1467, %dma_start3A_1468] : memref<1600x32xf32, #tpu.memory_space<vmem>> -> memref<50x32xf32, #tpu.memory_space<vmem>>
      %dma_start3A_1470 = arith.constant 0 : i32
      %dma_start3A_1471 = arith.constant 0 : i32
      %dma_start3A_1472 = tpu.memref_slice %arg4[%add3A_1466, %dma_start3A_1470, %dma_start3A_1471] : memref<16384x50x32xf32, #tpu.memory_space<hbm>> -> memref<1x50x32xf32, #tpu.memory_space<hbm>>
      %dma_start3A_1473 = tpu.memref_squeeze %dma_start3A_1472 : memref<1x50x32xf32, #tpu.memory_space<hbm>> -> memref<50x32xf32, #tpu.memory_space<hbm>>
      %dma_start3A_1474 = arith.constant 0 : i32
      %dma_start3A_1475 = arith.constant 0 : i32
      %dma_start3A_1476 = tpu.memref_slice %arg4[%add3A_1466, %dma_start3A_1474, %dma_start3A_1475] : memref<16384x50x32xf32, #tpu.memory_space<hbm>> -> memref<1x50x32xf32, #tpu.memory_space<hbm>>
      %dma_start3A_1477 = tpu.memref_squeeze %dma_start3A_1476 : memref<1x50x32xf32, #tpu.memory_space<hbm>> -> memref<50x32xf32, #tpu.memory_space<hbm>>
      %dma_start3A_1478 = arith.constant 1250 : i32
      %dma_start3A_1479 = arith.constant 0 : i32
      %dma_start3A_1480 = tpu.memref_slice %arg7[%dma_start3A_1478, %dma_start3A_1479] : memref<1600x32xf32, #tpu.memory_space<vmem>> -> memref<50x32xf32, #tpu.memory_space<vmem>>
      tpu.enqueue_dma source(%dma_start3A_1480 : memref<50x32xf32, #tpu.memory_space<vmem>>) target(%dma_start3A_1477 : memref<50x32xf32, #tpu.memory_space<hbm>>) target_semaphore(%arg11 : memref<!tpu.dma_semaphore, #tpu.memory_space<semaphore_mem>>)
      %add3A_1481 = arith.constant 26 : i32
      %add3A_1482 = arith.addi %add3A_1064, %add3A_1481 : i32
      %dma_start3A_1483 = arith.constant 1300 : i32
      %dma_start3A_1484 = arith.constant 0 : i32
      %dma_start3A_1485 = tpu.memref_slice %arg7[%dma_start3A_1483, %dma_start3A_1484] : memref<1600x32xf32, #tpu.memory_space<vmem>> -> memref<50x32xf32, #tpu.memory_space<vmem>>
      %dma_start3A_1486 = arith.constant 0 : i32
      %dma_start3A_1487 = arith.constant 0 : i32
      %dma_start3A_1488 = tpu.memref_slice %arg4[%add3A_1482, %dma_start3A_1486, %dma_start3A_1487] : memref<16384x50x32xf32, #tpu.memory_space<hbm>> -> memref<1x50x32xf32, #tpu.memory_space<hbm>>
      %dma_start3A_1489 = tpu.memref_squeeze %dma_start3A_1488 : memref<1x50x32xf32, #tpu.memory_space<hbm>> -> memref<50x32xf32, #tpu.memory_space<hbm>>
      %dma_start3A_1490 = arith.constant 0 : i32
      %dma_start3A_1491 = arith.constant 0 : i32
      %dma_start3A_1492 = tpu.memref_slice %arg4[%add3A_1482, %dma_start3A_1490, %dma_start3A_1491] : memref<16384x50x32xf32, #tpu.memory_space<hbm>> -> memref<1x50x32xf32, #tpu.memory_space<hbm>>
      %dma_start3A_1493 = tpu.memref_squeeze %dma_start3A_1492 : memref<1x50x32xf32, #tpu.memory_space<hbm>> -> memref<50x32xf32, #tpu.memory_space<hbm>>
      %dma_start3A_1494 = arith.constant 1300 : i32
      %dma_start3A_1495 = arith.constant 0 : i32
      %dma_start3A_1496 = tpu.memref_slice %arg7[%dma_start3A_1494, %dma_start3A_1495] : memref<1600x32xf32, #tpu.memory_space<vmem>> -> memref<50x32xf32, #tpu.memory_space<vmem>>
      tpu.enqueue_dma source(%dma_start3A_1496 : memref<50x32xf32, #tpu.memory_space<vmem>>) target(%dma_start3A_1493 : memref<50x32xf32, #tpu.memory_space<hbm>>) target_semaphore(%arg11 : memref<!tpu.dma_semaphore, #tpu.memory_space<semaphore_mem>>)
      %add3A_1497 = arith.constant 27 : i32
      %add3A_1498 = arith.addi %add3A_1064, %add3A_1497 : i32
      %dma_start3A_1499 = arith.constant 1350 : i32
      %dma_start3A_1500 = arith.constant 0 : i32
      %dma_start3A_1501 = tpu.memref_slice %arg7[%dma_start3A_1499, %dma_start3A_1500] : memref<1600x32xf32, #tpu.memory_space<vmem>> -> memref<50x32xf32, #tpu.memory_space<vmem>>
      %dma_start3A_1502 = arith.constant 0 : i32
      %dma_start3A_1503 = arith.constant 0 : i32
      %dma_start3A_1504 = tpu.memref_slice %arg4[%add3A_1498, %dma_start3A_1502, %dma_start3A_1503] : memref<16384x50x32xf32, #tpu.memory_space<hbm>> -> memref<1x50x32xf32, #tpu.memory_space<hbm>>
      %dma_start3A_1505 = tpu.memref_squeeze %dma_start3A_1504 : memref<1x50x32xf32, #tpu.memory_space<hbm>> -> memref<50x32xf32, #tpu.memory_space<hbm>>
      %dma_start3A_1506 = arith.constant 0 : i32
      %dma_start3A_1507 = arith.constant 0 : i32
      %dma_start3A_1508 = tpu.memref_slice %arg4[%add3A_1498, %dma_start3A_1506, %dma_start3A_1507] : memref<16384x50x32xf32, #tpu.memory_space<hbm>> -> memref<1x50x32xf32, #tpu.memory_space<hbm>>
      %dma_start3A_1509 = tpu.memref_squeeze %dma_start3A_1508 : memref<1x50x32xf32, #tpu.memory_space<hbm>> -> memref<50x32xf32, #tpu.memory_space<hbm>>
      %dma_start3A_1510 = arith.constant 1350 : i32
      %dma_start3A_1511 = arith.constant 0 : i32
      %dma_start3A_1512 = tpu.memref_slice %arg7[%dma_start3A_1510, %dma_start3A_1511] : memref<1600x32xf32, #tpu.memory_space<vmem>> -> memref<50x32xf32, #tpu.memory_space<vmem>>
      tpu.enqueue_dma source(%dma_start3A_1512 : memref<50x32xf32, #tpu.memory_space<vmem>>) target(%dma_start3A_1509 : memref<50x32xf32, #tpu.memory_space<hbm>>) target_semaphore(%arg11 : memref<!tpu.dma_semaphore, #tpu.memory_space<semaphore_mem>>)
      %add3A_1513 = arith.constant 28 : i32
      %add3A_1514 = arith.addi %add3A_1064, %add3A_1513 : i32
      %dma_start3A_1515 = arith.constant 1400 : i32
      %dma_start3A_1516 = arith.constant 0 : i32
      %dma_start3A_1517 = tpu.memref_slice %arg7[%dma_start3A_1515, %dma_start3A_1516] : memref<1600x32xf32, #tpu.memory_space<vmem>> -> memref<50x32xf32, #tpu.memory_space<vmem>>
      %dma_start3A_1518 = arith.constant 0 : i32
      %dma_start3A_1519 = arith.constant 0 : i32
      %dma_start3A_1520 = tpu.memref_slice %arg4[%add3A_1514, %dma_start3A_1518, %dma_start3A_1519] : memref<16384x50x32xf32, #tpu.memory_space<hbm>> -> memref<1x50x32xf32, #tpu.memory_space<hbm>>
      %dma_start3A_1521 = tpu.memref_squeeze %dma_start3A_1520 : memref<1x50x32xf32, #tpu.memory_space<hbm>> -> memref<50x32xf32, #tpu.memory_space<hbm>>
      %dma_start3A_1522 = arith.constant 0 : i32
      %dma_start3A_1523 = arith.constant 0 : i32
      %dma_start3A_1524 = tpu.memref_slice %arg4[%add3A_1514, %dma_start3A_1522, %dma_start3A_1523] : memref<16384x50x32xf32, #tpu.memory_space<hbm>> -> memref<1x50x32xf32, #tpu.memory_space<hbm>>
      %dma_start3A_1525 = tpu.memref_squeeze %dma_start3A_1524 : memref<1x50x32xf32, #tpu.memory_space<hbm>> -> memref<50x32xf32, #tpu.memory_space<hbm>>
      %dma_start3A_1526 = arith.constant 1400 : i32
      %dma_start3A_1527 = arith.constant 0 : i32
      %dma_start3A_1528 = tpu.memref_slice %arg7[%dma_start3A_1526, %dma_start3A_1527] : memref<1600x32xf32, #tpu.memory_space<vmem>> -> memref<50x32xf32, #tpu.memory_space<vmem>>
      tpu.enqueue_dma source(%dma_start3A_1528 : memref<50x32xf32, #tpu.memory_space<vmem>>) target(%dma_start3A_1525 : memref<50x32xf32, #tpu.memory_space<hbm>>) target_semaphore(%arg11 : memref<!tpu.dma_semaphore, #tpu.memory_space<semaphore_mem>>)
      %add3A_1529 = arith.constant 29 : i32
      %add3A_1530 = arith.addi %add3A_1064, %add3A_1529 : i32
      %dma_start3A_1531 = arith.constant 1450 : i32
      %dma_start3A_1532 = arith.constant 0 : i32
      %dma_start3A_1533 = tpu.memref_slice %arg7[%dma_start3A_1531, %dma_start3A_1532] : memref<1600x32xf32, #tpu.memory_space<vmem>> -> memref<50x32xf32, #tpu.memory_space<vmem>>
      %dma_start3A_1534 = arith.constant 0 : i32
      %dma_start3A_1535 = arith.constant 0 : i32
      %dma_start3A_1536 = tpu.memref_slice %arg4[%add3A_1530, %dma_start3A_1534, %dma_start3A_1535] : memref<16384x50x32xf32, #tpu.memory_space<hbm>> -> memref<1x50x32xf32, #tpu.memory_space<hbm>>
      %dma_start3A_1537 = tpu.memref_squeeze %dma_start3A_1536 : memref<1x50x32xf32, #tpu.memory_space<hbm>> -> memref<50x32xf32, #tpu.memory_space<hbm>>
      %dma_start3A_1538 = arith.constant 0 : i32
      %dma_start3A_1539 = arith.constant 0 : i32
      %dma_start3A_1540 = tpu.memref_slice %arg4[%add3A_1530, %dma_start3A_1538, %dma_start3A_1539] : memref<16384x50x32xf32, #tpu.memory_space<hbm>> -> memref<1x50x32xf32, #tpu.memory_space<hbm>>
      %dma_start3A_1541 = tpu.memref_squeeze %dma_start3A_1540 : memref<1x50x32xf32, #tpu.memory_space<hbm>> -> memref<50x32xf32, #tpu.memory_space<hbm>>
      %dma_start3A_1542 = arith.constant 1450 : i32
      %dma_start3A_1543 = arith.constant 0 : i32
      %dma_start3A_1544 = tpu.memref_slice %arg7[%dma_start3A_1542, %dma_start3A_1543] : memref<1600x32xf32, #tpu.memory_space<vmem>> -> memref<50x32xf32, #tpu.memory_space<vmem>>
      tpu.enqueue_dma source(%dma_start3A_1544 : memref<50x32xf32, #tpu.memory_space<vmem>>) target(%dma_start3A_1541 : memref<50x32xf32, #tpu.memory_space<hbm>>) target_semaphore(%arg11 : memref<!tpu.dma_semaphore, #tpu.memory_space<semaphore_mem>>)
      %add3A_1545 = arith.constant 30 : i32
      %add3A_1546 = arith.addi %add3A_1064, %add3A_1545 : i32
      %dma_start3A_1547 = arith.constant 1500 : i32
      %dma_start3A_1548 = arith.constant 0 : i32
      %dma_start3A_1549 = tpu.memref_slice %arg7[%dma_start3A_1547, %dma_start3A_1548] : memref<1600x32xf32, #tpu.memory_space<vmem>> -> memref<50x32xf32, #tpu.memory_space<vmem>>
      %dma_start3A_1550 = arith.constant 0 : i32
      %dma_start3A_1551 = arith.constant 0 : i32
      %dma_start3A_1552 = tpu.memref_slice %arg4[%add3A_1546, %dma_start3A_1550, %dma_start3A_1551] : memref<16384x50x32xf32, #tpu.memory_space<hbm>> -> memref<1x50x32xf32, #tpu.memory_space<hbm>>
      %dma_start3A_1553 = tpu.memref_squeeze %dma_start3A_1552 : memref<1x50x32xf32, #tpu.memory_space<hbm>> -> memref<50x32xf32, #tpu.memory_space<hbm>>
      %dma_start3A_1554 = arith.constant 0 : i32
      %dma_start3A_1555 = arith.constant 0 : i32
      %dma_start3A_1556 = tpu.memref_slice %arg4[%add3A_1546, %dma_start3A_1554, %dma_start3A_1555] : memref<16384x50x32xf32, #tpu.memory_space<hbm>> -> memref<1x50x32xf32, #tpu.memory_space<hbm>>
      %dma_start3A_1557 = tpu.memref_squeeze %dma_start3A_1556 : memref<1x50x32xf32, #tpu.memory_space<hbm>> -> memref<50x32xf32, #tpu.memory_space<hbm>>
      %dma_start3A_1558 = arith.constant 1500 : i32
      %dma_start3A_1559 = arith.constant 0 : i32
      %dma_start3A_1560 = tpu.memref_slice %arg7[%dma_start3A_1558, %dma_start3A_1559] : memref<1600x32xf32, #tpu.memory_space<vmem>> -> memref<50x32xf32, #tpu.memory_space<vmem>>
      tpu.enqueue_dma source(%dma_start3A_1560 : memref<50x32xf32, #tpu.memory_space<vmem>>) target(%dma_start3A_1557 : memref<50x32xf32, #tpu.memory_space<hbm>>) target_semaphore(%arg11 : memref<!tpu.dma_semaphore, #tpu.memory_space<semaphore_mem>>)
      %add3A_1561 = arith.constant 31 : i32
      %add3A_1562 = arith.addi %add3A_1064, %add3A_1561 : i32
      %dma_start3A_1563 = arith.constant 1550 : i32
      %dma_start3A_1564 = arith.constant 0 : i32
      %dma_start3A_1565 = tpu.memref_slice %arg7[%dma_start3A_1563, %dma_start3A_1564] : memref<1600x32xf32, #tpu.memory_space<vmem>> -> memref<50x32xf32, #tpu.memory_space<vmem>>
      %dma_start3A_1566 = arith.constant 0 : i32
      %dma_start3A_1567 = arith.constant 0 : i32
      %dma_start3A_1568 = tpu.memref_slice %arg4[%add3A_1562, %dma_start3A_1566, %dma_start3A_1567] : memref<16384x50x32xf32, #tpu.memory_space<hbm>> -> memref<1x50x32xf32, #tpu.memory_space<hbm>>
      %dma_start3A_1569 = tpu.memref_squeeze %dma_start3A_1568 : memref<1x50x32xf32, #tpu.memory_space<hbm>> -> memref<50x32xf32, #tpu.memory_space<hbm>>
      %dma_start3A_1570 = arith.constant 0 : i32
      %dma_start3A_1571 = arith.constant 0 : i32
      %dma_start3A_1572 = tpu.memref_slice %arg4[%add3A_1562, %dma_start3A_1570, %dma_start3A_1571] : memref<16384x50x32xf32, #tpu.memory_space<hbm>> -> memref<1x50x32xf32, #tpu.memory_space<hbm>>
      %dma_start3A_1573 = tpu.memref_squeeze %dma_start3A_1572 : memref<1x50x32xf32, #tpu.memory_space<hbm>> -> memref<50x32xf32, #tpu.memory_space<hbm>>
      %dma_start3A_1574 = arith.constant 1550 : i32
      %dma_start3A_1575 = arith.constant 0 : i32
      %dma_start3A_1576 = tpu.memref_slice %arg7[%dma_start3A_1574, %dma_start3A_1575] : memref<1600x32xf32, #tpu.memory_space<vmem>> -> memref<50x32xf32, #tpu.memory_space<vmem>>
      tpu.enqueue_dma source(%dma_start3A_1576 : memref<50x32xf32, #tpu.memory_space<vmem>>) target(%dma_start3A_1573 : memref<50x32xf32, #tpu.memory_space<hbm>>) target_semaphore(%arg11 : memref<!tpu.dma_semaphore, #tpu.memory_space<semaphore_mem>>)
      %add3A_1577 = arith.constant 2 : i32
      %add3A_1578 = arith.addi %add3A_1052, %add3A_1577 : i32
      %lt3A = arith.constant 16 : i32
      %lt3A_1579 = arith.cmpi slt, %add3A_1578, %lt3A : i32
      %convert_element_type3A = arith.extui %lt3A_1579 : i1 to i32
      %cond3A = arith.constant 0 : i32
      %cond3A_1580 = arith.cmpi ne, %convert_element_type3A, %cond3A : i32
      scf.if %cond3A_1580 {
        %mul3A_2116 = arith.constant 1600 : i32
        %mul3A_2117 = arith.muli %add3A_1578, %mul3A_2116 : i32
        %add3A_2118 = arith.addi %mul3A_4, %mul3A_2117 : i32
        "tpu.region"() ({
          %run_scoped3A = tpu.sem_alloc : memref<!tpu.dma_semaphore, #tpu.memory_space<semaphore_mem>>
          %dma_start3A_2637 = tpu.memref_slice %arg2[%add3A_2118] : memref<819200xi32, #tpu.memory_space<hbm>> -> memref<1600xi32, #tpu.memory_space<hbm>>
          %dma_start3A_2638 = tpu.memref_slice %arg2[%add3A_2118] : memref<819200xi32, #tpu.memory_space<hbm>> -> memref<1600xi32, #tpu.memory_space<hbm>>
          tpu.enqueue_dma source(%dma_start3A_2638 : memref<1600xi32, #tpu.memory_space<hbm>>) target(%arg5 : memref<1600xi32, #tpu.memory_space<vmem>>) target_semaphore(%run_scoped3A : memref<!tpu.dma_semaphore, #tpu.memory_space<semaphore_mem>>)
          %dma_wait3A_2639 = tpu.memref_slice %arg2[%add3A_2118] : memref<819200xi32, #tpu.memory_space<hbm>> -> memref<1600xi32, #tpu.memory_space<hbm>>
          %dma_wait3A_2640 = tpu.memref_slice %arg2[%add3A_2118] : memref<819200xi32, #tpu.memory_space<hbm>> -> memref<1600xi32, #tpu.memory_space<hbm>>
          tpu.wait_dma2 semaphore(%run_scoped3A : memref<!tpu.dma_semaphore, #tpu.memory_space<semaphore_mem>>) src(%dma_wait3A_2640 : memref<1600xi32, #tpu.memory_space<hbm>>) dst(%arg5 : memref<1600xi32, #tpu.memory_space<vmem>>)
          tpu.yield
        }) : () -> ()
        %mul3A_2119 = arith.constant 32 : i32
        %mul3A_2120 = arith.muli %add3A_1052, %mul3A_2119 : i32
        %add3A_2121 = arith.addi %mul3A_6, %mul3A_2120 : i32
        %add3A_2122 = arith.constant 0 : i32
        %add3A_2123 = arith.addi %add3A_2121, %add3A_2122 : i32
        %dma_wait3A_2124 = arith.constant 0 : i32
        %dma_wait3A_2125 = arith.constant 0 : i32
        %dma_wait3A_2126 = tpu.memref_slice %arg7[%dma_wait3A_2124, %dma_wait3A_2125] : memref<1600x32xf32, #tpu.memory_space<vmem>> -> memref<50x32xf32, #tpu.memory_space<vmem>>
        %dma_wait3A_2127 = arith.constant 0 : i32
        %dma_wait3A_2128 = arith.constant 0 : i32
        %dma_wait3A_2129 = tpu.memref_slice %arg4[%add3A_2123, %dma_wait3A_2127, %dma_wait3A_2128] : memref<16384x50x32xf32, #tpu.memory_space<hbm>> -> memref<1x50x32xf32, #tpu.memory_space<hbm>>
        %dma_wait3A_2130 = tpu.memref_squeeze %dma_wait3A_2129 : memref<1x50x32xf32, #tpu.memory_space<hbm>> -> memref<50x32xf32, #tpu.memory_space<hbm>>
        %dma_wait3A_2131 = arith.constant 0 : i32
        %dma_wait3A_2132 = arith.constant 0 : i32
        %dma_wait3A_2133 = tpu.memref_slice %arg4[%add3A_2123, %dma_wait3A_2131, %dma_wait3A_2132] : memref<16384x50x32xf32, #tpu.memory_space<hbm>> -> memref<1x50x32xf32, #tpu.memory_space<hbm>>
        %dma_wait3A_2134 = tpu.memref_squeeze %dma_wait3A_2133 : memref<1x50x32xf32, #tpu.memory_space<hbm>> -> memref<50x32xf32, #tpu.memory_space<hbm>>
        %dma_wait3A_2135 = arith.constant 0 : i32
        %dma_wait3A_2136 = arith.constant 0 : i32
        %dma_wait3A_2137 = tpu.memref_slice %arg7[%dma_wait3A_2135, %dma_wait3A_2136] : memref<1600x32xf32, #tpu.memory_space<vmem>> -> memref<50x32xf32, #tpu.memory_space<vmem>>
        tpu.wait_dma2 semaphore(%arg11 : memref<!tpu.dma_semaphore, #tpu.memory_space<semaphore_mem>>) src(%dma_wait3A_2137 : memref<50x32xf32, #tpu.memory_space<vmem>>) dst(%dma_wait3A_2134 : memref<50x32xf32, #tpu.memory_space<hbm>>)
        %add3A_2138 = arith.constant 1 : i32
        %add3A_2139 = arith.addi %add3A_2121, %add3A_2138 : i32
        %dma_wait3A_2140 = arith.constant 50 : i32
        %dma_wait3A_2141 = arith.constant 0 : i32
        %dma_wait3A_2142 = tpu.memref_slice %arg7[%dma_wait3A_2140, %dma_wait3A_2141] : memref<1600x32xf32, #tpu.memory_space<vmem>> -> memref<50x32xf32, #tpu.memory_space<vmem>>
        %dma_wait3A_2143 = arith.constant 0 : i32
        %dma_wait3A_2144 = arith.constant 0 : i32
        %dma_wait3A_2145 = tpu.memref_slice %arg4[%add3A_2139, %dma_wait3A_2143, %dma_wait3A_2144] : memref<16384x50x32xf32, #tpu.memory_space<hbm>> -> memref<1x50x32xf32, #tpu.memory_space<hbm>>
        %dma_wait3A_2146 = tpu.memref_squeeze %dma_wait3A_2145 : memref<1x50x32xf32, #tpu.memory_space<hbm>> -> memref<50x32xf32, #tpu.memory_space<hbm>>
        %dma_wait3A_2147 = arith.constant 0 : i32
        %dma_wait3A_2148 = arith.constant 0 : i32
        %dma_wait3A_2149 = tpu.memref_slice %arg4[%add3A_2139, %dma_wait3A_2147, %dma_wait3A_2148] : memref<16384x50x32xf32, #tpu.memory_space<hbm>> -> memref<1x50x32xf32, #tpu.memory_space<hbm>>
        %dma_wait3A_2150 = tpu.memref_squeeze %dma_wait3A_2149 : memref<1x50x32xf32, #tpu.memory_space<hbm>> -> memref<50x32xf32, #tpu.memory_space<hbm>>
        %dma_wait3A_2151 = arith.constant 50 : i32
        %dma_wait3A_2152 = arith.constant 0 : i32
        %dma_wait3A_2153 = tpu.memref_slice %arg7[%dma_wait3A_2151, %dma_wait3A_2152] : memref<1600x32xf32, #tpu.memory_space<vmem>> -> memref<50x32xf32, #tpu.memory_space<vmem>>
        tpu.wait_dma2 semaphore(%arg11 : memref<!tpu.dma_semaphore, #tpu.memory_space<semaphore_mem>>) src(%dma_wait3A_2153 : memref<50x32xf32, #tpu.memory_space<vmem>>) dst(%dma_wait3A_2150 : memref<50x32xf32, #tpu.memory_space<hbm>>)
        %add3A_2154 = arith.constant 2 : i32
        %add3A_2155 = arith.addi %add3A_2121, %add3A_2154 : i32
        %dma_wait3A_2156 = arith.constant 100 : i32
        %dma_wait3A_2157 = arith.constant 0 : i32
        %dma_wait3A_2158 = tpu.memref_slice %arg7[%dma_wait3A_2156, %dma_wait3A_2157] : memref<1600x32xf32, #tpu.memory_space<vmem>> -> memref<50x32xf32, #tpu.memory_space<vmem>>
        %dma_wait3A_2159 = arith.constant 0 : i32
        %dma_wait3A_2160 = arith.constant 0 : i32
        %dma_wait3A_2161 = tpu.memref_slice %arg4[%add3A_2155, %dma_wait3A_2159, %dma_wait3A_2160] : memref<16384x50x32xf32, #tpu.memory_space<hbm>> -> memref<1x50x32xf32, #tpu.memory_space<hbm>>
        %dma_wait3A_2162 = tpu.memref_squeeze %dma_wait3A_2161 : memref<1x50x32xf32, #tpu.memory_space<hbm>> -> memref<50x32xf32, #tpu.memory_space<hbm>>
        %dma_wait3A_2163 = arith.constant 0 : i32
        %dma_wait3A_2164 = arith.constant 0 : i32
        %dma_wait3A_2165 = tpu.memref_slice %arg4[%add3A_2155, %dma_wait3A_2163, %dma_wait3A_2164] : memref<16384x50x32xf32, #tpu.memory_space<hbm>> -> memref<1x50x32xf32, #tpu.memory_space<hbm>>
        %dma_wait3A_2166 = tpu.memref_squeeze %dma_wait3A_2165 : memref<1x50x32xf32, #tpu.memory_space<hbm>> -> memref<50x32xf32, #tpu.memory_space<hbm>>
        %dma_wait3A_2167 = arith.constant 100 : i32
        %dma_wait3A_2168 = arith.constant 0 : i32
        %dma_wait3A_2169 = tpu.memref_slice %arg7[%dma_wait3A_2167, %dma_wait3A_2168] : memref<1600x32xf32, #tpu.memory_space<vmem>> -> memref<50x32xf32, #tpu.memory_space<vmem>>
        tpu.wait_dma2 semaphore(%arg11 : memref<!tpu.dma_semaphore, #tpu.memory_space<semaphore_mem>>) src(%dma_wait3A_2169 : memref<50x32xf32, #tpu.memory_space<vmem>>) dst(%dma_wait3A_2166 : memref<50x32xf32, #tpu.memory_space<hbm>>)
        %add3A_2170 = arith.constant 3 : i32
        %add3A_2171 = arith.addi %add3A_2121, %add3A_2170 : i32
        %dma_wait3A_2172 = arith.constant 150 : i32
        %dma_wait3A_2173 = arith.constant 0 : i32
        %dma_wait3A_2174 = tpu.memref_slice %arg7[%dma_wait3A_2172, %dma_wait3A_2173] : memref<1600x32xf32, #tpu.memory_space<vmem>> -> memref<50x32xf32, #tpu.memory_space<vmem>>
        %dma_wait3A_2175 = arith.constant 0 : i32
        %dma_wait3A_2176 = arith.constant 0 : i32
        %dma_wait3A_2177 = tpu.memref_slice %arg4[%add3A_2171, %dma_wait3A_2175, %dma_wait3A_2176] : memref<16384x50x32xf32, #tpu.memory_space<hbm>> -> memref<1x50x32xf32, #tpu.memory_space<hbm>>
        %dma_wait3A_2178 = tpu.memref_squeeze %dma_wait3A_2177 : memref<1x50x32xf32, #tpu.memory_space<hbm>> -> memref<50x32xf32, #tpu.memory_space<hbm>>
        %dma_wait3A_2179 = arith.constant 0 : i32
        %dma_wait3A_2180 = arith.constant 0 : i32
        %dma_wait3A_2181 = tpu.memref_slice %arg4[%add3A_2171, %dma_wait3A_2179, %dma_wait3A_2180] : memref<16384x50x32xf32, #tpu.memory_space<hbm>> -> memref<1x50x32xf32, #tpu.memory_space<hbm>>
        %dma_wait3A_2182 = tpu.memref_squeeze %dma_wait3A_2181 : memref<1x50x32xf32, #tpu.memory_space<hbm>> -> memref<50x32xf32, #tpu.memory_space<hbm>>
        %dma_wait3A_2183 = arith.constant 150 : i32
        %dma_wait3A_2184 = arith.constant 0 : i32
        %dma_wait3A_2185 = tpu.memref_slice %arg7[%dma_wait3A_2183, %dma_wait3A_2184] : memref<1600x32xf32, #tpu.memory_space<vmem>> -> memref<50x32xf32, #tpu.memory_space<vmem>>
        tpu.wait_dma2 semaphore(%arg11 : memref<!tpu.dma_semaphore, #tpu.memory_space<semaphore_mem>>) src(%dma_wait3A_2185 : memref<50x32xf32, #tpu.memory_space<vmem>>) dst(%dma_wait3A_2182 : memref<50x32xf32, #tpu.memory_space<hbm>>)
        %add3A_2186 = arith.constant 4 : i32
        %add3A_2187 = arith.addi %add3A_2121, %add3A_2186 : i32
        %dma_wait3A_2188 = arith.constant 200 : i32
        %dma_wait3A_2189 = arith.constant 0 : i32
        %dma_wait3A_2190 = tpu.memref_slice %arg7[%dma_wait3A_2188, %dma_wait3A_2189] : memref<1600x32xf32, #tpu.memory_space<vmem>> -> memref<50x32xf32, #tpu.memory_space<vmem>>
        %dma_wait3A_2191 = arith.constant 0 : i32
        %dma_wait3A_2192 = arith.constant 0 : i32
        %dma_wait3A_2193 = tpu.memref_slice %arg4[%add3A_2187, %dma_wait3A_2191, %dma_wait3A_2192] : memref<16384x50x32xf32, #tpu.memory_space<hbm>> -> memref<1x50x32xf32, #tpu.memory_space<hbm>>
        %dma_wait3A_2194 = tpu.memref_squeeze %dma_wait3A_2193 : memref<1x50x32xf32, #tpu.memory_space<hbm>> -> memref<50x32xf32, #tpu.memory_space<hbm>>
        %dma_wait3A_2195 = arith.constant 0 : i32
        %dma_wait3A_2196 = arith.constant 0 : i32
        %dma_wait3A_2197 = tpu.memref_slice %arg4[%add3A_2187, %dma_wait3A_2195, %dma_wait3A_2196] : memref<16384x50x32xf32, #tpu.memory_space<hbm>> -> memref<1x50x32xf32, #tpu.memory_space<hbm>>
        %dma_wait3A_2198 = tpu.memref_squeeze %dma_wait3A_2197 : memref<1x50x32xf32, #tpu.memory_space<hbm>> -> memref<50x32xf32, #tpu.memory_space<hbm>>
        %dma_wait3A_2199 = arith.constant 200 : i32
        %dma_wait3A_2200 = arith.constant 0 : i32
        %dma_wait3A_2201 = tpu.memref_slice %arg7[%dma_wait3A_2199, %dma_wait3A_2200] : memref<1600x32xf32, #tpu.memory_space<vmem>> -> memref<50x32xf32, #tpu.memory_space<vmem>>
        tpu.wait_dma2 semaphore(%arg11 : memref<!tpu.dma_semaphore, #tpu.memory_space<semaphore_mem>>) src(%dma_wait3A_2201 : memref<50x32xf32, #tpu.memory_space<vmem>>) dst(%dma_wait3A_2198 : memref<50x32xf32, #tpu.memory_space<hbm>>)
        %add3A_2202 = arith.constant 5 : i32
        %add3A_2203 = arith.addi %add3A_2121, %add3A_2202 : i32
        %dma_wait3A_2204 = arith.constant 250 : i32
        %dma_wait3A_2205 = arith.constant 0 : i32
        %dma_wait3A_2206 = tpu.memref_slice %arg7[%dma_wait3A_2204, %dma_wait3A_2205] : memref<1600x32xf32, #tpu.memory_space<vmem>> -> memref<50x32xf32, #tpu.memory_space<vmem>>
        %dma_wait3A_2207 = arith.constant 0 : i32
        %dma_wait3A_2208 = arith.constant 0 : i32
        %dma_wait3A_2209 = tpu.memref_slice %arg4[%add3A_2203, %dma_wait3A_2207, %dma_wait3A_2208] : memref<16384x50x32xf32, #tpu.memory_space<hbm>> -> memref<1x50x32xf32, #tpu.memory_space<hbm>>
        %dma_wait3A_2210 = tpu.memref_squeeze %dma_wait3A_2209 : memref<1x50x32xf32, #tpu.memory_space<hbm>> -> memref<50x32xf32, #tpu.memory_space<hbm>>
        %dma_wait3A_2211 = arith.constant 0 : i32
        %dma_wait3A_2212 = arith.constant 0 : i32
        %dma_wait3A_2213 = tpu.memref_slice %arg4[%add3A_2203, %dma_wait3A_2211, %dma_wait3A_2212] : memref<16384x50x32xf32, #tpu.memory_space<hbm>> -> memref<1x50x32xf32, #tpu.memory_space<hbm>>
        %dma_wait3A_2214 = tpu.memref_squeeze %dma_wait3A_2213 : memref<1x50x32xf32, #tpu.memory_space<hbm>> -> memref<50x32xf32, #tpu.memory_space<hbm>>
        %dma_wait3A_2215 = arith.constant 250 : i32
        %dma_wait3A_2216 = arith.constant 0 : i32
        %dma_wait3A_2217 = tpu.memref_slice %arg7[%dma_wait3A_2215, %dma_wait3A_2216] : memref<1600x32xf32, #tpu.memory_space<vmem>> -> memref<50x32xf32, #tpu.memory_space<vmem>>
        tpu.wait_dma2 semaphore(%arg11 : memref<!tpu.dma_semaphore, #tpu.memory_space<semaphore_mem>>) src(%dma_wait3A_2217 : memref<50x32xf32, #tpu.memory_space<vmem>>) dst(%dma_wait3A_2214 : memref<50x32xf32, #tpu.memory_space<hbm>>)
        %add3A_2218 = arith.constant 6 : i32
        %add3A_2219 = arith.addi %add3A_2121, %add3A_2218 : i32
        %dma_wait3A_2220 = arith.constant 300 : i32
        %dma_wait3A_2221 = arith.constant 0 : i32
        %dma_wait3A_2222 = tpu.memref_slice %arg7[%dma_wait3A_2220, %dma_wait3A_2221] : memref<1600x32xf32, #tpu.memory_space<vmem>> -> memref<50x32xf32, #tpu.memory_space<vmem>>
        %dma_wait3A_2223 = arith.constant 0 : i32
        %dma_wait3A_2224 = arith.constant 0 : i32
        %dma_wait3A_2225 = tpu.memref_slice %arg4[%add3A_2219, %dma_wait3A_2223, %dma_wait3A_2224] : memref<16384x50x32xf32, #tpu.memory_space<hbm>> -> memref<1x50x32xf32, #tpu.memory_space<hbm>>
        %dma_wait3A_2226 = tpu.memref_squeeze %dma_wait3A_2225 : memref<1x50x32xf32, #tpu.memory_space<hbm>> -> memref<50x32xf32, #tpu.memory_space<hbm>>
        %dma_wait3A_2227 = arith.constant 0 : i32
        %dma_wait3A_2228 = arith.constant 0 : i32
        %dma_wait3A_2229 = tpu.memref_slice %arg4[%add3A_2219, %dma_wait3A_2227, %dma_wait3A_2228] : memref<16384x50x32xf32, #tpu.memory_space<hbm>> -> memref<1x50x32xf32, #tpu.memory_space<hbm>>
        %dma_wait3A_2230 = tpu.memref_squeeze %dma_wait3A_2229 : memref<1x50x32xf32, #tpu.memory_space<hbm>> -> memref<50x32xf32, #tpu.memory_space<hbm>>
        %dma_wait3A_2231 = arith.constant 300 : i32
        %dma_wait3A_2232 = arith.constant 0 : i32
        %dma_wait3A_2233 = tpu.memref_slice %arg7[%dma_wait3A_2231, %dma_wait3A_2232] : memref<1600x32xf32, #tpu.memory_space<vmem>> -> memref<50x32xf32, #tpu.memory_space<vmem>>
        tpu.wait_dma2 semaphore(%arg11 : memref<!tpu.dma_semaphore, #tpu.memory_space<semaphore_mem>>) src(%dma_wait3A_2233 : memref<50x32xf32, #tpu.memory_space<vmem>>) dst(%dma_wait3A_2230 : memref<50x32xf32, #tpu.memory_space<hbm>>)
        %add3A_2234 = arith.constant 7 : i32
        %add3A_2235 = arith.addi %add3A_2121, %add3A_2234 : i32
        %dma_wait3A_2236 = arith.constant 350 : i32
        %dma_wait3A_2237 = arith.constant 0 : i32
        %dma_wait3A_2238 = tpu.memref_slice %arg7[%dma_wait3A_2236, %dma_wait3A_2237] : memref<1600x32xf32, #tpu.memory_space<vmem>> -> memref<50x32xf32, #tpu.memory_space<vmem>>
        %dma_wait3A_2239 = arith.constant 0 : i32
        %dma_wait3A_2240 = arith.constant 0 : i32
        %dma_wait3A_2241 = tpu.memref_slice %arg4[%add3A_2235, %dma_wait3A_2239, %dma_wait3A_2240] : memref<16384x50x32xf32, #tpu.memory_space<hbm>> -> memref<1x50x32xf32, #tpu.memory_space<hbm>>
        %dma_wait3A_2242 = tpu.memref_squeeze %dma_wait3A_2241 : memref<1x50x32xf32, #tpu.memory_space<hbm>> -> memref<50x32xf32, #tpu.memory_space<hbm>>
        %dma_wait3A_2243 = arith.constant 0 : i32
        %dma_wait3A_2244 = arith.constant 0 : i32
        %dma_wait3A_2245 = tpu.memref_slice %arg4[%add3A_2235, %dma_wait3A_2243, %dma_wait3A_2244] : memref<16384x50x32xf32, #tpu.memory_space<hbm>> -> memref<1x50x32xf32, #tpu.memory_space<hbm>>
        %dma_wait3A_2246 = tpu.memref_squeeze %dma_wait3A_2245 : memref<1x50x32xf32, #tpu.memory_space<hbm>> -> memref<50x32xf32, #tpu.memory_space<hbm>>
        %dma_wait3A_2247 = arith.constant 350 : i32
        %dma_wait3A_2248 = arith.constant 0 : i32
        %dma_wait3A_2249 = tpu.memref_slice %arg7[%dma_wait3A_2247, %dma_wait3A_2248] : memref<1600x32xf32, #tpu.memory_space<vmem>> -> memref<50x32xf32, #tpu.memory_space<vmem>>
        tpu.wait_dma2 semaphore(%arg11 : memref<!tpu.dma_semaphore, #tpu.memory_space<semaphore_mem>>) src(%dma_wait3A_2249 : memref<50x32xf32, #tpu.memory_space<vmem>>) dst(%dma_wait3A_2246 : memref<50x32xf32, #tpu.memory_space<hbm>>)
        %add3A_2250 = arith.constant 8 : i32
        %add3A_2251 = arith.addi %add3A_2121, %add3A_2250 : i32
        %dma_wait3A_2252 = arith.constant 400 : i32
        %dma_wait3A_2253 = arith.constant 0 : i32
        %dma_wait3A_2254 = tpu.memref_slice %arg7[%dma_wait3A_2252, %dma_wait3A_2253] : memref<1600x32xf32, #tpu.memory_space<vmem>> -> memref<50x32xf32, #tpu.memory_space<vmem>>
        %dma_wait3A_2255 = arith.constant 0 : i32
        %dma_wait3A_2256 = arith.constant 0 : i32
        %dma_wait3A_2257 = tpu.memref_slice %arg4[%add3A_2251, %dma_wait3A_2255, %dma_wait3A_2256] : memref<16384x50x32xf32, #tpu.memory_space<hbm>> -> memref<1x50x32xf32, #tpu.memory_space<hbm>>
        %dma_wait3A_2258 = tpu.memref_squeeze %dma_wait3A_2257 : memref<1x50x32xf32, #tpu.memory_space<hbm>> -> memref<50x32xf32, #tpu.memory_space<hbm>>
        %dma_wait3A_2259 = arith.constant 0 : i32
        %dma_wait3A_2260 = arith.constant 0 : i32
        %dma_wait3A_2261 = tpu.memref_slice %arg4[%add3A_2251, %dma_wait3A_2259, %dma_wait3A_2260] : memref<16384x50x32xf32, #tpu.memory_space<hbm>> -> memref<1x50x32xf32, #tpu.memory_space<hbm>>
        %dma_wait3A_2262 = tpu.memref_squeeze %dma_wait3A_2261 : memref<1x50x32xf32, #tpu.memory_space<hbm>> -> memref<50x32xf32, #tpu.memory_space<hbm>>
        %dma_wait3A_2263 = arith.constant 400 : i32
        %dma_wait3A_2264 = arith.constant 0 : i32
        %dma_wait3A_2265 = tpu.memref_slice %arg7[%dma_wait3A_2263, %dma_wait3A_2264] : memref<1600x32xf32, #tpu.memory_space<vmem>> -> memref<50x32xf32, #tpu.memory_space<vmem>>
        tpu.wait_dma2 semaphore(%arg11 : memref<!tpu.dma_semaphore, #tpu.memory_space<semaphore_mem>>) src(%dma_wait3A_2265 : memref<50x32xf32, #tpu.memory_space<vmem>>) dst(%dma_wait3A_2262 : memref<50x32xf32, #tpu.memory_space<hbm>>)
        %add3A_2266 = arith.constant 9 : i32
        %add3A_2267 = arith.addi %add3A_2121, %add3A_2266 : i32
        %dma_wait3A_2268 = arith.constant 450 : i32
        %dma_wait3A_2269 = arith.constant 0 : i32
        %dma_wait3A_2270 = tpu.memref_slice %arg7[%dma_wait3A_2268, %dma_wait3A_2269] : memref<1600x32xf32, #tpu.memory_space<vmem>> -> memref<50x32xf32, #tpu.memory_space<vmem>>
        %dma_wait3A_2271 = arith.constant 0 : i32
        %dma_wait3A_2272 = arith.constant 0 : i32
        %dma_wait3A_2273 = tpu.memref_slice %arg4[%add3A_2267, %dma_wait3A_2271, %dma_wait3A_2272] : memref<16384x50x32xf32, #tpu.memory_space<hbm>> -> memref<1x50x32xf32, #tpu.memory_space<hbm>>
        %dma_wait3A_2274 = tpu.memref_squeeze %dma_wait3A_2273 : memref<1x50x32xf32, #tpu.memory_space<hbm>> -> memref<50x32xf32, #tpu.memory_space<hbm>>
        %dma_wait3A_2275 = arith.constant 0 : i32
        %dma_wait3A_2276 = arith.constant 0 : i32
        %dma_wait3A_2277 = tpu.memref_slice %arg4[%add3A_2267, %dma_wait3A_2275, %dma_wait3A_2276] : memref<16384x50x32xf32, #tpu.memory_space<hbm>> -> memref<1x50x32xf32, #tpu.memory_space<hbm>>
        %dma_wait3A_2278 = tpu.memref_squeeze %dma_wait3A_2277 : memref<1x50x32xf32, #tpu.memory_space<hbm>> -> memref<50x32xf32, #tpu.memory_space<hbm>>
        %dma_wait3A_2279 = arith.constant 450 : i32
        %dma_wait3A_2280 = arith.constant 0 : i32
        %dma_wait3A_2281 = tpu.memref_slice %arg7[%dma_wait3A_2279, %dma_wait3A_2280] : memref<1600x32xf32, #tpu.memory_space<vmem>> -> memref<50x32xf32, #tpu.memory_space<vmem>>
        tpu.wait_dma2 semaphore(%arg11 : memref<!tpu.dma_semaphore, #tpu.memory_space<semaphore_mem>>) src(%dma_wait3A_2281 : memref<50x32xf32, #tpu.memory_space<vmem>>) dst(%dma_wait3A_2278 : memref<50x32xf32, #tpu.memory_space<hbm>>)
        %add3A_2282 = arith.constant 10 : i32
        %add3A_2283 = arith.addi %add3A_2121, %add3A_2282 : i32
        %dma_wait3A_2284 = arith.constant 500 : i32
        %dma_wait3A_2285 = arith.constant 0 : i32
        %dma_wait3A_2286 = tpu.memref_slice %arg7[%dma_wait3A_2284, %dma_wait3A_2285] : memref<1600x32xf32, #tpu.memory_space<vmem>> -> memref<50x32xf32, #tpu.memory_space<vmem>>
        %dma_wait3A_2287 = arith.constant 0 : i32
        %dma_wait3A_2288 = arith.constant 0 : i32
        %dma_wait3A_2289 = tpu.memref_slice %arg4[%add3A_2283, %dma_wait3A_2287, %dma_wait3A_2288] : memref<16384x50x32xf32, #tpu.memory_space<hbm>> -> memref<1x50x32xf32, #tpu.memory_space<hbm>>
        %dma_wait3A_2290 = tpu.memref_squeeze %dma_wait3A_2289 : memref<1x50x32xf32, #tpu.memory_space<hbm>> -> memref<50x32xf32, #tpu.memory_space<hbm>>
        %dma_wait3A_2291 = arith.constant 0 : i32
        %dma_wait3A_2292 = arith.constant 0 : i32
        %dma_wait3A_2293 = tpu.memref_slice %arg4[%add3A_2283, %dma_wait3A_2291, %dma_wait3A_2292] : memref<16384x50x32xf32, #tpu.memory_space<hbm>> -> memref<1x50x32xf32, #tpu.memory_space<hbm>>
        %dma_wait3A_2294 = tpu.memref_squeeze %dma_wait3A_2293 : memref<1x50x32xf32, #tpu.memory_space<hbm>> -> memref<50x32xf32, #tpu.memory_space<hbm>>
        %dma_wait3A_2295 = arith.constant 500 : i32
        %dma_wait3A_2296 = arith.constant 0 : i32
        %dma_wait3A_2297 = tpu.memref_slice %arg7[%dma_wait3A_2295, %dma_wait3A_2296] : memref<1600x32xf32, #tpu.memory_space<vmem>> -> memref<50x32xf32, #tpu.memory_space<vmem>>
        tpu.wait_dma2 semaphore(%arg11 : memref<!tpu.dma_semaphore, #tpu.memory_space<semaphore_mem>>) src(%dma_wait3A_2297 : memref<50x32xf32, #tpu.memory_space<vmem>>) dst(%dma_wait3A_2294 : memref<50x32xf32, #tpu.memory_space<hbm>>)
        %add3A_2298 = arith.constant 11 : i32
        %add3A_2299 = arith.addi %add3A_2121, %add3A_2298 : i32
        %dma_wait3A_2300 = arith.constant 550 : i32
        %dma_wait3A_2301 = arith.constant 0 : i32
        %dma_wait3A_2302 = tpu.memref_slice %arg7[%dma_wait3A_2300, %dma_wait3A_2301] : memref<1600x32xf32, #tpu.memory_space<vmem>> -> memref<50x32xf32, #tpu.memory_space<vmem>>
        %dma_wait3A_2303 = arith.constant 0 : i32
        %dma_wait3A_2304 = arith.constant 0 : i32
        %dma_wait3A_2305 = tpu.memref_slice %arg4[%add3A_2299, %dma_wait3A_2303, %dma_wait3A_2304] : memref<16384x50x32xf32, #tpu.memory_space<hbm>> -> memref<1x50x32xf32, #tpu.memory_space<hbm>>
        %dma_wait3A_2306 = tpu.memref_squeeze %dma_wait3A_2305 : memref<1x50x32xf32, #tpu.memory_space<hbm>> -> memref<50x32xf32, #tpu.memory_space<hbm>>
        %dma_wait3A_2307 = arith.constant 0 : i32
        %dma_wait3A_2308 = arith.constant 0 : i32
        %dma_wait3A_2309 = tpu.memref_slice %arg4[%add3A_2299, %dma_wait3A_2307, %dma_wait3A_2308] : memref<16384x50x32xf32, #tpu.memory_space<hbm>> -> memref<1x50x32xf32, #tpu.memory_space<hbm>>
        %dma_wait3A_2310 = tpu.memref_squeeze %dma_wait3A_2309 : memref<1x50x32xf32, #tpu.memory_space<hbm>> -> memref<50x32xf32, #tpu.memory_space<hbm>>
        %dma_wait3A_2311 = arith.constant 550 : i32
        %dma_wait3A_2312 = arith.constant 0 : i32
        %dma_wait3A_2313 = tpu.memref_slice %arg7[%dma_wait3A_2311, %dma_wait3A_2312] : memref<1600x32xf32, #tpu.memory_space<vmem>> -> memref<50x32xf32, #tpu.memory_space<vmem>>
        tpu.wait_dma2 semaphore(%arg11 : memref<!tpu.dma_semaphore, #tpu.memory_space<semaphore_mem>>) src(%dma_wait3A_2313 : memref<50x32xf32, #tpu.memory_space<vmem>>) dst(%dma_wait3A_2310 : memref<50x32xf32, #tpu.memory_space<hbm>>)
        %add3A_2314 = arith.constant 12 : i32
        %add3A_2315 = arith.addi %add3A_2121, %add3A_2314 : i32
        %dma_wait3A_2316 = arith.constant 600 : i32
        %dma_wait3A_2317 = arith.constant 0 : i32
        %dma_wait3A_2318 = tpu.memref_slice %arg7[%dma_wait3A_2316, %dma_wait3A_2317] : memref<1600x32xf32, #tpu.memory_space<vmem>> -> memref<50x32xf32, #tpu.memory_space<vmem>>
        %dma_wait3A_2319 = arith.constant 0 : i32
        %dma_wait3A_2320 = arith.constant 0 : i32
        %dma_wait3A_2321 = tpu.memref_slice %arg4[%add3A_2315, %dma_wait3A_2319, %dma_wait3A_2320] : memref<16384x50x32xf32, #tpu.memory_space<hbm>> -> memref<1x50x32xf32, #tpu.memory_space<hbm>>
        %dma_wait3A_2322 = tpu.memref_squeeze %dma_wait3A_2321 : memref<1x50x32xf32, #tpu.memory_space<hbm>> -> memref<50x32xf32, #tpu.memory_space<hbm>>
        %dma_wait3A_2323 = arith.constant 0 : i32
        %dma_wait3A_2324 = arith.constant 0 : i32
        %dma_wait3A_2325 = tpu.memref_slice %arg4[%add3A_2315, %dma_wait3A_2323, %dma_wait3A_2324] : memref<16384x50x32xf32, #tpu.memory_space<hbm>> -> memref<1x50x32xf32, #tpu.memory_space<hbm>>
        %dma_wait3A_2326 = tpu.memref_squeeze %dma_wait3A_2325 : memref<1x50x32xf32, #tpu.memory_space<hbm>> -> memref<50x32xf32, #tpu.memory_space<hbm>>
        %dma_wait3A_2327 = arith.constant 600 : i32
        %dma_wait3A_2328 = arith.constant 0 : i32
        %dma_wait3A_2329 = tpu.memref_slice %arg7[%dma_wait3A_2327, %dma_wait3A_2328] : memref<1600x32xf32, #tpu.memory_space<vmem>> -> memref<50x32xf32, #tpu.memory_space<vmem>>
        tpu.wait_dma2 semaphore(%arg11 : memref<!tpu.dma_semaphore, #tpu.memory_space<semaphore_mem>>) src(%dma_wait3A_2329 : memref<50x32xf32, #tpu.memory_space<vmem>>) dst(%dma_wait3A_2326 : memref<50x32xf32, #tpu.memory_space<hbm>>)
        %add3A_2330 = arith.constant 13 : i32
        %add3A_2331 = arith.addi %add3A_2121, %add3A_2330 : i32
        %dma_wait3A_2332 = arith.constant 650 : i32
        %dma_wait3A_2333 = arith.constant 0 : i32
        %dma_wait3A_2334 = tpu.memref_slice %arg7[%dma_wait3A_2332, %dma_wait3A_2333] : memref<1600x32xf32, #tpu.memory_space<vmem>> -> memref<50x32xf32, #tpu.memory_space<vmem>>
        %dma_wait3A_2335 = arith.constant 0 : i32
        %dma_wait3A_2336 = arith.constant 0 : i32
        %dma_wait3A_2337 = tpu.memref_slice %arg4[%add3A_2331, %dma_wait3A_2335, %dma_wait3A_2336] : memref<16384x50x32xf32, #tpu.memory_space<hbm>> -> memref<1x50x32xf32, #tpu.memory_space<hbm>>
        %dma_wait3A_2338 = tpu.memref_squeeze %dma_wait3A_2337 : memref<1x50x32xf32, #tpu.memory_space<hbm>> -> memref<50x32xf32, #tpu.memory_space<hbm>>
        %dma_wait3A_2339 = arith.constant 0 : i32
        %dma_wait3A_2340 = arith.constant 0 : i32
        %dma_wait3A_2341 = tpu.memref_slice %arg4[%add3A_2331, %dma_wait3A_2339, %dma_wait3A_2340] : memref<16384x50x32xf32, #tpu.memory_space<hbm>> -> memref<1x50x32xf32, #tpu.memory_space<hbm>>
        %dma_wait3A_2342 = tpu.memref_squeeze %dma_wait3A_2341 : memref<1x50x32xf32, #tpu.memory_space<hbm>> -> memref<50x32xf32, #tpu.memory_space<hbm>>
        %dma_wait3A_2343 = arith.constant 650 : i32
        %dma_wait3A_2344 = arith.constant 0 : i32
        %dma_wait3A_2345 = tpu.memref_slice %arg7[%dma_wait3A_2343, %dma_wait3A_2344] : memref<1600x32xf32, #tpu.memory_space<vmem>> -> memref<50x32xf32, #tpu.memory_space<vmem>>
        tpu.wait_dma2 semaphore(%arg11 : memref<!tpu.dma_semaphore, #tpu.memory_space<semaphore_mem>>) src(%dma_wait3A_2345 : memref<50x32xf32, #tpu.memory_space<vmem>>) dst(%dma_wait3A_2342 : memref<50x32xf32, #tpu.memory_space<hbm>>)
        %add3A_2346 = arith.constant 14 : i32
        %add3A_2347 = arith.addi %add3A_2121, %add3A_2346 : i32
        %dma_wait3A_2348 = arith.constant 700 : i32
        %dma_wait3A_2349 = arith.constant 0 : i32
        %dma_wait3A_2350 = tpu.memref_slice %arg7[%dma_wait3A_2348, %dma_wait3A_2349] : memref<1600x32xf32, #tpu.memory_space<vmem>> -> memref<50x32xf32, #tpu.memory_space<vmem>>
        %dma_wait3A_2351 = arith.constant 0 : i32
        %dma_wait3A_2352 = arith.constant 0 : i32
        %dma_wait3A_2353 = tpu.memref_slice %arg4[%add3A_2347, %dma_wait3A_2351, %dma_wait3A_2352] : memref<16384x50x32xf32, #tpu.memory_space<hbm>> -> memref<1x50x32xf32, #tpu.memory_space<hbm>>
        %dma_wait3A_2354 = tpu.memref_squeeze %dma_wait3A_2353 : memref<1x50x32xf32, #tpu.memory_space<hbm>> -> memref<50x32xf32, #tpu.memory_space<hbm>>
        %dma_wait3A_2355 = arith.constant 0 : i32
        %dma_wait3A_2356 = arith.constant 0 : i32
        %dma_wait3A_2357 = tpu.memref_slice %arg4[%add3A_2347, %dma_wait3A_2355, %dma_wait3A_2356] : memref<16384x50x32xf32, #tpu.memory_space<hbm>> -> memref<1x50x32xf32, #tpu.memory_space<hbm>>
        %dma_wait3A_2358 = tpu.memref_squeeze %dma_wait3A_2357 : memref<1x50x32xf32, #tpu.memory_space<hbm>> -> memref<50x32xf32, #tpu.memory_space<hbm>>
        %dma_wait3A_2359 = arith.constant 700 : i32
        %dma_wait3A_2360 = arith.constant 0 : i32
        %dma_wait3A_2361 = tpu.memref_slice %arg7[%dma_wait3A_2359, %dma_wait3A_2360] : memref<1600x32xf32, #tpu.memory_space<vmem>> -> memref<50x32xf32, #tpu.memory_space<vmem>>
        tpu.wait_dma2 semaphore(%arg11 : memref<!tpu.dma_semaphore, #tpu.memory_space<semaphore_mem>>) src(%dma_wait3A_2361 : memref<50x32xf32, #tpu.memory_space<vmem>>) dst(%dma_wait3A_2358 : memref<50x32xf32, #tpu.memory_space<hbm>>)
        %add3A_2362 = arith.constant 15 : i32
        %add3A_2363 = arith.addi %add3A_2121, %add3A_2362 : i32
        %dma_wait3A_2364 = arith.constant 750 : i32
        %dma_wait3A_2365 = arith.constant 0 : i32
        %dma_wait3A_2366 = tpu.memref_slice %arg7[%dma_wait3A_2364, %dma_wait3A_2365] : memref<1600x32xf32, #tpu.memory_space<vmem>> -> memref<50x32xf32, #tpu.memory_space<vmem>>
        %dma_wait3A_2367 = arith.constant 0 : i32
        %dma_wait3A_2368 = arith.constant 0 : i32
        %dma_wait3A_2369 = tpu.memref_slice %arg4[%add3A_2363, %dma_wait3A_2367, %dma_wait3A_2368] : memref<16384x50x32xf32, #tpu.memory_space<hbm>> -> memref<1x50x32xf32, #tpu.memory_space<hbm>>
        %dma_wait3A_2370 = tpu.memref_squeeze %dma_wait3A_2369 : memref<1x50x32xf32, #tpu.memory_space<hbm>> -> memref<50x32xf32, #tpu.memory_space<hbm>>
        %dma_wait3A_2371 = arith.constant 0 : i32
        %dma_wait3A_2372 = arith.constant 0 : i32
        %dma_wait3A_2373 = tpu.memref_slice %arg4[%add3A_2363, %dma_wait3A_2371, %dma_wait3A_2372] : memref<16384x50x32xf32, #tpu.memory_space<hbm>> -> memref<1x50x32xf32, #tpu.memory_space<hbm>>
        %dma_wait3A_2374 = tpu.memref_squeeze %dma_wait3A_2373 : memref<1x50x32xf32, #tpu.memory_space<hbm>> -> memref<50x32xf32, #tpu.memory_space<hbm>>
        %dma_wait3A_2375 = arith.constant 750 : i32
        %dma_wait3A_2376 = arith.constant 0 : i32
        %dma_wait3A_2377 = tpu.memref_slice %arg7[%dma_wait3A_2375, %dma_wait3A_2376] : memref<1600x32xf32, #tpu.memory_space<vmem>> -> memref<50x32xf32, #tpu.memory_space<vmem>>
        tpu.wait_dma2 semaphore(%arg11 : memref<!tpu.dma_semaphore, #tpu.memory_space<semaphore_mem>>) src(%dma_wait3A_2377 : memref<50x32xf32, #tpu.memory_space<vmem>>) dst(%dma_wait3A_2374 : memref<50x32xf32, #tpu.memory_space<hbm>>)
        %add3A_2378 = arith.constant 16 : i32
        %add3A_2379 = arith.addi %add3A_2121, %add3A_2378 : i32
        %dma_wait3A_2380 = arith.constant 800 : i32
        %dma_wait3A_2381 = arith.constant 0 : i32
        %dma_wait3A_2382 = tpu.memref_slice %arg7[%dma_wait3A_2380, %dma_wait3A_2381] : memref<1600x32xf32, #tpu.memory_space<vmem>> -> memref<50x32xf32, #tpu.memory_space<vmem>>
        %dma_wait3A_2383 = arith.constant 0 : i32
        %dma_wait3A_2384 = arith.constant 0 : i32
        %dma_wait3A_2385 = tpu.memref_slice %arg4[%add3A_2379, %dma_wait3A_2383, %dma_wait3A_2384] : memref<16384x50x32xf32, #tpu.memory_space<hbm>> -> memref<1x50x32xf32, #tpu.memory_space<hbm>>
        %dma_wait3A_2386 = tpu.memref_squeeze %dma_wait3A_2385 : memref<1x50x32xf32, #tpu.memory_space<hbm>> -> memref<50x32xf32, #tpu.memory_space<hbm>>
        %dma_wait3A_2387 = arith.constant 0 : i32
        %dma_wait3A_2388 = arith.constant 0 : i32
        %dma_wait3A_2389 = tpu.memref_slice %arg4[%add3A_2379, %dma_wait3A_2387, %dma_wait3A_2388] : memref<16384x50x32xf32, #tpu.memory_space<hbm>> -> memref<1x50x32xf32, #tpu.memory_space<hbm>>
        %dma_wait3A_2390 = tpu.memref_squeeze %dma_wait3A_2389 : memref<1x50x32xf32, #tpu.memory_space<hbm>> -> memref<50x32xf32, #tpu.memory_space<hbm>>
        %dma_wait3A_2391 = arith.constant 800 : i32
        %dma_wait3A_2392 = arith.constant 0 : i32
        %dma_wait3A_2393 = tpu.memref_slice %arg7[%dma_wait3A_2391, %dma_wait3A_2392] : memref<1600x32xf32, #tpu.memory_space<vmem>> -> memref<50x32xf32, #tpu.memory_space<vmem>>
        tpu.wait_dma2 semaphore(%arg11 : memref<!tpu.dma_semaphore, #tpu.memory_space<semaphore_mem>>) src(%dma_wait3A_2393 : memref<50x32xf32, #tpu.memory_space<vmem>>) dst(%dma_wait3A_2390 : memref<50x32xf32, #tpu.memory_space<hbm>>)
        %add3A_2394 = arith.constant 17 : i32
        %add3A_2395 = arith.addi %add3A_2121, %add3A_2394 : i32
        %dma_wait3A_2396 = arith.constant 850 : i32
        %dma_wait3A_2397 = arith.constant 0 : i32
        %dma_wait3A_2398 = tpu.memref_slice %arg7[%dma_wait3A_2396, %dma_wait3A_2397] : memref<1600x32xf32, #tpu.memory_space<vmem>> -> memref<50x32xf32, #tpu.memory_space<vmem>>
        %dma_wait3A_2399 = arith.constant 0 : i32
        %dma_wait3A_2400 = arith.constant 0 : i32
        %dma_wait3A_2401 = tpu.memref_slice %arg4[%add3A_2395, %dma_wait3A_2399, %dma_wait3A_2400] : memref<16384x50x32xf32, #tpu.memory_space<hbm>> -> memref<1x50x32xf32, #tpu.memory_space<hbm>>
        %dma_wait3A_2402 = tpu.memref_squeeze %dma_wait3A_2401 : memref<1x50x32xf32, #tpu.memory_space<hbm>> -> memref<50x32xf32, #tpu.memory_space<hbm>>
        %dma_wait3A_2403 = arith.constant 0 : i32
        %dma_wait3A_2404 = arith.constant 0 : i32
        %dma_wait3A_2405 = tpu.memref_slice %arg4[%add3A_2395, %dma_wait3A_2403, %dma_wait3A_2404] : memref<16384x50x32xf32, #tpu.memory_space<hbm>> -> memref<1x50x32xf32, #tpu.memory_space<hbm>>
        %dma_wait3A_2406 = tpu.memref_squeeze %dma_wait3A_2405 : memref<1x50x32xf32, #tpu.memory_space<hbm>> -> memref<50x32xf32, #tpu.memory_space<hbm>>
        %dma_wait3A_2407 = arith.constant 850 : i32
        %dma_wait3A_2408 = arith.constant 0 : i32
        %dma_wait3A_2409 = tpu.memref_slice %arg7[%dma_wait3A_2407, %dma_wait3A_2408] : memref<1600x32xf32, #tpu.memory_space<vmem>> -> memref<50x32xf32, #tpu.memory_space<vmem>>
        tpu.wait_dma2 semaphore(%arg11 : memref<!tpu.dma_semaphore, #tpu.memory_space<semaphore_mem>>) src(%dma_wait3A_2409 : memref<50x32xf32, #tpu.memory_space<vmem>>) dst(%dma_wait3A_2406 : memref<50x32xf32, #tpu.memory_space<hbm>>)
        %add3A_2410 = arith.constant 18 : i32
        %add3A_2411 = arith.addi %add3A_2121, %add3A_2410 : i32
        %dma_wait3A_2412 = arith.constant 900 : i32
        %dma_wait3A_2413 = arith.constant 0 : i32
        %dma_wait3A_2414 = tpu.memref_slice %arg7[%dma_wait3A_2412, %dma_wait3A_2413] : memref<1600x32xf32, #tpu.memory_space<vmem>> -> memref<50x32xf32, #tpu.memory_space<vmem>>
        %dma_wait3A_2415 = arith.constant 0 : i32
        %dma_wait3A_2416 = arith.constant 0 : i32
        %dma_wait3A_2417 = tpu.memref_slice %arg4[%add3A_2411, %dma_wait3A_2415, %dma_wait3A_2416] : memref<16384x50x32xf32, #tpu.memory_space<hbm>> -> memref<1x50x32xf32, #tpu.memory_space<hbm>>
        %dma_wait3A_2418 = tpu.memref_squeeze %dma_wait3A_2417 : memref<1x50x32xf32, #tpu.memory_space<hbm>> -> memref<50x32xf32, #tpu.memory_space<hbm>>
        %dma_wait3A_2419 = arith.constant 0 : i32
        %dma_wait3A_2420 = arith.constant 0 : i32
        %dma_wait3A_2421 = tpu.memref_slice %arg4[%add3A_2411, %dma_wait3A_2419, %dma_wait3A_2420] : memref<16384x50x32xf32, #tpu.memory_space<hbm>> -> memref<1x50x32xf32, #tpu.memory_space<hbm>>
        %dma_wait3A_2422 = tpu.memref_squeeze %dma_wait3A_2421 : memref<1x50x32xf32, #tpu.memory_space<hbm>> -> memref<50x32xf32, #tpu.memory_space<hbm>>
        %dma_wait3A_2423 = arith.constant 900 : i32
        %dma_wait3A_2424 = arith.constant 0 : i32
        %dma_wait3A_2425 = tpu.memref_slice %arg7[%dma_wait3A_2423, %dma_wait3A_2424] : memref<1600x32xf32, #tpu.memory_space<vmem>> -> memref<50x32xf32, #tpu.memory_space<vmem>>
        tpu.wait_dma2 semaphore(%arg11 : memref<!tpu.dma_semaphore, #tpu.memory_space<semaphore_mem>>) src(%dma_wait3A_2425 : memref<50x32xf32, #tpu.memory_space<vmem>>) dst(%dma_wait3A_2422 : memref<50x32xf32, #tpu.memory_space<hbm>>)
        %add3A_2426 = arith.constant 19 : i32
        %add3A_2427 = arith.addi %add3A_2121, %add3A_2426 : i32
        %dma_wait3A_2428 = arith.constant 950 : i32
        %dma_wait3A_2429 = arith.constant 0 : i32
        %dma_wait3A_2430 = tpu.memref_slice %arg7[%dma_wait3A_2428, %dma_wait3A_2429] : memref<1600x32xf32, #tpu.memory_space<vmem>> -> memref<50x32xf32, #tpu.memory_space<vmem>>
        %dma_wait3A_2431 = arith.constant 0 : i32
        %dma_wait3A_2432 = arith.constant 0 : i32
        %dma_wait3A_2433 = tpu.memref_slice %arg4[%add3A_2427, %dma_wait3A_2431, %dma_wait3A_2432] : memref<16384x50x32xf32, #tpu.memory_space<hbm>> -> memref<1x50x32xf32, #tpu.memory_space<hbm>>
        %dma_wait3A_2434 = tpu.memref_squeeze %dma_wait3A_2433 : memref<1x50x32xf32, #tpu.memory_space<hbm>> -> memref<50x32xf32, #tpu.memory_space<hbm>>
        %dma_wait3A_2435 = arith.constant 0 : i32
        %dma_wait3A_2436 = arith.constant 0 : i32
        %dma_wait3A_2437 = tpu.memref_slice %arg4[%add3A_2427, %dma_wait3A_2435, %dma_wait3A_2436] : memref<16384x50x32xf32, #tpu.memory_space<hbm>> -> memref<1x50x32xf32, #tpu.memory_space<hbm>>
        %dma_wait3A_2438 = tpu.memref_squeeze %dma_wait3A_2437 : memref<1x50x32xf32, #tpu.memory_space<hbm>> -> memref<50x32xf32, #tpu.memory_space<hbm>>
        %dma_wait3A_2439 = arith.constant 950 : i32
        %dma_wait3A_2440 = arith.constant 0 : i32
        %dma_wait3A_2441 = tpu.memref_slice %arg7[%dma_wait3A_2439, %dma_wait3A_2440] : memref<1600x32xf32, #tpu.memory_space<vmem>> -> memref<50x32xf32, #tpu.memory_space<vmem>>
        tpu.wait_dma2 semaphore(%arg11 : memref<!tpu.dma_semaphore, #tpu.memory_space<semaphore_mem>>) src(%dma_wait3A_2441 : memref<50x32xf32, #tpu.memory_space<vmem>>) dst(%dma_wait3A_2438 : memref<50x32xf32, #tpu.memory_space<hbm>>)
        %add3A_2442 = arith.constant 20 : i32
        %add3A_2443 = arith.addi %add3A_2121, %add3A_2442 : i32
        %dma_wait3A_2444 = arith.constant 1000 : i32
        %dma_wait3A_2445 = arith.constant 0 : i32
        %dma_wait3A_2446 = tpu.memref_slice %arg7[%dma_wait3A_2444, %dma_wait3A_2445] : memref<1600x32xf32, #tpu.memory_space<vmem>> -> memref<50x32xf32, #tpu.memory_space<vmem>>
        %dma_wait3A_2447 = arith.constant 0 : i32
        %dma_wait3A_2448 = arith.constant 0 : i32
        %dma_wait3A_2449 = tpu.memref_slice %arg4[%add3A_2443, %dma_wait3A_2447, %dma_wait3A_2448] : memref<16384x50x32xf32, #tpu.memory_space<hbm>> -> memref<1x50x32xf32, #tpu.memory_space<hbm>>
        %dma_wait3A_2450 = tpu.memref_squeeze %dma_wait3A_2449 : memref<1x50x32xf32, #tpu.memory_space<hbm>> -> memref<50x32xf32, #tpu.memory_space<hbm>>
        %dma_wait3A_2451 = arith.constant 0 : i32
        %dma_wait3A_2452 = arith.constant 0 : i32
        %dma_wait3A_2453 = tpu.memref_slice %arg4[%add3A_2443, %dma_wait3A_2451, %dma_wait3A_2452] : memref<16384x50x32xf32, #tpu.memory_space<hbm>> -> memref<1x50x32xf32, #tpu.memory_space<hbm>>
        %dma_wait3A_2454 = tpu.memref_squeeze %dma_wait3A_2453 : memref<1x50x32xf32, #tpu.memory_space<hbm>> -> memref<50x32xf32, #tpu.memory_space<hbm>>
        %dma_wait3A_2455 = arith.constant 1000 : i32
        %dma_wait3A_2456 = arith.constant 0 : i32
        %dma_wait3A_2457 = tpu.memref_slice %arg7[%dma_wait3A_2455, %dma_wait3A_2456] : memref<1600x32xf32, #tpu.memory_space<vmem>> -> memref<50x32xf32, #tpu.memory_space<vmem>>
        tpu.wait_dma2 semaphore(%arg11 : memref<!tpu.dma_semaphore, #tpu.memory_space<semaphore_mem>>) src(%dma_wait3A_2457 : memref<50x32xf32, #tpu.memory_space<vmem>>) dst(%dma_wait3A_2454 : memref<50x32xf32, #tpu.memory_space<hbm>>)
        %add3A_2458 = arith.constant 21 : i32
        %add3A_2459 = arith.addi %add3A_2121, %add3A_2458 : i32
        %dma_wait3A_2460 = arith.constant 1050 : i32
        %dma_wait3A_2461 = arith.constant 0 : i32
        %dma_wait3A_2462 = tpu.memref_slice %arg7[%dma_wait3A_2460, %dma_wait3A_2461] : memref<1600x32xf32, #tpu.memory_space<vmem>> -> memref<50x32xf32, #tpu.memory_space<vmem>>
        %dma_wait3A_2463 = arith.constant 0 : i32
        %dma_wait3A_2464 = arith.constant 0 : i32
        %dma_wait3A_2465 = tpu.memref_slice %arg4[%add3A_2459, %dma_wait3A_2463, %dma_wait3A_2464] : memref<16384x50x32xf32, #tpu.memory_space<hbm>> -> memref<1x50x32xf32, #tpu.memory_space<hbm>>
        %dma_wait3A_2466 = tpu.memref_squeeze %dma_wait3A_2465 : memref<1x50x32xf32, #tpu.memory_space<hbm>> -> memref<50x32xf32, #tpu.memory_space<hbm>>
        %dma_wait3A_2467 = arith.constant 0 : i32
        %dma_wait3A_2468 = arith.constant 0 : i32
        %dma_wait3A_2469 = tpu.memref_slice %arg4[%add3A_2459, %dma_wait3A_2467, %dma_wait3A_2468] : memref<16384x50x32xf32, #tpu.memory_space<hbm>> -> memref<1x50x32xf32, #tpu.memory_space<hbm>>
        %dma_wait3A_2470 = tpu.memref_squeeze %dma_wait3A_2469 : memref<1x50x32xf32, #tpu.memory_space<hbm>> -> memref<50x32xf32, #tpu.memory_space<hbm>>
        %dma_wait3A_2471 = arith.constant 1050 : i32
        %dma_wait3A_2472 = arith.constant 0 : i32
        %dma_wait3A_2473 = tpu.memref_slice %arg7[%dma_wait3A_2471, %dma_wait3A_2472] : memref<1600x32xf32, #tpu.memory_space<vmem>> -> memref<50x32xf32, #tpu.memory_space<vmem>>
        tpu.wait_dma2 semaphore(%arg11 : memref<!tpu.dma_semaphore, #tpu.memory_space<semaphore_mem>>) src(%dma_wait3A_2473 : memref<50x32xf32, #tpu.memory_space<vmem>>) dst(%dma_wait3A_2470 : memref<50x32xf32, #tpu.memory_space<hbm>>)
        %add3A_2474 = arith.constant 22 : i32
        %add3A_2475 = arith.addi %add3A_2121, %add3A_2474 : i32
        %dma_wait3A_2476 = arith.constant 1100 : i32
        %dma_wait3A_2477 = arith.constant 0 : i32
        %dma_wait3A_2478 = tpu.memref_slice %arg7[%dma_wait3A_2476, %dma_wait3A_2477] : memref<1600x32xf32, #tpu.memory_space<vmem>> -> memref<50x32xf32, #tpu.memory_space<vmem>>
        %dma_wait3A_2479 = arith.constant 0 : i32
        %dma_wait3A_2480 = arith.constant 0 : i32
        %dma_wait3A_2481 = tpu.memref_slice %arg4[%add3A_2475, %dma_wait3A_2479, %dma_wait3A_2480] : memref<16384x50x32xf32, #tpu.memory_space<hbm>> -> memref<1x50x32xf32, #tpu.memory_space<hbm>>
        %dma_wait3A_2482 = tpu.memref_squeeze %dma_wait3A_2481 : memref<1x50x32xf32, #tpu.memory_space<hbm>> -> memref<50x32xf32, #tpu.memory_space<hbm>>
        %dma_wait3A_2483 = arith.constant 0 : i32
        %dma_wait3A_2484 = arith.constant 0 : i32
        %dma_wait3A_2485 = tpu.memref_slice %arg4[%add3A_2475, %dma_wait3A_2483, %dma_wait3A_2484] : memref<16384x50x32xf32, #tpu.memory_space<hbm>> -> memref<1x50x32xf32, #tpu.memory_space<hbm>>
        %dma_wait3A_2486 = tpu.memref_squeeze %dma_wait3A_2485 : memref<1x50x32xf32, #tpu.memory_space<hbm>> -> memref<50x32xf32, #tpu.memory_space<hbm>>
        %dma_wait3A_2487 = arith.constant 1100 : i32
        %dma_wait3A_2488 = arith.constant 0 : i32
        %dma_wait3A_2489 = tpu.memref_slice %arg7[%dma_wait3A_2487, %dma_wait3A_2488] : memref<1600x32xf32, #tpu.memory_space<vmem>> -> memref<50x32xf32, #tpu.memory_space<vmem>>
        tpu.wait_dma2 semaphore(%arg11 : memref<!tpu.dma_semaphore, #tpu.memory_space<semaphore_mem>>) src(%dma_wait3A_2489 : memref<50x32xf32, #tpu.memory_space<vmem>>) dst(%dma_wait3A_2486 : memref<50x32xf32, #tpu.memory_space<hbm>>)
        %add3A_2490 = arith.constant 23 : i32
        %add3A_2491 = arith.addi %add3A_2121, %add3A_2490 : i32
        %dma_wait3A_2492 = arith.constant 1150 : i32
        %dma_wait3A_2493 = arith.constant 0 : i32
        %dma_wait3A_2494 = tpu.memref_slice %arg7[%dma_wait3A_2492, %dma_wait3A_2493] : memref<1600x32xf32, #tpu.memory_space<vmem>> -> memref<50x32xf32, #tpu.memory_space<vmem>>
        %dma_wait3A_2495 = arith.constant 0 : i32
        %dma_wait3A_2496 = arith.constant 0 : i32
        %dma_wait3A_2497 = tpu.memref_slice %arg4[%add3A_2491, %dma_wait3A_2495, %dma_wait3A_2496] : memref<16384x50x32xf32, #tpu.memory_space<hbm>> -> memref<1x50x32xf32, #tpu.memory_space<hbm>>
        %dma_wait3A_2498 = tpu.memref_squeeze %dma_wait3A_2497 : memref<1x50x32xf32, #tpu.memory_space<hbm>> -> memref<50x32xf32, #tpu.memory_space<hbm>>
        %dma_wait3A_2499 = arith.constant 0 : i32
        %dma_wait3A_2500 = arith.constant 0 : i32
        %dma_wait3A_2501 = tpu.memref_slice %arg4[%add3A_2491, %dma_wait3A_2499, %dma_wait3A_2500] : memref<16384x50x32xf32, #tpu.memory_space<hbm>> -> memref<1x50x32xf32, #tpu.memory_space<hbm>>
        %dma_wait3A_2502 = tpu.memref_squeeze %dma_wait3A_2501 : memref<1x50x32xf32, #tpu.memory_space<hbm>> -> memref<50x32xf32, #tpu.memory_space<hbm>>
        %dma_wait3A_2503 = arith.constant 1150 : i32
        %dma_wait3A_2504 = arith.constant 0 : i32
        %dma_wait3A_2505 = tpu.memref_slice %arg7[%dma_wait3A_2503, %dma_wait3A_2504] : memref<1600x32xf32, #tpu.memory_space<vmem>> -> memref<50x32xf32, #tpu.memory_space<vmem>>
        tpu.wait_dma2 semaphore(%arg11 : memref<!tpu.dma_semaphore, #tpu.memory_space<semaphore_mem>>) src(%dma_wait3A_2505 : memref<50x32xf32, #tpu.memory_space<vmem>>) dst(%dma_wait3A_2502 : memref<50x32xf32, #tpu.memory_space<hbm>>)
        %add3A_2506 = arith.constant 24 : i32
        %add3A_2507 = arith.addi %add3A_2121, %add3A_2506 : i32
        %dma_wait3A_2508 = arith.constant 1200 : i32
        %dma_wait3A_2509 = arith.constant 0 : i32
        %dma_wait3A_2510 = tpu.memref_slice %arg7[%dma_wait3A_2508, %dma_wait3A_2509] : memref<1600x32xf32, #tpu.memory_space<vmem>> -> memref<50x32xf32, #tpu.memory_space<vmem>>
        %dma_wait3A_2511 = arith.constant 0 : i32
        %dma_wait3A_2512 = arith.constant 0 : i32
        %dma_wait3A_2513 = tpu.memref_slice %arg4[%add3A_2507, %dma_wait3A_2511, %dma_wait3A_2512] : memref<16384x50x32xf32, #tpu.memory_space<hbm>> -> memref<1x50x32xf32, #tpu.memory_space<hbm>>
        %dma_wait3A_2514 = tpu.memref_squeeze %dma_wait3A_2513 : memref<1x50x32xf32, #tpu.memory_space<hbm>> -> memref<50x32xf32, #tpu.memory_space<hbm>>
        %dma_wait3A_2515 = arith.constant 0 : i32
        %dma_wait3A_2516 = arith.constant 0 : i32
        %dma_wait3A_2517 = tpu.memref_slice %arg4[%add3A_2507, %dma_wait3A_2515, %dma_wait3A_2516] : memref<16384x50x32xf32, #tpu.memory_space<hbm>> -> memref<1x50x32xf32, #tpu.memory_space<hbm>>
        %dma_wait3A_2518 = tpu.memref_squeeze %dma_wait3A_2517 : memref<1x50x32xf32, #tpu.memory_space<hbm>> -> memref<50x32xf32, #tpu.memory_space<hbm>>
        %dma_wait3A_2519 = arith.constant 1200 : i32
        %dma_wait3A_2520 = arith.constant 0 : i32
        %dma_wait3A_2521 = tpu.memref_slice %arg7[%dma_wait3A_2519, %dma_wait3A_2520] : memref<1600x32xf32, #tpu.memory_space<vmem>> -> memref<50x32xf32, #tpu.memory_space<vmem>>
        tpu.wait_dma2 semaphore(%arg11 : memref<!tpu.dma_semaphore, #tpu.memory_space<semaphore_mem>>) src(%dma_wait3A_2521 : memref<50x32xf32, #tpu.memory_space<vmem>>) dst(%dma_wait3A_2518 : memref<50x32xf32, #tpu.memory_space<hbm>>)
        %add3A_2522 = arith.constant 25 : i32
        %add3A_2523 = arith.addi %add3A_2121, %add3A_2522 : i32
        %dma_wait3A_2524 = arith.constant 1250 : i32
        %dma_wait3A_2525 = arith.constant 0 : i32
        %dma_wait3A_2526 = tpu.memref_slice %arg7[%dma_wait3A_2524, %dma_wait3A_2525] : memref<1600x32xf32, #tpu.memory_space<vmem>> -> memref<50x32xf32, #tpu.memory_space<vmem>>
        %dma_wait3A_2527 = arith.constant 0 : i32
        %dma_wait3A_2528 = arith.constant 0 : i32
        %dma_wait3A_2529 = tpu.memref_slice %arg4[%add3A_2523, %dma_wait3A_2527, %dma_wait3A_2528] : memref<16384x50x32xf32, #tpu.memory_space<hbm>> -> memref<1x50x32xf32, #tpu.memory_space<hbm>>
        %dma_wait3A_2530 = tpu.memref_squeeze %dma_wait3A_2529 : memref<1x50x32xf32, #tpu.memory_space<hbm>> -> memref<50x32xf32, #tpu.memory_space<hbm>>
        %dma_wait3A_2531 = arith.constant 0 : i32
        %dma_wait3A_2532 = arith.constant 0 : i32
        %dma_wait3A_2533 = tpu.memref_slice %arg4[%add3A_2523, %dma_wait3A_2531, %dma_wait3A_2532] : memref<16384x50x32xf32, #tpu.memory_space<hbm>> -> memref<1x50x32xf32, #tpu.memory_space<hbm>>
        %dma_wait3A_2534 = tpu.memref_squeeze %dma_wait3A_2533 : memref<1x50x32xf32, #tpu.memory_space<hbm>> -> memref<50x32xf32, #tpu.memory_space<hbm>>
        %dma_wait3A_2535 = arith.constant 1250 : i32
        %dma_wait3A_2536 = arith.constant 0 : i32
        %dma_wait3A_2537 = tpu.memref_slice %arg7[%dma_wait3A_2535, %dma_wait3A_2536] : memref<1600x32xf32, #tpu.memory_space<vmem>> -> memref<50x32xf32, #tpu.memory_space<vmem>>
        tpu.wait_dma2 semaphore(%arg11 : memref<!tpu.dma_semaphore, #tpu.memory_space<semaphore_mem>>) src(%dma_wait3A_2537 : memref<50x32xf32, #tpu.memory_space<vmem>>) dst(%dma_wait3A_2534 : memref<50x32xf32, #tpu.memory_space<hbm>>)
        %add3A_2538 = arith.constant 26 : i32
        %add3A_2539 = arith.addi %add3A_2121, %add3A_2538 : i32
        %dma_wait3A_2540 = arith.constant 1300 : i32
        %dma_wait3A_2541 = arith.constant 0 : i32
        %dma_wait3A_2542 = tpu.memref_slice %arg7[%dma_wait3A_2540, %dma_wait3A_2541] : memref<1600x32xf32, #tpu.memory_space<vmem>> -> memref<50x32xf32, #tpu.memory_space<vmem>>
        %dma_wait3A_2543 = arith.constant 0 : i32
        %dma_wait3A_2544 = arith.constant 0 : i32
        %dma_wait3A_2545 = tpu.memref_slice %arg4[%add3A_2539, %dma_wait3A_2543, %dma_wait3A_2544] : memref<16384x50x32xf32, #tpu.memory_space<hbm>> -> memref<1x50x32xf32, #tpu.memory_space<hbm>>
        %dma_wait3A_2546 = tpu.memref_squeeze %dma_wait3A_2545 : memref<1x50x32xf32, #tpu.memory_space<hbm>> -> memref<50x32xf32, #tpu.memory_space<hbm>>
        %dma_wait3A_2547 = arith.constant 0 : i32
        %dma_wait3A_2548 = arith.constant 0 : i32
        %dma_wait3A_2549 = tpu.memref_slice %arg4[%add3A_2539, %dma_wait3A_2547, %dma_wait3A_2548] : memref<16384x50x32xf32, #tpu.memory_space<hbm>> -> memref<1x50x32xf32, #tpu.memory_space<hbm>>
        %dma_wait3A_2550 = tpu.memref_squeeze %dma_wait3A_2549 : memref<1x50x32xf32, #tpu.memory_space<hbm>> -> memref<50x32xf32, #tpu.memory_space<hbm>>
        %dma_wait3A_2551 = arith.constant 1300 : i32
        %dma_wait3A_2552 = arith.constant 0 : i32
        %dma_wait3A_2553 = tpu.memref_slice %arg7[%dma_wait3A_2551, %dma_wait3A_2552] : memref<1600x32xf32, #tpu.memory_space<vmem>> -> memref<50x32xf32, #tpu.memory_space<vmem>>
        tpu.wait_dma2 semaphore(%arg11 : memref<!tpu.dma_semaphore, #tpu.memory_space<semaphore_mem>>) src(%dma_wait3A_2553 : memref<50x32xf32, #tpu.memory_space<vmem>>) dst(%dma_wait3A_2550 : memref<50x32xf32, #tpu.memory_space<hbm>>)
        %add3A_2554 = arith.constant 27 : i32
        %add3A_2555 = arith.addi %add3A_2121, %add3A_2554 : i32
        %dma_wait3A_2556 = arith.constant 1350 : i32
        %dma_wait3A_2557 = arith.constant 0 : i32
        %dma_wait3A_2558 = tpu.memref_slice %arg7[%dma_wait3A_2556, %dma_wait3A_2557] : memref<1600x32xf32, #tpu.memory_space<vmem>> -> memref<50x32xf32, #tpu.memory_space<vmem>>
        %dma_wait3A_2559 = arith.constant 0 : i32
        %dma_wait3A_2560 = arith.constant 0 : i32
        %dma_wait3A_2561 = tpu.memref_slice %arg4[%add3A_2555, %dma_wait3A_2559, %dma_wait3A_2560] : memref<16384x50x32xf32, #tpu.memory_space<hbm>> -> memref<1x50x32xf32, #tpu.memory_space<hbm>>
        %dma_wait3A_2562 = tpu.memref_squeeze %dma_wait3A_2561 : memref<1x50x32xf32, #tpu.memory_space<hbm>> -> memref<50x32xf32, #tpu.memory_space<hbm>>
        %dma_wait3A_2563 = arith.constant 0 : i32
        %dma_wait3A_2564 = arith.constant 0 : i32
        %dma_wait3A_2565 = tpu.memref_slice %arg4[%add3A_2555, %dma_wait3A_2563, %dma_wait3A_2564] : memref<16384x50x32xf32, #tpu.memory_space<hbm>> -> memref<1x50x32xf32, #tpu.memory_space<hbm>>
        %dma_wait3A_2566 = tpu.memref_squeeze %dma_wait3A_2565 : memref<1x50x32xf32, #tpu.memory_space<hbm>> -> memref<50x32xf32, #tpu.memory_space<hbm>>
        %dma_wait3A_2567 = arith.constant 1350 : i32
        %dma_wait3A_2568 = arith.constant 0 : i32
        %dma_wait3A_2569 = tpu.memref_slice %arg7[%dma_wait3A_2567, %dma_wait3A_2568] : memref<1600x32xf32, #tpu.memory_space<vmem>> -> memref<50x32xf32, #tpu.memory_space<vmem>>
        tpu.wait_dma2 semaphore(%arg11 : memref<!tpu.dma_semaphore, #tpu.memory_space<semaphore_mem>>) src(%dma_wait3A_2569 : memref<50x32xf32, #tpu.memory_space<vmem>>) dst(%dma_wait3A_2566 : memref<50x32xf32, #tpu.memory_space<hbm>>)
        %add3A_2570 = arith.constant 28 : i32
        %add3A_2571 = arith.addi %add3A_2121, %add3A_2570 : i32
        %dma_wait3A_2572 = arith.constant 1400 : i32
        %dma_wait3A_2573 = arith.constant 0 : i32
        %dma_wait3A_2574 = tpu.memref_slice %arg7[%dma_wait3A_2572, %dma_wait3A_2573] : memref<1600x32xf32, #tpu.memory_space<vmem>> -> memref<50x32xf32, #tpu.memory_space<vmem>>
        %dma_wait3A_2575 = arith.constant 0 : i32
        %dma_wait3A_2576 = arith.constant 0 : i32
        %dma_wait3A_2577 = tpu.memref_slice %arg4[%add3A_2571, %dma_wait3A_2575, %dma_wait3A_2576] : memref<16384x50x32xf32, #tpu.memory_space<hbm>> -> memref<1x50x32xf32, #tpu.memory_space<hbm>>
        %dma_wait3A_2578 = tpu.memref_squeeze %dma_wait3A_2577 : memref<1x50x32xf32, #tpu.memory_space<hbm>> -> memref<50x32xf32, #tpu.memory_space<hbm>>
        %dma_wait3A_2579 = arith.constant 0 : i32
        %dma_wait3A_2580 = arith.constant 0 : i32
        %dma_wait3A_2581 = tpu.memref_slice %arg4[%add3A_2571, %dma_wait3A_2579, %dma_wait3A_2580] : memref<16384x50x32xf32, #tpu.memory_space<hbm>> -> memref<1x50x32xf32, #tpu.memory_space<hbm>>
        %dma_wait3A_2582 = tpu.memref_squeeze %dma_wait3A_2581 : memref<1x50x32xf32, #tpu.memory_space<hbm>> -> memref<50x32xf32, #tpu.memory_space<hbm>>
        %dma_wait3A_2583 = arith.constant 1400 : i32
        %dma_wait3A_2584 = arith.constant 0 : i32
        %dma_wait3A_2585 = tpu.memref_slice %arg7[%dma_wait3A_2583, %dma_wait3A_2584] : memref<1600x32xf32, #tpu.memory_space<vmem>> -> memref<50x32xf32, #tpu.memory_space<vmem>>
        tpu.wait_dma2 semaphore(%arg11 : memref<!tpu.dma_semaphore, #tpu.memory_space<semaphore_mem>>) src(%dma_wait3A_2585 : memref<50x32xf32, #tpu.memory_space<vmem>>) dst(%dma_wait3A_2582 : memref<50x32xf32, #tpu.memory_space<hbm>>)
        %add3A_2586 = arith.constant 29 : i32
        %add3A_2587 = arith.addi %add3A_2121, %add3A_2586 : i32
        %dma_wait3A_2588 = arith.constant 1450 : i32
        %dma_wait3A_2589 = arith.constant 0 : i32
        %dma_wait3A_2590 = tpu.memref_slice %arg7[%dma_wait3A_2588, %dma_wait3A_2589] : memref<1600x32xf32, #tpu.memory_space<vmem>> -> memref<50x32xf32, #tpu.memory_space<vmem>>
        %dma_wait3A_2591 = arith.constant 0 : i32
        %dma_wait3A_2592 = arith.constant 0 : i32
        %dma_wait3A_2593 = tpu.memref_slice %arg4[%add3A_2587, %dma_wait3A_2591, %dma_wait3A_2592] : memref<16384x50x32xf32, #tpu.memory_space<hbm>> -> memref<1x50x32xf32, #tpu.memory_space<hbm>>
        %dma_wait3A_2594 = tpu.memref_squeeze %dma_wait3A_2593 : memref<1x50x32xf32, #tpu.memory_space<hbm>> -> memref<50x32xf32, #tpu.memory_space<hbm>>
        %dma_wait3A_2595 = arith.constant 0 : i32
        %dma_wait3A_2596 = arith.constant 0 : i32
        %dma_wait3A_2597 = tpu.memref_slice %arg4[%add3A_2587, %dma_wait3A_2595, %dma_wait3A_2596] : memref<16384x50x32xf32, #tpu.memory_space<hbm>> -> memref<1x50x32xf32, #tpu.memory_space<hbm>>
        %dma_wait3A_2598 = tpu.memref_squeeze %dma_wait3A_2597 : memref<1x50x32xf32, #tpu.memory_space<hbm>> -> memref<50x32xf32, #tpu.memory_space<hbm>>
        %dma_wait3A_2599 = arith.constant 1450 : i32
        %dma_wait3A_2600 = arith.constant 0 : i32
        %dma_wait3A_2601 = tpu.memref_slice %arg7[%dma_wait3A_2599, %dma_wait3A_2600] : memref<1600x32xf32, #tpu.memory_space<vmem>> -> memref<50x32xf32, #tpu.memory_space<vmem>>
        tpu.wait_dma2 semaphore(%arg11 : memref<!tpu.dma_semaphore, #tpu.memory_space<semaphore_mem>>) src(%dma_wait3A_2601 : memref<50x32xf32, #tpu.memory_space<vmem>>) dst(%dma_wait3A_2598 : memref<50x32xf32, #tpu.memory_space<hbm>>)
        %add3A_2602 = arith.constant 30 : i32
        %add3A_2603 = arith.addi %add3A_2121, %add3A_2602 : i32
        %dma_wait3A_2604 = arith.constant 1500 : i32
        %dma_wait3A_2605 = arith.constant 0 : i32
        %dma_wait3A_2606 = tpu.memref_slice %arg7[%dma_wait3A_2604, %dma_wait3A_2605] : memref<1600x32xf32, #tpu.memory_space<vmem>> -> memref<50x32xf32, #tpu.memory_space<vmem>>
        %dma_wait3A_2607 = arith.constant 0 : i32
        %dma_wait3A_2608 = arith.constant 0 : i32
        %dma_wait3A_2609 = tpu.memref_slice %arg4[%add3A_2603, %dma_wait3A_2607, %dma_wait3A_2608] : memref<16384x50x32xf32, #tpu.memory_space<hbm>> -> memref<1x50x32xf32, #tpu.memory_space<hbm>>
        %dma_wait3A_2610 = tpu.memref_squeeze %dma_wait3A_2609 : memref<1x50x32xf32, #tpu.memory_space<hbm>> -> memref<50x32xf32, #tpu.memory_space<hbm>>
        %dma_wait3A_2611 = arith.constant 0 : i32
        %dma_wait3A_2612 = arith.constant 0 : i32
        %dma_wait3A_2613 = tpu.memref_slice %arg4[%add3A_2603, %dma_wait3A_2611, %dma_wait3A_2612] : memref<16384x50x32xf32, #tpu.memory_space<hbm>> -> memref<1x50x32xf32, #tpu.memory_space<hbm>>
        %dma_wait3A_2614 = tpu.memref_squeeze %dma_wait3A_2613 : memref<1x50x32xf32, #tpu.memory_space<hbm>> -> memref<50x32xf32, #tpu.memory_space<hbm>>
        %dma_wait3A_2615 = arith.constant 1500 : i32
        %dma_wait3A_2616 = arith.constant 0 : i32
        %dma_wait3A_2617 = tpu.memref_slice %arg7[%dma_wait3A_2615, %dma_wait3A_2616] : memref<1600x32xf32, #tpu.memory_space<vmem>> -> memref<50x32xf32, #tpu.memory_space<vmem>>
        tpu.wait_dma2 semaphore(%arg11 : memref<!tpu.dma_semaphore, #tpu.memory_space<semaphore_mem>>) src(%dma_wait3A_2617 : memref<50x32xf32, #tpu.memory_space<vmem>>) dst(%dma_wait3A_2614 : memref<50x32xf32, #tpu.memory_space<hbm>>)
        %add3A_2618 = arith.constant 31 : i32
        %add3A_2619 = arith.addi %add3A_2121, %add3A_2618 : i32
        %dma_wait3A_2620 = arith.constant 1550 : i32
        %dma_wait3A_2621 = arith.constant 0 : i32
        %dma_wait3A_2622 = tpu.memref_slice %arg7[%dma_wait3A_2620, %dma_wait3A_2621] : memref<1600x32xf32, #tpu.memory_space<vmem>> -> memref<50x32xf32, #tpu.memory_space<vmem>>
        %dma_wait3A_2623 = arith.constant 0 : i32
        %dma_wait3A_2624 = arith.constant 0 : i32
        %dma_wait3A_2625 = tpu.memref_slice %arg4[%add3A_2619, %dma_wait3A_2623, %dma_wait3A_2624] : memref<16384x50x32xf32, #tpu.memory_space<hbm>> -> memref<1x50x32xf32, #tpu.memory_space<hbm>>
        %dma_wait3A_2626 = tpu.memref_squeeze %dma_wait3A_2625 : memref<1x50x32xf32, #tpu.memory_space<hbm>> -> memref<50x32xf32, #tpu.memory_space<hbm>>
        %dma_wait3A_2627 = arith.constant 0 : i32
        %dma_wait3A_2628 = arith.constant 0 : i32
        %dma_wait3A_2629 = tpu.memref_slice %arg4[%add3A_2619, %dma_wait3A_2627, %dma_wait3A_2628] : memref<16384x50x32xf32, #tpu.memory_space<hbm>> -> memref<1x50x32xf32, #tpu.memory_space<hbm>>
        %dma_wait3A_2630 = tpu.memref_squeeze %dma_wait3A_2629 : memref<1x50x32xf32, #tpu.memory_space<hbm>> -> memref<50x32xf32, #tpu.memory_space<hbm>>
        %dma_wait3A_2631 = arith.constant 1550 : i32
        %dma_wait3A_2632 = arith.constant 0 : i32
        %dma_wait3A_2633 = tpu.memref_slice %arg7[%dma_wait3A_2631, %dma_wait3A_2632] : memref<1600x32xf32, #tpu.memory_space<vmem>> -> memref<50x32xf32, #tpu.memory_space<vmem>>
        tpu.wait_dma2 semaphore(%arg11 : memref<!tpu.dma_semaphore, #tpu.memory_space<semaphore_mem>>) src(%dma_wait3A_2633 : memref<50x32xf32, #tpu.memory_space<vmem>>) dst(%dma_wait3A_2630 : memref<50x32xf32, #tpu.memory_space<hbm>>)
        %dma_start3A_2634 = arith.constant 0 : i32
        %dma_start3A_2635 = arith.constant 0 : i32
        %dma_start3A_2636 = tpu.memref_slice %arg3[%dma_start3A_2634, %dma_start3A_2635] : memref<1000000x32xf32, #tpu.memory_space<hbm>> -> memref<1000000x32xf32, #tpu.memory_space<hbm>>
        tpu.enqueue_indirect_dma source(%dma_start3A_2636 : memref<1000000x32xf32, #tpu.memory_space<hbm>>) target(%arg7 : memref<1600x32xf32, #tpu.memory_space<vmem>>) offsets(%arg5 : memref<1600xi32, #tpu.memory_space<vmem>>) semaphore(%arg9 : memref<!tpu.dma_semaphore, #tpu.memory_space<semaphore_mem>>)
      } else {
      }
      %mul3A_1581 = arith.constant 2 : i32
      %mul3A_1582 = arith.muli %scan3A_1048, %mul3A_1581 : i32
      %add3A_1583 = arith.constant 1 : i32
      %add3A_1584 = arith.addi %mul3A_1582, %add3A_1583 : i32
      %dma_wait3A_1585 = arith.constant 0 : i32
      %dma_wait3A_1586 = arith.constant 0 : i32
      %dma_wait3A_1587 = tpu.memref_slice %arg3[%dma_wait3A_1585, %dma_wait3A_1586] : memref<1000000x32xf32, #tpu.memory_space<hbm>> -> memref<1000000x32xf32, #tpu.memory_space<hbm>>
      tpu.wait_indirect_dma semaphore(%arg10 : memref<!tpu.dma_semaphore, #tpu.memory_space<semaphore_mem>>) src(%dma_wait3A_1587 : memref<1000000x32xf32, #tpu.memory_space<hbm>>) dst(%arg8 : memref<1600x32xf32, #tpu.memory_space<vmem>>)
      %scan3A_1588 = arith.constant 0 : i32
      %scan3A_1589 = arith.constant 0 : i32
      %scan3A_1590 = arith.constant 1600 : i32
      %scan3A_1591 = arith.addi %scan3A_1589, %scan3A_1590 : i32
      %scan3A_1592 = arith.constant 8 : i32
      scf.for %scan3A_2116 = %scan3A_1589 to %scan3A_1591 step %scan3A_1592  : i32 {
        %get3A = arith.index_cast %scan3A_2116 : i32 to index
        %get3A_2117 = arith.constant 0 : index
        %get3A_2118 = tpu.vector_load %arg8[%get3A, %get3A_2117] {strides = array<i32>} : memref<1600x32xf32, #tpu.memory_space<vmem>>, vector<1x16xf32>,
        %get3A_2119 = vector.shape_cast %get3A_2118 : vector<1x16xf32> to vector<16xf32>
        %mul3A_2120 = arith.constant 5.65685415 : f32
        %mul3A_2121 = vector.broadcast %mul3A_2120 : f32 to vector<16xf32>
        %mul3A_2122 = arith.mulf %get3A_2119, %mul3A_2121 : vector<16xf32>
        %swap3A = arith.index_cast %scan3A_2116 : i32 to index
        %swap3A_2123 = arith.constant 0 : index
        %swap3A_2124 = tpu.vector_load %arg8[%swap3A, %swap3A_2123] {strides = array<i32>} : memref<1600x32xf32, #tpu.memory_space<vmem>>, vector<1x16xf32>,
        %swap3A_2125 = vector.shape_cast %swap3A_2124 : vector<1x16xf32> to vector<16xf32>
        %swap3A_2126 = vector.shape_cast %mul3A_2122 : vector<16xf32> to vector<1x16xf32>
        tpu.vector_store %arg8[%swap3A, %swap3A_2123], %swap3A_2126 {strides = array<i32>} : memref<1600x32xf32, #tpu.memory_space<vmem>>, vector<1x16xf32>,
        %get3A_2127 = arith.index_cast %scan3A_2116 : i32 to index
        %get3A_2128 = arith.constant 16 : index
        %get3A_2129 = tpu.vector_load %arg8[%get3A_2127, %get3A_2128] {strides = array<i32>} : memref<1600x32xf32, #tpu.memory_space<vmem>>, vector<1x16xf32>,
        %get3A_2130 = vector.shape_cast %get3A_2129 : vector<1x16xf32> to vector<16xf32>
        %mul3A_2131 = arith.constant 5.65685415 : f32
        %mul3A_2132 = vector.broadcast %mul3A_2131 : f32 to vector<16xf32>
        %mul3A_2133 = arith.mulf %get3A_2130, %mul3A_2132 : vector<16xf32>
        %swap3A_2134 = arith.index_cast %scan3A_2116 : i32 to index
        %swap3A_2135 = arith.constant 16 : index
        %swap3A_2136 = tpu.vector_load %arg8[%swap3A_2134, %swap3A_2135] {strides = array<i32>} : memref<1600x32xf32, #tpu.memory_space<vmem>>, vector<1x16xf32>,
        %swap3A_2137 = vector.shape_cast %swap3A_2136 : vector<1x16xf32> to vector<16xf32>
        %swap3A_2138 = vector.shape_cast %mul3A_2133 : vector<16xf32> to vector<1x16xf32>
        tpu.vector_store %arg8[%swap3A_2134, %swap3A_2135], %swap3A_2138 {strides = array<i32>} : memref<1600x32xf32, #tpu.memory_space<vmem>>, vector<1x16xf32>,
        %scan3A_2139 = arith.constant 1 : i32
        %scan3A_2140 = arith.addi %scan3A_2116, %scan3A_2139 : i32
        %get3A_2141 = arith.index_cast %scan3A_2140 : i32 to index
        %get3A_2142 = arith.constant 0 : index
        %get3A_2143 = tpu.vector_load %arg8[%get3A_2141, %get3A_2142] {strides = array<i32>} : memref<1600x32xf32, #tpu.memory_space<vmem>>, vector<1x16xf32>,
        %get3A_2144 = vector.shape_cast %get3A_2143 : vector<1x16xf32> to vector<16xf32>
        %mul3A_2145 = arith.constant 5.65685415 : f32
        %mul3A_2146 = vector.broadcast %mul3A_2145 : f32 to vector<16xf32>
        %mul3A_2147 = arith.mulf %get3A_2144, %mul3A_2146 : vector<16xf32>
        %swap3A_2148 = arith.index_cast %scan3A_2140 : i32 to index
        %swap3A_2149 = arith.constant 0 : index
        %swap3A_2150 = tpu.vector_load %arg8[%swap3A_2148, %swap3A_2149] {strides = array<i32>} : memref<1600x32xf32, #tpu.memory_space<vmem>>, vector<1x16xf32>,
        %swap3A_2151 = vector.shape_cast %swap3A_2150 : vector<1x16xf32> to vector<16xf32>
        %swap3A_2152 = vector.shape_cast %mul3A_2147 : vector<16xf32> to vector<1x16xf32>
        tpu.vector_store %arg8[%swap3A_2148, %swap3A_2149], %swap3A_2152 {strides = array<i32>} : memref<1600x32xf32, #tpu.memory_space<vmem>>, vector<1x16xf32>,
        %get3A_2153 = arith.index_cast %scan3A_2140 : i32 to index
        %get3A_2154 = arith.constant 16 : index
        %get3A_2155 = tpu.vector_load %arg8[%get3A_2153, %get3A_2154] {strides = array<i32>} : memref<1600x32xf32, #tpu.memory_space<vmem>>, vector<1x16xf32>,
        %get3A_2156 = vector.shape_cast %get3A_2155 : vector<1x16xf32> to vector<16xf32>
        %mul3A_2157 = arith.constant 5.65685415 : f32
        %mul3A_2158 = vector.broadcast %mul3A_2157 : f32 to vector<16xf32>
        %mul3A_2159 = arith.mulf %get3A_2156, %mul3A_2158 : vector<16xf32>
        %swap3A_2160 = arith.index_cast %scan3A_2140 : i32 to index
        %swap3A_2161 = arith.constant 16 : index
        %swap3A_2162 = tpu.vector_load %arg8[%swap3A_2160, %swap3A_2161] {strides = array<i32>} : memref<1600x32xf32, #tpu.memory_space<vmem>>, vector<1x16xf32>,
        %swap3A_2163 = vector.shape_cast %swap3A_2162 : vector<1x16xf32> to vector<16xf32>
        %swap3A_2164 = vector.shape_cast %mul3A_2159 : vector<16xf32> to vector<1x16xf32>
        tpu.vector_store %arg8[%swap3A_2160, %swap3A_2161], %swap3A_2164 {strides = array<i32>} : memref<1600x32xf32, #tpu.memory_space<vmem>>, vector<1x16xf32>,
        %scan3A_2165 = arith.constant 2 : i32
        %scan3A_2166 = arith.addi %scan3A_2116, %scan3A_2165 : i32
        %get3A_2167 = arith.index_cast %scan3A_2166 : i32 to index
        %get3A_2168 = arith.constant 0 : index
        %get3A_2169 = tpu.vector_load %arg8[%get3A_2167, %get3A_2168] {strides = array<i32>} : memref<1600x32xf32, #tpu.memory_space<vmem>>, vector<1x16xf32>,
        %get3A_2170 = vector.shape_cast %get3A_2169 : vector<1x16xf32> to vector<16xf32>
        %mul3A_2171 = arith.constant 5.65685415 : f32
        %mul3A_2172 = vector.broadcast %mul3A_2171 : f32 to vector<16xf32>
        %mul3A_2173 = arith.mulf %get3A_2170, %mul3A_2172 : vector<16xf32>
        %swap3A_2174 = arith.index_cast %scan3A_2166 : i32 to index
        %swap3A_2175 = arith.constant 0 : index
        %swap3A_2176 = tpu.vector_load %arg8[%swap3A_2174, %swap3A_2175] {strides = array<i32>} : memref<1600x32xf32, #tpu.memory_space<vmem>>, vector<1x16xf32>,
        %swap3A_2177 = vector.shape_cast %swap3A_2176 : vector<1x16xf32> to vector<16xf32>
        %swap3A_2178 = vector.shape_cast %mul3A_2173 : vector<16xf32> to vector<1x16xf32>
        tpu.vector_store %arg8[%swap3A_2174, %swap3A_2175], %swap3A_2178 {strides = array<i32>} : memref<1600x32xf32, #tpu.memory_space<vmem>>, vector<1x16xf32>,
        %get3A_2179 = arith.index_cast %scan3A_2166 : i32 to index
        %get3A_2180 = arith.constant 16 : index
        %get3A_2181 = tpu.vector_load %arg8[%get3A_2179, %get3A_2180] {strides = array<i32>} : memref<1600x32xf32, #tpu.memory_space<vmem>>, vector<1x16xf32>,
        %get3A_2182 = vector.shape_cast %get3A_2181 : vector<1x16xf32> to vector<16xf32>
        %mul3A_2183 = arith.constant 5.65685415 : f32
        %mul3A_2184 = vector.broadcast %mul3A_2183 : f32 to vector<16xf32>
        %mul3A_2185 = arith.mulf %get3A_2182, %mul3A_2184 : vector<16xf32>
        %swap3A_2186 = arith.index_cast %scan3A_2166 : i32 to index
        %swap3A_2187 = arith.constant 16 : index
        %swap3A_2188 = tpu.vector_load %arg8[%swap3A_2186, %swap3A_2187] {strides = array<i32>} : memref<1600x32xf32, #tpu.memory_space<vmem>>, vector<1x16xf32>,
        %swap3A_2189 = vector.shape_cast %swap3A_2188 : vector<1x16xf32> to vector<16xf32>
        %swap3A_2190 = vector.shape_cast %mul3A_2185 : vector<16xf32> to vector<1x16xf32>
        tpu.vector_store %arg8[%swap3A_2186, %swap3A_2187], %swap3A_2190 {strides = array<i32>} : memref<1600x32xf32, #tpu.memory_space<vmem>>, vector<1x16xf32>,
        %scan3A_2191 = arith.constant 3 : i32
        %scan3A_2192 = arith.addi %scan3A_2116, %scan3A_2191 : i32
        %get3A_2193 = arith.index_cast %scan3A_2192 : i32 to index
        %get3A_2194 = arith.constant 0 : index
        %get3A_2195 = tpu.vector_load %arg8[%get3A_2193, %get3A_2194] {strides = array<i32>} : memref<1600x32xf32, #tpu.memory_space<vmem>>, vector<1x16xf32>,
        %get3A_2196 = vector.shape_cast %get3A_2195 : vector<1x16xf32> to vector<16xf32>
        %mul3A_2197 = arith.constant 5.65685415 : f32
        %mul3A_2198 = vector.broadcast %mul3A_2197 : f32 to vector<16xf32>
        %mul3A_2199 = arith.mulf %get3A_2196, %mul3A_2198 : vector<16xf32>
        %swap3A_2200 = arith.index_cast %scan3A_2192 : i32 to index
        %swap3A_2201 = arith.constant 0 : index
        %swap3A_2202 = tpu.vector_load %arg8[%swap3A_2200, %swap3A_2201] {strides = array<i32>} : memref<1600x32xf32, #tpu.memory_space<vmem>>, vector<1x16xf32>,
        %swap3A_2203 = vector.shape_cast %swap3A_2202 : vector<1x16xf32> to vector<16xf32>
        %swap3A_2204 = vector.shape_cast %mul3A_2199 : vector<16xf32> to vector<1x16xf32>
        tpu.vector_store %arg8[%swap3A_2200, %swap3A_2201], %swap3A_2204 {strides = array<i32>} : memref<1600x32xf32, #tpu.memory_space<vmem>>, vector<1x16xf32>,
        %get3A_2205 = arith.index_cast %scan3A_2192 : i32 to index
        %get3A_2206 = arith.constant 16 : index
        %get3A_2207 = tpu.vector_load %arg8[%get3A_2205, %get3A_2206] {strides = array<i32>} : memref<1600x32xf32, #tpu.memory_space<vmem>>, vector<1x16xf32>,
        %get3A_2208 = vector.shape_cast %get3A_2207 : vector<1x16xf32> to vector<16xf32>
        %mul3A_2209 = arith.constant 5.65685415 : f32
        %mul3A_2210 = vector.broadcast %mul3A_2209 : f32 to vector<16xf32>
        %mul3A_2211 = arith.mulf %get3A_2208, %mul3A_2210 : vector<16xf32>
        %swap3A_2212 = arith.index_cast %scan3A_2192 : i32 to index
        %swap3A_2213 = arith.constant 16 : index
        %swap3A_2214 = tpu.vector_load %arg8[%swap3A_2212, %swap3A_2213] {strides = array<i32>} : memref<1600x32xf32, #tpu.memory_space<vmem>>, vector<1x16xf32>,
        %swap3A_2215 = vector.shape_cast %swap3A_2214 : vector<1x16xf32> to vector<16xf32>
        %swap3A_2216 = vector.shape_cast %mul3A_2211 : vector<16xf32> to vector<1x16xf32>
        tpu.vector_store %arg8[%swap3A_2212, %swap3A_2213], %swap3A_2216 {strides = array<i32>} : memref<1600x32xf32, #tpu.memory_space<vmem>>, vector<1x16xf32>,
        %scan3A_2217 = arith.constant 4 : i32
        %scan3A_2218 = arith.addi %scan3A_2116, %scan3A_2217 : i32
        %get3A_2219 = arith.index_cast %scan3A_2218 : i32 to index
        %get3A_2220 = arith.constant 0 : index
        %get3A_2221 = tpu.vector_load %arg8[%get3A_2219, %get3A_2220] {strides = array<i32>} : memref<1600x32xf32, #tpu.memory_space<vmem>>, vector<1x16xf32>,
        %get3A_2222 = vector.shape_cast %get3A_2221 : vector<1x16xf32> to vector<16xf32>
        %mul3A_2223 = arith.constant 5.65685415 : f32
        %mul3A_2224 = vector.broadcast %mul3A_2223 : f32 to vector<16xf32>
        %mul3A_2225 = arith.mulf %get3A_2222, %mul3A_2224 : vector<16xf32>
        %swap3A_2226 = arith.index_cast %scan3A_2218 : i32 to index
        %swap3A_2227 = arith.constant 0 : index
        %swap3A_2228 = tpu.vector_load %arg8[%swap3A_2226, %swap3A_2227] {strides = array<i32>} : memref<1600x32xf32, #tpu.memory_space<vmem>>, vector<1x16xf32>,
        %swap3A_2229 = vector.shape_cast %swap3A_2228 : vector<1x16xf32> to vector<16xf32>
        %swap3A_2230 = vector.shape_cast %mul3A_2225 : vector<16xf32> to vector<1x16xf32>
        tpu.vector_store %arg8[%swap3A_2226, %swap3A_2227], %swap3A_2230 {strides = array<i32>} : memref<1600x32xf32, #tpu.memory_space<vmem>>, vector<1x16xf32>,
        %get3A_2231 = arith.index_cast %scan3A_2218 : i32 to index
        %get3A_2232 = arith.constant 16 : index
        %get3A_2233 = tpu.vector_load %arg8[%get3A_2231, %get3A_2232] {strides = array<i32>} : memref<1600x32xf32, #tpu.memory_space<vmem>>, vector<1x16xf32>,
        %get3A_2234 = vector.shape_cast %get3A_2233 : vector<1x16xf32> to vector<16xf32>
        %mul3A_2235 = arith.constant 5.65685415 : f32
        %mul3A_2236 = vector.broadcast %mul3A_2235 : f32 to vector<16xf32>
        %mul3A_2237 = arith.mulf %get3A_2234, %mul3A_2236 : vector<16xf32>
        %swap3A_2238 = arith.index_cast %scan3A_2218 : i32 to index
        %swap3A_2239 = arith.constant 16 : index
        %swap3A_2240 = tpu.vector_load %arg8[%swap3A_2238, %swap3A_2239] {strides = array<i32>} : memref<1600x32xf32, #tpu.memory_space<vmem>>, vector<1x16xf32>,
        %swap3A_2241 = vector.shape_cast %swap3A_2240 : vector<1x16xf32> to vector<16xf32>
        %swap3A_2242 = vector.shape_cast %mul3A_2237 : vector<16xf32> to vector<1x16xf32>
        tpu.vector_store %arg8[%swap3A_2238, %swap3A_2239], %swap3A_2242 {strides = array<i32>} : memref<1600x32xf32, #tpu.memory_space<vmem>>, vector<1x16xf32>,
        %scan3A_2243 = arith.constant 5 : i32
        %scan3A_2244 = arith.addi %scan3A_2116, %scan3A_2243 : i32
        %get3A_2245 = arith.index_cast %scan3A_2244 : i32 to index
        %get3A_2246 = arith.constant 0 : index
        %get3A_2247 = tpu.vector_load %arg8[%get3A_2245, %get3A_2246] {strides = array<i32>} : memref<1600x32xf32, #tpu.memory_space<vmem>>, vector<1x16xf32>,
        %get3A_2248 = vector.shape_cast %get3A_2247 : vector<1x16xf32> to vector<16xf32>
        %mul3A_2249 = arith.constant 5.65685415 : f32
        %mul3A_2250 = vector.broadcast %mul3A_2249 : f32 to vector<16xf32>
        %mul3A_2251 = arith.mulf %get3A_2248, %mul3A_2250 : vector<16xf32>
        %swap3A_2252 = arith.index_cast %scan3A_2244 : i32 to index
        %swap3A_2253 = arith.constant 0 : index
        %swap3A_2254 = tpu.vector_load %arg8[%swap3A_2252, %swap3A_2253] {strides = array<i32>} : memref<1600x32xf32, #tpu.memory_space<vmem>>, vector<1x16xf32>,
        %swap3A_2255 = vector.shape_cast %swap3A_2254 : vector<1x16xf32> to vector<16xf32>
        %swap3A_2256 = vector.shape_cast %mul3A_2251 : vector<16xf32> to vector<1x16xf32>
        tpu.vector_store %arg8[%swap3A_2252, %swap3A_2253], %swap3A_2256 {strides = array<i32>} : memref<1600x32xf32, #tpu.memory_space<vmem>>, vector<1x16xf32>,
        %get3A_2257 = arith.index_cast %scan3A_2244 : i32 to index
        %get3A_2258 = arith.constant 16 : index
        %get3A_2259 = tpu.vector_load %arg8[%get3A_2257, %get3A_2258] {strides = array<i32>} : memref<1600x32xf32, #tpu.memory_space<vmem>>, vector<1x16xf32>,
        %get3A_2260 = vector.shape_cast %get3A_2259 : vector<1x16xf32> to vector<16xf32>
        %mul3A_2261 = arith.constant 5.65685415 : f32
        %mul3A_2262 = vector.broadcast %mul3A_2261 : f32 to vector<16xf32>
        %mul3A_2263 = arith.mulf %get3A_2260, %mul3A_2262 : vector<16xf32>
        %swap3A_2264 = arith.index_cast %scan3A_2244 : i32 to index
        %swap3A_2265 = arith.constant 16 : index
        %swap3A_2266 = tpu.vector_load %arg8[%swap3A_2264, %swap3A_2265] {strides = array<i32>} : memref<1600x32xf32, #tpu.memory_space<vmem>>, vector<1x16xf32>,
        %swap3A_2267 = vector.shape_cast %swap3A_2266 : vector<1x16xf32> to vector<16xf32>
        %swap3A_2268 = vector.shape_cast %mul3A_2263 : vector<16xf32> to vector<1x16xf32>
        tpu.vector_store %arg8[%swap3A_2264, %swap3A_2265], %swap3A_2268 {strides = array<i32>} : memref<1600x32xf32, #tpu.memory_space<vmem>>, vector<1x16xf32>,
        %scan3A_2269 = arith.constant 6 : i32
        %scan3A_2270 = arith.addi %scan3A_2116, %scan3A_2269 : i32
        %get3A_2271 = arith.index_cast %scan3A_2270 : i32 to index
        %get3A_2272 = arith.constant 0 : index
        %get3A_2273 = tpu.vector_load %arg8[%get3A_2271, %get3A_2272] {strides = array<i32>} : memref<1600x32xf32, #tpu.memory_space<vmem>>, vector<1x16xf32>,
        %get3A_2274 = vector.shape_cast %get3A_2273 : vector<1x16xf32> to vector<16xf32>
        %mul3A_2275 = arith.constant 5.65685415 : f32
        %mul3A_2276 = vector.broadcast %mul3A_2275 : f32 to vector<16xf32>
        %mul3A_2277 = arith.mulf %get3A_2274, %mul3A_2276 : vector<16xf32>
        %swap3A_2278 = arith.index_cast %scan3A_2270 : i32 to index
        %swap3A_2279 = arith.constant 0 : index
        %swap3A_2280 = tpu.vector_load %arg8[%swap3A_2278, %swap3A_2279] {strides = array<i32>} : memref<1600x32xf32, #tpu.memory_space<vmem>>, vector<1x16xf32>,
        %swap3A_2281 = vector.shape_cast %swap3A_2280 : vector<1x16xf32> to vector<16xf32>
        %swap3A_2282 = vector.shape_cast %mul3A_2277 : vector<16xf32> to vector<1x16xf32>
        tpu.vector_store %arg8[%swap3A_2278, %swap3A_2279], %swap3A_2282 {strides = array<i32>} : memref<1600x32xf32, #tpu.memory_space<vmem>>, vector<1x16xf32>,
        %get3A_2283 = arith.index_cast %scan3A_2270 : i32 to index
        %get3A_2284 = arith.constant 16 : index
        %get3A_2285 = tpu.vector_load %arg8[%get3A_2283, %get3A_2284] {strides = array<i32>} : memref<1600x32xf32, #tpu.memory_space<vmem>>, vector<1x16xf32>,
        %get3A_2286 = vector.shape_cast %get3A_2285 : vector<1x16xf32> to vector<16xf32>
        %mul3A_2287 = arith.constant 5.65685415 : f32
        %mul3A_2288 = vector.broadcast %mul3A_2287 : f32 to vector<16xf32>
        %mul3A_2289 = arith.mulf %get3A_2286, %mul3A_2288 : vector<16xf32>
        %swap3A_2290 = arith.index_cast %scan3A_2270 : i32 to index
        %swap3A_2291 = arith.constant 16 : index
        %swap3A_2292 = tpu.vector_load %arg8[%swap3A_2290, %swap3A_2291] {strides = array<i32>} : memref<1600x32xf32, #tpu.memory_space<vmem>>, vector<1x16xf32>,
        %swap3A_2293 = vector.shape_cast %swap3A_2292 : vector<1x16xf32> to vector<16xf32>
        %swap3A_2294 = vector.shape_cast %mul3A_2289 : vector<16xf32> to vector<1x16xf32>
        tpu.vector_store %arg8[%swap3A_2290, %swap3A_2291], %swap3A_2294 {strides = array<i32>} : memref<1600x32xf32, #tpu.memory_space<vmem>>, vector<1x16xf32>,
        %scan3A_2295 = arith.constant 7 : i32
        %scan3A_2296 = arith.addi %scan3A_2116, %scan3A_2295 : i32
        %get3A_2297 = arith.index_cast %scan3A_2296 : i32 to index
        %get3A_2298 = arith.constant 0 : index
        %get3A_2299 = tpu.vector_load %arg8[%get3A_2297, %get3A_2298] {strides = array<i32>} : memref<1600x32xf32, #tpu.memory_space<vmem>>, vector<1x16xf32>,
        %get3A_2300 = vector.shape_cast %get3A_2299 : vector<1x16xf32> to vector<16xf32>
        %mul3A_2301 = arith.constant 5.65685415 : f32
        %mul3A_2302 = vector.broadcast %mul3A_2301 : f32 to vector<16xf32>
        %mul3A_2303 = arith.mulf %get3A_2300, %mul3A_2302 : vector<16xf32>
        %swap3A_2304 = arith.index_cast %scan3A_2296 : i32 to index
        %swap3A_2305 = arith.constant 0 : index
        %swap3A_2306 = tpu.vector_load %arg8[%swap3A_2304, %swap3A_2305] {strides = array<i32>} : memref<1600x32xf32, #tpu.memory_space<vmem>>, vector<1x16xf32>,
        %swap3A_2307 = vector.shape_cast %swap3A_2306 : vector<1x16xf32> to vector<16xf32>
        %swap3A_2308 = vector.shape_cast %mul3A_2303 : vector<16xf32> to vector<1x16xf32>
        tpu.vector_store %arg8[%swap3A_2304, %swap3A_2305], %swap3A_2308 {strides = array<i32>} : memref<1600x32xf32, #tpu.memory_space<vmem>>, vector<1x16xf32>,
        %get3A_2309 = arith.index_cast %scan3A_2296 : i32 to index
        %get3A_2310 = arith.constant 16 : index
        %get3A_2311 = tpu.vector_load %arg8[%get3A_2309, %get3A_2310] {strides = array<i32>} : memref<1600x32xf32, #tpu.memory_space<vmem>>, vector<1x16xf32>,
        %get3A_2312 = vector.shape_cast %get3A_2311 : vector<1x16xf32> to vector<16xf32>
        %mul3A_2313 = arith.constant 5.65685415 : f32
        %mul3A_2314 = vector.broadcast %mul3A_2313 : f32 to vector<16xf32>
        %mul3A_2315 = arith.mulf %get3A_2312, %mul3A_2314 : vector<16xf32>
        %swap3A_2316 = arith.index_cast %scan3A_2296 : i32 to index
        %swap3A_2317 = arith.constant 16 : index
        %swap3A_2318 = tpu.vector_load %arg8[%swap3A_2316, %swap3A_2317] {strides = array<i32>} : memref<1600x32xf32, #tpu.memory_space<vmem>>, vector<1x16xf32>,
        %swap3A_2319 = vector.shape_cast %swap3A_2318 : vector<1x16xf32> to vector<16xf32>
        %swap3A_2320 = vector.shape_cast %mul3A_2315 : vector<16xf32> to vector<1x16xf32>
        tpu.vector_store %arg8[%swap3A_2316, %swap3A_2317], %swap3A_2320 {strides = array<i32>} : memref<1600x32xf32, #tpu.memory_space<vmem>>, vector<1x16xf32>,
      }
      %scan3A_1593 = arith.constant 1600 : i32
      %mul3A_1594 = arith.constant 32 : i32
      %mul3A_1595 = arith.muli %add3A_1584, %mul3A_1594 : i32
      %add3A_1596 = arith.addi %mul3A_6, %mul3A_1595 : i32
      %add3A_1597 = arith.constant 0 : i32
      %add3A_1598 = arith.addi %add3A_1596, %add3A_1597 : i32
      %dma_start3A_1599 = arith.constant 0 : i32
      %dma_start3A_1600 = arith.constant 0 : i32
      %dma_start3A_1601 = tpu.memref_slice %arg8[%dma_start3A_1599, %dma_start3A_1600] : memref<1600x32xf32, #tpu.memory_space<vmem>> -> memref<50x32xf32, #tpu.memory_space<vmem>>
      %dma_start3A_1602 = arith.constant 0 : i32
      %dma_start3A_1603 = arith.constant 0 : i32
      %dma_start3A_1604 = tpu.memref_slice %arg4[%add3A_1598, %dma_start3A_1602, %dma_start3A_1603] : memref<16384x50x32xf32, #tpu.memory_space<hbm>> -> memref<1x50x32xf32, #tpu.memory_space<hbm>>
      %dma_start3A_1605 = tpu.memref_squeeze %dma_start3A_1604 : memref<1x50x32xf32, #tpu.memory_space<hbm>> -> memref<50x32xf32, #tpu.memory_space<hbm>>
      %dma_start3A_1606 = arith.constant 0 : i32
      %dma_start3A_1607 = arith.constant 0 : i32
      %dma_start3A_1608 = tpu.memref_slice %arg4[%add3A_1598, %dma_start3A_1606, %dma_start3A_1607] : memref<16384x50x32xf32, #tpu.memory_space<hbm>> -> memref<1x50x32xf32, #tpu.memory_space<hbm>>
      %dma_start3A_1609 = tpu.memref_squeeze %dma_start3A_1608 : memref<1x50x32xf32, #tpu.memory_space<hbm>> -> memref<50x32xf32, #tpu.memory_space<hbm>>
      %dma_start3A_1610 = arith.constant 0 : i32
      %dma_start3A_1611 = arith.constant 0 : i32
      %dma_start3A_1612 = tpu.memref_slice %arg8[%dma_start3A_1610, %dma_start3A_1611] : memref<1600x32xf32, #tpu.memory_space<vmem>> -> memref<50x32xf32, #tpu.memory_space<vmem>>
      tpu.enqueue_dma source(%dma_start3A_1612 : memref<50x32xf32, #tpu.memory_space<vmem>>) target(%dma_start3A_1609 : memref<50x32xf32, #tpu.memory_space<hbm>>) target_semaphore(%arg12 : memref<!tpu.dma_semaphore, #tpu.memory_space<semaphore_mem>>)
      %add3A_1613 = arith.constant 1 : i32
      %add3A_1614 = arith.addi %add3A_1596, %add3A_1613 : i32
      %dma_start3A_1615 = arith.constant 50 : i32
      %dma_start3A_1616 = arith.constant 0 : i32
      %dma_start3A_1617 = tpu.memref_slice %arg8[%dma_start3A_1615, %dma_start3A_1616] : memref<1600x32xf32, #tpu.memory_space<vmem>> -> memref<50x32xf32, #tpu.memory_space<vmem>>
      %dma_start3A_1618 = arith.constant 0 : i32
      %dma_start3A_1619 = arith.constant 0 : i32
      %dma_start3A_1620 = tpu.memref_slice %arg4[%add3A_1614, %dma_start3A_1618, %dma_start3A_1619] : memref<16384x50x32xf32, #tpu.memory_space<hbm>> -> memref<1x50x32xf32, #tpu.memory_space<hbm>>
      %dma_start3A_1621 = tpu.memref_squeeze %dma_start3A_1620 : memref<1x50x32xf32, #tpu.memory_space<hbm>> -> memref<50x32xf32, #tpu.memory_space<hbm>>
      %dma_start3A_1622 = arith.constant 0 : i32
      %dma_start3A_1623 = arith.constant 0 : i32
      %dma_start3A_1624 = tpu.memref_slice %arg4[%add3A_1614, %dma_start3A_1622, %dma_start3A_1623] : memref<16384x50x32xf32, #tpu.memory_space<hbm>> -> memref<1x50x32xf32, #tpu.memory_space<hbm>>
      %dma_start3A_1625 = tpu.memref_squeeze %dma_start3A_1624 : memref<1x50x32xf32, #tpu.memory_space<hbm>> -> memref<50x32xf32, #tpu.memory_space<hbm>>
      %dma_start3A_1626 = arith.constant 50 : i32
      %dma_start3A_1627 = arith.constant 0 : i32
      %dma_start3A_1628 = tpu.memref_slice %arg8[%dma_start3A_1626, %dma_start3A_1627] : memref<1600x32xf32, #tpu.memory_space<vmem>> -> memref<50x32xf32, #tpu.memory_space<vmem>>
      tpu.enqueue_dma source(%dma_start3A_1628 : memref<50x32xf32, #tpu.memory_space<vmem>>) target(%dma_start3A_1625 : memref<50x32xf32, #tpu.memory_space<hbm>>) target_semaphore(%arg12 : memref<!tpu.dma_semaphore, #tpu.memory_space<semaphore_mem>>)
      %add3A_1629 = arith.constant 2 : i32
      %add3A_1630 = arith.addi %add3A_1596, %add3A_1629 : i32
      %dma_start3A_1631 = arith.constant 100 : i32
      %dma_start3A_1632 = arith.constant 0 : i32
      %dma_start3A_1633 = tpu.memref_slice %arg8[%dma_start3A_1631, %dma_start3A_1632] : memref<1600x32xf32, #tpu.memory_space<vmem>> -> memref<50x32xf32, #tpu.memory_space<vmem>>
      %dma_start3A_1634 = arith.constant 0 : i32
      %dma_start3A_1635 = arith.constant 0 : i32
      %dma_start3A_1636 = tpu.memref_slice %arg4[%add3A_1630, %dma_start3A_1634, %dma_start3A_1635] : memref<16384x50x32xf32, #tpu.memory_space<hbm>> -> memref<1x50x32xf32, #tpu.memory_space<hbm>>
      %dma_start3A_1637 = tpu.memref_squeeze %dma_start3A_1636 : memref<1x50x32xf32, #tpu.memory_space<hbm>> -> memref<50x32xf32, #tpu.memory_space<hbm>>
      %dma_start3A_1638 = arith.constant 0 : i32
      %dma_start3A_1639 = arith.constant 0 : i32
      %dma_start3A_1640 = tpu.memref_slice %arg4[%add3A_1630, %dma_start3A_1638, %dma_start3A_1639] : memref<16384x50x32xf32, #tpu.memory_space<hbm>> -> memref<1x50x32xf32, #tpu.memory_space<hbm>>
      %dma_start3A_1641 = tpu.memref_squeeze %dma_start3A_1640 : memref<1x50x32xf32, #tpu.memory_space<hbm>> -> memref<50x32xf32, #tpu.memory_space<hbm>>
      %dma_start3A_1642 = arith.constant 100 : i32
      %dma_start3A_1643 = arith.constant 0 : i32
      %dma_start3A_1644 = tpu.memref_slice %arg8[%dma_start3A_1642, %dma_start3A_1643] : memref<1600x32xf32, #tpu.memory_space<vmem>> -> memref<50x32xf32, #tpu.memory_space<vmem>>
      tpu.enqueue_dma source(%dma_start3A_1644 : memref<50x32xf32, #tpu.memory_space<vmem>>) target(%dma_start3A_1641 : memref<50x32xf32, #tpu.memory_space<hbm>>) target_semaphore(%arg12 : memref<!tpu.dma_semaphore, #tpu.memory_space<semaphore_mem>>)
      %add3A_1645 = arith.constant 3 : i32
      %add3A_1646 = arith.addi %add3A_1596, %add3A_1645 : i32
      %dma_start3A_1647 = arith.constant 150 : i32
      %dma_start3A_1648 = arith.constant 0 : i32
      %dma_start3A_1649 = tpu.memref_slice %arg8[%dma_start3A_1647, %dma_start3A_1648] : memref<1600x32xf32, #tpu.memory_space<vmem>> -> memref<50x32xf32, #tpu.memory_space<vmem>>
      %dma_start3A_1650 = arith.constant 0 : i32
      %dma_start3A_1651 = arith.constant 0 : i32
      %dma_start3A_1652 = tpu.memref_slice %arg4[%add3A_1646, %dma_start3A_1650, %dma_start3A_1651] : memref<16384x50x32xf32, #tpu.memory_space<hbm>> -> memref<1x50x32xf32, #tpu.memory_space<hbm>>
      %dma_start3A_1653 = tpu.memref_squeeze %dma_start3A_1652 : memref<1x50x32xf32, #tpu.memory_space<hbm>> -> memref<50x32xf32, #tpu.memory_space<hbm>>
      %dma_start3A_1654 = arith.constant 0 : i32
      %dma_start3A_1655 = arith.constant 0 : i32
      %dma_start3A_1656 = tpu.memref_slice %arg4[%add3A_1646, %dma_start3A_1654, %dma_start3A_1655] : memref<16384x50x32xf32, #tpu.memory_space<hbm>> -> memref<1x50x32xf32, #tpu.memory_space<hbm>>
      %dma_start3A_1657 = tpu.memref_squeeze %dma_start3A_1656 : memref<1x50x32xf32, #tpu.memory_space<hbm>> -> memref<50x32xf32, #tpu.memory_space<hbm>>
      %dma_start3A_1658 = arith.constant 150 : i32
      %dma_start3A_1659 = arith.constant 0 : i32
      %dma_start3A_1660 = tpu.memref_slice %arg8[%dma_start3A_1658, %dma_start3A_1659] : memref<1600x32xf32, #tpu.memory_space<vmem>> -> memref<50x32xf32, #tpu.memory_space<vmem>>
      tpu.enqueue_dma source(%dma_start3A_1660 : memref<50x32xf32, #tpu.memory_space<vmem>>) target(%dma_start3A_1657 : memref<50x32xf32, #tpu.memory_space<hbm>>) target_semaphore(%arg12 : memref<!tpu.dma_semaphore, #tpu.memory_space<semaphore_mem>>)
      %add3A_1661 = arith.constant 4 : i32
      %add3A_1662 = arith.addi %add3A_1596, %add3A_1661 : i32
      %dma_start3A_1663 = arith.constant 200 : i32
      %dma_start3A_1664 = arith.constant 0 : i32
      %dma_start3A_1665 = tpu.memref_slice %arg8[%dma_start3A_1663, %dma_start3A_1664] : memref<1600x32xf32, #tpu.memory_space<vmem>> -> memref<50x32xf32, #tpu.memory_space<vmem>>
      %dma_start3A_1666 = arith.constant 0 : i32
      %dma_start3A_1667 = arith.constant 0 : i32
      %dma_start3A_1668 = tpu.memref_slice %arg4[%add3A_1662, %dma_start3A_1666, %dma_start3A_1667] : memref<16384x50x32xf32, #tpu.memory_space<hbm>> -> memref<1x50x32xf32, #tpu.memory_space<hbm>>
      %dma_start3A_1669 = tpu.memref_squeeze %dma_start3A_1668 : memref<1x50x32xf32, #tpu.memory_space<hbm>> -> memref<50x32xf32, #tpu.memory_space<hbm>>
      %dma_start3A_1670 = arith.constant 0 : i32
      %dma_start3A_1671 = arith.constant 0 : i32
      %dma_start3A_1672 = tpu.memref_slice %arg4[%add3A_1662, %dma_start3A_1670, %dma_start3A_1671] : memref<16384x50x32xf32, #tpu.memory_space<hbm>> -> memref<1x50x32xf32, #tpu.memory_space<hbm>>
      %dma_start3A_1673 = tpu.memref_squeeze %dma_start3A_1672 : memref<1x50x32xf32, #tpu.memory_space<hbm>> -> memref<50x32xf32, #tpu.memory_space<hbm>>
      %dma_start3A_1674 = arith.constant 200 : i32
      %dma_start3A_1675 = arith.constant 0 : i32
      %dma_start3A_1676 = tpu.memref_slice %arg8[%dma_start3A_1674, %dma_start3A_1675] : memref<1600x32xf32, #tpu.memory_space<vmem>> -> memref<50x32xf32, #tpu.memory_space<vmem>>
      tpu.enqueue_dma source(%dma_start3A_1676 : memref<50x32xf32, #tpu.memory_space<vmem>>) target(%dma_start3A_1673 : memref<50x32xf32, #tpu.memory_space<hbm>>) target_semaphore(%arg12 : memref<!tpu.dma_semaphore, #tpu.memory_space<semaphore_mem>>)
      %add3A_1677 = arith.constant 5 : i32
      %add3A_1678 = arith.addi %add3A_1596, %add3A_1677 : i32
      %dma_start3A_1679 = arith.constant 250 : i32
      %dma_start3A_1680 = arith.constant 0 : i32
      %dma_start3A_1681 = tpu.memref_slice %arg8[%dma_start3A_1679, %dma_start3A_1680] : memref<1600x32xf32, #tpu.memory_space<vmem>> -> memref<50x32xf32, #tpu.memory_space<vmem>>
      %dma_start3A_1682 = arith.constant 0 : i32
      %dma_start3A_1683 = arith.constant 0 : i32
      %dma_start3A_1684 = tpu.memref_slice %arg4[%add3A_1678, %dma_start3A_1682, %dma_start3A_1683] : memref<16384x50x32xf32, #tpu.memory_space<hbm>> -> memref<1x50x32xf32, #tpu.memory_space<hbm>>
      %dma_start3A_1685 = tpu.memref_squeeze %dma_start3A_1684 : memref<1x50x32xf32, #tpu.memory_space<hbm>> -> memref<50x32xf32, #tpu.memory_space<hbm>>
      %dma_start3A_1686 = arith.constant 0 : i32
      %dma_start3A_1687 = arith.constant 0 : i32
      %dma_start3A_1688 = tpu.memref_slice %arg4[%add3A_1678, %dma_start3A_1686, %dma_start3A_1687] : memref<16384x50x32xf32, #tpu.memory_space<hbm>> -> memref<1x50x32xf32, #tpu.memory_space<hbm>>
      %dma_start3A_1689 = tpu.memref_squeeze %dma_start3A_1688 : memref<1x50x32xf32, #tpu.memory_space<hbm>> -> memref<50x32xf32, #tpu.memory_space<hbm>>
      %dma_start3A_1690 = arith.constant 250 : i32
      %dma_start3A_1691 = arith.constant 0 : i32
      %dma_start3A_1692 = tpu.memref_slice %arg8[%dma_start3A_1690, %dma_start3A_1691] : memref<1600x32xf32, #tpu.memory_space<vmem>> -> memref<50x32xf32, #tpu.memory_space<vmem>>
      tpu.enqueue_dma source(%dma_start3A_1692 : memref<50x32xf32, #tpu.memory_space<vmem>>) target(%dma_start3A_1689 : memref<50x32xf32, #tpu.memory_space<hbm>>) target_semaphore(%arg12 : memref<!tpu.dma_semaphore, #tpu.memory_space<semaphore_mem>>)
      %add3A_1693 = arith.constant 6 : i32
      %add3A_1694 = arith.addi %add3A_1596, %add3A_1693 : i32
      %dma_start3A_1695 = arith.constant 300 : i32
      %dma_start3A_1696 = arith.constant 0 : i32
      %dma_start3A_1697 = tpu.memref_slice %arg8[%dma_start3A_1695, %dma_start3A_1696] : memref<1600x32xf32, #tpu.memory_space<vmem>> -> memref<50x32xf32, #tpu.memory_space<vmem>>
      %dma_start3A_1698 = arith.constant 0 : i32
      %dma_start3A_1699 = arith.constant 0 : i32
      %dma_start3A_1700 = tpu.memref_slice %arg4[%add3A_1694, %dma_start3A_1698, %dma_start3A_1699] : memref<16384x50x32xf32, #tpu.memory_space<hbm>> -> memref<1x50x32xf32, #tpu.memory_space<hbm>>
      %dma_start3A_1701 = tpu.memref_squeeze %dma_start3A_1700 : memref<1x50x32xf32, #tpu.memory_space<hbm>> -> memref<50x32xf32, #tpu.memory_space<hbm>>
      %dma_start3A_1702 = arith.constant 0 : i32
      %dma_start3A_1703 = arith.constant 0 : i32
      %dma_start3A_1704 = tpu.memref_slice %arg4[%add3A_1694, %dma_start3A_1702, %dma_start3A_1703] : memref<16384x50x32xf32, #tpu.memory_space<hbm>> -> memref<1x50x32xf32, #tpu.memory_space<hbm>>
      %dma_start3A_1705 = tpu.memref_squeeze %dma_start3A_1704 : memref<1x50x32xf32, #tpu.memory_space<hbm>> -> memref<50x32xf32, #tpu.memory_space<hbm>>
      %dma_start3A_1706 = arith.constant 300 : i32
      %dma_start3A_1707 = arith.constant 0 : i32
      %dma_start3A_1708 = tpu.memref_slice %arg8[%dma_start3A_1706, %dma_start3A_1707] : memref<1600x32xf32, #tpu.memory_space<vmem>> -> memref<50x32xf32, #tpu.memory_space<vmem>>
      tpu.enqueue_dma source(%dma_start3A_1708 : memref<50x32xf32, #tpu.memory_space<vmem>>) target(%dma_start3A_1705 : memref<50x32xf32, #tpu.memory_space<hbm>>) target_semaphore(%arg12 : memref<!tpu.dma_semaphore, #tpu.memory_space<semaphore_mem>>)
      %add3A_1709 = arith.constant 7 : i32
      %add3A_1710 = arith.addi %add3A_1596, %add3A_1709 : i32
      %dma_start3A_1711 = arith.constant 350 : i32
      %dma_start3A_1712 = arith.constant 0 : i32
      %dma_start3A_1713 = tpu.memref_slice %arg8[%dma_start3A_1711, %dma_start3A_1712] : memref<1600x32xf32, #tpu.memory_space<vmem>> -> memref<50x32xf32, #tpu.memory_space<vmem>>
      %dma_start3A_1714 = arith.constant 0 : i32
      %dma_start3A_1715 = arith.constant 0 : i32
      %dma_start3A_1716 = tpu.memref_slice %arg4[%add3A_1710, %dma_start3A_1714, %dma_start3A_1715] : memref<16384x50x32xf32, #tpu.memory_space<hbm>> -> memref<1x50x32xf32, #tpu.memory_space<hbm>>
      %dma_start3A_1717 = tpu.memref_squeeze %dma_start3A_1716 : memref<1x50x32xf32, #tpu.memory_space<hbm>> -> memref<50x32xf32, #tpu.memory_space<hbm>>
      %dma_start3A_1718 = arith.constant 0 : i32
      %dma_start3A_1719 = arith.constant 0 : i32
      %dma_start3A_1720 = tpu.memref_slice %arg4[%add3A_1710, %dma_start3A_1718, %dma_start3A_1719] : memref<16384x50x32xf32, #tpu.memory_space<hbm>> -> memref<1x50x32xf32, #tpu.memory_space<hbm>>
      %dma_start3A_1721 = tpu.memref_squeeze %dma_start3A_1720 : memref<1x50x32xf32, #tpu.memory_space<hbm>> -> memref<50x32xf32, #tpu.memory_space<hbm>>
      %dma_start3A_1722 = arith.constant 350 : i32
      %dma_start3A_1723 = arith.constant 0 : i32
      %dma_start3A_1724 = tpu.memref_slice %arg8[%dma_start3A_1722, %dma_start3A_1723] : memref<1600x32xf32, #tpu.memory_space<vmem>> -> memref<50x32xf32, #tpu.memory_space<vmem>>
      tpu.enqueue_dma source(%dma_start3A_1724 : memref<50x32xf32, #tpu.memory_space<vmem>>) target(%dma_start3A_1721 : memref<50x32xf32, #tpu.memory_space<hbm>>) target_semaphore(%arg12 : memref<!tpu.dma_semaphore, #tpu.memory_space<semaphore_mem>>)
      %add3A_1725 = arith.constant 8 : i32
      %add3A_1726 = arith.addi %add3A_1596, %add3A_1725 : i32
      %dma_start3A_1727 = arith.constant 400 : i32
      %dma_start3A_1728 = arith.constant 0 : i32
      %dma_start3A_1729 = tpu.memref_slice %arg8[%dma_start3A_1727, %dma_start3A_1728] : memref<1600x32xf32, #tpu.memory_space<vmem>> -> memref<50x32xf32, #tpu.memory_space<vmem>>
      %dma_start3A_1730 = arith.constant 0 : i32
      %dma_start3A_1731 = arith.constant 0 : i32
      %dma_start3A_1732 = tpu.memref_slice %arg4[%add3A_1726, %dma_start3A_1730, %dma_start3A_1731] : memref<16384x50x32xf32, #tpu.memory_space<hbm>> -> memref<1x50x32xf32, #tpu.memory_space<hbm>>
      %dma_start3A_1733 = tpu.memref_squeeze %dma_start3A_1732 : memref<1x50x32xf32, #tpu.memory_space<hbm>> -> memref<50x32xf32, #tpu.memory_space<hbm>>
      %dma_start3A_1734 = arith.constant 0 : i32
      %dma_start3A_1735 = arith.constant 0 : i32
      %dma_start3A_1736 = tpu.memref_slice %arg4[%add3A_1726, %dma_start3A_1734, %dma_start3A_1735] : memref<16384x50x32xf32, #tpu.memory_space<hbm>> -> memref<1x50x32xf32, #tpu.memory_space<hbm>>
      %dma_start3A_1737 = tpu.memref_squeeze %dma_start3A_1736 : memref<1x50x32xf32, #tpu.memory_space<hbm>> -> memref<50x32xf32, #tpu.memory_space<hbm>>
      %dma_start3A_1738 = arith.constant 400 : i32
      %dma_start3A_1739 = arith.constant 0 : i32
      %dma_start3A_1740 = tpu.memref_slice %arg8[%dma_start3A_1738, %dma_start3A_1739] : memref<1600x32xf32, #tpu.memory_space<vmem>> -> memref<50x32xf32, #tpu.memory_space<vmem>>
      tpu.enqueue_dma source(%dma_start3A_1740 : memref<50x32xf32, #tpu.memory_space<vmem>>) target(%dma_start3A_1737 : memref<50x32xf32, #tpu.memory_space<hbm>>) target_semaphore(%arg12 : memref<!tpu.dma_semaphore, #tpu.memory_space<semaphore_mem>>)
      %add3A_1741 = arith.constant 9 : i32
      %add3A_1742 = arith.addi %add3A_1596, %add3A_1741 : i32
      %dma_start3A_1743 = arith.constant 450 : i32
      %dma_start3A_1744 = arith.constant 0 : i32
      %dma_start3A_1745 = tpu.memref_slice %arg8[%dma_start3A_1743, %dma_start3A_1744] : memref<1600x32xf32, #tpu.memory_space<vmem>> -> memref<50x32xf32, #tpu.memory_space<vmem>>
      %dma_start3A_1746 = arith.constant 0 : i32
      %dma_start3A_1747 = arith.constant 0 : i32
      %dma_start3A_1748 = tpu.memref_slice %arg4[%add3A_1742, %dma_start3A_1746, %dma_start3A_1747] : memref<16384x50x32xf32, #tpu.memory_space<hbm>> -> memref<1x50x32xf32, #tpu.memory_space<hbm>>
      %dma_start3A_1749 = tpu.memref_squeeze %dma_start3A_1748 : memref<1x50x32xf32, #tpu.memory_space<hbm>> -> memref<50x32xf32, #tpu.memory_space<hbm>>
      %dma_start3A_1750 = arith.constant 0 : i32
      %dma_start3A_1751 = arith.constant 0 : i32
      %dma_start3A_1752 = tpu.memref_slice %arg4[%add3A_1742, %dma_start3A_1750, %dma_start3A_1751] : memref<16384x50x32xf32, #tpu.memory_space<hbm>> -> memref<1x50x32xf32, #tpu.memory_space<hbm>>
      %dma_start3A_1753 = tpu.memref_squeeze %dma_start3A_1752 : memref<1x50x32xf32, #tpu.memory_space<hbm>> -> memref<50x32xf32, #tpu.memory_space<hbm>>
      %dma_start3A_1754 = arith.constant 450 : i32
      %dma_start3A_1755 = arith.constant 0 : i32
      %dma_start3A_1756 = tpu.memref_slice %arg8[%dma_start3A_1754, %dma_start3A_1755] : memref<1600x32xf32, #tpu.memory_space<vmem>> -> memref<50x32xf32, #tpu.memory_space<vmem>>
      tpu.enqueue_dma source(%dma_start3A_1756 : memref<50x32xf32, #tpu.memory_space<vmem>>) target(%dma_start3A_1753 : memref<50x32xf32, #tpu.memory_space<hbm>>) target_semaphore(%arg12 : memref<!tpu.dma_semaphore, #tpu.memory_space<semaphore_mem>>)
      %add3A_1757 = arith.constant 10 : i32
      %add3A_1758 = arith.addi %add3A_1596, %add3A_1757 : i32
      %dma_start3A_1759 = arith.constant 500 : i32
      %dma_start3A_1760 = arith.constant 0 : i32
      %dma_start3A_1761 = tpu.memref_slice %arg8[%dma_start3A_1759, %dma_start3A_1760] : memref<1600x32xf32, #tpu.memory_space<vmem>> -> memref<50x32xf32, #tpu.memory_space<vmem>>
      %dma_start3A_1762 = arith.constant 0 : i32
      %dma_start3A_1763 = arith.constant 0 : i32
      %dma_start3A_1764 = tpu.memref_slice %arg4[%add3A_1758, %dma_start3A_1762, %dma_start3A_1763] : memref<16384x50x32xf32, #tpu.memory_space<hbm>> -> memref<1x50x32xf32, #tpu.memory_space<hbm>>
      %dma_start3A_1765 = tpu.memref_squeeze %dma_start3A_1764 : memref<1x50x32xf32, #tpu.memory_space<hbm>> -> memref<50x32xf32, #tpu.memory_space<hbm>>
      %dma_start3A_1766 = arith.constant 0 : i32
      %dma_start3A_1767 = arith.constant 0 : i32
      %dma_start3A_1768 = tpu.memref_slice %arg4[%add3A_1758, %dma_start3A_1766, %dma_start3A_1767] : memref<16384x50x32xf32, #tpu.memory_space<hbm>> -> memref<1x50x32xf32, #tpu.memory_space<hbm>>
      %dma_start3A_1769 = tpu.memref_squeeze %dma_start3A_1768 : memref<1x50x32xf32, #tpu.memory_space<hbm>> -> memref<50x32xf32, #tpu.memory_space<hbm>>
      %dma_start3A_1770 = arith.constant 500 : i32
      %dma_start3A_1771 = arith.constant 0 : i32
      %dma_start3A_1772 = tpu.memref_slice %arg8[%dma_start3A_1770, %dma_start3A_1771] : memref<1600x32xf32, #tpu.memory_space<vmem>> -> memref<50x32xf32, #tpu.memory_space<vmem>>
      tpu.enqueue_dma source(%dma_start3A_1772 : memref<50x32xf32, #tpu.memory_space<vmem>>) target(%dma_start3A_1769 : memref<50x32xf32, #tpu.memory_space<hbm>>) target_semaphore(%arg12 : memref<!tpu.dma_semaphore, #tpu.memory_space<semaphore_mem>>)
      %add3A_1773 = arith.constant 11 : i32
      %add3A_1774 = arith.addi %add3A_1596, %add3A_1773 : i32
      %dma_start3A_1775 = arith.constant 550 : i32
      %dma_start3A_1776 = arith.constant 0 : i32
      %dma_start3A_1777 = tpu.memref_slice %arg8[%dma_start3A_1775, %dma_start3A_1776] : memref<1600x32xf32, #tpu.memory_space<vmem>> -> memref<50x32xf32, #tpu.memory_space<vmem>>
      %dma_start3A_1778 = arith.constant 0 : i32
      %dma_start3A_1779 = arith.constant 0 : i32
      %dma_start3A_1780 = tpu.memref_slice %arg4[%add3A_1774, %dma_start3A_1778, %dma_start3A_1779] : memref<16384x50x32xf32, #tpu.memory_space<hbm>> -> memref<1x50x32xf32, #tpu.memory_space<hbm>>
      %dma_start3A_1781 = tpu.memref_squeeze %dma_start3A_1780 : memref<1x50x32xf32, #tpu.memory_space<hbm>> -> memref<50x32xf32, #tpu.memory_space<hbm>>
      %dma_start3A_1782 = arith.constant 0 : i32
      %dma_start3A_1783 = arith.constant 0 : i32
      %dma_start3A_1784 = tpu.memref_slice %arg4[%add3A_1774, %dma_start3A_1782, %dma_start3A_1783] : memref<16384x50x32xf32, #tpu.memory_space<hbm>> -> memref<1x50x32xf32, #tpu.memory_space<hbm>>
      %dma_start3A_1785 = tpu.memref_squeeze %dma_start3A_1784 : memref<1x50x32xf32, #tpu.memory_space<hbm>> -> memref<50x32xf32, #tpu.memory_space<hbm>>
      %dma_start3A_1786 = arith.constant 550 : i32
      %dma_start3A_1787 = arith.constant 0 : i32
      %dma_start3A_1788 = tpu.memref_slice %arg8[%dma_start3A_1786, %dma_start3A_1787] : memref<1600x32xf32, #tpu.memory_space<vmem>> -> memref<50x32xf32, #tpu.memory_space<vmem>>
      tpu.enqueue_dma source(%dma_start3A_1788 : memref<50x32xf32, #tpu.memory_space<vmem>>) target(%dma_start3A_1785 : memref<50x32xf32, #tpu.memory_space<hbm>>) target_semaphore(%arg12 : memref<!tpu.dma_semaphore, #tpu.memory_space<semaphore_mem>>)
      %add3A_1789 = arith.constant 12 : i32
      %add3A_1790 = arith.addi %add3A_1596, %add3A_1789 : i32
      %dma_start3A_1791 = arith.constant 600 : i32
      %dma_start3A_1792 = arith.constant 0 : i32
      %dma_start3A_1793 = tpu.memref_slice %arg8[%dma_start3A_1791, %dma_start3A_1792] : memref<1600x32xf32, #tpu.memory_space<vmem>> -> memref<50x32xf32, #tpu.memory_space<vmem>>
      %dma_start3A_1794 = arith.constant 0 : i32
      %dma_start3A_1795 = arith.constant 0 : i32
      %dma_start3A_1796 = tpu.memref_slice %arg4[%add3A_1790, %dma_start3A_1794, %dma_start3A_1795] : memref<16384x50x32xf32, #tpu.memory_space<hbm>> -> memref<1x50x32xf32, #tpu.memory_space<hbm>>
      %dma_start3A_1797 = tpu.memref_squeeze %dma_start3A_1796 : memref<1x50x32xf32, #tpu.memory_space<hbm>> -> memref<50x32xf32, #tpu.memory_space<hbm>>
      %dma_start3A_1798 = arith.constant 0 : i32
      %dma_start3A_1799 = arith.constant 0 : i32
      %dma_start3A_1800 = tpu.memref_slice %arg4[%add3A_1790, %dma_start3A_1798, %dma_start3A_1799] : memref<16384x50x32xf32, #tpu.memory_space<hbm>> -> memref<1x50x32xf32, #tpu.memory_space<hbm>>
      %dma_start3A_1801 = tpu.memref_squeeze %dma_start3A_1800 : memref<1x50x32xf32, #tpu.memory_space<hbm>> -> memref<50x32xf32, #tpu.memory_space<hbm>>
      %dma_start3A_1802 = arith.constant 600 : i32
      %dma_start3A_1803 = arith.constant 0 : i32
      %dma_start3A_1804 = tpu.memref_slice %arg8[%dma_start3A_1802, %dma_start3A_1803] : memref<1600x32xf32, #tpu.memory_space<vmem>> -> memref<50x32xf32, #tpu.memory_space<vmem>>
      tpu.enqueue_dma source(%dma_start3A_1804 : memref<50x32xf32, #tpu.memory_space<vmem>>) target(%dma_start3A_1801 : memref<50x32xf32, #tpu.memory_space<hbm>>) target_semaphore(%arg12 : memref<!tpu.dma_semaphore, #tpu.memory_space<semaphore_mem>>)
      %add3A_1805 = arith.constant 13 : i32
      %add3A_1806 = arith.addi %add3A_1596, %add3A_1805 : i32
      %dma_start3A_1807 = arith.constant 650 : i32
      %dma_start3A_1808 = arith.constant 0 : i32
      %dma_start3A_1809 = tpu.memref_slice %arg8[%dma_start3A_1807, %dma_start3A_1808] : memref<1600x32xf32, #tpu.memory_space<vmem>> -> memref<50x32xf32, #tpu.memory_space<vmem>>
      %dma_start3A_1810 = arith.constant 0 : i32
      %dma_start3A_1811 = arith.constant 0 : i32
      %dma_start3A_1812 = tpu.memref_slice %arg4[%add3A_1806, %dma_start3A_1810, %dma_start3A_1811] : memref<16384x50x32xf32, #tpu.memory_space<hbm>> -> memref<1x50x32xf32, #tpu.memory_space<hbm>>
      %dma_start3A_1813 = tpu.memref_squeeze %dma_start3A_1812 : memref<1x50x32xf32, #tpu.memory_space<hbm>> -> memref<50x32xf32, #tpu.memory_space<hbm>>
      %dma_start3A_1814 = arith.constant 0 : i32
      %dma_start3A_1815 = arith.constant 0 : i32
      %dma_start3A_1816 = tpu.memref_slice %arg4[%add3A_1806, %dma_start3A_1814, %dma_start3A_1815] : memref<16384x50x32xf32, #tpu.memory_space<hbm>> -> memref<1x50x32xf32, #tpu.memory_space<hbm>>
      %dma_start3A_1817 = tpu.memref_squeeze %dma_start3A_1816 : memref<1x50x32xf32, #tpu.memory_space<hbm>> -> memref<50x32xf32, #tpu.memory_space<hbm>>
      %dma_start3A_1818 = arith.constant 650 : i32
      %dma_start3A_1819 = arith.constant 0 : i32
      %dma_start3A_1820 = tpu.memref_slice %arg8[%dma_start3A_1818, %dma_start3A_1819] : memref<1600x32xf32, #tpu.memory_space<vmem>> -> memref<50x32xf32, #tpu.memory_space<vmem>>
      tpu.enqueue_dma source(%dma_start3A_1820 : memref<50x32xf32, #tpu.memory_space<vmem>>) target(%dma_start3A_1817 : memref<50x32xf32, #tpu.memory_space<hbm>>) target_semaphore(%arg12 : memref<!tpu.dma_semaphore, #tpu.memory_space<semaphore_mem>>)
      %add3A_1821 = arith.constant 14 : i32
      %add3A_1822 = arith.addi %add3A_1596, %add3A_1821 : i32
      %dma_start3A_1823 = arith.constant 700 : i32
      %dma_start3A_1824 = arith.constant 0 : i32
      %dma_start3A_1825 = tpu.memref_slice %arg8[%dma_start3A_1823, %dma_start3A_1824] : memref<1600x32xf32, #tpu.memory_space<vmem>> -> memref<50x32xf32, #tpu.memory_space<vmem>>
      %dma_start3A_1826 = arith.constant 0 : i32
      %dma_start3A_1827 = arith.constant 0 : i32
      %dma_start3A_1828 = tpu.memref_slice %arg4[%add3A_1822, %dma_start3A_1826, %dma_start3A_1827] : memref<16384x50x32xf32, #tpu.memory_space<hbm>> -> memref<1x50x32xf32, #tpu.memory_space<hbm>>
      %dma_start3A_1829 = tpu.memref_squeeze %dma_start3A_1828 : memref<1x50x32xf32, #tpu.memory_space<hbm>> -> memref<50x32xf32, #tpu.memory_space<hbm>>
      %dma_start3A_1830 = arith.constant 0 : i32
      %dma_start3A_1831 = arith.constant 0 : i32
      %dma_start3A_1832 = tpu.memref_slice %arg4[%add3A_1822, %dma_start3A_1830, %dma_start3A_1831] : memref<16384x50x32xf32, #tpu.memory_space<hbm>> -> memref<1x50x32xf32, #tpu.memory_space<hbm>>
      %dma_start3A_1833 = tpu.memref_squeeze %dma_start3A_1832 : memref<1x50x32xf32, #tpu.memory_space<hbm>> -> memref<50x32xf32, #tpu.memory_space<hbm>>
      %dma_start3A_1834 = arith.constant 700 : i32
      %dma_start3A_1835 = arith.constant 0 : i32
      %dma_start3A_1836 = tpu.memref_slice %arg8[%dma_start3A_1834, %dma_start3A_1835] : memref<1600x32xf32, #tpu.memory_space<vmem>> -> memref<50x32xf32, #tpu.memory_space<vmem>>
      tpu.enqueue_dma source(%dma_start3A_1836 : memref<50x32xf32, #tpu.memory_space<vmem>>) target(%dma_start3A_1833 : memref<50x32xf32, #tpu.memory_space<hbm>>) target_semaphore(%arg12 : memref<!tpu.dma_semaphore, #tpu.memory_space<semaphore_mem>>)
      %add3A_1837 = arith.constant 15 : i32
      %add3A_1838 = arith.addi %add3A_1596, %add3A_1837 : i32
      %dma_start3A_1839 = arith.constant 750 : i32
      %dma_start3A_1840 = arith.constant 0 : i32
      %dma_start3A_1841 = tpu.memref_slice %arg8[%dma_start3A_1839, %dma_start3A_1840] : memref<1600x32xf32, #tpu.memory_space<vmem>> -> memref<50x32xf32, #tpu.memory_space<vmem>>
      %dma_start3A_1842 = arith.constant 0 : i32
      %dma_start3A_1843 = arith.constant 0 : i32
      %dma_start3A_1844 = tpu.memref_slice %arg4[%add3A_1838, %dma_start3A_1842, %dma_start3A_1843] : memref<16384x50x32xf32, #tpu.memory_space<hbm>> -> memref<1x50x32xf32, #tpu.memory_space<hbm>>
      %dma_start3A_1845 = tpu.memref_squeeze %dma_start3A_1844 : memref<1x50x32xf32, #tpu.memory_space<hbm>> -> memref<50x32xf32, #tpu.memory_space<hbm>>
      %dma_start3A_1846 = arith.constant 0 : i32
      %dma_start3A_1847 = arith.constant 0 : i32
      %dma_start3A_1848 = tpu.memref_slice %arg4[%add3A_1838, %dma_start3A_1846, %dma_start3A_1847] : memref<16384x50x32xf32, #tpu.memory_space<hbm>> -> memref<1x50x32xf32, #tpu.memory_space<hbm>>
      %dma_start3A_1849 = tpu.memref_squeeze %dma_start3A_1848 : memref<1x50x32xf32, #tpu.memory_space<hbm>> -> memref<50x32xf32, #tpu.memory_space<hbm>>
      %dma_start3A_1850 = arith.constant 750 : i32
      %dma_start3A_1851 = arith.constant 0 : i32
      %dma_start3A_1852 = tpu.memref_slice %arg8[%dma_start3A_1850, %dma_start3A_1851] : memref<1600x32xf32, #tpu.memory_space<vmem>> -> memref<50x32xf32, #tpu.memory_space<vmem>>
      tpu.enqueue_dma source(%dma_start3A_1852 : memref<50x32xf32, #tpu.memory_space<vmem>>) target(%dma_start3A_1849 : memref<50x32xf32, #tpu.memory_space<hbm>>) target_semaphore(%arg12 : memref<!tpu.dma_semaphore, #tpu.memory_space<semaphore_mem>>)
      %add3A_1853 = arith.constant 16 : i32
      %add3A_1854 = arith.addi %add3A_1596, %add3A_1853 : i32
      %dma_start3A_1855 = arith.constant 800 : i32
      %dma_start3A_1856 = arith.constant 0 : i32
      %dma_start3A_1857 = tpu.memref_slice %arg8[%dma_start3A_1855, %dma_start3A_1856] : memref<1600x32xf32, #tpu.memory_space<vmem>> -> memref<50x32xf32, #tpu.memory_space<vmem>>
      %dma_start3A_1858 = arith.constant 0 : i32
      %dma_start3A_1859 = arith.constant 0 : i32
      %dma_start3A_1860 = tpu.memref_slice %arg4[%add3A_1854, %dma_start3A_1858, %dma_start3A_1859] : memref<16384x50x32xf32, #tpu.memory_space<hbm>> -> memref<1x50x32xf32, #tpu.memory_space<hbm>>
      %dma_start3A_1861 = tpu.memref_squeeze %dma_start3A_1860 : memref<1x50x32xf32, #tpu.memory_space<hbm>> -> memref<50x32xf32, #tpu.memory_space<hbm>>
      %dma_start3A_1862 = arith.constant 0 : i32
      %dma_start3A_1863 = arith.constant 0 : i32
      %dma_start3A_1864 = tpu.memref_slice %arg4[%add3A_1854, %dma_start3A_1862, %dma_start3A_1863] : memref<16384x50x32xf32, #tpu.memory_space<hbm>> -> memref<1x50x32xf32, #tpu.memory_space<hbm>>
      %dma_start3A_1865 = tpu.memref_squeeze %dma_start3A_1864 : memref<1x50x32xf32, #tpu.memory_space<hbm>> -> memref<50x32xf32, #tpu.memory_space<hbm>>
      %dma_start3A_1866 = arith.constant 800 : i32
      %dma_start3A_1867 = arith.constant 0 : i32
      %dma_start3A_1868 = tpu.memref_slice %arg8[%dma_start3A_1866, %dma_start3A_1867] : memref<1600x32xf32, #tpu.memory_space<vmem>> -> memref<50x32xf32, #tpu.memory_space<vmem>>
      tpu.enqueue_dma source(%dma_start3A_1868 : memref<50x32xf32, #tpu.memory_space<vmem>>) target(%dma_start3A_1865 : memref<50x32xf32, #tpu.memory_space<hbm>>) target_semaphore(%arg12 : memref<!tpu.dma_semaphore, #tpu.memory_space<semaphore_mem>>)
      %add3A_1869 = arith.constant 17 : i32
      %add3A_1870 = arith.addi %add3A_1596, %add3A_1869 : i32
      %dma_start3A_1871 = arith.constant 850 : i32
      %dma_start3A_1872 = arith.constant 0 : i32
      %dma_start3A_1873 = tpu.memref_slice %arg8[%dma_start3A_1871, %dma_start3A_1872] : memref<1600x32xf32, #tpu.memory_space<vmem>> -> memref<50x32xf32, #tpu.memory_space<vmem>>
      %dma_start3A_1874 = arith.constant 0 : i32
      %dma_start3A_1875 = arith.constant 0 : i32
      %dma_start3A_1876 = tpu.memref_slice %arg4[%add3A_1870, %dma_start3A_1874, %dma_start3A_1875] : memref<16384x50x32xf32, #tpu.memory_space<hbm>> -> memref<1x50x32xf32, #tpu.memory_space<hbm>>
      %dma_start3A_1877 = tpu.memref_squeeze %dma_start3A_1876 : memref<1x50x32xf32, #tpu.memory_space<hbm>> -> memref<50x32xf32, #tpu.memory_space<hbm>>
      %dma_start3A_1878 = arith.constant 0 : i32
      %dma_start3A_1879 = arith.constant 0 : i32
      %dma_start3A_1880 = tpu.memref_slice %arg4[%add3A_1870, %dma_start3A_1878, %dma_start3A_1879] : memref<16384x50x32xf32, #tpu.memory_space<hbm>> -> memref<1x50x32xf32, #tpu.memory_space<hbm>>
      %dma_start3A_1881 = tpu.memref_squeeze %dma_start3A_1880 : memref<1x50x32xf32, #tpu.memory_space<hbm>> -> memref<50x32xf32, #tpu.memory_space<hbm>>
      %dma_start3A_1882 = arith.constant 850 : i32
      %dma_start3A_1883 = arith.constant 0 : i32
      %dma_start3A_1884 = tpu.memref_slice %arg8[%dma_start3A_1882, %dma_start3A_1883] : memref<1600x32xf32, #tpu.memory_space<vmem>> -> memref<50x32xf32, #tpu.memory_space<vmem>>
      tpu.enqueue_dma source(%dma_start3A_1884 : memref<50x32xf32, #tpu.memory_space<vmem>>) target(%dma_start3A_1881 : memref<50x32xf32, #tpu.memory_space<hbm>>) target_semaphore(%arg12 : memref<!tpu.dma_semaphore, #tpu.memory_space<semaphore_mem>>)
      %add3A_1885 = arith.constant 18 : i32
      %add3A_1886 = arith.addi %add3A_1596, %add3A_1885 : i32
      %dma_start3A_1887 = arith.constant 900 : i32
      %dma_start3A_1888 = arith.constant 0 : i32
      %dma_start3A_1889 = tpu.memref_slice %arg8[%dma_start3A_1887, %dma_start3A_1888] : memref<1600x32xf32, #tpu.memory_space<vmem>> -> memref<50x32xf32, #tpu.memory_space<vmem>>
      %dma_start3A_1890 = arith.constant 0 : i32
      %dma_start3A_1891 = arith.constant 0 : i32
      %dma_start3A_1892 = tpu.memref_slice %arg4[%add3A_1886, %dma_start3A_1890, %dma_start3A_1891] : memref<16384x50x32xf32, #tpu.memory_space<hbm>> -> memref<1x50x32xf32, #tpu.memory_space<hbm>>
      %dma_start3A_1893 = tpu.memref_squeeze %dma_start3A_1892 : memref<1x50x32xf32, #tpu.memory_space<hbm>> -> memref<50x32xf32, #tpu.memory_space<hbm>>
      %dma_start3A_1894 = arith.constant 0 : i32
      %dma_start3A_1895 = arith.constant 0 : i32
      %dma_start3A_1896 = tpu.memref_slice %arg4[%add3A_1886, %dma_start3A_1894, %dma_start3A_1895] : memref<16384x50x32xf32, #tpu.memory_space<hbm>> -> memref<1x50x32xf32, #tpu.memory_space<hbm>>
      %dma_start3A_1897 = tpu.memref_squeeze %dma_start3A_1896 : memref<1x50x32xf32, #tpu.memory_space<hbm>> -> memref<50x32xf32, #tpu.memory_space<hbm>>
      %dma_start3A_1898 = arith.constant 900 : i32
      %dma_start3A_1899 = arith.constant 0 : i32
      %dma_start3A_1900 = tpu.memref_slice %arg8[%dma_start3A_1898, %dma_start3A_1899] : memref<1600x32xf32, #tpu.memory_space<vmem>> -> memref<50x32xf32, #tpu.memory_space<vmem>>
      tpu.enqueue_dma source(%dma_start3A_1900 : memref<50x32xf32, #tpu.memory_space<vmem>>) target(%dma_start3A_1897 : memref<50x32xf32, #tpu.memory_space<hbm>>) target_semaphore(%arg12 : memref<!tpu.dma_semaphore, #tpu.memory_space<semaphore_mem>>)
      %add3A_1901 = arith.constant 19 : i32
      %add3A_1902 = arith.addi %add3A_1596, %add3A_1901 : i32
      %dma_start3A_1903 = arith.constant 950 : i32
      %dma_start3A_1904 = arith.constant 0 : i32
      %dma_start3A_1905 = tpu.memref_slice %arg8[%dma_start3A_1903, %dma_start3A_1904] : memref<1600x32xf32, #tpu.memory_space<vmem>> -> memref<50x32xf32, #tpu.memory_space<vmem>>
      %dma_start3A_1906 = arith.constant 0 : i32
      %dma_start3A_1907 = arith.constant 0 : i32
      %dma_start3A_1908 = tpu.memref_slice %arg4[%add3A_1902, %dma_start3A_1906, %dma_start3A_1907] : memref<16384x50x32xf32, #tpu.memory_space<hbm>> -> memref<1x50x32xf32, #tpu.memory_space<hbm>>
      %dma_start3A_1909 = tpu.memref_squeeze %dma_start3A_1908 : memref<1x50x32xf32, #tpu.memory_space<hbm>> -> memref<50x32xf32, #tpu.memory_space<hbm>>
      %dma_start3A_1910 = arith.constant 0 : i32
      %dma_start3A_1911 = arith.constant 0 : i32
      %dma_start3A_1912 = tpu.memref_slice %arg4[%add3A_1902, %dma_start3A_1910, %dma_start3A_1911] : memref<16384x50x32xf32, #tpu.memory_space<hbm>> -> memref<1x50x32xf32, #tpu.memory_space<hbm>>
      %dma_start3A_1913 = tpu.memref_squeeze %dma_start3A_1912 : memref<1x50x32xf32, #tpu.memory_space<hbm>> -> memref<50x32xf32, #tpu.memory_space<hbm>>
      %dma_start3A_1914 = arith.constant 950 : i32
      %dma_start3A_1915 = arith.constant 0 : i32
      %dma_start3A_1916 = tpu.memref_slice %arg8[%dma_start3A_1914, %dma_start3A_1915] : memref<1600x32xf32, #tpu.memory_space<vmem>> -> memref<50x32xf32, #tpu.memory_space<vmem>>
      tpu.enqueue_dma source(%dma_start3A_1916 : memref<50x32xf32, #tpu.memory_space<vmem>>) target(%dma_start3A_1913 : memref<50x32xf32, #tpu.memory_space<hbm>>) target_semaphore(%arg12 : memref<!tpu.dma_semaphore, #tpu.memory_space<semaphore_mem>>)
      %add3A_1917 = arith.constant 20 : i32
      %add3A_1918 = arith.addi %add3A_1596, %add3A_1917 : i32
      %dma_start3A_1919 = arith.constant 1000 : i32
      %dma_start3A_1920 = arith.constant 0 : i32
      %dma_start3A_1921 = tpu.memref_slice %arg8[%dma_start3A_1919, %dma_start3A_1920] : memref<1600x32xf32, #tpu.memory_space<vmem>> -> memref<50x32xf32, #tpu.memory_space<vmem>>
      %dma_start3A_1922 = arith.constant 0 : i32
      %dma_start3A_1923 = arith.constant 0 : i32
      %dma_start3A_1924 = tpu.memref_slice %arg4[%add3A_1918, %dma_start3A_1922, %dma_start3A_1923] : memref<16384x50x32xf32, #tpu.memory_space<hbm>> -> memref<1x50x32xf32, #tpu.memory_space<hbm>>
      %dma_start3A_1925 = tpu.memref_squeeze %dma_start3A_1924 : memref<1x50x32xf32, #tpu.memory_space<hbm>> -> memref<50x32xf32, #tpu.memory_space<hbm>>
      %dma_start3A_1926 = arith.constant 0 : i32
      %dma_start3A_1927 = arith.constant 0 : i32
      %dma_start3A_1928 = tpu.memref_slice %arg4[%add3A_1918, %dma_start3A_1926, %dma_start3A_1927] : memref<16384x50x32xf32, #tpu.memory_space<hbm>> -> memref<1x50x32xf32, #tpu.memory_space<hbm>>
      %dma_start3A_1929 = tpu.memref_squeeze %dma_start3A_1928 : memref<1x50x32xf32, #tpu.memory_space<hbm>> -> memref<50x32xf32, #tpu.memory_space<hbm>>
      %dma_start3A_1930 = arith.constant 1000 : i32
      %dma_start3A_1931 = arith.constant 0 : i32
      %dma_start3A_1932 = tpu.memref_slice %arg8[%dma_start3A_1930, %dma_start3A_1931] : memref<1600x32xf32, #tpu.memory_space<vmem>> -> memref<50x32xf32, #tpu.memory_space<vmem>>
      tpu.enqueue_dma source(%dma_start3A_1932 : memref<50x32xf32, #tpu.memory_space<vmem>>) target(%dma_start3A_1929 : memref<50x32xf32, #tpu.memory_space<hbm>>) target_semaphore(%arg12 : memref<!tpu.dma_semaphore, #tpu.memory_space<semaphore_mem>>)
      %add3A_1933 = arith.constant 21 : i32
      %add3A_1934 = arith.addi %add3A_1596, %add3A_1933 : i32
      %dma_start3A_1935 = arith.constant 1050 : i32
      %dma_start3A_1936 = arith.constant 0 : i32
      %dma_start3A_1937 = tpu.memref_slice %arg8[%dma_start3A_1935, %dma_start3A_1936] : memref<1600x32xf32, #tpu.memory_space<vmem>> -> memref<50x32xf32, #tpu.memory_space<vmem>>
      %dma_start3A_1938 = arith.constant 0 : i32
      %dma_start3A_1939 = arith.constant 0 : i32
      %dma_start3A_1940 = tpu.memref_slice %arg4[%add3A_1934, %dma_start3A_1938, %dma_start3A_1939] : memref<16384x50x32xf32, #tpu.memory_space<hbm>> -> memref<1x50x32xf32, #tpu.memory_space<hbm>>
      %dma_start3A_1941 = tpu.memref_squeeze %dma_start3A_1940 : memref<1x50x32xf32, #tpu.memory_space<hbm>> -> memref<50x32xf32, #tpu.memory_space<hbm>>
      %dma_start3A_1942 = arith.constant 0 : i32
      %dma_start3A_1943 = arith.constant 0 : i32
      %dma_start3A_1944 = tpu.memref_slice %arg4[%add3A_1934, %dma_start3A_1942, %dma_start3A_1943] : memref<16384x50x32xf32, #tpu.memory_space<hbm>> -> memref<1x50x32xf32, #tpu.memory_space<hbm>>
      %dma_start3A_1945 = tpu.memref_squeeze %dma_start3A_1944 : memref<1x50x32xf32, #tpu.memory_space<hbm>> -> memref<50x32xf32, #tpu.memory_space<hbm>>
      %dma_start3A_1946 = arith.constant 1050 : i32
      %dma_start3A_1947 = arith.constant 0 : i32
      %dma_start3A_1948 = tpu.memref_slice %arg8[%dma_start3A_1946, %dma_start3A_1947] : memref<1600x32xf32, #tpu.memory_space<vmem>> -> memref<50x32xf32, #tpu.memory_space<vmem>>
      tpu.enqueue_dma source(%dma_start3A_1948 : memref<50x32xf32, #tpu.memory_space<vmem>>) target(%dma_start3A_1945 : memref<50x32xf32, #tpu.memory_space<hbm>>) target_semaphore(%arg12 : memref<!tpu.dma_semaphore, #tpu.memory_space<semaphore_mem>>)
      %add3A_1949 = arith.constant 22 : i32
      %add3A_1950 = arith.addi %add3A_1596, %add3A_1949 : i32
      %dma_start3A_1951 = arith.constant 1100 : i32
      %dma_start3A_1952 = arith.constant 0 : i32
      %dma_start3A_1953 = tpu.memref_slice %arg8[%dma_start3A_1951, %dma_start3A_1952] : memref<1600x32xf32, #tpu.memory_space<vmem>> -> memref<50x32xf32, #tpu.memory_space<vmem>>
      %dma_start3A_1954 = arith.constant 0 : i32
      %dma_start3A_1955 = arith.constant 0 : i32
      %dma_start3A_1956 = tpu.memref_slice %arg4[%add3A_1950, %dma_start3A_1954, %dma_start3A_1955] : memref<16384x50x32xf32, #tpu.memory_space<hbm>> -> memref<1x50x32xf32, #tpu.memory_space<hbm>>
      %dma_start3A_1957 = tpu.memref_squeeze %dma_start3A_1956 : memref<1x50x32xf32, #tpu.memory_space<hbm>> -> memref<50x32xf32, #tpu.memory_space<hbm>>
      %dma_start3A_1958 = arith.constant 0 : i32
      %dma_start3A_1959 = arith.constant 0 : i32
      %dma_start3A_1960 = tpu.memref_slice %arg4[%add3A_1950, %dma_start3A_1958, %dma_start3A_1959] : memref<16384x50x32xf32, #tpu.memory_space<hbm>> -> memref<1x50x32xf32, #tpu.memory_space<hbm>>
      %dma_start3A_1961 = tpu.memref_squeeze %dma_start3A_1960 : memref<1x50x32xf32, #tpu.memory_space<hbm>> -> memref<50x32xf32, #tpu.memory_space<hbm>>
      %dma_start3A_1962 = arith.constant 1100 : i32
      %dma_start3A_1963 = arith.constant 0 : i32
      %dma_start3A_1964 = tpu.memref_slice %arg8[%dma_start3A_1962, %dma_start3A_1963] : memref<1600x32xf32, #tpu.memory_space<vmem>> -> memref<50x32xf32, #tpu.memory_space<vmem>>
      tpu.enqueue_dma source(%dma_start3A_1964 : memref<50x32xf32, #tpu.memory_space<vmem>>) target(%dma_start3A_1961 : memref<50x32xf32, #tpu.memory_space<hbm>>) target_semaphore(%arg12 : memref<!tpu.dma_semaphore, #tpu.memory_space<semaphore_mem>>)
      %add3A_1965 = arith.constant 23 : i32
      %add3A_1966 = arith.addi %add3A_1596, %add3A_1965 : i32
      %dma_start3A_1967 = arith.constant 1150 : i32
      %dma_start3A_1968 = arith.constant 0 : i32
      %dma_start3A_1969 = tpu.memref_slice %arg8[%dma_start3A_1967, %dma_start3A_1968] : memref<1600x32xf32, #tpu.memory_space<vmem>> -> memref<50x32xf32, #tpu.memory_space<vmem>>
      %dma_start3A_1970 = arith.constant 0 : i32
      %dma_start3A_1971 = arith.constant 0 : i32
      %dma_start3A_1972 = tpu.memref_slice %arg4[%add3A_1966, %dma_start3A_1970, %dma_start3A_1971] : memref<16384x50x32xf32, #tpu.memory_space<hbm>> -> memref<1x50x32xf32, #tpu.memory_space<hbm>>
      %dma_start3A_1973 = tpu.memref_squeeze %dma_start3A_1972 : memref<1x50x32xf32, #tpu.memory_space<hbm>> -> memref<50x32xf32, #tpu.memory_space<hbm>>
      %dma_start3A_1974 = arith.constant 0 : i32
      %dma_start3A_1975 = arith.constant 0 : i32
      %dma_start3A_1976 = tpu.memref_slice %arg4[%add3A_1966, %dma_start3A_1974, %dma_start3A_1975] : memref<16384x50x32xf32, #tpu.memory_space<hbm>> -> memref<1x50x32xf32, #tpu.memory_space<hbm>>
      %dma_start3A_1977 = tpu.memref_squeeze %dma_start3A_1976 : memref<1x50x32xf32, #tpu.memory_space<hbm>> -> memref<50x32xf32, #tpu.memory_space<hbm>>
      %dma_start3A_1978 = arith.constant 1150 : i32
      %dma_start3A_1979 = arith.constant 0 : i32
      %dma_start3A_1980 = tpu.memref_slice %arg8[%dma_start3A_1978, %dma_start3A_1979] : memref<1600x32xf32, #tpu.memory_space<vmem>> -> memref<50x32xf32, #tpu.memory_space<vmem>>
      tpu.enqueue_dma source(%dma_start3A_1980 : memref<50x32xf32, #tpu.memory_space<vmem>>) target(%dma_start3A_1977 : memref<50x32xf32, #tpu.memory_space<hbm>>) target_semaphore(%arg12 : memref<!tpu.dma_semaphore, #tpu.memory_space<semaphore_mem>>)
      %add3A_1981 = arith.constant 24 : i32
      %add3A_1982 = arith.addi %add3A_1596, %add3A_1981 : i32
      %dma_start3A_1983 = arith.constant 1200 : i32
      %dma_start3A_1984 = arith.constant 0 : i32
      %dma_start3A_1985 = tpu.memref_slice %arg8[%dma_start3A_1983, %dma_start3A_1984] : memref<1600x32xf32, #tpu.memory_space<vmem>> -> memref<50x32xf32, #tpu.memory_space<vmem>>
      %dma_start3A_1986 = arith.constant 0 : i32
      %dma_start3A_1987 = arith.constant 0 : i32
      %dma_start3A_1988 = tpu.memref_slice %arg4[%add3A_1982, %dma_start3A_1986, %dma_start3A_1987] : memref<16384x50x32xf32, #tpu.memory_space<hbm>> -> memref<1x50x32xf32, #tpu.memory_space<hbm>>
      %dma_start3A_1989 = tpu.memref_squeeze %dma_start3A_1988 : memref<1x50x32xf32, #tpu.memory_space<hbm>> -> memref<50x32xf32, #tpu.memory_space<hbm>>
      %dma_start3A_1990 = arith.constant 0 : i32
      %dma_start3A_1991 = arith.constant 0 : i32
      %dma_start3A_1992 = tpu.memref_slice %arg4[%add3A_1982, %dma_start3A_1990, %dma_start3A_1991] : memref<16384x50x32xf32, #tpu.memory_space<hbm>> -> memref<1x50x32xf32, #tpu.memory_space<hbm>>
      %dma_start3A_1993 = tpu.memref_squeeze %dma_start3A_1992 : memref<1x50x32xf32, #tpu.memory_space<hbm>> -> memref<50x32xf32, #tpu.memory_space<hbm>>
      %dma_start3A_1994 = arith.constant 1200 : i32
      %dma_start3A_1995 = arith.constant 0 : i32
      %dma_start3A_1996 = tpu.memref_slice %arg8[%dma_start3A_1994, %dma_start3A_1995] : memref<1600x32xf32, #tpu.memory_space<vmem>> -> memref<50x32xf32, #tpu.memory_space<vmem>>
      tpu.enqueue_dma source(%dma_start3A_1996 : memref<50x32xf32, #tpu.memory_space<vmem>>) target(%dma_start3A_1993 : memref<50x32xf32, #tpu.memory_space<hbm>>) target_semaphore(%arg12 : memref<!tpu.dma_semaphore, #tpu.memory_space<semaphore_mem>>)
      %add3A_1997 = arith.constant 25 : i32
      %add3A_1998 = arith.addi %add3A_1596, %add3A_1997 : i32
      %dma_start3A_1999 = arith.constant 1250 : i32
      %dma_start3A_2000 = arith.constant 0 : i32
      %dma_start3A_2001 = tpu.memref_slice %arg8[%dma_start3A_1999, %dma_start3A_2000] : memref<1600x32xf32, #tpu.memory_space<vmem>> -> memref<50x32xf32, #tpu.memory_space<vmem>>
      %dma_start3A_2002 = arith.constant 0 : i32
      %dma_start3A_2003 = arith.constant 0 : i32
      %dma_start3A_2004 = tpu.memref_slice %arg4[%add3A_1998, %dma_start3A_2002, %dma_start3A_2003] : memref<16384x50x32xf32, #tpu.memory_space<hbm>> -> memref<1x50x32xf32, #tpu.memory_space<hbm>>
      %dma_start3A_2005 = tpu.memref_squeeze %dma_start3A_2004 : memref<1x50x32xf32, #tpu.memory_space<hbm>> -> memref<50x32xf32, #tpu.memory_space<hbm>>
      %dma_start3A_2006 = arith.constant 0 : i32
      %dma_start3A_2007 = arith.constant 0 : i32
      %dma_start3A_2008 = tpu.memref_slice %arg4[%add3A_1998, %dma_start3A_2006, %dma_start3A_2007] : memref<16384x50x32xf32, #tpu.memory_space<hbm>> -> memref<1x50x32xf32, #tpu.memory_space<hbm>>
      %dma_start3A_2009 = tpu.memref_squeeze %dma_start3A_2008 : memref<1x50x32xf32, #tpu.memory_space<hbm>> -> memref<50x32xf32, #tpu.memory_space<hbm>>
      %dma_start3A_2010 = arith.constant 1250 : i32
      %dma_start3A_2011 = arith.constant 0 : i32
      %dma_start3A_2012 = tpu.memref_slice %arg8[%dma_start3A_2010, %dma_start3A_2011] : memref<1600x32xf32, #tpu.memory_space<vmem>> -> memref<50x32xf32, #tpu.memory_space<vmem>>
      tpu.enqueue_dma source(%dma_start3A_2012 : memref<50x32xf32, #tpu.memory_space<vmem>>) target(%dma_start3A_2009 : memref<50x32xf32, #tpu.memory_space<hbm>>) target_semaphore(%arg12 : memref<!tpu.dma_semaphore, #tpu.memory_space<semaphore_mem>>)
      %add3A_2013 = arith.constant 26 : i32
      %add3A_2014 = arith.addi %add3A_1596, %add3A_2013 : i32
      %dma_start3A_2015 = arith.constant 1300 : i32
      %dma_start3A_2016 = arith.constant 0 : i32
      %dma_start3A_2017 = tpu.memref_slice %arg8[%dma_start3A_2015, %dma_start3A_2016] : memref<1600x32xf32, #tpu.memory_space<vmem>> -> memref<50x32xf32, #tpu.memory_space<vmem>>
      %dma_start3A_2018 = arith.constant 0 : i32
      %dma_start3A_2019 = arith.constant 0 : i32
      %dma_start3A_2020 = tpu.memref_slice %arg4[%add3A_2014, %dma_start3A_2018, %dma_start3A_2019] : memref<16384x50x32xf32, #tpu.memory_space<hbm>> -> memref<1x50x32xf32, #tpu.memory_space<hbm>>
      %dma_start3A_2021 = tpu.memref_squeeze %dma_start3A_2020 : memref<1x50x32xf32, #tpu.memory_space<hbm>> -> memref<50x32xf32, #tpu.memory_space<hbm>>
      %dma_start3A_2022 = arith.constant 0 : i32
      %dma_start3A_2023 = arith.constant 0 : i32
      %dma_start3A_2024 = tpu.memref_slice %arg4[%add3A_2014, %dma_start3A_2022, %dma_start3A_2023] : memref<16384x50x32xf32, #tpu.memory_space<hbm>> -> memref<1x50x32xf32, #tpu.memory_space<hbm>>
      %dma_start3A_2025 = tpu.memref_squeeze %dma_start3A_2024 : memref<1x50x32xf32, #tpu.memory_space<hbm>> -> memref<50x32xf32, #tpu.memory_space<hbm>>
      %dma_start3A_2026 = arith.constant 1300 : i32
      %dma_start3A_2027 = arith.constant 0 : i32
      %dma_start3A_2028 = tpu.memref_slice %arg8[%dma_start3A_2026, %dma_start3A_2027] : memref<1600x32xf32, #tpu.memory_space<vmem>> -> memref<50x32xf32, #tpu.memory_space<vmem>>
      tpu.enqueue_dma source(%dma_start3A_2028 : memref<50x32xf32, #tpu.memory_space<vmem>>) target(%dma_start3A_2025 : memref<50x32xf32, #tpu.memory_space<hbm>>) target_semaphore(%arg12 : memref<!tpu.dma_semaphore, #tpu.memory_space<semaphore_mem>>)
      %add3A_2029 = arith.constant 27 : i32
      %add3A_2030 = arith.addi %add3A_1596, %add3A_2029 : i32
      %dma_start3A_2031 = arith.constant 1350 : i32
      %dma_start3A_2032 = arith.constant 0 : i32
      %dma_start3A_2033 = tpu.memref_slice %arg8[%dma_start3A_2031, %dma_start3A_2032] : memref<1600x32xf32, #tpu.memory_space<vmem>> -> memref<50x32xf32, #tpu.memory_space<vmem>>
      %dma_start3A_2034 = arith.constant 0 : i32
      %dma_start3A_2035 = arith.constant 0 : i32
      %dma_start3A_2036 = tpu.memref_slice %arg4[%add3A_2030, %dma_start3A_2034, %dma_start3A_2035] : memref<16384x50x32xf32, #tpu.memory_space<hbm>> -> memref<1x50x32xf32, #tpu.memory_space<hbm>>
      %dma_start3A_2037 = tpu.memref_squeeze %dma_start3A_2036 : memref<1x50x32xf32, #tpu.memory_space<hbm>> -> memref<50x32xf32, #tpu.memory_space<hbm>>
      %dma_start3A_2038 = arith.constant 0 : i32
      %dma_start3A_2039 = arith.constant 0 : i32
      %dma_start3A_2040 = tpu.memref_slice %arg4[%add3A_2030, %dma_start3A_2038, %dma_start3A_2039] : memref<16384x50x32xf32, #tpu.memory_space<hbm>> -> memref<1x50x32xf32, #tpu.memory_space<hbm>>
      %dma_start3A_2041 = tpu.memref_squeeze %dma_start3A_2040 : memref<1x50x32xf32, #tpu.memory_space<hbm>> -> memref<50x32xf32, #tpu.memory_space<hbm>>
      %dma_start3A_2042 = arith.constant 1350 : i32
      %dma_start3A_2043 = arith.constant 0 : i32
      %dma_start3A_2044 = tpu.memref_slice %arg8[%dma_start3A_2042, %dma_start3A_2043] : memref<1600x32xf32, #tpu.memory_space<vmem>> -> memref<50x32xf32, #tpu.memory_space<vmem>>
      tpu.enqueue_dma source(%dma_start3A_2044 : memref<50x32xf32, #tpu.memory_space<vmem>>) target(%dma_start3A_2041 : memref<50x32xf32, #tpu.memory_space<hbm>>) target_semaphore(%arg12 : memref<!tpu.dma_semaphore, #tpu.memory_space<semaphore_mem>>)
      %add3A_2045 = arith.constant 28 : i32
      %add3A_2046 = arith.addi %add3A_1596, %add3A_2045 : i32
      %dma_start3A_2047 = arith.constant 1400 : i32
      %dma_start3A_2048 = arith.constant 0 : i32
      %dma_start3A_2049 = tpu.memref_slice %arg8[%dma_start3A_2047, %dma_start3A_2048] : memref<1600x32xf32, #tpu.memory_space<vmem>> -> memref<50x32xf32, #tpu.memory_space<vmem>>
      %dma_start3A_2050 = arith.constant 0 : i32
      %dma_start3A_2051 = arith.constant 0 : i32
      %dma_start3A_2052 = tpu.memref_slice %arg4[%add3A_2046, %dma_start3A_2050, %dma_start3A_2051] : memref<16384x50x32xf32, #tpu.memory_space<hbm>> -> memref<1x50x32xf32, #tpu.memory_space<hbm>>
      %dma_start3A_2053 = tpu.memref_squeeze %dma_start3A_2052 : memref<1x50x32xf32, #tpu.memory_space<hbm>> -> memref<50x32xf32, #tpu.memory_space<hbm>>
      %dma_start3A_2054 = arith.constant 0 : i32
      %dma_start3A_2055 = arith.constant 0 : i32
      %dma_start3A_2056 = tpu.memref_slice %arg4[%add3A_2046, %dma_start3A_2054, %dma_start3A_2055] : memref<16384x50x32xf32, #tpu.memory_space<hbm>> -> memref<1x50x32xf32, #tpu.memory_space<hbm>>
      %dma_start3A_2057 = tpu.memref_squeeze %dma_start3A_2056 : memref<1x50x32xf32, #tpu.memory_space<hbm>> -> memref<50x32xf32, #tpu.memory_space<hbm>>
      %dma_start3A_2058 = arith.constant 1400 : i32
      %dma_start3A_2059 = arith.constant 0 : i32
      %dma_start3A_2060 = tpu.memref_slice %arg8[%dma_start3A_2058, %dma_start3A_2059] : memref<1600x32xf32, #tpu.memory_space<vmem>> -> memref<50x32xf32, #tpu.memory_space<vmem>>
      tpu.enqueue_dma source(%dma_start3A_2060 : memref<50x32xf32, #tpu.memory_space<vmem>>) target(%dma_start3A_2057 : memref<50x32xf32, #tpu.memory_space<hbm>>) target_semaphore(%arg12 : memref<!tpu.dma_semaphore, #tpu.memory_space<semaphore_mem>>)
      %add3A_2061 = arith.constant 29 : i32
      %add3A_2062 = arith.addi %add3A_1596, %add3A_2061 : i32
      %dma_start3A_2063 = arith.constant 1450 : i32
      %dma_start3A_2064 = arith.constant 0 : i32
      %dma_start3A_2065 = tpu.memref_slice %arg8[%dma_start3A_2063, %dma_start3A_2064] : memref<1600x32xf32, #tpu.memory_space<vmem>> -> memref<50x32xf32, #tpu.memory_space<vmem>>
      %dma_start3A_2066 = arith.constant 0 : i32
      %dma_start3A_2067 = arith.constant 0 : i32
      %dma_start3A_2068 = tpu.memref_slice %arg4[%add3A_2062, %dma_start3A_2066, %dma_start3A_2067] : memref<16384x50x32xf32, #tpu.memory_space<hbm>> -> memref<1x50x32xf32, #tpu.memory_space<hbm>>
      %dma_start3A_2069 = tpu.memref_squeeze %dma_start3A_2068 : memref<1x50x32xf32, #tpu.memory_space<hbm>> -> memref<50x32xf32, #tpu.memory_space<hbm>>
      %dma_start3A_2070 = arith.constant 0 : i32
      %dma_start3A_2071 = arith.constant 0 : i32
      %dma_start3A_2072 = tpu.memref_slice %arg4[%add3A_2062, %dma_start3A_2070, %dma_start3A_2071] : memref<16384x50x32xf32, #tpu.memory_space<hbm>> -> memref<1x50x32xf32, #tpu.memory_space<hbm>>
      %dma_start3A_2073 = tpu.memref_squeeze %dma_start3A_2072 : memref<1x50x32xf32, #tpu.memory_space<hbm>> -> memref<50x32xf32, #tpu.memory_space<hbm>>
      %dma_start3A_2074 = arith.constant 1450 : i32
      %dma_start3A_2075 = arith.constant 0 : i32
      %dma_start3A_2076 = tpu.memref_slice %arg8[%dma_start3A_2074, %dma_start3A_2075] : memref<1600x32xf32, #tpu.memory_space<vmem>> -> memref<50x32xf32, #tpu.memory_space<vmem>>
      tpu.enqueue_dma source(%dma_start3A_2076 : memref<50x32xf32, #tpu.memory_space<vmem>>) target(%dma_start3A_2073 : memref<50x32xf32, #tpu.memory_space<hbm>>) target_semaphore(%arg12 : memref<!tpu.dma_semaphore, #tpu.memory_space<semaphore_mem>>)
      %add3A_2077 = arith.constant 30 : i32
      %add3A_2078 = arith.addi %add3A_1596, %add3A_2077 : i32
      %dma_start3A_2079 = arith.constant 1500 : i32
      %dma_start3A_2080 = arith.constant 0 : i32
      %dma_start3A_2081 = tpu.memref_slice %arg8[%dma_start3A_2079, %dma_start3A_2080] : memref<1600x32xf32, #tpu.memory_space<vmem>> -> memref<50x32xf32, #tpu.memory_space<vmem>>
      %dma_start3A_2082 = arith.constant 0 : i32
      %dma_start3A_2083 = arith.constant 0 : i32
      %dma_start3A_2084 = tpu.memref_slice %arg4[%add3A_2078, %dma_start3A_2082, %dma_start3A_2083] : memref<16384x50x32xf32, #tpu.memory_space<hbm>> -> memref<1x50x32xf32, #tpu.memory_space<hbm>>
      %dma_start3A_2085 = tpu.memref_squeeze %dma_start3A_2084 : memref<1x50x32xf32, #tpu.memory_space<hbm>> -> memref<50x32xf32, #tpu.memory_space<hbm>>
      %dma_start3A_2086 = arith.constant 0 : i32
      %dma_start3A_2087 = arith.constant 0 : i32
      %dma_start3A_2088 = tpu.memref_slice %arg4[%add3A_2078, %dma_start3A_2086, %dma_start3A_2087] : memref<16384x50x32xf32, #tpu.memory_space<hbm>> -> memref<1x50x32xf32, #tpu.memory_space<hbm>>
      %dma_start3A_2089 = tpu.memref_squeeze %dma_start3A_2088 : memref<1x50x32xf32, #tpu.memory_space<hbm>> -> memref<50x32xf32, #tpu.memory_space<hbm>>
      %dma_start3A_2090 = arith.constant 1500 : i32
      %dma_start3A_2091 = arith.constant 0 : i32
      %dma_start3A_2092 = tpu.memref_slice %arg8[%dma_start3A_2090, %dma_start3A_2091] : memref<1600x32xf32, #tpu.memory_space<vmem>> -> memref<50x32xf32, #tpu.memory_space<vmem>>
      tpu.enqueue_dma source(%dma_start3A_2092 : memref<50x32xf32, #tpu.memory_space<vmem>>) target(%dma_start3A_2089 : memref<50x32xf32, #tpu.memory_space<hbm>>) target_semaphore(%arg12 : memref<!tpu.dma_semaphore, #tpu.memory_space<semaphore_mem>>)
      %add3A_2093 = arith.constant 31 : i32
      %add3A_2094 = arith.addi %add3A_1596, %add3A_2093 : i32
      %dma_start3A_2095 = arith.constant 1550 : i32
      %dma_start3A_2096 = arith.constant 0 : i32
      %dma_start3A_2097 = tpu.memref_slice %arg8[%dma_start3A_2095, %dma_start3A_2096] : memref<1600x32xf32, #tpu.memory_space<vmem>> -> memref<50x32xf32, #tpu.memory_space<vmem>>
      %dma_start3A_2098 = arith.constant 0 : i32
      %dma_start3A_2099 = arith.constant 0 : i32
      %dma_start3A_2100 = tpu.memref_slice %arg4[%add3A_2094, %dma_start3A_2098, %dma_start3A_2099] : memref<16384x50x32xf32, #tpu.memory_space<hbm>> -> memref<1x50x32xf32, #tpu.memory_space<hbm>>
      %dma_start3A_2101 = tpu.memref_squeeze %dma_start3A_2100 : memref<1x50x32xf32, #tpu.memory_space<hbm>> -> memref<50x32xf32, #tpu.memory_space<hbm>>
      %dma_start3A_2102 = arith.constant 0 : i32
      %dma_start3A_2103 = arith.constant 0 : i32
      %dma_start3A_2104 = tpu.memref_slice %arg4[%add3A_2094, %dma_start3A_2102, %dma_start3A_2103] : memref<16384x50x32xf32, #tpu.memory_space<hbm>> -> memref<1x50x32xf32, #tpu.memory_space<hbm>>
      %dma_start3A_2105 = tpu.memref_squeeze %dma_start3A_2104 : memref<1x50x32xf32, #tpu.memory_space<hbm>> -> memref<50x32xf32, #tpu.memory_space<hbm>>
      %dma_start3A_2106 = arith.constant 1550 : i32
      %dma_start3A_2107 = arith.constant 0 : i32
      %dma_start3A_2108 = tpu.memref_slice %arg8[%dma_start3A_2106, %dma_start3A_2107] : memref<1600x32xf32, #tpu.memory_space<vmem>> -> memref<50x32xf32, #tpu.memory_space<vmem>>
      tpu.enqueue_dma source(%dma_start3A_2108 : memref<50x32xf32, #tpu.memory_space<vmem>>) target(%dma_start3A_2105 : memref<50x32xf32, #tpu.memory_space<hbm>>) target_semaphore(%arg12 : memref<!tpu.dma_semaphore, #tpu.memory_space<semaphore_mem>>)
      %add3A_2109 = arith.constant 2 : i32
      %add3A_2110 = arith.addi %add3A_1584, %add3A_2109 : i32
      %lt3A_2111 = arith.constant 16 : i32
      %lt3A_2112 = arith.cmpi slt, %add3A_2110, %lt3A_2111 : i32
      %convert_element_type3A_2113 = arith.extui %lt3A_2112 : i1 to i32
      %cond3A_2114 = arith.constant 0 : i32
      %cond3A_2115 = arith.cmpi ne, %convert_element_type3A_2113, %cond3A_2114 : i32
      scf.if %cond3A_2115 {
        %mul3A_2116 = arith.constant 1600 : i32
        %mul3A_2117 = arith.muli %add3A_2110, %mul3A_2116 : i32
        %add3A_2118 = arith.addi %mul3A_4, %mul3A_2117 : i32
        "tpu.region"() ({
          %run_scoped3A = tpu.sem_alloc : memref<!tpu.dma_semaphore, #tpu.memory_space<semaphore_mem>>
          %dma_start3A_2637 = tpu.memref_slice %arg2[%add3A_2118] : memref<819200xi32, #tpu.memory_space<hbm>> -> memref<1600xi32, #tpu.memory_space<hbm>>
          %dma_start3A_2638 = tpu.memref_slice %arg2[%add3A_2118] : memref<819200xi32, #tpu.memory_space<hbm>> -> memref<1600xi32, #tpu.memory_space<hbm>>
          tpu.enqueue_dma source(%dma_start3A_2638 : memref<1600xi32, #tpu.memory_space<hbm>>) target(%arg6 : memref<1600xi32, #tpu.memory_space<vmem>>) target_semaphore(%run_scoped3A : memref<!tpu.dma_semaphore, #tpu.memory_space<semaphore_mem>>)
          %dma_wait3A_2639 = tpu.memref_slice %arg2[%add3A_2118] : memref<819200xi32, #tpu.memory_space<hbm>> -> memref<1600xi32, #tpu.memory_space<hbm>>
          %dma_wait3A_2640 = tpu.memref_slice %arg2[%add3A_2118] : memref<819200xi32, #tpu.memory_space<hbm>> -> memref<1600xi32, #tpu.memory_space<hbm>>
          tpu.wait_dma2 semaphore(%run_scoped3A : memref<!tpu.dma_semaphore, #tpu.memory_space<semaphore_mem>>) src(%dma_wait3A_2640 : memref<1600xi32, #tpu.memory_space<hbm>>) dst(%arg6 : memref<1600xi32, #tpu.memory_space<vmem>>)
          tpu.yield
        }) : () -> ()
        %mul3A_2119 = arith.constant 32 : i32
        %mul3A_2120 = arith.muli %add3A_1584, %mul3A_2119 : i32
        %add3A_2121 = arith.addi %mul3A_6, %mul3A_2120 : i32
        %add3A_2122 = arith.constant 0 : i32
        %add3A_2123 = arith.addi %add3A_2121, %add3A_2122 : i32
        %dma_wait3A_2124 = arith.constant 0 : i32
        %dma_wait3A_2125 = arith.constant 0 : i32
        %dma_wait3A_2126 = tpu.memref_slice %arg8[%dma_wait3A_2124, %dma_wait3A_2125] : memref<1600x32xf32, #tpu.memory_space<vmem>> -> memref<50x32xf32, #tpu.memory_space<vmem>>
        %dma_wait3A_2127 = arith.constant 0 : i32
        %dma_wait3A_2128 = arith.constant 0 : i32
        %dma_wait3A_2129 = tpu.memref_slice %arg4[%add3A_2123, %dma_wait3A_2127, %dma_wait3A_2128] : memref<16384x50x32xf32, #tpu.memory_space<hbm>> -> memref<1x50x32xf32, #tpu.memory_space<hbm>>
        %dma_wait3A_2130 = tpu.memref_squeeze %dma_wait3A_2129 : memref<1x50x32xf32, #tpu.memory_space<hbm>> -> memref<50x32xf32, #tpu.memory_space<hbm>>
        %dma_wait3A_2131 = arith.constant 0 : i32
        %dma_wait3A_2132 = arith.constant 0 : i32
        %dma_wait3A_2133 = tpu.memref_slice %arg4[%add3A_2123, %dma_wait3A_2131, %dma_wait3A_2132] : memref<16384x50x32xf32, #tpu.memory_space<hbm>> -> memref<1x50x32xf32, #tpu.memory_space<hbm>>
        %dma_wait3A_2134 = tpu.memref_squeeze %dma_wait3A_2133 : memref<1x50x32xf32, #tpu.memory_space<hbm>> -> memref<50x32xf32, #tpu.memory_space<hbm>>
        %dma_wait3A_2135 = arith.constant 0 : i32
        %dma_wait3A_2136 = arith.constant 0 : i32
        %dma_wait3A_2137 = tpu.memref_slice %arg8[%dma_wait3A_2135, %dma_wait3A_2136] : memref<1600x32xf32, #tpu.memory_space<vmem>> -> memref<50x32xf32, #tpu.memory_space<vmem>>
        tpu.wait_dma2 semaphore(%arg12 : memref<!tpu.dma_semaphore, #tpu.memory_space<semaphore_mem>>) src(%dma_wait3A_2137 : memref<50x32xf32, #tpu.memory_space<vmem>>) dst(%dma_wait3A_2134 : memref<50x32xf32, #tpu.memory_space<hbm>>)
        %add3A_2138 = arith.constant 1 : i32
        %add3A_2139 = arith.addi %add3A_2121, %add3A_2138 : i32
        %dma_wait3A_2140 = arith.constant 50 : i32
        %dma_wait3A_2141 = arith.constant 0 : i32
        %dma_wait3A_2142 = tpu.memref_slice %arg8[%dma_wait3A_2140, %dma_wait3A_2141] : memref<1600x32xf32, #tpu.memory_space<vmem>> -> memref<50x32xf32, #tpu.memory_space<vmem>>
        %dma_wait3A_2143 = arith.constant 0 : i32
        %dma_wait3A_2144 = arith.constant 0 : i32
        %dma_wait3A_2145 = tpu.memref_slice %arg4[%add3A_2139, %dma_wait3A_2143, %dma_wait3A_2144] : memref<16384x50x32xf32, #tpu.memory_space<hbm>> -> memref<1x50x32xf32, #tpu.memory_space<hbm>>
        %dma_wait3A_2146 = tpu.memref_squeeze %dma_wait3A_2145 : memref<1x50x32xf32, #tpu.memory_space<hbm>> -> memref<50x32xf32, #tpu.memory_space<hbm>>
        %dma_wait3A_2147 = arith.constant 0 : i32
        %dma_wait3A_2148 = arith.constant 0 : i32
        %dma_wait3A_2149 = tpu.memref_slice %arg4[%add3A_2139, %dma_wait3A_2147, %dma_wait3A_2148] : memref<16384x50x32xf32, #tpu.memory_space<hbm>> -> memref<1x50x32xf32, #tpu.memory_space<hbm>>
        %dma_wait3A_2150 = tpu.memref_squeeze %dma_wait3A_2149 : memref<1x50x32xf32, #tpu.memory_space<hbm>> -> memref<50x32xf32, #tpu.memory_space<hbm>>
        %dma_wait3A_2151 = arith.constant 50 : i32
        %dma_wait3A_2152 = arith.constant 0 : i32
        %dma_wait3A_2153 = tpu.memref_slice %arg8[%dma_wait3A_2151, %dma_wait3A_2152] : memref<1600x32xf32, #tpu.memory_space<vmem>> -> memref<50x32xf32, #tpu.memory_space<vmem>>
        tpu.wait_dma2 semaphore(%arg12 : memref<!tpu.dma_semaphore, #tpu.memory_space<semaphore_mem>>) src(%dma_wait3A_2153 : memref<50x32xf32, #tpu.memory_space<vmem>>) dst(%dma_wait3A_2150 : memref<50x32xf32, #tpu.memory_space<hbm>>)
        %add3A_2154 = arith.constant 2 : i32
        %add3A_2155 = arith.addi %add3A_2121, %add3A_2154 : i32
        %dma_wait3A_2156 = arith.constant 100 : i32
        %dma_wait3A_2157 = arith.constant 0 : i32
        %dma_wait3A_2158 = tpu.memref_slice %arg8[%dma_wait3A_2156, %dma_wait3A_2157] : memref<1600x32xf32, #tpu.memory_space<vmem>> -> memref<50x32xf32, #tpu.memory_space<vmem>>
        %dma_wait3A_2159 = arith.constant 0 : i32
        %dma_wait3A_2160 = arith.constant 0 : i32
        %dma_wait3A_2161 = tpu.memref_slice %arg4[%add3A_2155, %dma_wait3A_2159, %dma_wait3A_2160] : memref<16384x50x32xf32, #tpu.memory_space<hbm>> -> memref<1x50x32xf32, #tpu.memory_space<hbm>>
        %dma_wait3A_2162 = tpu.memref_squeeze %dma_wait3A_2161 : memref<1x50x32xf32, #tpu.memory_space<hbm>> -> memref<50x32xf32, #tpu.memory_space<hbm>>
        %dma_wait3A_2163 = arith.constant 0 : i32
        %dma_wait3A_2164 = arith.constant 0 : i32
        %dma_wait3A_2165 = tpu.memref_slice %arg4[%add3A_2155, %dma_wait3A_2163, %dma_wait3A_2164] : memref<16384x50x32xf32, #tpu.memory_space<hbm>> -> memref<1x50x32xf32, #tpu.memory_space<hbm>>
        %dma_wait3A_2166 = tpu.memref_squeeze %dma_wait3A_2165 : memref<1x50x32xf32, #tpu.memory_space<hbm>> -> memref<50x32xf32, #tpu.memory_space<hbm>>
        %dma_wait3A_2167 = arith.constant 100 : i32
        %dma_wait3A_2168 = arith.constant 0 : i32
        %dma_wait3A_2169 = tpu.memref_slice %arg8[%dma_wait3A_2167, %dma_wait3A_2168] : memref<1600x32xf32, #tpu.memory_space<vmem>> -> memref<50x32xf32, #tpu.memory_space<vmem>>
        tpu.wait_dma2 semaphore(%arg12 : memref<!tpu.dma_semaphore, #tpu.memory_space<semaphore_mem>>) src(%dma_wait3A_2169 : memref<50x32xf32, #tpu.memory_space<vmem>>) dst(%dma_wait3A_2166 : memref<50x32xf32, #tpu.memory_space<hbm>>)
        %add3A_2170 = arith.constant 3 : i32
        %add3A_2171 = arith.addi %add3A_2121, %add3A_2170 : i32
        %dma_wait3A_2172 = arith.constant 150 : i32
        %dma_wait3A_2173 = arith.constant 0 : i32
        %dma_wait3A_2174 = tpu.memref_slice %arg8[%dma_wait3A_2172, %dma_wait3A_2173] : memref<1600x32xf32, #tpu.memory_space<vmem>> -> memref<50x32xf32, #tpu.memory_space<vmem>>
        %dma_wait3A_2175 = arith.constant 0 : i32
        %dma_wait3A_2176 = arith.constant 0 : i32
        %dma_wait3A_2177 = tpu.memref_slice %arg4[%add3A_2171, %dma_wait3A_2175, %dma_wait3A_2176] : memref<16384x50x32xf32, #tpu.memory_space<hbm>> -> memref<1x50x32xf32, #tpu.memory_space<hbm>>
        %dma_wait3A_2178 = tpu.memref_squeeze %dma_wait3A_2177 : memref<1x50x32xf32, #tpu.memory_space<hbm>> -> memref<50x32xf32, #tpu.memory_space<hbm>>
        %dma_wait3A_2179 = arith.constant 0 : i32
        %dma_wait3A_2180 = arith.constant 0 : i32
        %dma_wait3A_2181 = tpu.memref_slice %arg4[%add3A_2171, %dma_wait3A_2179, %dma_wait3A_2180] : memref<16384x50x32xf32, #tpu.memory_space<hbm>> -> memref<1x50x32xf32, #tpu.memory_space<hbm>>
        %dma_wait3A_2182 = tpu.memref_squeeze %dma_wait3A_2181 : memref<1x50x32xf32, #tpu.memory_space<hbm>> -> memref<50x32xf32, #tpu.memory_space<hbm>>
        %dma_wait3A_2183 = arith.constant 150 : i32
        %dma_wait3A_2184 = arith.constant 0 : i32
        %dma_wait3A_2185 = tpu.memref_slice %arg8[%dma_wait3A_2183, %dma_wait3A_2184] : memref<1600x32xf32, #tpu.memory_space<vmem>> -> memref<50x32xf32, #tpu.memory_space<vmem>>
        tpu.wait_dma2 semaphore(%arg12 : memref<!tpu.dma_semaphore, #tpu.memory_space<semaphore_mem>>) src(%dma_wait3A_2185 : memref<50x32xf32, #tpu.memory_space<vmem>>) dst(%dma_wait3A_2182 : memref<50x32xf32, #tpu.memory_space<hbm>>)
        %add3A_2186 = arith.constant 4 : i32
        %add3A_2187 = arith.addi %add3A_2121, %add3A_2186 : i32
        %dma_wait3A_2188 = arith.constant 200 : i32
        %dma_wait3A_2189 = arith.constant 0 : i32
        %dma_wait3A_2190 = tpu.memref_slice %arg8[%dma_wait3A_2188, %dma_wait3A_2189] : memref<1600x32xf32, #tpu.memory_space<vmem>> -> memref<50x32xf32, #tpu.memory_space<vmem>>
        %dma_wait3A_2191 = arith.constant 0 : i32
        %dma_wait3A_2192 = arith.constant 0 : i32
        %dma_wait3A_2193 = tpu.memref_slice %arg4[%add3A_2187, %dma_wait3A_2191, %dma_wait3A_2192] : memref<16384x50x32xf32, #tpu.memory_space<hbm>> -> memref<1x50x32xf32, #tpu.memory_space<hbm>>
        %dma_wait3A_2194 = tpu.memref_squeeze %dma_wait3A_2193 : memref<1x50x32xf32, #tpu.memory_space<hbm>> -> memref<50x32xf32, #tpu.memory_space<hbm>>
        %dma_wait3A_2195 = arith.constant 0 : i32
        %dma_wait3A_2196 = arith.constant 0 : i32
        %dma_wait3A_2197 = tpu.memref_slice %arg4[%add3A_2187, %dma_wait3A_2195, %dma_wait3A_2196] : memref<16384x50x32xf32, #tpu.memory_space<hbm>> -> memref<1x50x32xf32, #tpu.memory_space<hbm>>
        %dma_wait3A_2198 = tpu.memref_squeeze %dma_wait3A_2197 : memref<1x50x32xf32, #tpu.memory_space<hbm>> -> memref<50x32xf32, #tpu.memory_space<hbm>>
        %dma_wait3A_2199 = arith.constant 200 : i32
        %dma_wait3A_2200 = arith.constant 0 : i32
        %dma_wait3A_2201 = tpu.memref_slice %arg8[%dma_wait3A_2199, %dma_wait3A_2200] : memref<1600x32xf32, #tpu.memory_space<vmem>> -> memref<50x32xf32, #tpu.memory_space<vmem>>
        tpu.wait_dma2 semaphore(%arg12 : memref<!tpu.dma_semaphore, #tpu.memory_space<semaphore_mem>>) src(%dma_wait3A_2201 : memref<50x32xf32, #tpu.memory_space<vmem>>) dst(%dma_wait3A_2198 : memref<50x32xf32, #tpu.memory_space<hbm>>)
        %add3A_2202 = arith.constant 5 : i32
        %add3A_2203 = arith.addi %add3A_2121, %add3A_2202 : i32
        %dma_wait3A_2204 = arith.constant 250 : i32
        %dma_wait3A_2205 = arith.constant 0 : i32
        %dma_wait3A_2206 = tpu.memref_slice %arg8[%dma_wait3A_2204, %dma_wait3A_2205] : memref<1600x32xf32, #tpu.memory_space<vmem>> -> memref<50x32xf32, #tpu.memory_space<vmem>>
        %dma_wait3A_2207 = arith.constant 0 : i32
        %dma_wait3A_2208 = arith.constant 0 : i32
        %dma_wait3A_2209 = tpu.memref_slice %arg4[%add3A_2203, %dma_wait3A_2207, %dma_wait3A_2208] : memref<16384x50x32xf32, #tpu.memory_space<hbm>> -> memref<1x50x32xf32, #tpu.memory_space<hbm>>
        %dma_wait3A_2210 = tpu.memref_squeeze %dma_wait3A_2209 : memref<1x50x32xf32, #tpu.memory_space<hbm>> -> memref<50x32xf32, #tpu.memory_space<hbm>>
        %dma_wait3A_2211 = arith.constant 0 : i32
        %dma_wait3A_2212 = arith.constant 0 : i32
        %dma_wait3A_2213 = tpu.memref_slice %arg4[%add3A_2203, %dma_wait3A_2211, %dma_wait3A_2212] : memref<16384x50x32xf32, #tpu.memory_space<hbm>> -> memref<1x50x32xf32, #tpu.memory_space<hbm>>
        %dma_wait3A_2214 = tpu.memref_squeeze %dma_wait3A_2213 : memref<1x50x32xf32, #tpu.memory_space<hbm>> -> memref<50x32xf32, #tpu.memory_space<hbm>>
        %dma_wait3A_2215 = arith.constant 250 : i32
        %dma_wait3A_2216 = arith.constant 0 : i32
        %dma_wait3A_2217 = tpu.memref_slice %arg8[%dma_wait3A_2215, %dma_wait3A_2216] : memref<1600x32xf32, #tpu.memory_space<vmem>> -> memref<50x32xf32, #tpu.memory_space<vmem>>
        tpu.wait_dma2 semaphore(%arg12 : memref<!tpu.dma_semaphore, #tpu.memory_space<semaphore_mem>>) src(%dma_wait3A_2217 : memref<50x32xf32, #tpu.memory_space<vmem>>) dst(%dma_wait3A_2214 : memref<50x32xf32, #tpu.memory_space<hbm>>)
        %add3A_2218 = arith.constant 6 : i32
        %add3A_2219 = arith.addi %add3A_2121, %add3A_2218 : i32
        %dma_wait3A_2220 = arith.constant 300 : i32
        %dma_wait3A_2221 = arith.constant 0 : i32
        %dma_wait3A_2222 = tpu.memref_slice %arg8[%dma_wait3A_2220, %dma_wait3A_2221] : memref<1600x32xf32, #tpu.memory_space<vmem>> -> memref<50x32xf32, #tpu.memory_space<vmem>>
        %dma_wait3A_2223 = arith.constant 0 : i32
        %dma_wait3A_2224 = arith.constant 0 : i32
        %dma_wait3A_2225 = tpu.memref_slice %arg4[%add3A_2219, %dma_wait3A_2223, %dma_wait3A_2224] : memref<16384x50x32xf32, #tpu.memory_space<hbm>> -> memref<1x50x32xf32, #tpu.memory_space<hbm>>
        %dma_wait3A_2226 = tpu.memref_squeeze %dma_wait3A_2225 : memref<1x50x32xf32, #tpu.memory_space<hbm>> -> memref<50x32xf32, #tpu.memory_space<hbm>>
        %dma_wait3A_2227 = arith.constant 0 : i32
        %dma_wait3A_2228 = arith.constant 0 : i32
        %dma_wait3A_2229 = tpu.memref_slice %arg4[%add3A_2219, %dma_wait3A_2227, %dma_wait3A_2228] : memref<16384x50x32xf32, #tpu.memory_space<hbm>> -> memref<1x50x32xf32, #tpu.memory_space<hbm>>
        %dma_wait3A_2230 = tpu.memref_squeeze %dma_wait3A_2229 : memref<1x50x32xf32, #tpu.memory_space<hbm>> -> memref<50x32xf32, #tpu.memory_space<hbm>>
        %dma_wait3A_2231 = arith.constant 300 : i32
        %dma_wait3A_2232 = arith.constant 0 : i32
        %dma_wait3A_2233 = tpu.memref_slice %arg8[%dma_wait3A_2231, %dma_wait3A_2232] : memref<1600x32xf32, #tpu.memory_space<vmem>> -> memref<50x32xf32, #tpu.memory_space<vmem>>
        tpu.wait_dma2 semaphore(%arg12 : memref<!tpu.dma_semaphore, #tpu.memory_space<semaphore_mem>>) src(%dma_wait3A_2233 : memref<50x32xf32, #tpu.memory_space<vmem>>) dst(%dma_wait3A_2230 : memref<50x32xf32, #tpu.memory_space<hbm>>)
        %add3A_2234 = arith.constant 7 : i32
        %add3A_2235 = arith.addi %add3A_2121, %add3A_2234 : i32
        %dma_wait3A_2236 = arith.constant 350 : i32
        %dma_wait3A_2237 = arith.constant 0 : i32
        %dma_wait3A_2238 = tpu.memref_slice %arg8[%dma_wait3A_2236, %dma_wait3A_2237] : memref<1600x32xf32, #tpu.memory_space<vmem>> -> memref<50x32xf32, #tpu.memory_space<vmem>>
        %dma_wait3A_2239 = arith.constant 0 : i32
        %dma_wait3A_2240 = arith.constant 0 : i32
        %dma_wait3A_2241 = tpu.memref_slice %arg4[%add3A_2235, %dma_wait3A_2239, %dma_wait3A_2240] : memref<16384x50x32xf32, #tpu.memory_space<hbm>> -> memref<1x50x32xf32, #tpu.memory_space<hbm>>
        %dma_wait3A_2242 = tpu.memref_squeeze %dma_wait3A_2241 : memref<1x50x32xf32, #tpu.memory_space<hbm>> -> memref<50x32xf32, #tpu.memory_space<hbm>>
        %dma_wait3A_2243 = arith.constant 0 : i32
        %dma_wait3A_2244 = arith.constant 0 : i32
        %dma_wait3A_2245 = tpu.memref_slice %arg4[%add3A_2235, %dma_wait3A_2243, %dma_wait3A_2244] : memref<16384x50x32xf32, #tpu.memory_space<hbm>> -> memref<1x50x32xf32, #tpu.memory_space<hbm>>
        %dma_wait3A_2246 = tpu.memref_squeeze %dma_wait3A_2245 : memref<1x50x32xf32, #tpu.memory_space<hbm>> -> memref<50x32xf32, #tpu.memory_space<hbm>>
        %dma_wait3A_2247 = arith.constant 350 : i32
        %dma_wait3A_2248 = arith.constant 0 : i32
        %dma_wait3A_2249 = tpu.memref_slice %arg8[%dma_wait3A_2247, %dma_wait3A_2248] : memref<1600x32xf32, #tpu.memory_space<vmem>> -> memref<50x32xf32, #tpu.memory_space<vmem>>
        tpu.wait_dma2 semaphore(%arg12 : memref<!tpu.dma_semaphore, #tpu.memory_space<semaphore_mem>>) src(%dma_wait3A_2249 : memref<50x32xf32, #tpu.memory_space<vmem>>) dst(%dma_wait3A_2246 : memref<50x32xf32, #tpu.memory_space<hbm>>)
        %add3A_2250 = arith.constant 8 : i32
        %add3A_2251 = arith.addi %add3A_2121, %add3A_2250 : i32
        %dma_wait3A_2252 = arith.constant 400 : i32
        %dma_wait3A_2253 = arith.constant 0 : i32
        %dma_wait3A_2254 = tpu.memref_slice %arg8[%dma_wait3A_2252, %dma_wait3A_2253] : memref<1600x32xf32, #tpu.memory_space<vmem>> -> memref<50x32xf32, #tpu.memory_space<vmem>>
        %dma_wait3A_2255 = arith.constant 0 : i32
        %dma_wait3A_2256 = arith.constant 0 : i32
        %dma_wait3A_2257 = tpu.memref_slice %arg4[%add3A_2251, %dma_wait3A_2255, %dma_wait3A_2256] : memref<16384x50x32xf32, #tpu.memory_space<hbm>> -> memref<1x50x32xf32, #tpu.memory_space<hbm>>
        %dma_wait3A_2258 = tpu.memref_squeeze %dma_wait3A_2257 : memref<1x50x32xf32, #tpu.memory_space<hbm>> -> memref<50x32xf32, #tpu.memory_space<hbm>>
        %dma_wait3A_2259 = arith.constant 0 : i32
        %dma_wait3A_2260 = arith.constant 0 : i32
        %dma_wait3A_2261 = tpu.memref_slice %arg4[%add3A_2251, %dma_wait3A_2259, %dma_wait3A_2260] : memref<16384x50x32xf32, #tpu.memory_space<hbm>> -> memref<1x50x32xf32, #tpu.memory_space<hbm>>
        %dma_wait3A_2262 = tpu.memref_squeeze %dma_wait3A_2261 : memref<1x50x32xf32, #tpu.memory_space<hbm>> -> memref<50x32xf32, #tpu.memory_space<hbm>>
        %dma_wait3A_2263 = arith.constant 400 : i32
        %dma_wait3A_2264 = arith.constant 0 : i32
        %dma_wait3A_2265 = tpu.memref_slice %arg8[%dma_wait3A_2263, %dma_wait3A_2264] : memref<1600x32xf32, #tpu.memory_space<vmem>> -> memref<50x32xf32, #tpu.memory_space<vmem>>
        tpu.wait_dma2 semaphore(%arg12 : memref<!tpu.dma_semaphore, #tpu.memory_space<semaphore_mem>>) src(%dma_wait3A_2265 : memref<50x32xf32, #tpu.memory_space<vmem>>) dst(%dma_wait3A_2262 : memref<50x32xf32, #tpu.memory_space<hbm>>)
        %add3A_2266 = arith.constant 9 : i32
        %add3A_2267 = arith.addi %add3A_2121, %add3A_2266 : i32
        %dma_wait3A_2268 = arith.constant 450 : i32
        %dma_wait3A_2269 = arith.constant 0 : i32
        %dma_wait3A_2270 = tpu.memref_slice %arg8[%dma_wait3A_2268, %dma_wait3A_2269] : memref<1600x32xf32, #tpu.memory_space<vmem>> -> memref<50x32xf32, #tpu.memory_space<vmem>>
        %dma_wait3A_2271 = arith.constant 0 : i32
        %dma_wait3A_2272 = arith.constant 0 : i32
        %dma_wait3A_2273 = tpu.memref_slice %arg4[%add3A_2267, %dma_wait3A_2271, %dma_wait3A_2272] : memref<16384x50x32xf32, #tpu.memory_space<hbm>> -> memref<1x50x32xf32, #tpu.memory_space<hbm>>
        %dma_wait3A_2274 = tpu.memref_squeeze %dma_wait3A_2273 : memref<1x50x32xf32, #tpu.memory_space<hbm>> -> memref<50x32xf32, #tpu.memory_space<hbm>>
        %dma_wait3A_2275 = arith.constant 0 : i32
        %dma_wait3A_2276 = arith.constant 0 : i32
        %dma_wait3A_2277 = tpu.memref_slice %arg4[%add3A_2267, %dma_wait3A_2275, %dma_wait3A_2276] : memref<16384x50x32xf32, #tpu.memory_space<hbm>> -> memref<1x50x32xf32, #tpu.memory_space<hbm>>
        %dma_wait3A_2278 = tpu.memref_squeeze %dma_wait3A_2277 : memref<1x50x32xf32, #tpu.memory_space<hbm>> -> memref<50x32xf32, #tpu.memory_space<hbm>>
        %dma_wait3A_2279 = arith.constant 450 : i32
        %dma_wait3A_2280 = arith.constant 0 : i32
        %dma_wait3A_2281 = tpu.memref_slice %arg8[%dma_wait3A_2279, %dma_wait3A_2280] : memref<1600x32xf32, #tpu.memory_space<vmem>> -> memref<50x32xf32, #tpu.memory_space<vmem>>
        tpu.wait_dma2 semaphore(%arg12 : memref<!tpu.dma_semaphore, #tpu.memory_space<semaphore_mem>>) src(%dma_wait3A_2281 : memref<50x32xf32, #tpu.memory_space<vmem>>) dst(%dma_wait3A_2278 : memref<50x32xf32, #tpu.memory_space<hbm>>)
        %add3A_2282 = arith.constant 10 : i32
        %add3A_2283 = arith.addi %add3A_2121, %add3A_2282 : i32
        %dma_wait3A_2284 = arith.constant 500 : i32
        %dma_wait3A_2285 = arith.constant 0 : i32
        %dma_wait3A_2286 = tpu.memref_slice %arg8[%dma_wait3A_2284, %dma_wait3A_2285] : memref<1600x32xf32, #tpu.memory_space<vmem>> -> memref<50x32xf32, #tpu.memory_space<vmem>>
        %dma_wait3A_2287 = arith.constant 0 : i32
        %dma_wait3A_2288 = arith.constant 0 : i32
        %dma_wait3A_2289 = tpu.memref_slice %arg4[%add3A_2283, %dma_wait3A_2287, %dma_wait3A_2288] : memref<16384x50x32xf32, #tpu.memory_space<hbm>> -> memref<1x50x32xf32, #tpu.memory_space<hbm>>
        %dma_wait3A_2290 = tpu.memref_squeeze %dma_wait3A_2289 : memref<1x50x32xf32, #tpu.memory_space<hbm>> -> memref<50x32xf32, #tpu.memory_space<hbm>>
        %dma_wait3A_2291 = arith.constant 0 : i32
        %dma_wait3A_2292 = arith.constant 0 : i32
        %dma_wait3A_2293 = tpu.memref_slice %arg4[%add3A_2283, %dma_wait3A_2291, %dma_wait3A_2292] : memref<16384x50x32xf32, #tpu.memory_space<hbm>> -> memref<1x50x32xf32, #tpu.memory_space<hbm>>
        %dma_wait3A_2294 = tpu.memref_squeeze %dma_wait3A_2293 : memref<1x50x32xf32, #tpu.memory_space<hbm>> -> memref<50x32xf32, #tpu.memory_space<hbm>>
        %dma_wait3A_2295 = arith.constant 500 : i32
        %dma_wait3A_2296 = arith.constant 0 : i32
        %dma_wait3A_2297 = tpu.memref_slice %arg8[%dma_wait3A_2295, %dma_wait3A_2296] : memref<1600x32xf32, #tpu.memory_space<vmem>> -> memref<50x32xf32, #tpu.memory_space<vmem>>
        tpu.wait_dma2 semaphore(%arg12 : memref<!tpu.dma_semaphore, #tpu.memory_space<semaphore_mem>>) src(%dma_wait3A_2297 : memref<50x32xf32, #tpu.memory_space<vmem>>) dst(%dma_wait3A_2294 : memref<50x32xf32, #tpu.memory_space<hbm>>)
        %add3A_2298 = arith.constant 11 : i32
        %add3A_2299 = arith.addi %add3A_2121, %add3A_2298 : i32
        %dma_wait3A_2300 = arith.constant 550 : i32
        %dma_wait3A_2301 = arith.constant 0 : i32
        %dma_wait3A_2302 = tpu.memref_slice %arg8[%dma_wait3A_2300, %dma_wait3A_2301] : memref<1600x32xf32, #tpu.memory_space<vmem>> -> memref<50x32xf32, #tpu.memory_space<vmem>>
        %dma_wait3A_2303 = arith.constant 0 : i32
        %dma_wait3A_2304 = arith.constant 0 : i32
        %dma_wait3A_2305 = tpu.memref_slice %arg4[%add3A_2299, %dma_wait3A_2303, %dma_wait3A_2304] : memref<16384x50x32xf32, #tpu.memory_space<hbm>> -> memref<1x50x32xf32, #tpu.memory_space<hbm>>
        %dma_wait3A_2306 = tpu.memref_squeeze %dma_wait3A_2305 : memref<1x50x32xf32, #tpu.memory_space<hbm>> -> memref<50x32xf32, #tpu.memory_space<hbm>>
        %dma_wait3A_2307 = arith.constant 0 : i32
        %dma_wait3A_2308 = arith.constant 0 : i32
        %dma_wait3A_2309 = tpu.memref_slice %arg4[%add3A_2299, %dma_wait3A_2307, %dma_wait3A_2308] : memref<16384x50x32xf32, #tpu.memory_space<hbm>> -> memref<1x50x32xf32, #tpu.memory_space<hbm>>
        %dma_wait3A_2310 = tpu.memref_squeeze %dma_wait3A_2309 : memref<1x50x32xf32, #tpu.memory_space<hbm>> -> memref<50x32xf32, #tpu.memory_space<hbm>>
        %dma_wait3A_2311 = arith.constant 550 : i32
        %dma_wait3A_2312 = arith.constant 0 : i32
        %dma_wait3A_2313 = tpu.memref_slice %arg8[%dma_wait3A_2311, %dma_wait3A_2312] : memref<1600x32xf32, #tpu.memory_space<vmem>> -> memref<50x32xf32, #tpu.memory_space<vmem>>
        tpu.wait_dma2 semaphore(%arg12 : memref<!tpu.dma_semaphore, #tpu.memory_space<semaphore_mem>>) src(%dma_wait3A_2313 : memref<50x32xf32, #tpu.memory_space<vmem>>) dst(%dma_wait3A_2310 : memref<50x32xf32, #tpu.memory_space<hbm>>)
        %add3A_2314 = arith.constant 12 : i32
        %add3A_2315 = arith.addi %add3A_2121, %add3A_2314 : i32
        %dma_wait3A_2316 = arith.constant 600 : i32
        %dma_wait3A_2317 = arith.constant 0 : i32
        %dma_wait3A_2318 = tpu.memref_slice %arg8[%dma_wait3A_2316, %dma_wait3A_2317] : memref<1600x32xf32, #tpu.memory_space<vmem>> -> memref<50x32xf32, #tpu.memory_space<vmem>>
        %dma_wait3A_2319 = arith.constant 0 : i32
        %dma_wait3A_2320 = arith.constant 0 : i32
        %dma_wait3A_2321 = tpu.memref_slice %arg4[%add3A_2315, %dma_wait3A_2319, %dma_wait3A_2320] : memref<16384x50x32xf32, #tpu.memory_space<hbm>> -> memref<1x50x32xf32, #tpu.memory_space<hbm>>
        %dma_wait3A_2322 = tpu.memref_squeeze %dma_wait3A_2321 : memref<1x50x32xf32, #tpu.memory_space<hbm>> -> memref<50x32xf32, #tpu.memory_space<hbm>>
        %dma_wait3A_2323 = arith.constant 0 : i32
        %dma_wait3A_2324 = arith.constant 0 : i32
        %dma_wait3A_2325 = tpu.memref_slice %arg4[%add3A_2315, %dma_wait3A_2323, %dma_wait3A_2324] : memref<16384x50x32xf32, #tpu.memory_space<hbm>> -> memref<1x50x32xf32, #tpu.memory_space<hbm>>
        %dma_wait3A_2326 = tpu.memref_squeeze %dma_wait3A_2325 : memref<1x50x32xf32, #tpu.memory_space<hbm>> -> memref<50x32xf32, #tpu.memory_space<hbm>>
        %dma_wait3A_2327 = arith.constant 600 : i32
        %dma_wait3A_2328 = arith.constant 0 : i32
        %dma_wait3A_2329 = tpu.memref_slice %arg8[%dma_wait3A_2327, %dma_wait3A_2328] : memref<1600x32xf32, #tpu.memory_space<vmem>> -> memref<50x32xf32, #tpu.memory_space<vmem>>
        tpu.wait_dma2 semaphore(%arg12 : memref<!tpu.dma_semaphore, #tpu.memory_space<semaphore_mem>>) src(%dma_wait3A_2329 : memref<50x32xf32, #tpu.memory_space<vmem>>) dst(%dma_wait3A_2326 : memref<50x32xf32, #tpu.memory_space<hbm>>)
        %add3A_2330 = arith.constant 13 : i32
        %add3A_2331 = arith.addi %add3A_2121, %add3A_2330 : i32
        %dma_wait3A_2332 = arith.constant 650 : i32
        %dma_wait3A_2333 = arith.constant 0 : i32
        %dma_wait3A_2334 = tpu.memref_slice %arg8[%dma_wait3A_2332, %dma_wait3A_2333] : memref<1600x32xf32, #tpu.memory_space<vmem>> -> memref<50x32xf32, #tpu.memory_space<vmem>>
        %dma_wait3A_2335 = arith.constant 0 : i32
        %dma_wait3A_2336 = arith.constant 0 : i32
        %dma_wait3A_2337 = tpu.memref_slice %arg4[%add3A_2331, %dma_wait3A_2335, %dma_wait3A_2336] : memref<16384x50x32xf32, #tpu.memory_space<hbm>> -> memref<1x50x32xf32, #tpu.memory_space<hbm>>
        %dma_wait3A_2338 = tpu.memref_squeeze %dma_wait3A_2337 : memref<1x50x32xf32, #tpu.memory_space<hbm>> -> memref<50x32xf32, #tpu.memory_space<hbm>>
        %dma_wait3A_2339 = arith.constant 0 : i32
        %dma_wait3A_2340 = arith.constant 0 : i32
        %dma_wait3A_2341 = tpu.memref_slice %arg4[%add3A_2331, %dma_wait3A_2339, %dma_wait3A_2340] : memref<16384x50x32xf32, #tpu.memory_space<hbm>> -> memref<1x50x32xf32, #tpu.memory_space<hbm>>
        %dma_wait3A_2342 = tpu.memref_squeeze %dma_wait3A_2341 : memref<1x50x32xf32, #tpu.memory_space<hbm>> -> memref<50x32xf32, #tpu.memory_space<hbm>>
        %dma_wait3A_2343 = arith.constant 650 : i32
        %dma_wait3A_2344 = arith.constant 0 : i32
        %dma_wait3A_2345 = tpu.memref_slice %arg8[%dma_wait3A_2343, %dma_wait3A_2344] : memref<1600x32xf32, #tpu.memory_space<vmem>> -> memref<50x32xf32, #tpu.memory_space<vmem>>
        tpu.wait_dma2 semaphore(%arg12 : memref<!tpu.dma_semaphore, #tpu.memory_space<semaphore_mem>>) src(%dma_wait3A_2345 : memref<50x32xf32, #tpu.memory_space<vmem>>) dst(%dma_wait3A_2342 : memref<50x32xf32, #tpu.memory_space<hbm>>)
        %add3A_2346 = arith.constant 14 : i32
        %add3A_2347 = arith.addi %add3A_2121, %add3A_2346 : i32
        %dma_wait3A_2348 = arith.constant 700 : i32
        %dma_wait3A_2349 = arith.constant 0 : i32
        %dma_wait3A_2350 = tpu.memref_slice %arg8[%dma_wait3A_2348, %dma_wait3A_2349] : memref<1600x32xf32, #tpu.memory_space<vmem>> -> memref<50x32xf32, #tpu.memory_space<vmem>>
        %dma_wait3A_2351 = arith.constant 0 : i32
        %dma_wait3A_2352 = arith.constant 0 : i32
        %dma_wait3A_2353 = tpu.memref_slice %arg4[%add3A_2347, %dma_wait3A_2351, %dma_wait3A_2352] : memref<16384x50x32xf32, #tpu.memory_space<hbm>> -> memref<1x50x32xf32, #tpu.memory_space<hbm>>
        %dma_wait3A_2354 = tpu.memref_squeeze %dma_wait3A_2353 : memref<1x50x32xf32, #tpu.memory_space<hbm>> -> memref<50x32xf32, #tpu.memory_space<hbm>>
        %dma_wait3A_2355 = arith.constant 0 : i32
        %dma_wait3A_2356 = arith.constant 0 : i32
        %dma_wait3A_2357 = tpu.memref_slice %arg4[%add3A_2347, %dma_wait3A_2355, %dma_wait3A_2356] : memref<16384x50x32xf32, #tpu.memory_space<hbm>> -> memref<1x50x32xf32, #tpu.memory_space<hbm>>
        %dma_wait3A_2358 = tpu.memref_squeeze %dma_wait3A_2357 : memref<1x50x32xf32, #tpu.memory_space<hbm>> -> memref<50x32xf32, #tpu.memory_space<hbm>>
        %dma_wait3A_2359 = arith.constant 700 : i32
        %dma_wait3A_2360 = arith.constant 0 : i32
        %dma_wait3A_2361 = tpu.memref_slice %arg8[%dma_wait3A_2359, %dma_wait3A_2360] : memref<1600x32xf32, #tpu.memory_space<vmem>> -> memref<50x32xf32, #tpu.memory_space<vmem>>
        tpu.wait_dma2 semaphore(%arg12 : memref<!tpu.dma_semaphore, #tpu.memory_space<semaphore_mem>>) src(%dma_wait3A_2361 : memref<50x32xf32, #tpu.memory_space<vmem>>) dst(%dma_wait3A_2358 : memref<50x32xf32, #tpu.memory_space<hbm>>)
        %add3A_2362 = arith.constant 15 : i32
        %add3A_2363 = arith.addi %add3A_2121, %add3A_2362 : i32
        %dma_wait3A_2364 = arith.constant 750 : i32
        %dma_wait3A_2365 = arith.constant 0 : i32
        %dma_wait3A_2366 = tpu.memref_slice %arg8[%dma_wait3A_2364, %dma_wait3A_2365] : memref<1600x32xf32, #tpu.memory_space<vmem>> -> memref<50x32xf32, #tpu.memory_space<vmem>>
        %dma_wait3A_2367 = arith.constant 0 : i32
        %dma_wait3A_2368 = arith.constant 0 : i32
        %dma_wait3A_2369 = tpu.memref_slice %arg4[%add3A_2363, %dma_wait3A_2367, %dma_wait3A_2368] : memref<16384x50x32xf32, #tpu.memory_space<hbm>> -> memref<1x50x32xf32, #tpu.memory_space<hbm>>
        %dma_wait3A_2370 = tpu.memref_squeeze %dma_wait3A_2369 : memref<1x50x32xf32, #tpu.memory_space<hbm>> -> memref<50x32xf32, #tpu.memory_space<hbm>>
        %dma_wait3A_2371 = arith.constant 0 : i32
        %dma_wait3A_2372 = arith.constant 0 : i32
        %dma_wait3A_2373 = tpu.memref_slice %arg4[%add3A_2363, %dma_wait3A_2371, %dma_wait3A_2372] : memref<16384x50x32xf32, #tpu.memory_space<hbm>> -> memref<1x50x32xf32, #tpu.memory_space<hbm>>
        %dma_wait3A_2374 = tpu.memref_squeeze %dma_wait3A_2373 : memref<1x50x32xf32, #tpu.memory_space<hbm>> -> memref<50x32xf32, #tpu.memory_space<hbm>>
        %dma_wait3A_2375 = arith.constant 750 : i32
        %dma_wait3A_2376 = arith.constant 0 : i32
        %dma_wait3A_2377 = tpu.memref_slice %arg8[%dma_wait3A_2375, %dma_wait3A_2376] : memref<1600x32xf32, #tpu.memory_space<vmem>> -> memref<50x32xf32, #tpu.memory_space<vmem>>
        tpu.wait_dma2 semaphore(%arg12 : memref<!tpu.dma_semaphore, #tpu.memory_space<semaphore_mem>>) src(%dma_wait3A_2377 : memref<50x32xf32, #tpu.memory_space<vmem>>) dst(%dma_wait3A_2374 : memref<50x32xf32, #tpu.memory_space<hbm>>)
        %add3A_2378 = arith.constant 16 : i32
        %add3A_2379 = arith.addi %add3A_2121, %add3A_2378 : i32
        %dma_wait3A_2380 = arith.constant 800 : i32
        %dma_wait3A_2381 = arith.constant 0 : i32
        %dma_wait3A_2382 = tpu.memref_slice %arg8[%dma_wait3A_2380, %dma_wait3A_2381] : memref<1600x32xf32, #tpu.memory_space<vmem>> -> memref<50x32xf32, #tpu.memory_space<vmem>>
        %dma_wait3A_2383 = arith.constant 0 : i32
        %dma_wait3A_2384 = arith.constant 0 : i32
        %dma_wait3A_2385 = tpu.memref_slice %arg4[%add3A_2379, %dma_wait3A_2383, %dma_wait3A_2384] : memref<16384x50x32xf32, #tpu.memory_space<hbm>> -> memref<1x50x32xf32, #tpu.memory_space<hbm>>
        %dma_wait3A_2386 = tpu.memref_squeeze %dma_wait3A_2385 : memref<1x50x32xf32, #tpu.memory_space<hbm>> -> memref<50x32xf32, #tpu.memory_space<hbm>>
        %dma_wait3A_2387 = arith.constant 0 : i32
        %dma_wait3A_2388 = arith.constant 0 : i32
        %dma_wait3A_2389 = tpu.memref_slice %arg4[%add3A_2379, %dma_wait3A_2387, %dma_wait3A_2388] : memref<16384x50x32xf32, #tpu.memory_space<hbm>> -> memref<1x50x32xf32, #tpu.memory_space<hbm>>
        %dma_wait3A_2390 = tpu.memref_squeeze %dma_wait3A_2389 : memref<1x50x32xf32, #tpu.memory_space<hbm>> -> memref<50x32xf32, #tpu.memory_space<hbm>>
        %dma_wait3A_2391 = arith.constant 800 : i32
        %dma_wait3A_2392 = arith.constant 0 : i32
        %dma_wait3A_2393 = tpu.memref_slice %arg8[%dma_wait3A_2391, %dma_wait3A_2392] : memref<1600x32xf32, #tpu.memory_space<vmem>> -> memref<50x32xf32, #tpu.memory_space<vmem>>
        tpu.wait_dma2 semaphore(%arg12 : memref<!tpu.dma_semaphore, #tpu.memory_space<semaphore_mem>>) src(%dma_wait3A_2393 : memref<50x32xf32, #tpu.memory_space<vmem>>) dst(%dma_wait3A_2390 : memref<50x32xf32, #tpu.memory_space<hbm>>)
        %add3A_2394 = arith.constant 17 : i32
        %add3A_2395 = arith.addi %add3A_2121, %add3A_2394 : i32
        %dma_wait3A_2396 = arith.constant 850 : i32
        %dma_wait3A_2397 = arith.constant 0 : i32
        %dma_wait3A_2398 = tpu.memref_slice %arg8[%dma_wait3A_2396, %dma_wait3A_2397] : memref<1600x32xf32, #tpu.memory_space<vmem>> -> memref<50x32xf32, #tpu.memory_space<vmem>>
        %dma_wait3A_2399 = arith.constant 0 : i32
        %dma_wait3A_2400 = arith.constant 0 : i32
        %dma_wait3A_2401 = tpu.memref_slice %arg4[%add3A_2395, %dma_wait3A_2399, %dma_wait3A_2400] : memref<16384x50x32xf32, #tpu.memory_space<hbm>> -> memref<1x50x32xf32, #tpu.memory_space<hbm>>
        %dma_wait3A_2402 = tpu.memref_squeeze %dma_wait3A_2401 : memref<1x50x32xf32, #tpu.memory_space<hbm>> -> memref<50x32xf32, #tpu.memory_space<hbm>>
        %dma_wait3A_2403 = arith.constant 0 : i32
        %dma_wait3A_2404 = arith.constant 0 : i32
        %dma_wait3A_2405 = tpu.memref_slice %arg4[%add3A_2395, %dma_wait3A_2403, %dma_wait3A_2404] : memref<16384x50x32xf32, #tpu.memory_space<hbm>> -> memref<1x50x32xf32, #tpu.memory_space<hbm>>
        %dma_wait3A_2406 = tpu.memref_squeeze %dma_wait3A_2405 : memref<1x50x32xf32, #tpu.memory_space<hbm>> -> memref<50x32xf32, #tpu.memory_space<hbm>>
        %dma_wait3A_2407 = arith.constant 850 : i32
        %dma_wait3A_2408 = arith.constant 0 : i32
        %dma_wait3A_2409 = tpu.memref_slice %arg8[%dma_wait3A_2407, %dma_wait3A_2408] : memref<1600x32xf32, #tpu.memory_space<vmem>> -> memref<50x32xf32, #tpu.memory_space<vmem>>
        tpu.wait_dma2 semaphore(%arg12 : memref<!tpu.dma_semaphore, #tpu.memory_space<semaphore_mem>>) src(%dma_wait3A_2409 : memref<50x32xf32, #tpu.memory_space<vmem>>) dst(%dma_wait3A_2406 : memref<50x32xf32, #tpu.memory_space<hbm>>)
        %add3A_2410 = arith.constant 18 : i32
        %add3A_2411 = arith.addi %add3A_2121, %add3A_2410 : i32
        %dma_wait3A_2412 = arith.constant 900 : i32
        %dma_wait3A_2413 = arith.constant 0 : i32
        %dma_wait3A_2414 = tpu.memref_slice %arg8[%dma_wait3A_2412, %dma_wait3A_2413] : memref<1600x32xf32, #tpu.memory_space<vmem>> -> memref<50x32xf32, #tpu.memory_space<vmem>>
        %dma_wait3A_2415 = arith.constant 0 : i32
        %dma_wait3A_2416 = arith.constant 0 : i32
        %dma_wait3A_2417 = tpu.memref_slice %arg4[%add3A_2411, %dma_wait3A_2415, %dma_wait3A_2416] : memref<16384x50x32xf32, #tpu.memory_space<hbm>> -> memref<1x50x32xf32, #tpu.memory_space<hbm>>
        %dma_wait3A_2418 = tpu.memref_squeeze %dma_wait3A_2417 : memref<1x50x32xf32, #tpu.memory_space<hbm>> -> memref<50x32xf32, #tpu.memory_space<hbm>>
        %dma_wait3A_2419 = arith.constant 0 : i32
        %dma_wait3A_2420 = arith.constant 0 : i32
        %dma_wait3A_2421 = tpu.memref_slice %arg4[%add3A_2411, %dma_wait3A_2419, %dma_wait3A_2420] : memref<16384x50x32xf32, #tpu.memory_space<hbm>> -> memref<1x50x32xf32, #tpu.memory_space<hbm>>
        %dma_wait3A_2422 = tpu.memref_squeeze %dma_wait3A_2421 : memref<1x50x32xf32, #tpu.memory_space<hbm>> -> memref<50x32xf32, #tpu.memory_space<hbm>>
        %dma_wait3A_2423 = arith.constant 900 : i32
        %dma_wait3A_2424 = arith.constant 0 : i32
        %dma_wait3A_2425 = tpu.memref_slice %arg8[%dma_wait3A_2423, %dma_wait3A_2424] : memref<1600x32xf32, #tpu.memory_space<vmem>> -> memref<50x32xf32, #tpu.memory_space<vmem>>
        tpu.wait_dma2 semaphore(%arg12 : memref<!tpu.dma_semaphore, #tpu.memory_space<semaphore_mem>>) src(%dma_wait3A_2425 : memref<50x32xf32, #tpu.memory_space<vmem>>) dst(%dma_wait3A_2422 : memref<50x32xf32, #tpu.memory_space<hbm>>)
        %add3A_2426 = arith.constant 19 : i32
        %add3A_2427 = arith.addi %add3A_2121, %add3A_2426 : i32
        %dma_wait3A_2428 = arith.constant 950 : i32
        %dma_wait3A_2429 = arith.constant 0 : i32
        %dma_wait3A_2430 = tpu.memref_slice %arg8[%dma_wait3A_2428, %dma_wait3A_2429] : memref<1600x32xf32, #tpu.memory_space<vmem>> -> memref<50x32xf32, #tpu.memory_space<vmem>>
        %dma_wait3A_2431 = arith.constant 0 : i32
        %dma_wait3A_2432 = arith.constant 0 : i32
        %dma_wait3A_2433 = tpu.memref_slice %arg4[%add3A_2427, %dma_wait3A_2431, %dma_wait3A_2432] : memref<16384x50x32xf32, #tpu.memory_space<hbm>> -> memref<1x50x32xf32, #tpu.memory_space<hbm>>
        %dma_wait3A_2434 = tpu.memref_squeeze %dma_wait3A_2433 : memref<1x50x32xf32, #tpu.memory_space<hbm>> -> memref<50x32xf32, #tpu.memory_space<hbm>>
        %dma_wait3A_2435 = arith.constant 0 : i32
        %dma_wait3A_2436 = arith.constant 0 : i32
        %dma_wait3A_2437 = tpu.memref_slice %arg4[%add3A_2427, %dma_wait3A_2435, %dma_wait3A_2436] : memref<16384x50x32xf32, #tpu.memory_space<hbm>> -> memref<1x50x32xf32, #tpu.memory_space<hbm>>
        %dma_wait3A_2438 = tpu.memref_squeeze %dma_wait3A_2437 : memref<1x50x32xf32, #tpu.memory_space<hbm>> -> memref<50x32xf32, #tpu.memory_space<hbm>>
        %dma_wait3A_2439 = arith.constant 950 : i32
        %dma_wait3A_2440 = arith.constant 0 : i32
        %dma_wait3A_2441 = tpu.memref_slice %arg8[%dma_wait3A_2439, %dma_wait3A_2440] : memref<1600x32xf32, #tpu.memory_space<vmem>> -> memref<50x32xf32, #tpu.memory_space<vmem>>
        tpu.wait_dma2 semaphore(%arg12 : memref<!tpu.dma_semaphore, #tpu.memory_space<semaphore_mem>>) src(%dma_wait3A_2441 : memref<50x32xf32, #tpu.memory_space<vmem>>) dst(%dma_wait3A_2438 : memref<50x32xf32, #tpu.memory_space<hbm>>)
        %add3A_2442 = arith.constant 20 : i32
        %add3A_2443 = arith.addi %add3A_2121, %add3A_2442 : i32
        %dma_wait3A_2444 = arith.constant 1000 : i32
        %dma_wait3A_2445 = arith.constant 0 : i32
        %dma_wait3A_2446 = tpu.memref_slice %arg8[%dma_wait3A_2444, %dma_wait3A_2445] : memref<1600x32xf32, #tpu.memory_space<vmem>> -> memref<50x32xf32, #tpu.memory_space<vmem>>
        %dma_wait3A_2447 = arith.constant 0 : i32
        %dma_wait3A_2448 = arith.constant 0 : i32
        %dma_wait3A_2449 = tpu.memref_slice %arg4[%add3A_2443, %dma_wait3A_2447, %dma_wait3A_2448] : memref<16384x50x32xf32, #tpu.memory_space<hbm>> -> memref<1x50x32xf32, #tpu.memory_space<hbm>>
        %dma_wait3A_2450 = tpu.memref_squeeze %dma_wait3A_2449 : memref<1x50x32xf32, #tpu.memory_space<hbm>> -> memref<50x32xf32, #tpu.memory_space<hbm>>
        %dma_wait3A_2451 = arith.constant 0 : i32
        %dma_wait3A_2452 = arith.constant 0 : i32
        %dma_wait3A_2453 = tpu.memref_slice %arg4[%add3A_2443, %dma_wait3A_2451, %dma_wait3A_2452] : memref<16384x50x32xf32, #tpu.memory_space<hbm>> -> memref<1x50x32xf32, #tpu.memory_space<hbm>>
        %dma_wait3A_2454 = tpu.memref_squeeze %dma_wait3A_2453 : memref<1x50x32xf32, #tpu.memory_space<hbm>> -> memref<50x32xf32, #tpu.memory_space<hbm>>
        %dma_wait3A_2455 = arith.constant 1000 : i32
        %dma_wait3A_2456 = arith.constant 0 : i32
        %dma_wait3A_2457 = tpu.memref_slice %arg8[%dma_wait3A_2455, %dma_wait3A_2456] : memref<1600x32xf32, #tpu.memory_space<vmem>> -> memref<50x32xf32, #tpu.memory_space<vmem>>
        tpu.wait_dma2 semaphore(%arg12 : memref<!tpu.dma_semaphore, #tpu.memory_space<semaphore_mem>>) src(%dma_wait3A_2457 : memref<50x32xf32, #tpu.memory_space<vmem>>) dst(%dma_wait3A_2454 : memref<50x32xf32, #tpu.memory_space<hbm>>)
        %add3A_2458 = arith.constant 21 : i32
        %add3A_2459 = arith.addi %add3A_2121, %add3A_2458 : i32
        %dma_wait3A_2460 = arith.constant 1050 : i32
        %dma_wait3A_2461 = arith.constant 0 : i32
        %dma_wait3A_2462 = tpu.memref_slice %arg8[%dma_wait3A_2460, %dma_wait3A_2461] : memref<1600x32xf32, #tpu.memory_space<vmem>> -> memref<50x32xf32, #tpu.memory_space<vmem>>
        %dma_wait3A_2463 = arith.constant 0 : i32
        %dma_wait3A_2464 = arith.constant 0 : i32
        %dma_wait3A_2465 = tpu.memref_slice %arg4[%add3A_2459, %dma_wait3A_2463, %dma_wait3A_2464] : memref<16384x50x32xf32, #tpu.memory_space<hbm>> -> memref<1x50x32xf32, #tpu.memory_space<hbm>>
        %dma_wait3A_2466 = tpu.memref_squeeze %dma_wait3A_2465 : memref<1x50x32xf32, #tpu.memory_space<hbm>> -> memref<50x32xf32, #tpu.memory_space<hbm>>
        %dma_wait3A_2467 = arith.constant 0 : i32
        %dma_wait3A_2468 = arith.constant 0 : i32
        %dma_wait3A_2469 = tpu.memref_slice %arg4[%add3A_2459, %dma_wait3A_2467, %dma_wait3A_2468] : memref<16384x50x32xf32, #tpu.memory_space<hbm>> -> memref<1x50x32xf32, #tpu.memory_space<hbm>>
        %dma_wait3A_2470 = tpu.memref_squeeze %dma_wait3A_2469 : memref<1x50x32xf32, #tpu.memory_space<hbm>> -> memref<50x32xf32, #tpu.memory_space<hbm>>
        %dma_wait3A_2471 = arith.constant 1050 : i32
        %dma_wait3A_2472 = arith.constant 0 : i32
        %dma_wait3A_2473 = tpu.memref_slice %arg8[%dma_wait3A_2471, %dma_wait3A_2472] : memref<1600x32xf32, #tpu.memory_space<vmem>> -> memref<50x32xf32, #tpu.memory_space<vmem>>
        tpu.wait_dma2 semaphore(%arg12 : memref<!tpu.dma_semaphore, #tpu.memory_space<semaphore_mem>>) src(%dma_wait3A_2473 : memref<50x32xf32, #tpu.memory_space<vmem>>) dst(%dma_wait3A_2470 : memref<50x32xf32, #tpu.memory_space<hbm>>)
        %add3A_2474 = arith.constant 22 : i32
        %add3A_2475 = arith.addi %add3A_2121, %add3A_2474 : i32
        %dma_wait3A_2476 = arith.constant 1100 : i32
        %dma_wait3A_2477 = arith.constant 0 : i32
        %dma_wait3A_2478 = tpu.memref_slice %arg8[%dma_wait3A_2476, %dma_wait3A_2477] : memref<1600x32xf32, #tpu.memory_space<vmem>> -> memref<50x32xf32, #tpu.memory_space<vmem>>
        %dma_wait3A_2479 = arith.constant 0 : i32
        %dma_wait3A_2480 = arith.constant 0 : i32
        %dma_wait3A_2481 = tpu.memref_slice %arg4[%add3A_2475, %dma_wait3A_2479, %dma_wait3A_2480] : memref<16384x50x32xf32, #tpu.memory_space<hbm>> -> memref<1x50x32xf32, #tpu.memory_space<hbm>>
        %dma_wait3A_2482 = tpu.memref_squeeze %dma_wait3A_2481 : memref<1x50x32xf32, #tpu.memory_space<hbm>> -> memref<50x32xf32, #tpu.memory_space<hbm>>
        %dma_wait3A_2483 = arith.constant 0 : i32
        %dma_wait3A_2484 = arith.constant 0 : i32
        %dma_wait3A_2485 = tpu.memref_slice %arg4[%add3A_2475, %dma_wait3A_2483, %dma_wait3A_2484] : memref<16384x50x32xf32, #tpu.memory_space<hbm>> -> memref<1x50x32xf32, #tpu.memory_space<hbm>>
        %dma_wait3A_2486 = tpu.memref_squeeze %dma_wait3A_2485 : memref<1x50x32xf32, #tpu.memory_space<hbm>> -> memref<50x32xf32, #tpu.memory_space<hbm>>
        %dma_wait3A_2487 = arith.constant 1100 : i32
        %dma_wait3A_2488 = arith.constant 0 : i32
        %dma_wait3A_2489 = tpu.memref_slice %arg8[%dma_wait3A_2487, %dma_wait3A_2488] : memref<1600x32xf32, #tpu.memory_space<vmem>> -> memref<50x32xf32, #tpu.memory_space<vmem>>
        tpu.wait_dma2 semaphore(%arg12 : memref<!tpu.dma_semaphore, #tpu.memory_space<semaphore_mem>>) src(%dma_wait3A_2489 : memref<50x32xf32, #tpu.memory_space<vmem>>) dst(%dma_wait3A_2486 : memref<50x32xf32, #tpu.memory_space<hbm>>)
        %add3A_2490 = arith.constant 23 : i32
        %add3A_2491 = arith.addi %add3A_2121, %add3A_2490 : i32
        %dma_wait3A_2492 = arith.constant 1150 : i32
        %dma_wait3A_2493 = arith.constant 0 : i32
        %dma_wait3A_2494 = tpu.memref_slice %arg8[%dma_wait3A_2492, %dma_wait3A_2493] : memref<1600x32xf32, #tpu.memory_space<vmem>> -> memref<50x32xf32, #tpu.memory_space<vmem>>
        %dma_wait3A_2495 = arith.constant 0 : i32
        %dma_wait3A_2496 = arith.constant 0 : i32
        %dma_wait3A_2497 = tpu.memref_slice %arg4[%add3A_2491, %dma_wait3A_2495, %dma_wait3A_2496] : memref<16384x50x32xf32, #tpu.memory_space<hbm>> -> memref<1x50x32xf32, #tpu.memory_space<hbm>>
        %dma_wait3A_2498 = tpu.memref_squeeze %dma_wait3A_2497 : memref<1x50x32xf32, #tpu.memory_space<hbm>> -> memref<50x32xf32, #tpu.memory_space<hbm>>
        %dma_wait3A_2499 = arith.constant 0 : i32
        %dma_wait3A_2500 = arith.constant 0 : i32
        %dma_wait3A_2501 = tpu.memref_slice %arg4[%add3A_2491, %dma_wait3A_2499, %dma_wait3A_2500] : memref<16384x50x32xf32, #tpu.memory_space<hbm>> -> memref<1x50x32xf32, #tpu.memory_space<hbm>>
        %dma_wait3A_2502 = tpu.memref_squeeze %dma_wait3A_2501 : memref<1x50x32xf32, #tpu.memory_space<hbm>> -> memref<50x32xf32, #tpu.memory_space<hbm>>
        %dma_wait3A_2503 = arith.constant 1150 : i32
        %dma_wait3A_2504 = arith.constant 0 : i32
        %dma_wait3A_2505 = tpu.memref_slice %arg8[%dma_wait3A_2503, %dma_wait3A_2504] : memref<1600x32xf32, #tpu.memory_space<vmem>> -> memref<50x32xf32, #tpu.memory_space<vmem>>
        tpu.wait_dma2 semaphore(%arg12 : memref<!tpu.dma_semaphore, #tpu.memory_space<semaphore_mem>>) src(%dma_wait3A_2505 : memref<50x32xf32, #tpu.memory_space<vmem>>) dst(%dma_wait3A_2502 : memref<50x32xf32, #tpu.memory_space<hbm>>)
        %add3A_2506 = arith.constant 24 : i32
        %add3A_2507 = arith.addi %add3A_2121, %add3A_2506 : i32
        %dma_wait3A_2508 = arith.constant 1200 : i32
        %dma_wait3A_2509 = arith.constant 0 : i32
        %dma_wait3A_2510 = tpu.memref_slice %arg8[%dma_wait3A_2508, %dma_wait3A_2509] : memref<1600x32xf32, #tpu.memory_space<vmem>> -> memref<50x32xf32, #tpu.memory_space<vmem>>
        %dma_wait3A_2511 = arith.constant 0 : i32
        %dma_wait3A_2512 = arith.constant 0 : i32
        %dma_wait3A_2513 = tpu.memref_slice %arg4[%add3A_2507, %dma_wait3A_2511, %dma_wait3A_2512] : memref<16384x50x32xf32, #tpu.memory_space<hbm>> -> memref<1x50x32xf32, #tpu.memory_space<hbm>>
        %dma_wait3A_2514 = tpu.memref_squeeze %dma_wait3A_2513 : memref<1x50x32xf32, #tpu.memory_space<hbm>> -> memref<50x32xf32, #tpu.memory_space<hbm>>
        %dma_wait3A_2515 = arith.constant 0 : i32
        %dma_wait3A_2516 = arith.constant 0 : i32
        %dma_wait3A_2517 = tpu.memref_slice %arg4[%add3A_2507, %dma_wait3A_2515, %dma_wait3A_2516] : memref<16384x50x32xf32, #tpu.memory_space<hbm>> -> memref<1x50x32xf32, #tpu.memory_space<hbm>>
        %dma_wait3A_2518 = tpu.memref_squeeze %dma_wait3A_2517 : memref<1x50x32xf32, #tpu.memory_space<hbm>> -> memref<50x32xf32, #tpu.memory_space<hbm>>
        %dma_wait3A_2519 = arith.constant 1200 : i32
        %dma_wait3A_2520 = arith.constant 0 : i32
        %dma_wait3A_2521 = tpu.memref_slice %arg8[%dma_wait3A_2519, %dma_wait3A_2520] : memref<1600x32xf32, #tpu.memory_space<vmem>> -> memref<50x32xf32, #tpu.memory_space<vmem>>
        tpu.wait_dma2 semaphore(%arg12 : memref<!tpu.dma_semaphore, #tpu.memory_space<semaphore_mem>>) src(%dma_wait3A_2521 : memref<50x32xf32, #tpu.memory_space<vmem>>) dst(%dma_wait3A_2518 : memref<50x32xf32, #tpu.memory_space<hbm>>)
        %add3A_2522 = arith.constant 25 : i32
        %add3A_2523 = arith.addi %add3A_2121, %add3A_2522 : i32
        %dma_wait3A_2524 = arith.constant 1250 : i32
        %dma_wait3A_2525 = arith.constant 0 : i32
        %dma_wait3A_2526 = tpu.memref_slice %arg8[%dma_wait3A_2524, %dma_wait3A_2525] : memref<1600x32xf32, #tpu.memory_space<vmem>> -> memref<50x32xf32, #tpu.memory_space<vmem>>
        %dma_wait3A_2527 = arith.constant 0 : i32
        %dma_wait3A_2528 = arith.constant 0 : i32
        %dma_wait3A_2529 = tpu.memref_slice %arg4[%add3A_2523, %dma_wait3A_2527, %dma_wait3A_2528] : memref<16384x50x32xf32, #tpu.memory_space<hbm>> -> memref<1x50x32xf32, #tpu.memory_space<hbm>>
        %dma_wait3A_2530 = tpu.memref_squeeze %dma_wait3A_2529 : memref<1x50x32xf32, #tpu.memory_space<hbm>> -> memref<50x32xf32, #tpu.memory_space<hbm>>
        %dma_wait3A_2531 = arith.constant 0 : i32
        %dma_wait3A_2532 = arith.constant 0 : i32
        %dma_wait3A_2533 = tpu.memref_slice %arg4[%add3A_2523, %dma_wait3A_2531, %dma_wait3A_2532] : memref<16384x50x32xf32, #tpu.memory_space<hbm>> -> memref<1x50x32xf32, #tpu.memory_space<hbm>>
        %dma_wait3A_2534 = tpu.memref_squeeze %dma_wait3A_2533 : memref<1x50x32xf32, #tpu.memory_space<hbm>> -> memref<50x32xf32, #tpu.memory_space<hbm>>
        %dma_wait3A_2535 = arith.constant 1250 : i32
        %dma_wait3A_2536 = arith.constant 0 : i32
        %dma_wait3A_2537 = tpu.memref_slice %arg8[%dma_wait3A_2535, %dma_wait3A_2536] : memref<1600x32xf32, #tpu.memory_space<vmem>> -> memref<50x32xf32, #tpu.memory_space<vmem>>
        tpu.wait_dma2 semaphore(%arg12 : memref<!tpu.dma_semaphore, #tpu.memory_space<semaphore_mem>>) src(%dma_wait3A_2537 : memref<50x32xf32, #tpu.memory_space<vmem>>) dst(%dma_wait3A_2534 : memref<50x32xf32, #tpu.memory_space<hbm>>)
        %add3A_2538 = arith.constant 26 : i32
        %add3A_2539 = arith.addi %add3A_2121, %add3A_2538 : i32
        %dma_wait3A_2540 = arith.constant 1300 : i32
        %dma_wait3A_2541 = arith.constant 0 : i32
        %dma_wait3A_2542 = tpu.memref_slice %arg8[%dma_wait3A_2540, %dma_wait3A_2541] : memref<1600x32xf32, #tpu.memory_space<vmem>> -> memref<50x32xf32, #tpu.memory_space<vmem>>
        %dma_wait3A_2543 = arith.constant 0 : i32
        %dma_wait3A_2544 = arith.constant 0 : i32
        %dma_wait3A_2545 = tpu.memref_slice %arg4[%add3A_2539, %dma_wait3A_2543, %dma_wait3A_2544] : memref<16384x50x32xf32, #tpu.memory_space<hbm>> -> memref<1x50x32xf32, #tpu.memory_space<hbm>>
        %dma_wait3A_2546 = tpu.memref_squeeze %dma_wait3A_2545 : memref<1x50x32xf32, #tpu.memory_space<hbm>> -> memref<50x32xf32, #tpu.memory_space<hbm>>
        %dma_wait3A_2547 = arith.constant 0 : i32
        %dma_wait3A_2548 = arith.constant 0 : i32
        %dma_wait3A_2549 = tpu.memref_slice %arg4[%add3A_2539, %dma_wait3A_2547, %dma_wait3A_2548] : memref<16384x50x32xf32, #tpu.memory_space<hbm>> -> memref<1x50x32xf32, #tpu.memory_space<hbm>>
        %dma_wait3A_2550 = tpu.memref_squeeze %dma_wait3A_2549 : memref<1x50x32xf32, #tpu.memory_space<hbm>> -> memref<50x32xf32, #tpu.memory_space<hbm>>
        %dma_wait3A_2551 = arith.constant 1300 : i32
        %dma_wait3A_2552 = arith.constant 0 : i32
        %dma_wait3A_2553 = tpu.memref_slice %arg8[%dma_wait3A_2551, %dma_wait3A_2552] : memref<1600x32xf32, #tpu.memory_space<vmem>> -> memref<50x32xf32, #tpu.memory_space<vmem>>
        tpu.wait_dma2 semaphore(%arg12 : memref<!tpu.dma_semaphore, #tpu.memory_space<semaphore_mem>>) src(%dma_wait3A_2553 : memref<50x32xf32, #tpu.memory_space<vmem>>) dst(%dma_wait3A_2550 : memref<50x32xf32, #tpu.memory_space<hbm>>)
        %add3A_2554 = arith.constant 27 : i32
        %add3A_2555 = arith.addi %add3A_2121, %add3A_2554 : i32
        %dma_wait3A_2556 = arith.constant 1350 : i32
        %dma_wait3A_2557 = arith.constant 0 : i32
        %dma_wait3A_2558 = tpu.memref_slice %arg8[%dma_wait3A_2556, %dma_wait3A_2557] : memref<1600x32xf32, #tpu.memory_space<vmem>> -> memref<50x32xf32, #tpu.memory_space<vmem>>
        %dma_wait3A_2559 = arith.constant 0 : i32
        %dma_wait3A_2560 = arith.constant 0 : i32
        %dma_wait3A_2561 = tpu.memref_slice %arg4[%add3A_2555, %dma_wait3A_2559, %dma_wait3A_2560] : memref<16384x50x32xf32, #tpu.memory_space<hbm>> -> memref<1x50x32xf32, #tpu.memory_space<hbm>>
        %dma_wait3A_2562 = tpu.memref_squeeze %dma_wait3A_2561 : memref<1x50x32xf32, #tpu.memory_space<hbm>> -> memref<50x32xf32, #tpu.memory_space<hbm>>
        %dma_wait3A_2563 = arith.constant 0 : i32
        %dma_wait3A_2564 = arith.constant 0 : i32
        %dma_wait3A_2565 = tpu.memref_slice %arg4[%add3A_2555, %dma_wait3A_2563, %dma_wait3A_2564] : memref<16384x50x32xf32, #tpu.memory_space<hbm>> -> memref<1x50x32xf32, #tpu.memory_space<hbm>>
        %dma_wait3A_2566 = tpu.memref_squeeze %dma_wait3A_2565 : memref<1x50x32xf32, #tpu.memory_space<hbm>> -> memref<50x32xf32, #tpu.memory_space<hbm>>
        %dma_wait3A_2567 = arith.constant 1350 : i32
        %dma_wait3A_2568 = arith.constant 0 : i32
        %dma_wait3A_2569 = tpu.memref_slice %arg8[%dma_wait3A_2567, %dma_wait3A_2568] : memref<1600x32xf32, #tpu.memory_space<vmem>> -> memref<50x32xf32, #tpu.memory_space<vmem>>
        tpu.wait_dma2 semaphore(%arg12 : memref<!tpu.dma_semaphore, #tpu.memory_space<semaphore_mem>>) src(%dma_wait3A_2569 : memref<50x32xf32, #tpu.memory_space<vmem>>) dst(%dma_wait3A_2566 : memref<50x32xf32, #tpu.memory_space<hbm>>)
        %add3A_2570 = arith.constant 28 : i32
        %add3A_2571 = arith.addi %add3A_2121, %add3A_2570 : i32
        %dma_wait3A_2572 = arith.constant 1400 : i32
        %dma_wait3A_2573 = arith.constant 0 : i32
        %dma_wait3A_2574 = tpu.memref_slice %arg8[%dma_wait3A_2572, %dma_wait3A_2573] : memref<1600x32xf32, #tpu.memory_space<vmem>> -> memref<50x32xf32, #tpu.memory_space<vmem>>
        %dma_wait3A_2575 = arith.constant 0 : i32
        %dma_wait3A_2576 = arith.constant 0 : i32
        %dma_wait3A_2577 = tpu.memref_slice %arg4[%add3A_2571, %dma_wait3A_2575, %dma_wait3A_2576] : memref<16384x50x32xf32, #tpu.memory_space<hbm>> -> memref<1x50x32xf32, #tpu.memory_space<hbm>>
        %dma_wait3A_2578 = tpu.memref_squeeze %dma_wait3A_2577 : memref<1x50x32xf32, #tpu.memory_space<hbm>> -> memref<50x32xf32, #tpu.memory_space<hbm>>
        %dma_wait3A_2579 = arith.constant 0 : i32
        %dma_wait3A_2580 = arith.constant 0 : i32
        %dma_wait3A_2581 = tpu.memref_slice %arg4[%add3A_2571, %dma_wait3A_2579, %dma_wait3A_2580] : memref<16384x50x32xf32, #tpu.memory_space<hbm>> -> memref<1x50x32xf32, #tpu.memory_space<hbm>>
        %dma_wait3A_2582 = tpu.memref_squeeze %dma_wait3A_2581 : memref<1x50x32xf32, #tpu.memory_space<hbm>> -> memref<50x32xf32, #tpu.memory_space<hbm>>
        %dma_wait3A_2583 = arith.constant 1400 : i32
        %dma_wait3A_2584 = arith.constant 0 : i32
        %dma_wait3A_2585 = tpu.memref_slice %arg8[%dma_wait3A_2583, %dma_wait3A_2584] : memref<1600x32xf32, #tpu.memory_space<vmem>> -> memref<50x32xf32, #tpu.memory_space<vmem>>
        tpu.wait_dma2 semaphore(%arg12 : memref<!tpu.dma_semaphore, #tpu.memory_space<semaphore_mem>>) src(%dma_wait3A_2585 : memref<50x32xf32, #tpu.memory_space<vmem>>) dst(%dma_wait3A_2582 : memref<50x32xf32, #tpu.memory_space<hbm>>)
        %add3A_2586 = arith.constant 29 : i32
        %add3A_2587 = arith.addi %add3A_2121, %add3A_2586 : i32
        %dma_wait3A_2588 = arith.constant 1450 : i32
        %dma_wait3A_2589 = arith.constant 0 : i32
        %dma_wait3A_2590 = tpu.memref_slice %arg8[%dma_wait3A_2588, %dma_wait3A_2589] : memref<1600x32xf32, #tpu.memory_space<vmem>> -> memref<50x32xf32, #tpu.memory_space<vmem>>
        %dma_wait3A_2591 = arith.constant 0 : i32
        %dma_wait3A_2592 = arith.constant 0 : i32
        %dma_wait3A_2593 = tpu.memref_slice %arg4[%add3A_2587, %dma_wait3A_2591, %dma_wait3A_2592] : memref<16384x50x32xf32, #tpu.memory_space<hbm>> -> memref<1x50x32xf32, #tpu.memory_space<hbm>>
        %dma_wait3A_2594 = tpu.memref_squeeze %dma_wait3A_2593 : memref<1x50x32xf32, #tpu.memory_space<hbm>> -> memref<50x32xf32, #tpu.memory_space<hbm>>
        %dma_wait3A_2595 = arith.constant 0 : i32
        %dma_wait3A_2596 = arith.constant 0 : i32
        %dma_wait3A_2597 = tpu.memref_slice %arg4[%add3A_2587, %dma_wait3A_2595, %dma_wait3A_2596] : memref<16384x50x32xf32, #tpu.memory_space<hbm>> -> memref<1x50x32xf32, #tpu.memory_space<hbm>>
        %dma_wait3A_2598 = tpu.memref_squeeze %dma_wait3A_2597 : memref<1x50x32xf32, #tpu.memory_space<hbm>> -> memref<50x32xf32, #tpu.memory_space<hbm>>
        %dma_wait3A_2599 = arith.constant 1450 : i32
        %dma_wait3A_2600 = arith.constant 0 : i32
        %dma_wait3A_2601 = tpu.memref_slice %arg8[%dma_wait3A_2599, %dma_wait3A_2600] : memref<1600x32xf32, #tpu.memory_space<vmem>> -> memref<50x32xf32, #tpu.memory_space<vmem>>
        tpu.wait_dma2 semaphore(%arg12 : memref<!tpu.dma_semaphore, #tpu.memory_space<semaphore_mem>>) src(%dma_wait3A_2601 : memref<50x32xf32, #tpu.memory_space<vmem>>) dst(%dma_wait3A_2598 : memref<50x32xf32, #tpu.memory_space<hbm>>)
        %add3A_2602 = arith.constant 30 : i32
        %add3A_2603 = arith.addi %add3A_2121, %add3A_2602 : i32
        %dma_wait3A_2604 = arith.constant 1500 : i32
        %dma_wait3A_2605 = arith.constant 0 : i32
        %dma_wait3A_2606 = tpu.memref_slice %arg8[%dma_wait3A_2604, %dma_wait3A_2605] : memref<1600x32xf32, #tpu.memory_space<vmem>> -> memref<50x32xf32, #tpu.memory_space<vmem>>
        %dma_wait3A_2607 = arith.constant 0 : i32
        %dma_wait3A_2608 = arith.constant 0 : i32
        %dma_wait3A_2609 = tpu.memref_slice %arg4[%add3A_2603, %dma_wait3A_2607, %dma_wait3A_2608] : memref<16384x50x32xf32, #tpu.memory_space<hbm>> -> memref<1x50x32xf32, #tpu.memory_space<hbm>>
        %dma_wait3A_2610 = tpu.memref_squeeze %dma_wait3A_2609 : memref<1x50x32xf32, #tpu.memory_space<hbm>> -> memref<50x32xf32, #tpu.memory_space<hbm>>
        %dma_wait3A_2611 = arith.constant 0 : i32
        %dma_wait3A_2612 = arith.constant 0 : i32
        %dma_wait3A_2613 = tpu.memref_slice %arg4[%add3A_2603, %dma_wait3A_2611, %dma_wait3A_2612] : memref<16384x50x32xf32, #tpu.memory_space<hbm>> -> memref<1x50x32xf32, #tpu.memory_space<hbm>>
        %dma_wait3A_2614 = tpu.memref_squeeze %dma_wait3A_2613 : memref<1x50x32xf32, #tpu.memory_space<hbm>> -> memref<50x32xf32, #tpu.memory_space<hbm>>
        %dma_wait3A_2615 = arith.constant 1500 : i32
        %dma_wait3A_2616 = arith.constant 0 : i32
        %dma_wait3A_2617 = tpu.memref_slice %arg8[%dma_wait3A_2615, %dma_wait3A_2616] : memref<1600x32xf32, #tpu.memory_space<vmem>> -> memref<50x32xf32, #tpu.memory_space<vmem>>
        tpu.wait_dma2 semaphore(%arg12 : memref<!tpu.dma_semaphore, #tpu.memory_space<semaphore_mem>>) src(%dma_wait3A_2617 : memref<50x32xf32, #tpu.memory_space<vmem>>) dst(%dma_wait3A_2614 : memref<50x32xf32, #tpu.memory_space<hbm>>)
        %add3A_2618 = arith.constant 31 : i32
        %add3A_2619 = arith.addi %add3A_2121, %add3A_2618 : i32
        %dma_wait3A_2620 = arith.constant 1550 : i32
        %dma_wait3A_2621 = arith.constant 0 : i32
        %dma_wait3A_2622 = tpu.memref_slice %arg8[%dma_wait3A_2620, %dma_wait3A_2621] : memref<1600x32xf32, #tpu.memory_space<vmem>> -> memref<50x32xf32, #tpu.memory_space<vmem>>
        %dma_wait3A_2623 = arith.constant 0 : i32
        %dma_wait3A_2624 = arith.constant 0 : i32
        %dma_wait3A_2625 = tpu.memref_slice %arg4[%add3A_2619, %dma_wait3A_2623, %dma_wait3A_2624] : memref<16384x50x32xf32, #tpu.memory_space<hbm>> -> memref<1x50x32xf32, #tpu.memory_space<hbm>>
        %dma_wait3A_2626 = tpu.memref_squeeze %dma_wait3A_2625 : memref<1x50x32xf32, #tpu.memory_space<hbm>> -> memref<50x32xf32, #tpu.memory_space<hbm>>
        %dma_wait3A_2627 = arith.constant 0 : i32
        %dma_wait3A_2628 = arith.constant 0 : i32
        %dma_wait3A_2629 = tpu.memref_slice %arg4[%add3A_2619, %dma_wait3A_2627, %dma_wait3A_2628] : memref<16384x50x32xf32, #tpu.memory_space<hbm>> -> memref<1x50x32xf32, #tpu.memory_space<hbm>>
        %dma_wait3A_2630 = tpu.memref_squeeze %dma_wait3A_2629 : memref<1x50x32xf32, #tpu.memory_space<hbm>> -> memref<50x32xf32, #tpu.memory_space<hbm>>
        %dma_wait3A_2631 = arith.constant 1550 : i32
        %dma_wait3A_2632 = arith.constant 0 : i32
        %dma_wait3A_2633 = tpu.memref_slice %arg8[%dma_wait3A_2631, %dma_wait3A_2632] : memref<1600x32xf32, #tpu.memory_space<vmem>> -> memref<50x32xf32, #tpu.memory_space<vmem>>
        tpu.wait_dma2 semaphore(%arg12 : memref<!tpu.dma_semaphore, #tpu.memory_space<semaphore_mem>>) src(%dma_wait3A_2633 : memref<50x32xf32, #tpu.memory_space<vmem>>) dst(%dma_wait3A_2630 : memref<50x32xf32, #tpu.memory_space<hbm>>)
        %dma_start3A_2634 = arith.constant 0 : i32
        %dma_start3A_2635 = arith.constant 0 : i32
        %dma_start3A_2636 = tpu.memref_slice %arg3[%dma_start3A_2634, %dma_start3A_2635] : memref<1000000x32xf32, #tpu.memory_space<hbm>> -> memref<1000000x32xf32, #tpu.memory_space<hbm>>
        tpu.enqueue_indirect_dma source(%dma_start3A_2636 : memref<1000000x32xf32, #tpu.memory_space<hbm>>) target(%arg8 : memref<1600x32xf32, #tpu.memory_space<vmem>>) offsets(%arg6 : memref<1600xi32, #tpu.memory_space<vmem>>) semaphore(%arg10 : memref<!tpu.dma_semaphore, #tpu.memory_space<semaphore_mem>>)
      } else {
      }
    }
    %scan3A_20 = arith.constant 8 : i32
    %add3A_21 = arith.constant 448 : i32
    %add3A_22 = arith.addi %mul3A_6, %add3A_21 : i32
    %add3A_23 = arith.constant 0 : i32
    %add3A_24 = arith.addi %add3A_22, %add3A_23 : i32
    %dma_wait3A = arith.constant 0 : i32
    %dma_wait3A_25 = arith.constant 0 : i32
    %dma_wait3A_26 = tpu.memref_slice %arg7[%dma_wait3A, %dma_wait3A_25] : memref<1600x32xf32, #tpu.memory_space<vmem>> -> memref<50x32xf32, #tpu.memory_space<vmem>>
    %dma_wait3A_27 = arith.constant 0 : i32
    %dma_wait3A_28 = arith.constant 0 : i32
    %dma_wait3A_29 = tpu.memref_slice %arg4[%add3A_24, %dma_wait3A_27, %dma_wait3A_28] : memref<16384x50x32xf32, #tpu.memory_space<hbm>> -> memref<1x50x32xf32, #tpu.memory_space<hbm>>
    %dma_wait3A_30 = tpu.memref_squeeze %dma_wait3A_29 : memref<1x50x32xf32, #tpu.memory_space<hbm>> -> memref<50x32xf32, #tpu.memory_space<hbm>>
    %dma_wait3A_31 = arith.constant 0 : i32
    %dma_wait3A_32 = arith.constant 0 : i32
    %dma_wait3A_33 = tpu.memref_slice %arg4[%add3A_24, %dma_wait3A_31, %dma_wait3A_32] : memref<16384x50x32xf32, #tpu.memory_space<hbm>> -> memref<1x50x32xf32, #tpu.memory_space<hbm>>
    %dma_wait3A_34 = tpu.memref_squeeze %dma_wait3A_33 : memref<1x50x32xf32, #tpu.memory_space<hbm>> -> memref<50x32xf32, #tpu.memory_space<hbm>>
    %dma_wait3A_35 = arith.constant 0 : i32
    %dma_wait3A_36 = arith.constant 0 : i32
    %dma_wait3A_37 = tpu.memref_slice %arg7[%dma_wait3A_35, %dma_wait3A_36] : memref<1600x32xf32, #tpu.memory_space<vmem>> -> memref<50x32xf32, #tpu.memory_space<vmem>>
    tpu.wait_dma2 semaphore(%arg11 : memref<!tpu.dma_semaphore, #tpu.memory_space<semaphore_mem>>) src(%dma_wait3A_37 : memref<50x32xf32, #tpu.memory_space<vmem>>) dst(%dma_wait3A_34 : memref<50x32xf32, #tpu.memory_space<hbm>>)
    %add3A_38 = arith.constant 1 : i32
    %add3A_39 = arith.addi %add3A_22, %add3A_38 : i32
    %dma_wait3A_40 = arith.constant 50 : i32
    %dma_wait3A_41 = arith.constant 0 : i32
    %dma_wait3A_42 = tpu.memref_slice %arg7[%dma_wait3A_40, %dma_wait3A_41] : memref<1600x32xf32, #tpu.memory_space<vmem>> -> memref<50x32xf32, #tpu.memory_space<vmem>>
    %dma_wait3A_43 = arith.constant 0 : i32
    %dma_wait3A_44 = arith.constant 0 : i32
    %dma_wait3A_45 = tpu.memref_slice %arg4[%add3A_39, %dma_wait3A_43, %dma_wait3A_44] : memref<16384x50x32xf32, #tpu.memory_space<hbm>> -> memref<1x50x32xf32, #tpu.memory_space<hbm>>
    %dma_wait3A_46 = tpu.memref_squeeze %dma_wait3A_45 : memref<1x50x32xf32, #tpu.memory_space<hbm>> -> memref<50x32xf32, #tpu.memory_space<hbm>>
    %dma_wait3A_47 = arith.constant 0 : i32
    %dma_wait3A_48 = arith.constant 0 : i32
    %dma_wait3A_49 = tpu.memref_slice %arg4[%add3A_39, %dma_wait3A_47, %dma_wait3A_48] : memref<16384x50x32xf32, #tpu.memory_space<hbm>> -> memref<1x50x32xf32, #tpu.memory_space<hbm>>
    %dma_wait3A_50 = tpu.memref_squeeze %dma_wait3A_49 : memref<1x50x32xf32, #tpu.memory_space<hbm>> -> memref<50x32xf32, #tpu.memory_space<hbm>>
    %dma_wait3A_51 = arith.constant 50 : i32
    %dma_wait3A_52 = arith.constant 0 : i32
    %dma_wait3A_53 = tpu.memref_slice %arg7[%dma_wait3A_51, %dma_wait3A_52] : memref<1600x32xf32, #tpu.memory_space<vmem>> -> memref<50x32xf32, #tpu.memory_space<vmem>>
    tpu.wait_dma2 semaphore(%arg11 : memref<!tpu.dma_semaphore, #tpu.memory_space<semaphore_mem>>) src(%dma_wait3A_53 : memref<50x32xf32, #tpu.memory_space<vmem>>) dst(%dma_wait3A_50 : memref<50x32xf32, #tpu.memory_space<hbm>>)
    %add3A_54 = arith.constant 2 : i32
    %add3A_55 = arith.addi %add3A_22, %add3A_54 : i32
    %dma_wait3A_56 = arith.constant 100 : i32
    %dma_wait3A_57 = arith.constant 0 : i32
    %dma_wait3A_58 = tpu.memref_slice %arg7[%dma_wait3A_56, %dma_wait3A_57] : memref<1600x32xf32, #tpu.memory_space<vmem>> -> memref<50x32xf32, #tpu.memory_space<vmem>>
    %dma_wait3A_59 = arith.constant 0 : i32
    %dma_wait3A_60 = arith.constant 0 : i32
    %dma_wait3A_61 = tpu.memref_slice %arg4[%add3A_55, %dma_wait3A_59, %dma_wait3A_60] : memref<16384x50x32xf32, #tpu.memory_space<hbm>> -> memref<1x50x32xf32, #tpu.memory_space<hbm>>
    %dma_wait3A_62 = tpu.memref_squeeze %dma_wait3A_61 : memref<1x50x32xf32, #tpu.memory_space<hbm>> -> memref<50x32xf32, #tpu.memory_space<hbm>>
    %dma_wait3A_63 = arith.constant 0 : i32
    %dma_wait3A_64 = arith.constant 0 : i32
    %dma_wait3A_65 = tpu.memref_slice %arg4[%add3A_55, %dma_wait3A_63, %dma_wait3A_64] : memref<16384x50x32xf32, #tpu.memory_space<hbm>> -> memref<1x50x32xf32, #tpu.memory_space<hbm>>
    %dma_wait3A_66 = tpu.memref_squeeze %dma_wait3A_65 : memref<1x50x32xf32, #tpu.memory_space<hbm>> -> memref<50x32xf32, #tpu.memory_space<hbm>>
    %dma_wait3A_67 = arith.constant 100 : i32
    %dma_wait3A_68 = arith.constant 0 : i32
    %dma_wait3A_69 = tpu.memref_slice %arg7[%dma_wait3A_67, %dma_wait3A_68] : memref<1600x32xf32, #tpu.memory_space<vmem>> -> memref<50x32xf32, #tpu.memory_space<vmem>>
    tpu.wait_dma2 semaphore(%arg11 : memref<!tpu.dma_semaphore, #tpu.memory_space<semaphore_mem>>) src(%dma_wait3A_69 : memref<50x32xf32, #tpu.memory_space<vmem>>) dst(%dma_wait3A_66 : memref<50x32xf32, #tpu.memory_space<hbm>>)
    %add3A_70 = arith.constant 3 : i32
    %add3A_71 = arith.addi %add3A_22, %add3A_70 : i32
    %dma_wait3A_72 = arith.constant 150 : i32
    %dma_wait3A_73 = arith.constant 0 : i32
    %dma_wait3A_74 = tpu.memref_slice %arg7[%dma_wait3A_72, %dma_wait3A_73] : memref<1600x32xf32, #tpu.memory_space<vmem>> -> memref<50x32xf32, #tpu.memory_space<vmem>>
    %dma_wait3A_75 = arith.constant 0 : i32
    %dma_wait3A_76 = arith.constant 0 : i32
    %dma_wait3A_77 = tpu.memref_slice %arg4[%add3A_71, %dma_wait3A_75, %dma_wait3A_76] : memref<16384x50x32xf32, #tpu.memory_space<hbm>> -> memref<1x50x32xf32, #tpu.memory_space<hbm>>
    %dma_wait3A_78 = tpu.memref_squeeze %dma_wait3A_77 : memref<1x50x32xf32, #tpu.memory_space<hbm>> -> memref<50x32xf32, #tpu.memory_space<hbm>>
    %dma_wait3A_79 = arith.constant 0 : i32
    %dma_wait3A_80 = arith.constant 0 : i32
    %dma_wait3A_81 = tpu.memref_slice %arg4[%add3A_71, %dma_wait3A_79, %dma_wait3A_80] : memref<16384x50x32xf32, #tpu.memory_space<hbm>> -> memref<1x50x32xf32, #tpu.memory_space<hbm>>
    %dma_wait3A_82 = tpu.memref_squeeze %dma_wait3A_81 : memref<1x50x32xf32, #tpu.memory_space<hbm>> -> memref<50x32xf32, #tpu.memory_space<hbm>>
    %dma_wait3A_83 = arith.constant 150 : i32
    %dma_wait3A_84 = arith.constant 0 : i32
    %dma_wait3A_85 = tpu.memref_slice %arg7[%dma_wait3A_83, %dma_wait3A_84] : memref<1600x32xf32, #tpu.memory_space<vmem>> -> memref<50x32xf32, #tpu.memory_space<vmem>>
    tpu.wait_dma2 semaphore(%arg11 : memref<!tpu.dma_semaphore, #tpu.memory_space<semaphore_mem>>) src(%dma_wait3A_85 : memref<50x32xf32, #tpu.memory_space<vmem>>) dst(%dma_wait3A_82 : memref<50x32xf32, #tpu.memory_space<hbm>>)
    %add3A_86 = arith.constant 4 : i32
    %add3A_87 = arith.addi %add3A_22, %add3A_86 : i32
    %dma_wait3A_88 = arith.constant 200 : i32
    %dma_wait3A_89 = arith.constant 0 : i32
    %dma_wait3A_90 = tpu.memref_slice %arg7[%dma_wait3A_88, %dma_wait3A_89] : memref<1600x32xf32, #tpu.memory_space<vmem>> -> memref<50x32xf32, #tpu.memory_space<vmem>>
    %dma_wait3A_91 = arith.constant 0 : i32
    %dma_wait3A_92 = arith.constant 0 : i32
    %dma_wait3A_93 = tpu.memref_slice %arg4[%add3A_87, %dma_wait3A_91, %dma_wait3A_92] : memref<16384x50x32xf32, #tpu.memory_space<hbm>> -> memref<1x50x32xf32, #tpu.memory_space<hbm>>
    %dma_wait3A_94 = tpu.memref_squeeze %dma_wait3A_93 : memref<1x50x32xf32, #tpu.memory_space<hbm>> -> memref<50x32xf32, #tpu.memory_space<hbm>>
    %dma_wait3A_95 = arith.constant 0 : i32
    %dma_wait3A_96 = arith.constant 0 : i32
    %dma_wait3A_97 = tpu.memref_slice %arg4[%add3A_87, %dma_wait3A_95, %dma_wait3A_96] : memref<16384x50x32xf32, #tpu.memory_space<hbm>> -> memref<1x50x32xf32, #tpu.memory_space<hbm>>
    %dma_wait3A_98 = tpu.memref_squeeze %dma_wait3A_97 : memref<1x50x32xf32, #tpu.memory_space<hbm>> -> memref<50x32xf32, #tpu.memory_space<hbm>>
    %dma_wait3A_99 = arith.constant 200 : i32
    %dma_wait3A_100 = arith.constant 0 : i32
    %dma_wait3A_101 = tpu.memref_slice %arg7[%dma_wait3A_99, %dma_wait3A_100] : memref<1600x32xf32, #tpu.memory_space<vmem>> -> memref<50x32xf32, #tpu.memory_space<vmem>>
    tpu.wait_dma2 semaphore(%arg11 : memref<!tpu.dma_semaphore, #tpu.memory_space<semaphore_mem>>) src(%dma_wait3A_101 : memref<50x32xf32, #tpu.memory_space<vmem>>) dst(%dma_wait3A_98 : memref<50x32xf32, #tpu.memory_space<hbm>>)
    %add3A_102 = arith.constant 5 : i32
    %add3A_103 = arith.addi %add3A_22, %add3A_102 : i32
    %dma_wait3A_104 = arith.constant 250 : i32
    %dma_wait3A_105 = arith.constant 0 : i32
    %dma_wait3A_106 = tpu.memref_slice %arg7[%dma_wait3A_104, %dma_wait3A_105] : memref<1600x32xf32, #tpu.memory_space<vmem>> -> memref<50x32xf32, #tpu.memory_space<vmem>>
    %dma_wait3A_107 = arith.constant 0 : i32
    %dma_wait3A_108 = arith.constant 0 : i32
    %dma_wait3A_109 = tpu.memref_slice %arg4[%add3A_103, %dma_wait3A_107, %dma_wait3A_108] : memref<16384x50x32xf32, #tpu.memory_space<hbm>> -> memref<1x50x32xf32, #tpu.memory_space<hbm>>
    %dma_wait3A_110 = tpu.memref_squeeze %dma_wait3A_109 : memref<1x50x32xf32, #tpu.memory_space<hbm>> -> memref<50x32xf32, #tpu.memory_space<hbm>>
    %dma_wait3A_111 = arith.constant 0 : i32
    %dma_wait3A_112 = arith.constant 0 : i32
    %dma_wait3A_113 = tpu.memref_slice %arg4[%add3A_103, %dma_wait3A_111, %dma_wait3A_112] : memref<16384x50x32xf32, #tpu.memory_space<hbm>> -> memref<1x50x32xf32, #tpu.memory_space<hbm>>
    %dma_wait3A_114 = tpu.memref_squeeze %dma_wait3A_113 : memref<1x50x32xf32, #tpu.memory_space<hbm>> -> memref<50x32xf32, #tpu.memory_space<hbm>>
    %dma_wait3A_115 = arith.constant 250 : i32
    %dma_wait3A_116 = arith.constant 0 : i32
    %dma_wait3A_117 = tpu.memref_slice %arg7[%dma_wait3A_115, %dma_wait3A_116] : memref<1600x32xf32, #tpu.memory_space<vmem>> -> memref<50x32xf32, #tpu.memory_space<vmem>>
    tpu.wait_dma2 semaphore(%arg11 : memref<!tpu.dma_semaphore, #tpu.memory_space<semaphore_mem>>) src(%dma_wait3A_117 : memref<50x32xf32, #tpu.memory_space<vmem>>) dst(%dma_wait3A_114 : memref<50x32xf32, #tpu.memory_space<hbm>>)
    %add3A_118 = arith.constant 6 : i32
    %add3A_119 = arith.addi %add3A_22, %add3A_118 : i32
    %dma_wait3A_120 = arith.constant 300 : i32
    %dma_wait3A_121 = arith.constant 0 : i32
    %dma_wait3A_122 = tpu.memref_slice %arg7[%dma_wait3A_120, %dma_wait3A_121] : memref<1600x32xf32, #tpu.memory_space<vmem>> -> memref<50x32xf32, #tpu.memory_space<vmem>>
    %dma_wait3A_123 = arith.constant 0 : i32
    %dma_wait3A_124 = arith.constant 0 : i32
    %dma_wait3A_125 = tpu.memref_slice %arg4[%add3A_119, %dma_wait3A_123, %dma_wait3A_124] : memref<16384x50x32xf32, #tpu.memory_space<hbm>> -> memref<1x50x32xf32, #tpu.memory_space<hbm>>
    %dma_wait3A_126 = tpu.memref_squeeze %dma_wait3A_125 : memref<1x50x32xf32, #tpu.memory_space<hbm>> -> memref<50x32xf32, #tpu.memory_space<hbm>>
    %dma_wait3A_127 = arith.constant 0 : i32
    %dma_wait3A_128 = arith.constant 0 : i32
    %dma_wait3A_129 = tpu.memref_slice %arg4[%add3A_119, %dma_wait3A_127, %dma_wait3A_128] : memref<16384x50x32xf32, #tpu.memory_space<hbm>> -> memref<1x50x32xf32, #tpu.memory_space<hbm>>
    %dma_wait3A_130 = tpu.memref_squeeze %dma_wait3A_129 : memref<1x50x32xf32, #tpu.memory_space<hbm>> -> memref<50x32xf32, #tpu.memory_space<hbm>>
    %dma_wait3A_131 = arith.constant 300 : i32
    %dma_wait3A_132 = arith.constant 0 : i32
    %dma_wait3A_133 = tpu.memref_slice %arg7[%dma_wait3A_131, %dma_wait3A_132] : memref<1600x32xf32, #tpu.memory_space<vmem>> -> memref<50x32xf32, #tpu.memory_space<vmem>>
    tpu.wait_dma2 semaphore(%arg11 : memref<!tpu.dma_semaphore, #tpu.memory_space<semaphore_mem>>) src(%dma_wait3A_133 : memref<50x32xf32, #tpu.memory_space<vmem>>) dst(%dma_wait3A_130 : memref<50x32xf32, #tpu.memory_space<hbm>>)
    %add3A_134 = arith.constant 7 : i32
    %add3A_135 = arith.addi %add3A_22, %add3A_134 : i32
    %dma_wait3A_136 = arith.constant 350 : i32
    %dma_wait3A_137 = arith.constant 0 : i32
    %dma_wait3A_138 = tpu.memref_slice %arg7[%dma_wait3A_136, %dma_wait3A_137] : memref<1600x32xf32, #tpu.memory_space<vmem>> -> memref<50x32xf32, #tpu.memory_space<vmem>>
    %dma_wait3A_139 = arith.constant 0 : i32
    %dma_wait3A_140 = arith.constant 0 : i32
    %dma_wait3A_141 = tpu.memref_slice %arg4[%add3A_135, %dma_wait3A_139, %dma_wait3A_140] : memref<16384x50x32xf32, #tpu.memory_space<hbm>> -> memref<1x50x32xf32, #tpu.memory_space<hbm>>
    %dma_wait3A_142 = tpu.memref_squeeze %dma_wait3A_141 : memref<1x50x32xf32, #tpu.memory_space<hbm>> -> memref<50x32xf32, #tpu.memory_space<hbm>>
    %dma_wait3A_143 = arith.constant 0 : i32
    %dma_wait3A_144 = arith.constant 0 : i32
    %dma_wait3A_145 = tpu.memref_slice %arg4[%add3A_135, %dma_wait3A_143, %dma_wait3A_144] : memref<16384x50x32xf32, #tpu.memory_space<hbm>> -> memref<1x50x32xf32, #tpu.memory_space<hbm>>
    %dma_wait3A_146 = tpu.memref_squeeze %dma_wait3A_145 : memref<1x50x32xf32, #tpu.memory_space<hbm>> -> memref<50x32xf32, #tpu.memory_space<hbm>>
    %dma_wait3A_147 = arith.constant 350 : i32
    %dma_wait3A_148 = arith.constant 0 : i32
    %dma_wait3A_149 = tpu.memref_slice %arg7[%dma_wait3A_147, %dma_wait3A_148] : memref<1600x32xf32, #tpu.memory_space<vmem>> -> memref<50x32xf32, #tpu.memory_space<vmem>>
    tpu.wait_dma2 semaphore(%arg11 : memref<!tpu.dma_semaphore, #tpu.memory_space<semaphore_mem>>) src(%dma_wait3A_149 : memref<50x32xf32, #tpu.memory_space<vmem>>) dst(%dma_wait3A_146 : memref<50x32xf32, #tpu.memory_space<hbm>>)
    %add3A_150 = arith.constant 8 : i32
    %add3A_151 = arith.addi %add3A_22, %add3A_150 : i32
    %dma_wait3A_152 = arith.constant 400 : i32
    %dma_wait3A_153 = arith.constant 0 : i32
    %dma_wait3A_154 = tpu.memref_slice %arg7[%dma_wait3A_152, %dma_wait3A_153] : memref<1600x32xf32, #tpu.memory_space<vmem>> -> memref<50x32xf32, #tpu.memory_space<vmem>>
    %dma_wait3A_155 = arith.constant 0 : i32
    %dma_wait3A_156 = arith.constant 0 : i32
    %dma_wait3A_157 = tpu.memref_slice %arg4[%add3A_151, %dma_wait3A_155, %dma_wait3A_156] : memref<16384x50x32xf32, #tpu.memory_space<hbm>> -> memref<1x50x32xf32, #tpu.memory_space<hbm>>
    %dma_wait3A_158 = tpu.memref_squeeze %dma_wait3A_157 : memref<1x50x32xf32, #tpu.memory_space<hbm>> -> memref<50x32xf32, #tpu.memory_space<hbm>>
    %dma_wait3A_159 = arith.constant 0 : i32
    %dma_wait3A_160 = arith.constant 0 : i32
    %dma_wait3A_161 = tpu.memref_slice %arg4[%add3A_151, %dma_wait3A_159, %dma_wait3A_160] : memref<16384x50x32xf32, #tpu.memory_space<hbm>> -> memref<1x50x32xf32, #tpu.memory_space<hbm>>
    %dma_wait3A_162 = tpu.memref_squeeze %dma_wait3A_161 : memref<1x50x32xf32, #tpu.memory_space<hbm>> -> memref<50x32xf32, #tpu.memory_space<hbm>>
    %dma_wait3A_163 = arith.constant 400 : i32
    %dma_wait3A_164 = arith.constant 0 : i32
    %dma_wait3A_165 = tpu.memref_slice %arg7[%dma_wait3A_163, %dma_wait3A_164] : memref<1600x32xf32, #tpu.memory_space<vmem>> -> memref<50x32xf32, #tpu.memory_space<vmem>>
    tpu.wait_dma2 semaphore(%arg11 : memref<!tpu.dma_semaphore, #tpu.memory_space<semaphore_mem>>) src(%dma_wait3A_165 : memref<50x32xf32, #tpu.memory_space<vmem>>) dst(%dma_wait3A_162 : memref<50x32xf32, #tpu.memory_space<hbm>>)
    %add3A_166 = arith.constant 9 : i32
    %add3A_167 = arith.addi %add3A_22, %add3A_166 : i32
    %dma_wait3A_168 = arith.constant 450 : i32
    %dma_wait3A_169 = arith.constant 0 : i32
    %dma_wait3A_170 = tpu.memref_slice %arg7[%dma_wait3A_168, %dma_wait3A_169] : memref<1600x32xf32, #tpu.memory_space<vmem>> -> memref<50x32xf32, #tpu.memory_space<vmem>>
    %dma_wait3A_171 = arith.constant 0 : i32
    %dma_wait3A_172 = arith.constant 0 : i32
    %dma_wait3A_173 = tpu.memref_slice %arg4[%add3A_167, %dma_wait3A_171, %dma_wait3A_172] : memref<16384x50x32xf32, #tpu.memory_space<hbm>> -> memref<1x50x32xf32, #tpu.memory_space<hbm>>
    %dma_wait3A_174 = tpu.memref_squeeze %dma_wait3A_173 : memref<1x50x32xf32, #tpu.memory_space<hbm>> -> memref<50x32xf32, #tpu.memory_space<hbm>>
    %dma_wait3A_175 = arith.constant 0 : i32
    %dma_wait3A_176 = arith.constant 0 : i32
    %dma_wait3A_177 = tpu.memref_slice %arg4[%add3A_167, %dma_wait3A_175, %dma_wait3A_176] : memref<16384x50x32xf32, #tpu.memory_space<hbm>> -> memref<1x50x32xf32, #tpu.memory_space<hbm>>
    %dma_wait3A_178 = tpu.memref_squeeze %dma_wait3A_177 : memref<1x50x32xf32, #tpu.memory_space<hbm>> -> memref<50x32xf32, #tpu.memory_space<hbm>>
    %dma_wait3A_179 = arith.constant 450 : i32
    %dma_wait3A_180 = arith.constant 0 : i32
    %dma_wait3A_181 = tpu.memref_slice %arg7[%dma_wait3A_179, %dma_wait3A_180] : memref<1600x32xf32, #tpu.memory_space<vmem>> -> memref<50x32xf32, #tpu.memory_space<vmem>>
    tpu.wait_dma2 semaphore(%arg11 : memref<!tpu.dma_semaphore, #tpu.memory_space<semaphore_mem>>) src(%dma_wait3A_181 : memref<50x32xf32, #tpu.memory_space<vmem>>) dst(%dma_wait3A_178 : memref<50x32xf32, #tpu.memory_space<hbm>>)
    %add3A_182 = arith.constant 10 : i32
    %add3A_183 = arith.addi %add3A_22, %add3A_182 : i32
    %dma_wait3A_184 = arith.constant 500 : i32
    %dma_wait3A_185 = arith.constant 0 : i32
    %dma_wait3A_186 = tpu.memref_slice %arg7[%dma_wait3A_184, %dma_wait3A_185] : memref<1600x32xf32, #tpu.memory_space<vmem>> -> memref<50x32xf32, #tpu.memory_space<vmem>>
    %dma_wait3A_187 = arith.constant 0 : i32
    %dma_wait3A_188 = arith.constant 0 : i32
    %dma_wait3A_189 = tpu.memref_slice %arg4[%add3A_183, %dma_wait3A_187, %dma_wait3A_188] : memref<16384x50x32xf32, #tpu.memory_space<hbm>> -> memref<1x50x32xf32, #tpu.memory_space<hbm>>
    %dma_wait3A_190 = tpu.memref_squeeze %dma_wait3A_189 : memref<1x50x32xf32, #tpu.memory_space<hbm>> -> memref<50x32xf32, #tpu.memory_space<hbm>>
    %dma_wait3A_191 = arith.constant 0 : i32
    %dma_wait3A_192 = arith.constant 0 : i32
    %dma_wait3A_193 = tpu.memref_slice %arg4[%add3A_183, %dma_wait3A_191, %dma_wait3A_192] : memref<16384x50x32xf32, #tpu.memory_space<hbm>> -> memref<1x50x32xf32, #tpu.memory_space<hbm>>
    %dma_wait3A_194 = tpu.memref_squeeze %dma_wait3A_193 : memref<1x50x32xf32, #tpu.memory_space<hbm>> -> memref<50x32xf32, #tpu.memory_space<hbm>>
    %dma_wait3A_195 = arith.constant 500 : i32
    %dma_wait3A_196 = arith.constant 0 : i32
    %dma_wait3A_197 = tpu.memref_slice %arg7[%dma_wait3A_195, %dma_wait3A_196] : memref<1600x32xf32, #tpu.memory_space<vmem>> -> memref<50x32xf32, #tpu.memory_space<vmem>>
    tpu.wait_dma2 semaphore(%arg11 : memref<!tpu.dma_semaphore, #tpu.memory_space<semaphore_mem>>) src(%dma_wait3A_197 : memref<50x32xf32, #tpu.memory_space<vmem>>) dst(%dma_wait3A_194 : memref<50x32xf32, #tpu.memory_space<hbm>>)
    %add3A_198 = arith.constant 11 : i32
    %add3A_199 = arith.addi %add3A_22, %add3A_198 : i32
    %dma_wait3A_200 = arith.constant 550 : i32
    %dma_wait3A_201 = arith.constant 0 : i32
    %dma_wait3A_202 = tpu.memref_slice %arg7[%dma_wait3A_200, %dma_wait3A_201] : memref<1600x32xf32, #tpu.memory_space<vmem>> -> memref<50x32xf32, #tpu.memory_space<vmem>>
    %dma_wait3A_203 = arith.constant 0 : i32
    %dma_wait3A_204 = arith.constant 0 : i32
    %dma_wait3A_205 = tpu.memref_slice %arg4[%add3A_199, %dma_wait3A_203, %dma_wait3A_204] : memref<16384x50x32xf32, #tpu.memory_space<hbm>> -> memref<1x50x32xf32, #tpu.memory_space<hbm>>
    %dma_wait3A_206 = tpu.memref_squeeze %dma_wait3A_205 : memref<1x50x32xf32, #tpu.memory_space<hbm>> -> memref<50x32xf32, #tpu.memory_space<hbm>>
    %dma_wait3A_207 = arith.constant 0 : i32
    %dma_wait3A_208 = arith.constant 0 : i32
    %dma_wait3A_209 = tpu.memref_slice %arg4[%add3A_199, %dma_wait3A_207, %dma_wait3A_208] : memref<16384x50x32xf32, #tpu.memory_space<hbm>> -> memref<1x50x32xf32, #tpu.memory_space<hbm>>
    %dma_wait3A_210 = tpu.memref_squeeze %dma_wait3A_209 : memref<1x50x32xf32, #tpu.memory_space<hbm>> -> memref<50x32xf32, #tpu.memory_space<hbm>>
    %dma_wait3A_211 = arith.constant 550 : i32
    %dma_wait3A_212 = arith.constant 0 : i32
    %dma_wait3A_213 = tpu.memref_slice %arg7[%dma_wait3A_211, %dma_wait3A_212] : memref<1600x32xf32, #tpu.memory_space<vmem>> -> memref<50x32xf32, #tpu.memory_space<vmem>>
    tpu.wait_dma2 semaphore(%arg11 : memref<!tpu.dma_semaphore, #tpu.memory_space<semaphore_mem>>) src(%dma_wait3A_213 : memref<50x32xf32, #tpu.memory_space<vmem>>) dst(%dma_wait3A_210 : memref<50x32xf32, #tpu.memory_space<hbm>>)
    %add3A_214 = arith.constant 12 : i32
    %add3A_215 = arith.addi %add3A_22, %add3A_214 : i32
    %dma_wait3A_216 = arith.constant 600 : i32
    %dma_wait3A_217 = arith.constant 0 : i32
    %dma_wait3A_218 = tpu.memref_slice %arg7[%dma_wait3A_216, %dma_wait3A_217] : memref<1600x32xf32, #tpu.memory_space<vmem>> -> memref<50x32xf32, #tpu.memory_space<vmem>>
    %dma_wait3A_219 = arith.constant 0 : i32
    %dma_wait3A_220 = arith.constant 0 : i32
    %dma_wait3A_221 = tpu.memref_slice %arg4[%add3A_215, %dma_wait3A_219, %dma_wait3A_220] : memref<16384x50x32xf32, #tpu.memory_space<hbm>> -> memref<1x50x32xf32, #tpu.memory_space<hbm>>
    %dma_wait3A_222 = tpu.memref_squeeze %dma_wait3A_221 : memref<1x50x32xf32, #tpu.memory_space<hbm>> -> memref<50x32xf32, #tpu.memory_space<hbm>>
    %dma_wait3A_223 = arith.constant 0 : i32
    %dma_wait3A_224 = arith.constant 0 : i32
    %dma_wait3A_225 = tpu.memref_slice %arg4[%add3A_215, %dma_wait3A_223, %dma_wait3A_224] : memref<16384x50x32xf32, #tpu.memory_space<hbm>> -> memref<1x50x32xf32, #tpu.memory_space<hbm>>
    %dma_wait3A_226 = tpu.memref_squeeze %dma_wait3A_225 : memref<1x50x32xf32, #tpu.memory_space<hbm>> -> memref<50x32xf32, #tpu.memory_space<hbm>>
    %dma_wait3A_227 = arith.constant 600 : i32
    %dma_wait3A_228 = arith.constant 0 : i32
    %dma_wait3A_229 = tpu.memref_slice %arg7[%dma_wait3A_227, %dma_wait3A_228] : memref<1600x32xf32, #tpu.memory_space<vmem>> -> memref<50x32xf32, #tpu.memory_space<vmem>>
    tpu.wait_dma2 semaphore(%arg11 : memref<!tpu.dma_semaphore, #tpu.memory_space<semaphore_mem>>) src(%dma_wait3A_229 : memref<50x32xf32, #tpu.memory_space<vmem>>) dst(%dma_wait3A_226 : memref<50x32xf32, #tpu.memory_space<hbm>>)
    %add3A_230 = arith.constant 13 : i32
    %add3A_231 = arith.addi %add3A_22, %add3A_230 : i32
    %dma_wait3A_232 = arith.constant 650 : i32
    %dma_wait3A_233 = arith.constant 0 : i32
    %dma_wait3A_234 = tpu.memref_slice %arg7[%dma_wait3A_232, %dma_wait3A_233] : memref<1600x32xf32, #tpu.memory_space<vmem>> -> memref<50x32xf32, #tpu.memory_space<vmem>>
    %dma_wait3A_235 = arith.constant 0 : i32
    %dma_wait3A_236 = arith.constant 0 : i32
    %dma_wait3A_237 = tpu.memref_slice %arg4[%add3A_231, %dma_wait3A_235, %dma_wait3A_236] : memref<16384x50x32xf32, #tpu.memory_space<hbm>> -> memref<1x50x32xf32, #tpu.memory_space<hbm>>
    %dma_wait3A_238 = tpu.memref_squeeze %dma_wait3A_237 : memref<1x50x32xf32, #tpu.memory_space<hbm>> -> memref<50x32xf32, #tpu.memory_space<hbm>>
    %dma_wait3A_239 = arith.constant 0 : i32
    %dma_wait3A_240 = arith.constant 0 : i32
    %dma_wait3A_241 = tpu.memref_slice %arg4[%add3A_231, %dma_wait3A_239, %dma_wait3A_240] : memref<16384x50x32xf32, #tpu.memory_space<hbm>> -> memref<1x50x32xf32, #tpu.memory_space<hbm>>
    %dma_wait3A_242 = tpu.memref_squeeze %dma_wait3A_241 : memref<1x50x32xf32, #tpu.memory_space<hbm>> -> memref<50x32xf32, #tpu.memory_space<hbm>>
    %dma_wait3A_243 = arith.constant 650 : i32
    %dma_wait3A_244 = arith.constant 0 : i32
    %dma_wait3A_245 = tpu.memref_slice %arg7[%dma_wait3A_243, %dma_wait3A_244] : memref<1600x32xf32, #tpu.memory_space<vmem>> -> memref<50x32xf32, #tpu.memory_space<vmem>>
    tpu.wait_dma2 semaphore(%arg11 : memref<!tpu.dma_semaphore, #tpu.memory_space<semaphore_mem>>) src(%dma_wait3A_245 : memref<50x32xf32, #tpu.memory_space<vmem>>) dst(%dma_wait3A_242 : memref<50x32xf32, #tpu.memory_space<hbm>>)
    %add3A_246 = arith.constant 14 : i32
    %add3A_247 = arith.addi %add3A_22, %add3A_246 : i32
    %dma_wait3A_248 = arith.constant 700 : i32
    %dma_wait3A_249 = arith.constant 0 : i32
    %dma_wait3A_250 = tpu.memref_slice %arg7[%dma_wait3A_248, %dma_wait3A_249] : memref<1600x32xf32, #tpu.memory_space<vmem>> -> memref<50x32xf32, #tpu.memory_space<vmem>>
    %dma_wait3A_251 = arith.constant 0 : i32
    %dma_wait3A_252 = arith.constant 0 : i32
    %dma_wait3A_253 = tpu.memref_slice %arg4[%add3A_247, %dma_wait3A_251, %dma_wait3A_252] : memref<16384x50x32xf32, #tpu.memory_space<hbm>> -> memref<1x50x32xf32, #tpu.memory_space<hbm>>
    %dma_wait3A_254 = tpu.memref_squeeze %dma_wait3A_253 : memref<1x50x32xf32, #tpu.memory_space<hbm>> -> memref<50x32xf32, #tpu.memory_space<hbm>>
    %dma_wait3A_255 = arith.constant 0 : i32
    %dma_wait3A_256 = arith.constant 0 : i32
    %dma_wait3A_257 = tpu.memref_slice %arg4[%add3A_247, %dma_wait3A_255, %dma_wait3A_256] : memref<16384x50x32xf32, #tpu.memory_space<hbm>> -> memref<1x50x32xf32, #tpu.memory_space<hbm>>
    %dma_wait3A_258 = tpu.memref_squeeze %dma_wait3A_257 : memref<1x50x32xf32, #tpu.memory_space<hbm>> -> memref<50x32xf32, #tpu.memory_space<hbm>>
    %dma_wait3A_259 = arith.constant 700 : i32
    %dma_wait3A_260 = arith.constant 0 : i32
    %dma_wait3A_261 = tpu.memref_slice %arg7[%dma_wait3A_259, %dma_wait3A_260] : memref<1600x32xf32, #tpu.memory_space<vmem>> -> memref<50x32xf32, #tpu.memory_space<vmem>>
    tpu.wait_dma2 semaphore(%arg11 : memref<!tpu.dma_semaphore, #tpu.memory_space<semaphore_mem>>) src(%dma_wait3A_261 : memref<50x32xf32, #tpu.memory_space<vmem>>) dst(%dma_wait3A_258 : memref<50x32xf32, #tpu.memory_space<hbm>>)
    %add3A_262 = arith.constant 15 : i32
    %add3A_263 = arith.addi %add3A_22, %add3A_262 : i32
    %dma_wait3A_264 = arith.constant 750 : i32
    %dma_wait3A_265 = arith.constant 0 : i32
    %dma_wait3A_266 = tpu.memref_slice %arg7[%dma_wait3A_264, %dma_wait3A_265] : memref<1600x32xf32, #tpu.memory_space<vmem>> -> memref<50x32xf32, #tpu.memory_space<vmem>>
    %dma_wait3A_267 = arith.constant 0 : i32
    %dma_wait3A_268 = arith.constant 0 : i32
    %dma_wait3A_269 = tpu.memref_slice %arg4[%add3A_263, %dma_wait3A_267, %dma_wait3A_268] : memref<16384x50x32xf32, #tpu.memory_space<hbm>> -> memref<1x50x32xf32, #tpu.memory_space<hbm>>
    %dma_wait3A_270 = tpu.memref_squeeze %dma_wait3A_269 : memref<1x50x32xf32, #tpu.memory_space<hbm>> -> memref<50x32xf32, #tpu.memory_space<hbm>>
    %dma_wait3A_271 = arith.constant 0 : i32
    %dma_wait3A_272 = arith.constant 0 : i32
    %dma_wait3A_273 = tpu.memref_slice %arg4[%add3A_263, %dma_wait3A_271, %dma_wait3A_272] : memref<16384x50x32xf32, #tpu.memory_space<hbm>> -> memref<1x50x32xf32, #tpu.memory_space<hbm>>
    %dma_wait3A_274 = tpu.memref_squeeze %dma_wait3A_273 : memref<1x50x32xf32, #tpu.memory_space<hbm>> -> memref<50x32xf32, #tpu.memory_space<hbm>>
    %dma_wait3A_275 = arith.constant 750 : i32
    %dma_wait3A_276 = arith.constant 0 : i32
    %dma_wait3A_277 = tpu.memref_slice %arg7[%dma_wait3A_275, %dma_wait3A_276] : memref<1600x32xf32, #tpu.memory_space<vmem>> -> memref<50x32xf32, #tpu.memory_space<vmem>>
    tpu.wait_dma2 semaphore(%arg11 : memref<!tpu.dma_semaphore, #tpu.memory_space<semaphore_mem>>) src(%dma_wait3A_277 : memref<50x32xf32, #tpu.memory_space<vmem>>) dst(%dma_wait3A_274 : memref<50x32xf32, #tpu.memory_space<hbm>>)
    %add3A_278 = arith.constant 16 : i32
    %add3A_279 = arith.addi %add3A_22, %add3A_278 : i32
    %dma_wait3A_280 = arith.constant 800 : i32
    %dma_wait3A_281 = arith.constant 0 : i32
    %dma_wait3A_282 = tpu.memref_slice %arg7[%dma_wait3A_280, %dma_wait3A_281] : memref<1600x32xf32, #tpu.memory_space<vmem>> -> memref<50x32xf32, #tpu.memory_space<vmem>>
    %dma_wait3A_283 = arith.constant 0 : i32
    %dma_wait3A_284 = arith.constant 0 : i32
    %dma_wait3A_285 = tpu.memref_slice %arg4[%add3A_279, %dma_wait3A_283, %dma_wait3A_284] : memref<16384x50x32xf32, #tpu.memory_space<hbm>> -> memref<1x50x32xf32, #tpu.memory_space<hbm>>
    %dma_wait3A_286 = tpu.memref_squeeze %dma_wait3A_285 : memref<1x50x32xf32, #tpu.memory_space<hbm>> -> memref<50x32xf32, #tpu.memory_space<hbm>>
    %dma_wait3A_287 = arith.constant 0 : i32
    %dma_wait3A_288 = arith.constant 0 : i32
    %dma_wait3A_289 = tpu.memref_slice %arg4[%add3A_279, %dma_wait3A_287, %dma_wait3A_288] : memref<16384x50x32xf32, #tpu.memory_space<hbm>> -> memref<1x50x32xf32, #tpu.memory_space<hbm>>
    %dma_wait3A_290 = tpu.memref_squeeze %dma_wait3A_289 : memref<1x50x32xf32, #tpu.memory_space<hbm>> -> memref<50x32xf32, #tpu.memory_space<hbm>>
    %dma_wait3A_291 = arith.constant 800 : i32
    %dma_wait3A_292 = arith.constant 0 : i32
    %dma_wait3A_293 = tpu.memref_slice %arg7[%dma_wait3A_291, %dma_wait3A_292] : memref<1600x32xf32, #tpu.memory_space<vmem>> -> memref<50x32xf32, #tpu.memory_space<vmem>>
    tpu.wait_dma2 semaphore(%arg11 : memref<!tpu.dma_semaphore, #tpu.memory_space<semaphore_mem>>) src(%dma_wait3A_293 : memref<50x32xf32, #tpu.memory_space<vmem>>) dst(%dma_wait3A_290 : memref<50x32xf32, #tpu.memory_space<hbm>>)
    %add3A_294 = arith.constant 17 : i32
    %add3A_295 = arith.addi %add3A_22, %add3A_294 : i32
    %dma_wait3A_296 = arith.constant 850 : i32
    %dma_wait3A_297 = arith.constant 0 : i32
    %dma_wait3A_298 = tpu.memref_slice %arg7[%dma_wait3A_296, %dma_wait3A_297] : memref<1600x32xf32, #tpu.memory_space<vmem>> -> memref<50x32xf32, #tpu.memory_space<vmem>>
    %dma_wait3A_299 = arith.constant 0 : i32
    %dma_wait3A_300 = arith.constant 0 : i32
    %dma_wait3A_301 = tpu.memref_slice %arg4[%add3A_295, %dma_wait3A_299, %dma_wait3A_300] : memref<16384x50x32xf32, #tpu.memory_space<hbm>> -> memref<1x50x32xf32, #tpu.memory_space<hbm>>
    %dma_wait3A_302 = tpu.memref_squeeze %dma_wait3A_301 : memref<1x50x32xf32, #tpu.memory_space<hbm>> -> memref<50x32xf32, #tpu.memory_space<hbm>>
    %dma_wait3A_303 = arith.constant 0 : i32
    %dma_wait3A_304 = arith.constant 0 : i32
    %dma_wait3A_305 = tpu.memref_slice %arg4[%add3A_295, %dma_wait3A_303, %dma_wait3A_304] : memref<16384x50x32xf32, #tpu.memory_space<hbm>> -> memref<1x50x32xf32, #tpu.memory_space<hbm>>
    %dma_wait3A_306 = tpu.memref_squeeze %dma_wait3A_305 : memref<1x50x32xf32, #tpu.memory_space<hbm>> -> memref<50x32xf32, #tpu.memory_space<hbm>>
    %dma_wait3A_307 = arith.constant 850 : i32
    %dma_wait3A_308 = arith.constant 0 : i32
    %dma_wait3A_309 = tpu.memref_slice %arg7[%dma_wait3A_307, %dma_wait3A_308] : memref<1600x32xf32, #tpu.memory_space<vmem>> -> memref<50x32xf32, #tpu.memory_space<vmem>>
    tpu.wait_dma2 semaphore(%arg11 : memref<!tpu.dma_semaphore, #tpu.memory_space<semaphore_mem>>) src(%dma_wait3A_309 : memref<50x32xf32, #tpu.memory_space<vmem>>) dst(%dma_wait3A_306 : memref<50x32xf32, #tpu.memory_space<hbm>>)
    %add3A_310 = arith.constant 18 : i32
    %add3A_311 = arith.addi %add3A_22, %add3A_310 : i32
    %dma_wait3A_312 = arith.constant 900 : i32
    %dma_wait3A_313 = arith.constant 0 : i32
    %dma_wait3A_314 = tpu.memref_slice %arg7[%dma_wait3A_312, %dma_wait3A_313] : memref<1600x32xf32, #tpu.memory_space<vmem>> -> memref<50x32xf32, #tpu.memory_space<vmem>>
    %dma_wait3A_315 = arith.constant 0 : i32
    %dma_wait3A_316 = arith.constant 0 : i32
    %dma_wait3A_317 = tpu.memref_slice %arg4[%add3A_311, %dma_wait3A_315, %dma_wait3A_316] : memref<16384x50x32xf32, #tpu.memory_space<hbm>> -> memref<1x50x32xf32, #tpu.memory_space<hbm>>
    %dma_wait3A_318 = tpu.memref_squeeze %dma_wait3A_317 : memref<1x50x32xf32, #tpu.memory_space<hbm>> -> memref<50x32xf32, #tpu.memory_space<hbm>>
    %dma_wait3A_319 = arith.constant 0 : i32
    %dma_wait3A_320 = arith.constant 0 : i32
    %dma_wait3A_321 = tpu.memref_slice %arg4[%add3A_311, %dma_wait3A_319, %dma_wait3A_320] : memref<16384x50x32xf32, #tpu.memory_space<hbm>> -> memref<1x50x32xf32, #tpu.memory_space<hbm>>
    %dma_wait3A_322 = tpu.memref_squeeze %dma_wait3A_321 : memref<1x50x32xf32, #tpu.memory_space<hbm>> -> memref<50x32xf32, #tpu.memory_space<hbm>>
    %dma_wait3A_323 = arith.constant 900 : i32
    %dma_wait3A_324 = arith.constant 0 : i32
    %dma_wait3A_325 = tpu.memref_slice %arg7[%dma_wait3A_323, %dma_wait3A_324] : memref<1600x32xf32, #tpu.memory_space<vmem>> -> memref<50x32xf32, #tpu.memory_space<vmem>>
    tpu.wait_dma2 semaphore(%arg11 : memref<!tpu.dma_semaphore, #tpu.memory_space<semaphore_mem>>) src(%dma_wait3A_325 : memref<50x32xf32, #tpu.memory_space<vmem>>) dst(%dma_wait3A_322 : memref<50x32xf32, #tpu.memory_space<hbm>>)
    %add3A_326 = arith.constant 19 : i32
    %add3A_327 = arith.addi %add3A_22, %add3A_326 : i32
    %dma_wait3A_328 = arith.constant 950 : i32
    %dma_wait3A_329 = arith.constant 0 : i32
    %dma_wait3A_330 = tpu.memref_slice %arg7[%dma_wait3A_328, %dma_wait3A_329] : memref<1600x32xf32, #tpu.memory_space<vmem>> -> memref<50x32xf32, #tpu.memory_space<vmem>>
    %dma_wait3A_331 = arith.constant 0 : i32
    %dma_wait3A_332 = arith.constant 0 : i32
    %dma_wait3A_333 = tpu.memref_slice %arg4[%add3A_327, %dma_wait3A_331, %dma_wait3A_332] : memref<16384x50x32xf32, #tpu.memory_space<hbm>> -> memref<1x50x32xf32, #tpu.memory_space<hbm>>
    %dma_wait3A_334 = tpu.memref_squeeze %dma_wait3A_333 : memref<1x50x32xf32, #tpu.memory_space<hbm>> -> memref<50x32xf32, #tpu.memory_space<hbm>>
    %dma_wait3A_335 = arith.constant 0 : i32
    %dma_wait3A_336 = arith.constant 0 : i32
    %dma_wait3A_337 = tpu.memref_slice %arg4[%add3A_327, %dma_wait3A_335, %dma_wait3A_336] : memref<16384x50x32xf32, #tpu.memory_space<hbm>> -> memref<1x50x32xf32, #tpu.memory_space<hbm>>
    %dma_wait3A_338 = tpu.memref_squeeze %dma_wait3A_337 : memref<1x50x32xf32, #tpu.memory_space<hbm>> -> memref<50x32xf32, #tpu.memory_space<hbm>>
    %dma_wait3A_339 = arith.constant 950 : i32
    %dma_wait3A_340 = arith.constant 0 : i32
    %dma_wait3A_341 = tpu.memref_slice %arg7[%dma_wait3A_339, %dma_wait3A_340] : memref<1600x32xf32, #tpu.memory_space<vmem>> -> memref<50x32xf32, #tpu.memory_space<vmem>>
    tpu.wait_dma2 semaphore(%arg11 : memref<!tpu.dma_semaphore, #tpu.memory_space<semaphore_mem>>) src(%dma_wait3A_341 : memref<50x32xf32, #tpu.memory_space<vmem>>) dst(%dma_wait3A_338 : memref<50x32xf32, #tpu.memory_space<hbm>>)
    %add3A_342 = arith.constant 20 : i32
    %add3A_343 = arith.addi %add3A_22, %add3A_342 : i32
    %dma_wait3A_344 = arith.constant 1000 : i32
    %dma_wait3A_345 = arith.constant 0 : i32
    %dma_wait3A_346 = tpu.memref_slice %arg7[%dma_wait3A_344, %dma_wait3A_345] : memref<1600x32xf32, #tpu.memory_space<vmem>> -> memref<50x32xf32, #tpu.memory_space<vmem>>
    %dma_wait3A_347 = arith.constant 0 : i32
    %dma_wait3A_348 = arith.constant 0 : i32
    %dma_wait3A_349 = tpu.memref_slice %arg4[%add3A_343, %dma_wait3A_347, %dma_wait3A_348] : memref<16384x50x32xf32, #tpu.memory_space<hbm>> -> memref<1x50x32xf32, #tpu.memory_space<hbm>>
    %dma_wait3A_350 = tpu.memref_squeeze %dma_wait3A_349 : memref<1x50x32xf32, #tpu.memory_space<hbm>> -> memref<50x32xf32, #tpu.memory_space<hbm>>
    %dma_wait3A_351 = arith.constant 0 : i32
    %dma_wait3A_352 = arith.constant 0 : i32
    %dma_wait3A_353 = tpu.memref_slice %arg4[%add3A_343, %dma_wait3A_351, %dma_wait3A_352] : memref<16384x50x32xf32, #tpu.memory_space<hbm>> -> memref<1x50x32xf32, #tpu.memory_space<hbm>>
    %dma_wait3A_354 = tpu.memref_squeeze %dma_wait3A_353 : memref<1x50x32xf32, #tpu.memory_space<hbm>> -> memref<50x32xf32, #tpu.memory_space<hbm>>
    %dma_wait3A_355 = arith.constant 1000 : i32
    %dma_wait3A_356 = arith.constant 0 : i32
    %dma_wait3A_357 = tpu.memref_slice %arg7[%dma_wait3A_355, %dma_wait3A_356] : memref<1600x32xf32, #tpu.memory_space<vmem>> -> memref<50x32xf32, #tpu.memory_space<vmem>>
    tpu.wait_dma2 semaphore(%arg11 : memref<!tpu.dma_semaphore, #tpu.memory_space<semaphore_mem>>) src(%dma_wait3A_357 : memref<50x32xf32, #tpu.memory_space<vmem>>) dst(%dma_wait3A_354 : memref<50x32xf32, #tpu.memory_space<hbm>>)
    %add3A_358 = arith.constant 21 : i32
    %add3A_359 = arith.addi %add3A_22, %add3A_358 : i32
    %dma_wait3A_360 = arith.constant 1050 : i32
    %dma_wait3A_361 = arith.constant 0 : i32
    %dma_wait3A_362 = tpu.memref_slice %arg7[%dma_wait3A_360, %dma_wait3A_361] : memref<1600x32xf32, #tpu.memory_space<vmem>> -> memref<50x32xf32, #tpu.memory_space<vmem>>
    %dma_wait3A_363 = arith.constant 0 : i32
    %dma_wait3A_364 = arith.constant 0 : i32
    %dma_wait3A_365 = tpu.memref_slice %arg4[%add3A_359, %dma_wait3A_363, %dma_wait3A_364] : memref<16384x50x32xf32, #tpu.memory_space<hbm>> -> memref<1x50x32xf32, #tpu.memory_space<hbm>>
    %dma_wait3A_366 = tpu.memref_squeeze %dma_wait3A_365 : memref<1x50x32xf32, #tpu.memory_space<hbm>> -> memref<50x32xf32, #tpu.memory_space<hbm>>
    %dma_wait3A_367 = arith.constant 0 : i32
    %dma_wait3A_368 = arith.constant 0 : i32
    %dma_wait3A_369 = tpu.memref_slice %arg4[%add3A_359, %dma_wait3A_367, %dma_wait3A_368] : memref<16384x50x32xf32, #tpu.memory_space<hbm>> -> memref<1x50x32xf32, #tpu.memory_space<hbm>>
    %dma_wait3A_370 = tpu.memref_squeeze %dma_wait3A_369 : memref<1x50x32xf32, #tpu.memory_space<hbm>> -> memref<50x32xf32, #tpu.memory_space<hbm>>
    %dma_wait3A_371 = arith.constant 1050 : i32
    %dma_wait3A_372 = arith.constant 0 : i32
    %dma_wait3A_373 = tpu.memref_slice %arg7[%dma_wait3A_371, %dma_wait3A_372] : memref<1600x32xf32, #tpu.memory_space<vmem>> -> memref<50x32xf32, #tpu.memory_space<vmem>>
    tpu.wait_dma2 semaphore(%arg11 : memref<!tpu.dma_semaphore, #tpu.memory_space<semaphore_mem>>) src(%dma_wait3A_373 : memref<50x32xf32, #tpu.memory_space<vmem>>) dst(%dma_wait3A_370 : memref<50x32xf32, #tpu.memory_space<hbm>>)
    %add3A_374 = arith.constant 22 : i32
    %add3A_375 = arith.addi %add3A_22, %add3A_374 : i32
    %dma_wait3A_376 = arith.constant 1100 : i32
    %dma_wait3A_377 = arith.constant 0 : i32
    %dma_wait3A_378 = tpu.memref_slice %arg7[%dma_wait3A_376, %dma_wait3A_377] : memref<1600x32xf32, #tpu.memory_space<vmem>> -> memref<50x32xf32, #tpu.memory_space<vmem>>
    %dma_wait3A_379 = arith.constant 0 : i32
    %dma_wait3A_380 = arith.constant 0 : i32
    %dma_wait3A_381 = tpu.memref_slice %arg4[%add3A_375, %dma_wait3A_379, %dma_wait3A_380] : memref<16384x50x32xf32, #tpu.memory_space<hbm>> -> memref<1x50x32xf32, #tpu.memory_space<hbm>>
    %dma_wait3A_382 = tpu.memref_squeeze %dma_wait3A_381 : memref<1x50x32xf32, #tpu.memory_space<hbm>> -> memref<50x32xf32, #tpu.memory_space<hbm>>
    %dma_wait3A_383 = arith.constant 0 : i32
    %dma_wait3A_384 = arith.constant 0 : i32
    %dma_wait3A_385 = tpu.memref_slice %arg4[%add3A_375, %dma_wait3A_383, %dma_wait3A_384] : memref<16384x50x32xf32, #tpu.memory_space<hbm>> -> memref<1x50x32xf32, #tpu.memory_space<hbm>>
    %dma_wait3A_386 = tpu.memref_squeeze %dma_wait3A_385 : memref<1x50x32xf32, #tpu.memory_space<hbm>> -> memref<50x32xf32, #tpu.memory_space<hbm>>
    %dma_wait3A_387 = arith.constant 1100 : i32
    %dma_wait3A_388 = arith.constant 0 : i32
    %dma_wait3A_389 = tpu.memref_slice %arg7[%dma_wait3A_387, %dma_wait3A_388] : memref<1600x32xf32, #tpu.memory_space<vmem>> -> memref<50x32xf32, #tpu.memory_space<vmem>>
    tpu.wait_dma2 semaphore(%arg11 : memref<!tpu.dma_semaphore, #tpu.memory_space<semaphore_mem>>) src(%dma_wait3A_389 : memref<50x32xf32, #tpu.memory_space<vmem>>) dst(%dma_wait3A_386 : memref<50x32xf32, #tpu.memory_space<hbm>>)
    %add3A_390 = arith.constant 23 : i32
    %add3A_391 = arith.addi %add3A_22, %add3A_390 : i32
    %dma_wait3A_392 = arith.constant 1150 : i32
    %dma_wait3A_393 = arith.constant 0 : i32
    %dma_wait3A_394 = tpu.memref_slice %arg7[%dma_wait3A_392, %dma_wait3A_393] : memref<1600x32xf32, #tpu.memory_space<vmem>> -> memref<50x32xf32, #tpu.memory_space<vmem>>
    %dma_wait3A_395 = arith.constant 0 : i32
    %dma_wait3A_396 = arith.constant 0 : i32
    %dma_wait3A_397 = tpu.memref_slice %arg4[%add3A_391, %dma_wait3A_395, %dma_wait3A_396] : memref<16384x50x32xf32, #tpu.memory_space<hbm>> -> memref<1x50x32xf32, #tpu.memory_space<hbm>>
    %dma_wait3A_398 = tpu.memref_squeeze %dma_wait3A_397 : memref<1x50x32xf32, #tpu.memory_space<hbm>> -> memref<50x32xf32, #tpu.memory_space<hbm>>
    %dma_wait3A_399 = arith.constant 0 : i32
    %dma_wait3A_400 = arith.constant 0 : i32
    %dma_wait3A_401 = tpu.memref_slice %arg4[%add3A_391, %dma_wait3A_399, %dma_wait3A_400] : memref<16384x50x32xf32, #tpu.memory_space<hbm>> -> memref<1x50x32xf32, #tpu.memory_space<hbm>>
    %dma_wait3A_402 = tpu.memref_squeeze %dma_wait3A_401 : memref<1x50x32xf32, #tpu.memory_space<hbm>> -> memref<50x32xf32, #tpu.memory_space<hbm>>
    %dma_wait3A_403 = arith.constant 1150 : i32
    %dma_wait3A_404 = arith.constant 0 : i32
    %dma_wait3A_405 = tpu.memref_slice %arg7[%dma_wait3A_403, %dma_wait3A_404] : memref<1600x32xf32, #tpu.memory_space<vmem>> -> memref<50x32xf32, #tpu.memory_space<vmem>>
    tpu.wait_dma2 semaphore(%arg11 : memref<!tpu.dma_semaphore, #tpu.memory_space<semaphore_mem>>) src(%dma_wait3A_405 : memref<50x32xf32, #tpu.memory_space<vmem>>) dst(%dma_wait3A_402 : memref<50x32xf32, #tpu.memory_space<hbm>>)
    %add3A_406 = arith.constant 24 : i32
    %add3A_407 = arith.addi %add3A_22, %add3A_406 : i32
    %dma_wait3A_408 = arith.constant 1200 : i32
    %dma_wait3A_409 = arith.constant 0 : i32
    %dma_wait3A_410 = tpu.memref_slice %arg7[%dma_wait3A_408, %dma_wait3A_409] : memref<1600x32xf32, #tpu.memory_space<vmem>> -> memref<50x32xf32, #tpu.memory_space<vmem>>
    %dma_wait3A_411 = arith.constant 0 : i32
    %dma_wait3A_412 = arith.constant 0 : i32
    %dma_wait3A_413 = tpu.memref_slice %arg4[%add3A_407, %dma_wait3A_411, %dma_wait3A_412] : memref<16384x50x32xf32, #tpu.memory_space<hbm>> -> memref<1x50x32xf32, #tpu.memory_space<hbm>>
    %dma_wait3A_414 = tpu.memref_squeeze %dma_wait3A_413 : memref<1x50x32xf32, #tpu.memory_space<hbm>> -> memref<50x32xf32, #tpu.memory_space<hbm>>
    %dma_wait3A_415 = arith.constant 0 : i32
    %dma_wait3A_416 = arith.constant 0 : i32
    %dma_wait3A_417 = tpu.memref_slice %arg4[%add3A_407, %dma_wait3A_415, %dma_wait3A_416] : memref<16384x50x32xf32, #tpu.memory_space<hbm>> -> memref<1x50x32xf32, #tpu.memory_space<hbm>>
    %dma_wait3A_418 = tpu.memref_squeeze %dma_wait3A_417 : memref<1x50x32xf32, #tpu.memory_space<hbm>> -> memref<50x32xf32, #tpu.memory_space<hbm>>
    %dma_wait3A_419 = arith.constant 1200 : i32
    %dma_wait3A_420 = arith.constant 0 : i32
    %dma_wait3A_421 = tpu.memref_slice %arg7[%dma_wait3A_419, %dma_wait3A_420] : memref<1600x32xf32, #tpu.memory_space<vmem>> -> memref<50x32xf32, #tpu.memory_space<vmem>>
    tpu.wait_dma2 semaphore(%arg11 : memref<!tpu.dma_semaphore, #tpu.memory_space<semaphore_mem>>) src(%dma_wait3A_421 : memref<50x32xf32, #tpu.memory_space<vmem>>) dst(%dma_wait3A_418 : memref<50x32xf32, #tpu.memory_space<hbm>>)
    %add3A_422 = arith.constant 25 : i32
    %add3A_423 = arith.addi %add3A_22, %add3A_422 : i32
    %dma_wait3A_424 = arith.constant 1250 : i32
    %dma_wait3A_425 = arith.constant 0 : i32
    %dma_wait3A_426 = tpu.memref_slice %arg7[%dma_wait3A_424, %dma_wait3A_425] : memref<1600x32xf32, #tpu.memory_space<vmem>> -> memref<50x32xf32, #tpu.memory_space<vmem>>
    %dma_wait3A_427 = arith.constant 0 : i32
    %dma_wait3A_428 = arith.constant 0 : i32
    %dma_wait3A_429 = tpu.memref_slice %arg4[%add3A_423, %dma_wait3A_427, %dma_wait3A_428] : memref<16384x50x32xf32, #tpu.memory_space<hbm>> -> memref<1x50x32xf32, #tpu.memory_space<hbm>>
    %dma_wait3A_430 = tpu.memref_squeeze %dma_wait3A_429 : memref<1x50x32xf32, #tpu.memory_space<hbm>> -> memref<50x32xf32, #tpu.memory_space<hbm>>
    %dma_wait3A_431 = arith.constant 0 : i32
    %dma_wait3A_432 = arith.constant 0 : i32
    %dma_wait3A_433 = tpu.memref_slice %arg4[%add3A_423, %dma_wait3A_431, %dma_wait3A_432] : memref<16384x50x32xf32, #tpu.memory_space<hbm>> -> memref<1x50x32xf32, #tpu.memory_space<hbm>>
    %dma_wait3A_434 = tpu.memref_squeeze %dma_wait3A_433 : memref<1x50x32xf32, #tpu.memory_space<hbm>> -> memref<50x32xf32, #tpu.memory_space<hbm>>
    %dma_wait3A_435 = arith.constant 1250 : i32
    %dma_wait3A_436 = arith.constant 0 : i32
    %dma_wait3A_437 = tpu.memref_slice %arg7[%dma_wait3A_435, %dma_wait3A_436] : memref<1600x32xf32, #tpu.memory_space<vmem>> -> memref<50x32xf32, #tpu.memory_space<vmem>>
    tpu.wait_dma2 semaphore(%arg11 : memref<!tpu.dma_semaphore, #tpu.memory_space<semaphore_mem>>) src(%dma_wait3A_437 : memref<50x32xf32, #tpu.memory_space<vmem>>) dst(%dma_wait3A_434 : memref<50x32xf32, #tpu.memory_space<hbm>>)
    %add3A_438 = arith.constant 26 : i32
    %add3A_439 = arith.addi %add3A_22, %add3A_438 : i32
    %dma_wait3A_440 = arith.constant 1300 : i32
    %dma_wait3A_441 = arith.constant 0 : i32
    %dma_wait3A_442 = tpu.memref_slice %arg7[%dma_wait3A_440, %dma_wait3A_441] : memref<1600x32xf32, #tpu.memory_space<vmem>> -> memref<50x32xf32, #tpu.memory_space<vmem>>
    %dma_wait3A_443 = arith.constant 0 : i32
    %dma_wait3A_444 = arith.constant 0 : i32
    %dma_wait3A_445 = tpu.memref_slice %arg4[%add3A_439, %dma_wait3A_443, %dma_wait3A_444] : memref<16384x50x32xf32, #tpu.memory_space<hbm>> -> memref<1x50x32xf32, #tpu.memory_space<hbm>>
    %dma_wait3A_446 = tpu.memref_squeeze %dma_wait3A_445 : memref<1x50x32xf32, #tpu.memory_space<hbm>> -> memref<50x32xf32, #tpu.memory_space<hbm>>
    %dma_wait3A_447 = arith.constant 0 : i32
    %dma_wait3A_448 = arith.constant 0 : i32
    %dma_wait3A_449 = tpu.memref_slice %arg4[%add3A_439, %dma_wait3A_447, %dma_wait3A_448] : memref<16384x50x32xf32, #tpu.memory_space<hbm>> -> memref<1x50x32xf32, #tpu.memory_space<hbm>>
    %dma_wait3A_450 = tpu.memref_squeeze %dma_wait3A_449 : memref<1x50x32xf32, #tpu.memory_space<hbm>> -> memref<50x32xf32, #tpu.memory_space<hbm>>
    %dma_wait3A_451 = arith.constant 1300 : i32
    %dma_wait3A_452 = arith.constant 0 : i32
    %dma_wait3A_453 = tpu.memref_slice %arg7[%dma_wait3A_451, %dma_wait3A_452] : memref<1600x32xf32, #tpu.memory_space<vmem>> -> memref<50x32xf32, #tpu.memory_space<vmem>>
    tpu.wait_dma2 semaphore(%arg11 : memref<!tpu.dma_semaphore, #tpu.memory_space<semaphore_mem>>) src(%dma_wait3A_453 : memref<50x32xf32, #tpu.memory_space<vmem>>) dst(%dma_wait3A_450 : memref<50x32xf32, #tpu.memory_space<hbm>>)
    %add3A_454 = arith.constant 27 : i32
    %add3A_455 = arith.addi %add3A_22, %add3A_454 : i32
    %dma_wait3A_456 = arith.constant 1350 : i32
    %dma_wait3A_457 = arith.constant 0 : i32
    %dma_wait3A_458 = tpu.memref_slice %arg7[%dma_wait3A_456, %dma_wait3A_457] : memref<1600x32xf32, #tpu.memory_space<vmem>> -> memref<50x32xf32, #tpu.memory_space<vmem>>
    %dma_wait3A_459 = arith.constant 0 : i32
    %dma_wait3A_460 = arith.constant 0 : i32
    %dma_wait3A_461 = tpu.memref_slice %arg4[%add3A_455, %dma_wait3A_459, %dma_wait3A_460] : memref<16384x50x32xf32, #tpu.memory_space<hbm>> -> memref<1x50x32xf32, #tpu.memory_space<hbm>>
    %dma_wait3A_462 = tpu.memref_squeeze %dma_wait3A_461 : memref<1x50x32xf32, #tpu.memory_space<hbm>> -> memref<50x32xf32, #tpu.memory_space<hbm>>
    %dma_wait3A_463 = arith.constant 0 : i32
    %dma_wait3A_464 = arith.constant 0 : i32
    %dma_wait3A_465 = tpu.memref_slice %arg4[%add3A_455, %dma_wait3A_463, %dma_wait3A_464] : memref<16384x50x32xf32, #tpu.memory_space<hbm>> -> memref<1x50x32xf32, #tpu.memory_space<hbm>>
    %dma_wait3A_466 = tpu.memref_squeeze %dma_wait3A_465 : memref<1x50x32xf32, #tpu.memory_space<hbm>> -> memref<50x32xf32, #tpu.memory_space<hbm>>
    %dma_wait3A_467 = arith.constant 1350 : i32
    %dma_wait3A_468 = arith.constant 0 : i32
    %dma_wait3A_469 = tpu.memref_slice %arg7[%dma_wait3A_467, %dma_wait3A_468] : memref<1600x32xf32, #tpu.memory_space<vmem>> -> memref<50x32xf32, #tpu.memory_space<vmem>>
    tpu.wait_dma2 semaphore(%arg11 : memref<!tpu.dma_semaphore, #tpu.memory_space<semaphore_mem>>) src(%dma_wait3A_469 : memref<50x32xf32, #tpu.memory_space<vmem>>) dst(%dma_wait3A_466 : memref<50x32xf32, #tpu.memory_space<hbm>>)
    %add3A_470 = arith.constant 28 : i32
    %add3A_471 = arith.addi %add3A_22, %add3A_470 : i32
    %dma_wait3A_472 = arith.constant 1400 : i32
    %dma_wait3A_473 = arith.constant 0 : i32
    %dma_wait3A_474 = tpu.memref_slice %arg7[%dma_wait3A_472, %dma_wait3A_473] : memref<1600x32xf32, #tpu.memory_space<vmem>> -> memref<50x32xf32, #tpu.memory_space<vmem>>
    %dma_wait3A_475 = arith.constant 0 : i32
    %dma_wait3A_476 = arith.constant 0 : i32
    %dma_wait3A_477 = tpu.memref_slice %arg4[%add3A_471, %dma_wait3A_475, %dma_wait3A_476] : memref<16384x50x32xf32, #tpu.memory_space<hbm>> -> memref<1x50x32xf32, #tpu.memory_space<hbm>>
    %dma_wait3A_478 = tpu.memref_squeeze %dma_wait3A_477 : memref<1x50x32xf32, #tpu.memory_space<hbm>> -> memref<50x32xf32, #tpu.memory_space<hbm>>
    %dma_wait3A_479 = arith.constant 0 : i32
    %dma_wait3A_480 = arith.constant 0 : i32
    %dma_wait3A_481 = tpu.memref_slice %arg4[%add3A_471, %dma_wait3A_479, %dma_wait3A_480] : memref<16384x50x32xf32, #tpu.memory_space<hbm>> -> memref<1x50x32xf32, #tpu.memory_space<hbm>>
    %dma_wait3A_482 = tpu.memref_squeeze %dma_wait3A_481 : memref<1x50x32xf32, #tpu.memory_space<hbm>> -> memref<50x32xf32, #tpu.memory_space<hbm>>
    %dma_wait3A_483 = arith.constant 1400 : i32
    %dma_wait3A_484 = arith.constant 0 : i32
    %dma_wait3A_485 = tpu.memref_slice %arg7[%dma_wait3A_483, %dma_wait3A_484] : memref<1600x32xf32, #tpu.memory_space<vmem>> -> memref<50x32xf32, #tpu.memory_space<vmem>>
    tpu.wait_dma2 semaphore(%arg11 : memref<!tpu.dma_semaphore, #tpu.memory_space<semaphore_mem>>) src(%dma_wait3A_485 : memref<50x32xf32, #tpu.memory_space<vmem>>) dst(%dma_wait3A_482 : memref<50x32xf32, #tpu.memory_space<hbm>>)
    %add3A_486 = arith.constant 29 : i32
    %add3A_487 = arith.addi %add3A_22, %add3A_486 : i32
    %dma_wait3A_488 = arith.constant 1450 : i32
    %dma_wait3A_489 = arith.constant 0 : i32
    %dma_wait3A_490 = tpu.memref_slice %arg7[%dma_wait3A_488, %dma_wait3A_489] : memref<1600x32xf32, #tpu.memory_space<vmem>> -> memref<50x32xf32, #tpu.memory_space<vmem>>
    %dma_wait3A_491 = arith.constant 0 : i32
    %dma_wait3A_492 = arith.constant 0 : i32
    %dma_wait3A_493 = tpu.memref_slice %arg4[%add3A_487, %dma_wait3A_491, %dma_wait3A_492] : memref<16384x50x32xf32, #tpu.memory_space<hbm>> -> memref<1x50x32xf32, #tpu.memory_space<hbm>>
    %dma_wait3A_494 = tpu.memref_squeeze %dma_wait3A_493 : memref<1x50x32xf32, #tpu.memory_space<hbm>> -> memref<50x32xf32, #tpu.memory_space<hbm>>
    %dma_wait3A_495 = arith.constant 0 : i32
    %dma_wait3A_496 = arith.constant 0 : i32
    %dma_wait3A_497 = tpu.memref_slice %arg4[%add3A_487, %dma_wait3A_495, %dma_wait3A_496] : memref<16384x50x32xf32, #tpu.memory_space<hbm>> -> memref<1x50x32xf32, #tpu.memory_space<hbm>>
    %dma_wait3A_498 = tpu.memref_squeeze %dma_wait3A_497 : memref<1x50x32xf32, #tpu.memory_space<hbm>> -> memref<50x32xf32, #tpu.memory_space<hbm>>
    %dma_wait3A_499 = arith.constant 1450 : i32
    %dma_wait3A_500 = arith.constant 0 : i32
    %dma_wait3A_501 = tpu.memref_slice %arg7[%dma_wait3A_499, %dma_wait3A_500] : memref<1600x32xf32, #tpu.memory_space<vmem>> -> memref<50x32xf32, #tpu.memory_space<vmem>>
    tpu.wait_dma2 semaphore(%arg11 : memref<!tpu.dma_semaphore, #tpu.memory_space<semaphore_mem>>) src(%dma_wait3A_501 : memref<50x32xf32, #tpu.memory_space<vmem>>) dst(%dma_wait3A_498 : memref<50x32xf32, #tpu.memory_space<hbm>>)
    %add3A_502 = arith.constant 30 : i32
    %add3A_503 = arith.addi %add3A_22, %add3A_502 : i32
    %dma_wait3A_504 = arith.constant 1500 : i32
    %dma_wait3A_505 = arith.constant 0 : i32
    %dma_wait3A_506 = tpu.memref_slice %arg7[%dma_wait3A_504, %dma_wait3A_505] : memref<1600x32xf32, #tpu.memory_space<vmem>> -> memref<50x32xf32, #tpu.memory_space<vmem>>
    %dma_wait3A_507 = arith.constant 0 : i32
    %dma_wait3A_508 = arith.constant 0 : i32
    %dma_wait3A_509 = tpu.memref_slice %arg4[%add3A_503, %dma_wait3A_507, %dma_wait3A_508] : memref<16384x50x32xf32, #tpu.memory_space<hbm>> -> memref<1x50x32xf32, #tpu.memory_space<hbm>>
    %dma_wait3A_510 = tpu.memref_squeeze %dma_wait3A_509 : memref<1x50x32xf32, #tpu.memory_space<hbm>> -> memref<50x32xf32, #tpu.memory_space<hbm>>
    %dma_wait3A_511 = arith.constant 0 : i32
    %dma_wait3A_512 = arith.constant 0 : i32
    %dma_wait3A_513 = tpu.memref_slice %arg4[%add3A_503, %dma_wait3A_511, %dma_wait3A_512] : memref<16384x50x32xf32, #tpu.memory_space<hbm>> -> memref<1x50x32xf32, #tpu.memory_space<hbm>>
    %dma_wait3A_514 = tpu.memref_squeeze %dma_wait3A_513 : memref<1x50x32xf32, #tpu.memory_space<hbm>> -> memref<50x32xf32, #tpu.memory_space<hbm>>
    %dma_wait3A_515 = arith.constant 1500 : i32
    %dma_wait3A_516 = arith.constant 0 : i32
    %dma_wait3A_517 = tpu.memref_slice %arg7[%dma_wait3A_515, %dma_wait3A_516] : memref<1600x32xf32, #tpu.memory_space<vmem>> -> memref<50x32xf32, #tpu.memory_space<vmem>>
    tpu.wait_dma2 semaphore(%arg11 : memref<!tpu.dma_semaphore, #tpu.memory_space<semaphore_mem>>) src(%dma_wait3A_517 : memref<50x32xf32, #tpu.memory_space<vmem>>) dst(%dma_wait3A_514 : memref<50x32xf32, #tpu.memory_space<hbm>>)
    %add3A_518 = arith.constant 31 : i32
    %add3A_519 = arith.addi %add3A_22, %add3A_518 : i32
    %dma_wait3A_520 = arith.constant 1550 : i32
    %dma_wait3A_521 = arith.constant 0 : i32
    %dma_wait3A_522 = tpu.memref_slice %arg7[%dma_wait3A_520, %dma_wait3A_521] : memref<1600x32xf32, #tpu.memory_space<vmem>> -> memref<50x32xf32, #tpu.memory_space<vmem>>
    %dma_wait3A_523 = arith.constant 0 : i32
    %dma_wait3A_524 = arith.constant 0 : i32
    %dma_wait3A_525 = tpu.memref_slice %arg4[%add3A_519, %dma_wait3A_523, %dma_wait3A_524] : memref<16384x50x32xf32, #tpu.memory_space<hbm>> -> memref<1x50x32xf32, #tpu.memory_space<hbm>>
    %dma_wait3A_526 = tpu.memref_squeeze %dma_wait3A_525 : memref<1x50x32xf32, #tpu.memory_space<hbm>> -> memref<50x32xf32, #tpu.memory_space<hbm>>
    %dma_wait3A_527 = arith.constant 0 : i32
    %dma_wait3A_528 = arith.constant 0 : i32
    %dma_wait3A_529 = tpu.memref_slice %arg4[%add3A_519, %dma_wait3A_527, %dma_wait3A_528] : memref<16384x50x32xf32, #tpu.memory_space<hbm>> -> memref<1x50x32xf32, #tpu.memory_space<hbm>>
    %dma_wait3A_530 = tpu.memref_squeeze %dma_wait3A_529 : memref<1x50x32xf32, #tpu.memory_space<hbm>> -> memref<50x32xf32, #tpu.memory_space<hbm>>
    %dma_wait3A_531 = arith.constant 1550 : i32
    %dma_wait3A_532 = arith.constant 0 : i32
    %dma_wait3A_533 = tpu.memref_slice %arg7[%dma_wait3A_531, %dma_wait3A_532] : memref<1600x32xf32, #tpu.memory_space<vmem>> -> memref<50x32xf32, #tpu.memory_space<vmem>>
    tpu.wait_dma2 semaphore(%arg11 : memref<!tpu.dma_semaphore, #tpu.memory_space<semaphore_mem>>) src(%dma_wait3A_533 : memref<50x32xf32, #tpu.memory_space<vmem>>) dst(%dma_wait3A_530 : memref<50x32xf32, #tpu.memory_space<hbm>>)
    %add3A_534 = arith.constant 480 : i32
    %add3A_535 = arith.addi %mul3A_6, %add3A_534 : i32
    %add3A_536 = arith.constant 0 : i32
    %add3A_537 = arith.addi %add3A_535, %add3A_536 : i32
    %dma_wait3A_538 = arith.constant 0 : i32
    %dma_wait3A_539 = arith.constant 0 : i32
    %dma_wait3A_540 = tpu.memref_slice %arg8[%dma_wait3A_538, %dma_wait3A_539] : memref<1600x32xf32, #tpu.memory_space<vmem>> -> memref<50x32xf32, #tpu.memory_space<vmem>>
    %dma_wait3A_541 = arith.constant 0 : i32
    %dma_wait3A_542 = arith.constant 0 : i32
    %dma_wait3A_543 = tpu.memref_slice %arg4[%add3A_537, %dma_wait3A_541, %dma_wait3A_542] : memref<16384x50x32xf32, #tpu.memory_space<hbm>> -> memref<1x50x32xf32, #tpu.memory_space<hbm>>
    %dma_wait3A_544 = tpu.memref_squeeze %dma_wait3A_543 : memref<1x50x32xf32, #tpu.memory_space<hbm>> -> memref<50x32xf32, #tpu.memory_space<hbm>>
    %dma_wait3A_545 = arith.constant 0 : i32
    %dma_wait3A_546 = arith.constant 0 : i32
    %dma_wait3A_547 = tpu.memref_slice %arg4[%add3A_537, %dma_wait3A_545, %dma_wait3A_546] : memref<16384x50x32xf32, #tpu.memory_space<hbm>> -> memref<1x50x32xf32, #tpu.memory_space<hbm>>
    %dma_wait3A_548 = tpu.memref_squeeze %dma_wait3A_547 : memref<1x50x32xf32, #tpu.memory_space<hbm>> -> memref<50x32xf32, #tpu.memory_space<hbm>>
    %dma_wait3A_549 = arith.constant 0 : i32
    %dma_wait3A_550 = arith.constant 0 : i32
    %dma_wait3A_551 = tpu.memref_slice %arg8[%dma_wait3A_549, %dma_wait3A_550] : memref<1600x32xf32, #tpu.memory_space<vmem>> -> memref<50x32xf32, #tpu.memory_space<vmem>>
    tpu.wait_dma2 semaphore(%arg12 : memref<!tpu.dma_semaphore, #tpu.memory_space<semaphore_mem>>) src(%dma_wait3A_551 : memref<50x32xf32, #tpu.memory_space<vmem>>) dst(%dma_wait3A_548 : memref<50x32xf32, #tpu.memory_space<hbm>>)
    %add3A_552 = arith.constant 1 : i32
    %add3A_553 = arith.addi %add3A_535, %add3A_552 : i32
    %dma_wait3A_554 = arith.constant 50 : i32
    %dma_wait3A_555 = arith.constant 0 : i32
    %dma_wait3A_556 = tpu.memref_slice %arg8[%dma_wait3A_554, %dma_wait3A_555] : memref<1600x32xf32, #tpu.memory_space<vmem>> -> memref<50x32xf32, #tpu.memory_space<vmem>>
    %dma_wait3A_557 = arith.constant 0 : i32
    %dma_wait3A_558 = arith.constant 0 : i32
    %dma_wait3A_559 = tpu.memref_slice %arg4[%add3A_553, %dma_wait3A_557, %dma_wait3A_558] : memref<16384x50x32xf32, #tpu.memory_space<hbm>> -> memref<1x50x32xf32, #tpu.memory_space<hbm>>
    %dma_wait3A_560 = tpu.memref_squeeze %dma_wait3A_559 : memref<1x50x32xf32, #tpu.memory_space<hbm>> -> memref<50x32xf32, #tpu.memory_space<hbm>>
    %dma_wait3A_561 = arith.constant 0 : i32
    %dma_wait3A_562 = arith.constant 0 : i32
    %dma_wait3A_563 = tpu.memref_slice %arg4[%add3A_553, %dma_wait3A_561, %dma_wait3A_562] : memref<16384x50x32xf32, #tpu.memory_space<hbm>> -> memref<1x50x32xf32, #tpu.memory_space<hbm>>
    %dma_wait3A_564 = tpu.memref_squeeze %dma_wait3A_563 : memref<1x50x32xf32, #tpu.memory_space<hbm>> -> memref<50x32xf32, #tpu.memory_space<hbm>>
    %dma_wait3A_565 = arith.constant 50 : i32
    %dma_wait3A_566 = arith.constant 0 : i32
    %dma_wait3A_567 = tpu.memref_slice %arg8[%dma_wait3A_565, %dma_wait3A_566] : memref<1600x32xf32, #tpu.memory_space<vmem>> -> memref<50x32xf32, #tpu.memory_space<vmem>>
    tpu.wait_dma2 semaphore(%arg12 : memref<!tpu.dma_semaphore, #tpu.memory_space<semaphore_mem>>) src(%dma_wait3A_567 : memref<50x32xf32, #tpu.memory_space<vmem>>) dst(%dma_wait3A_564 : memref<50x32xf32, #tpu.memory_space<hbm>>)
    %add3A_568 = arith.constant 2 : i32
    %add3A_569 = arith.addi %add3A_535, %add3A_568 : i32
    %dma_wait3A_570 = arith.constant 100 : i32
    %dma_wait3A_571 = arith.constant 0 : i32
    %dma_wait3A_572 = tpu.memref_slice %arg8[%dma_wait3A_570, %dma_wait3A_571] : memref<1600x32xf32, #tpu.memory_space<vmem>> -> memref<50x32xf32, #tpu.memory_space<vmem>>
    %dma_wait3A_573 = arith.constant 0 : i32
    %dma_wait3A_574 = arith.constant 0 : i32
    %dma_wait3A_575 = tpu.memref_slice %arg4[%add3A_569, %dma_wait3A_573, %dma_wait3A_574] : memref<16384x50x32xf32, #tpu.memory_space<hbm>> -> memref<1x50x32xf32, #tpu.memory_space<hbm>>
    %dma_wait3A_576 = tpu.memref_squeeze %dma_wait3A_575 : memref<1x50x32xf32, #tpu.memory_space<hbm>> -> memref<50x32xf32, #tpu.memory_space<hbm>>
    %dma_wait3A_577 = arith.constant 0 : i32
    %dma_wait3A_578 = arith.constant 0 : i32
    %dma_wait3A_579 = tpu.memref_slice %arg4[%add3A_569, %dma_wait3A_577, %dma_wait3A_578] : memref<16384x50x32xf32, #tpu.memory_space<hbm>> -> memref<1x50x32xf32, #tpu.memory_space<hbm>>
    %dma_wait3A_580 = tpu.memref_squeeze %dma_wait3A_579 : memref<1x50x32xf32, #tpu.memory_space<hbm>> -> memref<50x32xf32, #tpu.memory_space<hbm>>
    %dma_wait3A_581 = arith.constant 100 : i32
    %dma_wait3A_582 = arith.constant 0 : i32
    %dma_wait3A_583 = tpu.memref_slice %arg8[%dma_wait3A_581, %dma_wait3A_582] : memref<1600x32xf32, #tpu.memory_space<vmem>> -> memref<50x32xf32, #tpu.memory_space<vmem>>
    tpu.wait_dma2 semaphore(%arg12 : memref<!tpu.dma_semaphore, #tpu.memory_space<semaphore_mem>>) src(%dma_wait3A_583 : memref<50x32xf32, #tpu.memory_space<vmem>>) dst(%dma_wait3A_580 : memref<50x32xf32, #tpu.memory_space<hbm>>)
    %add3A_584 = arith.constant 3 : i32
    %add3A_585 = arith.addi %add3A_535, %add3A_584 : i32
    %dma_wait3A_586 = arith.constant 150 : i32
    %dma_wait3A_587 = arith.constant 0 : i32
    %dma_wait3A_588 = tpu.memref_slice %arg8[%dma_wait3A_586, %dma_wait3A_587] : memref<1600x32xf32, #tpu.memory_space<vmem>> -> memref<50x32xf32, #tpu.memory_space<vmem>>
    %dma_wait3A_589 = arith.constant 0 : i32
    %dma_wait3A_590 = arith.constant 0 : i32
    %dma_wait3A_591 = tpu.memref_slice %arg4[%add3A_585, %dma_wait3A_589, %dma_wait3A_590] : memref<16384x50x32xf32, #tpu.memory_space<hbm>> -> memref<1x50x32xf32, #tpu.memory_space<hbm>>
    %dma_wait3A_592 = tpu.memref_squeeze %dma_wait3A_591 : memref<1x50x32xf32, #tpu.memory_space<hbm>> -> memref<50x32xf32, #tpu.memory_space<hbm>>
    %dma_wait3A_593 = arith.constant 0 : i32
    %dma_wait3A_594 = arith.constant 0 : i32
    %dma_wait3A_595 = tpu.memref_slice %arg4[%add3A_585, %dma_wait3A_593, %dma_wait3A_594] : memref<16384x50x32xf32, #tpu.memory_space<hbm>> -> memref<1x50x32xf32, #tpu.memory_space<hbm>>
    %dma_wait3A_596 = tpu.memref_squeeze %dma_wait3A_595 : memref<1x50x32xf32, #tpu.memory_space<hbm>> -> memref<50x32xf32, #tpu.memory_space<hbm>>
    %dma_wait3A_597 = arith.constant 150 : i32
    %dma_wait3A_598 = arith.constant 0 : i32
    %dma_wait3A_599 = tpu.memref_slice %arg8[%dma_wait3A_597, %dma_wait3A_598] : memref<1600x32xf32, #tpu.memory_space<vmem>> -> memref<50x32xf32, #tpu.memory_space<vmem>>
    tpu.wait_dma2 semaphore(%arg12 : memref<!tpu.dma_semaphore, #tpu.memory_space<semaphore_mem>>) src(%dma_wait3A_599 : memref<50x32xf32, #tpu.memory_space<vmem>>) dst(%dma_wait3A_596 : memref<50x32xf32, #tpu.memory_space<hbm>>)
    %add3A_600 = arith.constant 4 : i32
    %add3A_601 = arith.addi %add3A_535, %add3A_600 : i32
    %dma_wait3A_602 = arith.constant 200 : i32
    %dma_wait3A_603 = arith.constant 0 : i32
    %dma_wait3A_604 = tpu.memref_slice %arg8[%dma_wait3A_602, %dma_wait3A_603] : memref<1600x32xf32, #tpu.memory_space<vmem>> -> memref<50x32xf32, #tpu.memory_space<vmem>>
    %dma_wait3A_605 = arith.constant 0 : i32
    %dma_wait3A_606 = arith.constant 0 : i32
    %dma_wait3A_607 = tpu.memref_slice %arg4[%add3A_601, %dma_wait3A_605, %dma_wait3A_606] : memref<16384x50x32xf32, #tpu.memory_space<hbm>> -> memref<1x50x32xf32, #tpu.memory_space<hbm>>
    %dma_wait3A_608 = tpu.memref_squeeze %dma_wait3A_607 : memref<1x50x32xf32, #tpu.memory_space<hbm>> -> memref<50x32xf32, #tpu.memory_space<hbm>>
    %dma_wait3A_609 = arith.constant 0 : i32
    %dma_wait3A_610 = arith.constant 0 : i32
    %dma_wait3A_611 = tpu.memref_slice %arg4[%add3A_601, %dma_wait3A_609, %dma_wait3A_610] : memref<16384x50x32xf32, #tpu.memory_space<hbm>> -> memref<1x50x32xf32, #tpu.memory_space<hbm>>
    %dma_wait3A_612 = tpu.memref_squeeze %dma_wait3A_611 : memref<1x50x32xf32, #tpu.memory_space<hbm>> -> memref<50x32xf32, #tpu.memory_space<hbm>>
    %dma_wait3A_613 = arith.constant 200 : i32
    %dma_wait3A_614 = arith.constant 0 : i32
    %dma_wait3A_615 = tpu.memref_slice %arg8[%dma_wait3A_613, %dma_wait3A_614] : memref<1600x32xf32, #tpu.memory_space<vmem>> -> memref<50x32xf32, #tpu.memory_space<vmem>>
    tpu.wait_dma2 semaphore(%arg12 : memref<!tpu.dma_semaphore, #tpu.memory_space<semaphore_mem>>) src(%dma_wait3A_615 : memref<50x32xf32, #tpu.memory_space<vmem>>) dst(%dma_wait3A_612 : memref<50x32xf32, #tpu.memory_space<hbm>>)
    %add3A_616 = arith.constant 5 : i32
    %add3A_617 = arith.addi %add3A_535, %add3A_616 : i32
    %dma_wait3A_618 = arith.constant 250 : i32
    %dma_wait3A_619 = arith.constant 0 : i32
    %dma_wait3A_620 = tpu.memref_slice %arg8[%dma_wait3A_618, %dma_wait3A_619] : memref<1600x32xf32, #tpu.memory_space<vmem>> -> memref<50x32xf32, #tpu.memory_space<vmem>>
    %dma_wait3A_621 = arith.constant 0 : i32
    %dma_wait3A_622 = arith.constant 0 : i32
    %dma_wait3A_623 = tpu.memref_slice %arg4[%add3A_617, %dma_wait3A_621, %dma_wait3A_622] : memref<16384x50x32xf32, #tpu.memory_space<hbm>> -> memref<1x50x32xf32, #tpu.memory_space<hbm>>
    %dma_wait3A_624 = tpu.memref_squeeze %dma_wait3A_623 : memref<1x50x32xf32, #tpu.memory_space<hbm>> -> memref<50x32xf32, #tpu.memory_space<hbm>>
    %dma_wait3A_625 = arith.constant 0 : i32
    %dma_wait3A_626 = arith.constant 0 : i32
    %dma_wait3A_627 = tpu.memref_slice %arg4[%add3A_617, %dma_wait3A_625, %dma_wait3A_626] : memref<16384x50x32xf32, #tpu.memory_space<hbm>> -> memref<1x50x32xf32, #tpu.memory_space<hbm>>
    %dma_wait3A_628 = tpu.memref_squeeze %dma_wait3A_627 : memref<1x50x32xf32, #tpu.memory_space<hbm>> -> memref<50x32xf32, #tpu.memory_space<hbm>>
    %dma_wait3A_629 = arith.constant 250 : i32
    %dma_wait3A_630 = arith.constant 0 : i32
    %dma_wait3A_631 = tpu.memref_slice %arg8[%dma_wait3A_629, %dma_wait3A_630] : memref<1600x32xf32, #tpu.memory_space<vmem>> -> memref<50x32xf32, #tpu.memory_space<vmem>>
    tpu.wait_dma2 semaphore(%arg12 : memref<!tpu.dma_semaphore, #tpu.memory_space<semaphore_mem>>) src(%dma_wait3A_631 : memref<50x32xf32, #tpu.memory_space<vmem>>) dst(%dma_wait3A_628 : memref<50x32xf32, #tpu.memory_space<hbm>>)
    %add3A_632 = arith.constant 6 : i32
    %add3A_633 = arith.addi %add3A_535, %add3A_632 : i32
    %dma_wait3A_634 = arith.constant 300 : i32
    %dma_wait3A_635 = arith.constant 0 : i32
    %dma_wait3A_636 = tpu.memref_slice %arg8[%dma_wait3A_634, %dma_wait3A_635] : memref<1600x32xf32, #tpu.memory_space<vmem>> -> memref<50x32xf32, #tpu.memory_space<vmem>>
    %dma_wait3A_637 = arith.constant 0 : i32
    %dma_wait3A_638 = arith.constant 0 : i32
    %dma_wait3A_639 = tpu.memref_slice %arg4[%add3A_633, %dma_wait3A_637, %dma_wait3A_638] : memref<16384x50x32xf32, #tpu.memory_space<hbm>> -> memref<1x50x32xf32, #tpu.memory_space<hbm>>
    %dma_wait3A_640 = tpu.memref_squeeze %dma_wait3A_639 : memref<1x50x32xf32, #tpu.memory_space<hbm>> -> memref<50x32xf32, #tpu.memory_space<hbm>>
    %dma_wait3A_641 = arith.constant 0 : i32
    %dma_wait3A_642 = arith.constant 0 : i32
    %dma_wait3A_643 = tpu.memref_slice %arg4[%add3A_633, %dma_wait3A_641, %dma_wait3A_642] : memref<16384x50x32xf32, #tpu.memory_space<hbm>> -> memref<1x50x32xf32, #tpu.memory_space<hbm>>
    %dma_wait3A_644 = tpu.memref_squeeze %dma_wait3A_643 : memref<1x50x32xf32, #tpu.memory_space<hbm>> -> memref<50x32xf32, #tpu.memory_space<hbm>>
    %dma_wait3A_645 = arith.constant 300 : i32
    %dma_wait3A_646 = arith.constant 0 : i32
    %dma_wait3A_647 = tpu.memref_slice %arg8[%dma_wait3A_645, %dma_wait3A_646] : memref<1600x32xf32, #tpu.memory_space<vmem>> -> memref<50x32xf32, #tpu.memory_space<vmem>>
    tpu.wait_dma2 semaphore(%arg12 : memref<!tpu.dma_semaphore, #tpu.memory_space<semaphore_mem>>) src(%dma_wait3A_647 : memref<50x32xf32, #tpu.memory_space<vmem>>) dst(%dma_wait3A_644 : memref<50x32xf32, #tpu.memory_space<hbm>>)
    %add3A_648 = arith.constant 7 : i32
    %add3A_649 = arith.addi %add3A_535, %add3A_648 : i32
    %dma_wait3A_650 = arith.constant 350 : i32
    %dma_wait3A_651 = arith.constant 0 : i32
    %dma_wait3A_652 = tpu.memref_slice %arg8[%dma_wait3A_650, %dma_wait3A_651] : memref<1600x32xf32, #tpu.memory_space<vmem>> -> memref<50x32xf32, #tpu.memory_space<vmem>>
    %dma_wait3A_653 = arith.constant 0 : i32
    %dma_wait3A_654 = arith.constant 0 : i32
    %dma_wait3A_655 = tpu.memref_slice %arg4[%add3A_649, %dma_wait3A_653, %dma_wait3A_654] : memref<16384x50x32xf32, #tpu.memory_space<hbm>> -> memref<1x50x32xf32, #tpu.memory_space<hbm>>
    %dma_wait3A_656 = tpu.memref_squeeze %dma_wait3A_655 : memref<1x50x32xf32, #tpu.memory_space<hbm>> -> memref<50x32xf32, #tpu.memory_space<hbm>>
    %dma_wait3A_657 = arith.constant 0 : i32
    %dma_wait3A_658 = arith.constant 0 : i32
    %dma_wait3A_659 = tpu.memref_slice %arg4[%add3A_649, %dma_wait3A_657, %dma_wait3A_658] : memref<16384x50x32xf32, #tpu.memory_space<hbm>> -> memref<1x50x32xf32, #tpu.memory_space<hbm>>
    %dma_wait3A_660 = tpu.memref_squeeze %dma_wait3A_659 : memref<1x50x32xf32, #tpu.memory_space<hbm>> -> memref<50x32xf32, #tpu.memory_space<hbm>>
    %dma_wait3A_661 = arith.constant 350 : i32
    %dma_wait3A_662 = arith.constant 0 : i32
    %dma_wait3A_663 = tpu.memref_slice %arg8[%dma_wait3A_661, %dma_wait3A_662] : memref<1600x32xf32, #tpu.memory_space<vmem>> -> memref<50x32xf32, #tpu.memory_space<vmem>>
    tpu.wait_dma2 semaphore(%arg12 : memref<!tpu.dma_semaphore, #tpu.memory_space<semaphore_mem>>) src(%dma_wait3A_663 : memref<50x32xf32, #tpu.memory_space<vmem>>) dst(%dma_wait3A_660 : memref<50x32xf32, #tpu.memory_space<hbm>>)
    %add3A_664 = arith.constant 8 : i32
    %add3A_665 = arith.addi %add3A_535, %add3A_664 : i32
    %dma_wait3A_666 = arith.constant 400 : i32
    %dma_wait3A_667 = arith.constant 0 : i32
    %dma_wait3A_668 = tpu.memref_slice %arg8[%dma_wait3A_666, %dma_wait3A_667] : memref<1600x32xf32, #tpu.memory_space<vmem>> -> memref<50x32xf32, #tpu.memory_space<vmem>>
    %dma_wait3A_669 = arith.constant 0 : i32
    %dma_wait3A_670 = arith.constant 0 : i32
    %dma_wait3A_671 = tpu.memref_slice %arg4[%add3A_665, %dma_wait3A_669, %dma_wait3A_670] : memref<16384x50x32xf32, #tpu.memory_space<hbm>> -> memref<1x50x32xf32, #tpu.memory_space<hbm>>
    %dma_wait3A_672 = tpu.memref_squeeze %dma_wait3A_671 : memref<1x50x32xf32, #tpu.memory_space<hbm>> -> memref<50x32xf32, #tpu.memory_space<hbm>>
    %dma_wait3A_673 = arith.constant 0 : i32
    %dma_wait3A_674 = arith.constant 0 : i32
    %dma_wait3A_675 = tpu.memref_slice %arg4[%add3A_665, %dma_wait3A_673, %dma_wait3A_674] : memref<16384x50x32xf32, #tpu.memory_space<hbm>> -> memref<1x50x32xf32, #tpu.memory_space<hbm>>
    %dma_wait3A_676 = tpu.memref_squeeze %dma_wait3A_675 : memref<1x50x32xf32, #tpu.memory_space<hbm>> -> memref<50x32xf32, #tpu.memory_space<hbm>>
    %dma_wait3A_677 = arith.constant 400 : i32
    %dma_wait3A_678 = arith.constant 0 : i32
    %dma_wait3A_679 = tpu.memref_slice %arg8[%dma_wait3A_677, %dma_wait3A_678] : memref<1600x32xf32, #tpu.memory_space<vmem>> -> memref<50x32xf32, #tpu.memory_space<vmem>>
    tpu.wait_dma2 semaphore(%arg12 : memref<!tpu.dma_semaphore, #tpu.memory_space<semaphore_mem>>) src(%dma_wait3A_679 : memref<50x32xf32, #tpu.memory_space<vmem>>) dst(%dma_wait3A_676 : memref<50x32xf32, #tpu.memory_space<hbm>>)
    %add3A_680 = arith.constant 9 : i32
    %add3A_681 = arith.addi %add3A_535, %add3A_680 : i32
    %dma_wait3A_682 = arith.constant 450 : i32
    %dma_wait3A_683 = arith.constant 0 : i32
    %dma_wait3A_684 = tpu.memref_slice %arg8[%dma_wait3A_682, %dma_wait3A_683] : memref<1600x32xf32, #tpu.memory_space<vmem>> -> memref<50x32xf32, #tpu.memory_space<vmem>>
    %dma_wait3A_685 = arith.constant 0 : i32
    %dma_wait3A_686 = arith.constant 0 : i32
    %dma_wait3A_687 = tpu.memref_slice %arg4[%add3A_681, %dma_wait3A_685, %dma_wait3A_686] : memref<16384x50x32xf32, #tpu.memory_space<hbm>> -> memref<1x50x32xf32, #tpu.memory_space<hbm>>
    %dma_wait3A_688 = tpu.memref_squeeze %dma_wait3A_687 : memref<1x50x32xf32, #tpu.memory_space<hbm>> -> memref<50x32xf32, #tpu.memory_space<hbm>>
    %dma_wait3A_689 = arith.constant 0 : i32
    %dma_wait3A_690 = arith.constant 0 : i32
    %dma_wait3A_691 = tpu.memref_slice %arg4[%add3A_681, %dma_wait3A_689, %dma_wait3A_690] : memref<16384x50x32xf32, #tpu.memory_space<hbm>> -> memref<1x50x32xf32, #tpu.memory_space<hbm>>
    %dma_wait3A_692 = tpu.memref_squeeze %dma_wait3A_691 : memref<1x50x32xf32, #tpu.memory_space<hbm>> -> memref<50x32xf32, #tpu.memory_space<hbm>>
    %dma_wait3A_693 = arith.constant 450 : i32
    %dma_wait3A_694 = arith.constant 0 : i32
    %dma_wait3A_695 = tpu.memref_slice %arg8[%dma_wait3A_693, %dma_wait3A_694] : memref<1600x32xf32, #tpu.memory_space<vmem>> -> memref<50x32xf32, #tpu.memory_space<vmem>>
    tpu.wait_dma2 semaphore(%arg12 : memref<!tpu.dma_semaphore, #tpu.memory_space<semaphore_mem>>) src(%dma_wait3A_695 : memref<50x32xf32, #tpu.memory_space<vmem>>) dst(%dma_wait3A_692 : memref<50x32xf32, #tpu.memory_space<hbm>>)
    %add3A_696 = arith.constant 10 : i32
    %add3A_697 = arith.addi %add3A_535, %add3A_696 : i32
    %dma_wait3A_698 = arith.constant 500 : i32
    %dma_wait3A_699 = arith.constant 0 : i32
    %dma_wait3A_700 = tpu.memref_slice %arg8[%dma_wait3A_698, %dma_wait3A_699] : memref<1600x32xf32, #tpu.memory_space<vmem>> -> memref<50x32xf32, #tpu.memory_space<vmem>>
    %dma_wait3A_701 = arith.constant 0 : i32
    %dma_wait3A_702 = arith.constant 0 : i32
    %dma_wait3A_703 = tpu.memref_slice %arg4[%add3A_697, %dma_wait3A_701, %dma_wait3A_702] : memref<16384x50x32xf32, #tpu.memory_space<hbm>> -> memref<1x50x32xf32, #tpu.memory_space<hbm>>
    %dma_wait3A_704 = tpu.memref_squeeze %dma_wait3A_703 : memref<1x50x32xf32, #tpu.memory_space<hbm>> -> memref<50x32xf32, #tpu.memory_space<hbm>>
    %dma_wait3A_705 = arith.constant 0 : i32
    %dma_wait3A_706 = arith.constant 0 : i32
    %dma_wait3A_707 = tpu.memref_slice %arg4[%add3A_697, %dma_wait3A_705, %dma_wait3A_706] : memref<16384x50x32xf32, #tpu.memory_space<hbm>> -> memref<1x50x32xf32, #tpu.memory_space<hbm>>
    %dma_wait3A_708 = tpu.memref_squeeze %dma_wait3A_707 : memref<1x50x32xf32, #tpu.memory_space<hbm>> -> memref<50x32xf32, #tpu.memory_space<hbm>>
    %dma_wait3A_709 = arith.constant 500 : i32
    %dma_wait3A_710 = arith.constant 0 : i32
    %dma_wait3A_711 = tpu.memref_slice %arg8[%dma_wait3A_709, %dma_wait3A_710] : memref<1600x32xf32, #tpu.memory_space<vmem>> -> memref<50x32xf32, #tpu.memory_space<vmem>>
    tpu.wait_dma2 semaphore(%arg12 : memref<!tpu.dma_semaphore, #tpu.memory_space<semaphore_mem>>) src(%dma_wait3A_711 : memref<50x32xf32, #tpu.memory_space<vmem>>) dst(%dma_wait3A_708 : memref<50x32xf32, #tpu.memory_space<hbm>>)
    %add3A_712 = arith.constant 11 : i32
    %add3A_713 = arith.addi %add3A_535, %add3A_712 : i32
    %dma_wait3A_714 = arith.constant 550 : i32
    %dma_wait3A_715 = arith.constant 0 : i32
    %dma_wait3A_716 = tpu.memref_slice %arg8[%dma_wait3A_714, %dma_wait3A_715] : memref<1600x32xf32, #tpu.memory_space<vmem>> -> memref<50x32xf32, #tpu.memory_space<vmem>>
    %dma_wait3A_717 = arith.constant 0 : i32
    %dma_wait3A_718 = arith.constant 0 : i32
    %dma_wait3A_719 = tpu.memref_slice %arg4[%add3A_713, %dma_wait3A_717, %dma_wait3A_718] : memref<16384x50x32xf32, #tpu.memory_space<hbm>> -> memref<1x50x32xf32, #tpu.memory_space<hbm>>
    %dma_wait3A_720 = tpu.memref_squeeze %dma_wait3A_719 : memref<1x50x32xf32, #tpu.memory_space<hbm>> -> memref<50x32xf32, #tpu.memory_space<hbm>>
    %dma_wait3A_721 = arith.constant 0 : i32
    %dma_wait3A_722 = arith.constant 0 : i32
    %dma_wait3A_723 = tpu.memref_slice %arg4[%add3A_713, %dma_wait3A_721, %dma_wait3A_722] : memref<16384x50x32xf32, #tpu.memory_space<hbm>> -> memref<1x50x32xf32, #tpu.memory_space<hbm>>
    %dma_wait3A_724 = tpu.memref_squeeze %dma_wait3A_723 : memref<1x50x32xf32, #tpu.memory_space<hbm>> -> memref<50x32xf32, #tpu.memory_space<hbm>>
    %dma_wait3A_725 = arith.constant 550 : i32
    %dma_wait3A_726 = arith.constant 0 : i32
    %dma_wait3A_727 = tpu.memref_slice %arg8[%dma_wait3A_725, %dma_wait3A_726] : memref<1600x32xf32, #tpu.memory_space<vmem>> -> memref<50x32xf32, #tpu.memory_space<vmem>>
    tpu.wait_dma2 semaphore(%arg12 : memref<!tpu.dma_semaphore, #tpu.memory_space<semaphore_mem>>) src(%dma_wait3A_727 : memref<50x32xf32, #tpu.memory_space<vmem>>) dst(%dma_wait3A_724 : memref<50x32xf32, #tpu.memory_space<hbm>>)
    %add3A_728 = arith.constant 12 : i32
    %add3A_729 = arith.addi %add3A_535, %add3A_728 : i32
    %dma_wait3A_730 = arith.constant 600 : i32
    %dma_wait3A_731 = arith.constant 0 : i32
    %dma_wait3A_732 = tpu.memref_slice %arg8[%dma_wait3A_730, %dma_wait3A_731] : memref<1600x32xf32, #tpu.memory_space<vmem>> -> memref<50x32xf32, #tpu.memory_space<vmem>>
    %dma_wait3A_733 = arith.constant 0 : i32
    %dma_wait3A_734 = arith.constant 0 : i32
    %dma_wait3A_735 = tpu.memref_slice %arg4[%add3A_729, %dma_wait3A_733, %dma_wait3A_734] : memref<16384x50x32xf32, #tpu.memory_space<hbm>> -> memref<1x50x32xf32, #tpu.memory_space<hbm>>
    %dma_wait3A_736 = tpu.memref_squeeze %dma_wait3A_735 : memref<1x50x32xf32, #tpu.memory_space<hbm>> -> memref<50x32xf32, #tpu.memory_space<hbm>>
    %dma_wait3A_737 = arith.constant 0 : i32
    %dma_wait3A_738 = arith.constant 0 : i32
    %dma_wait3A_739 = tpu.memref_slice %arg4[%add3A_729, %dma_wait3A_737, %dma_wait3A_738] : memref<16384x50x32xf32, #tpu.memory_space<hbm>> -> memref<1x50x32xf32, #tpu.memory_space<hbm>>
    %dma_wait3A_740 = tpu.memref_squeeze %dma_wait3A_739 : memref<1x50x32xf32, #tpu.memory_space<hbm>> -> memref<50x32xf32, #tpu.memory_space<hbm>>
    %dma_wait3A_741 = arith.constant 600 : i32
    %dma_wait3A_742 = arith.constant 0 : i32
    %dma_wait3A_743 = tpu.memref_slice %arg8[%dma_wait3A_741, %dma_wait3A_742] : memref<1600x32xf32, #tpu.memory_space<vmem>> -> memref<50x32xf32, #tpu.memory_space<vmem>>
    tpu.wait_dma2 semaphore(%arg12 : memref<!tpu.dma_semaphore, #tpu.memory_space<semaphore_mem>>) src(%dma_wait3A_743 : memref<50x32xf32, #tpu.memory_space<vmem>>) dst(%dma_wait3A_740 : memref<50x32xf32, #tpu.memory_space<hbm>>)
    %add3A_744 = arith.constant 13 : i32
    %add3A_745 = arith.addi %add3A_535, %add3A_744 : i32
    %dma_wait3A_746 = arith.constant 650 : i32
    %dma_wait3A_747 = arith.constant 0 : i32
    %dma_wait3A_748 = tpu.memref_slice %arg8[%dma_wait3A_746, %dma_wait3A_747] : memref<1600x32xf32, #tpu.memory_space<vmem>> -> memref<50x32xf32, #tpu.memory_space<vmem>>
    %dma_wait3A_749 = arith.constant 0 : i32
    %dma_wait3A_750 = arith.constant 0 : i32
    %dma_wait3A_751 = tpu.memref_slice %arg4[%add3A_745, %dma_wait3A_749, %dma_wait3A_750] : memref<16384x50x32xf32, #tpu.memory_space<hbm>> -> memref<1x50x32xf32, #tpu.memory_space<hbm>>
    %dma_wait3A_752 = tpu.memref_squeeze %dma_wait3A_751 : memref<1x50x32xf32, #tpu.memory_space<hbm>> -> memref<50x32xf32, #tpu.memory_space<hbm>>
    %dma_wait3A_753 = arith.constant 0 : i32
    %dma_wait3A_754 = arith.constant 0 : i32
    %dma_wait3A_755 = tpu.memref_slice %arg4[%add3A_745, %dma_wait3A_753, %dma_wait3A_754] : memref<16384x50x32xf32, #tpu.memory_space<hbm>> -> memref<1x50x32xf32, #tpu.memory_space<hbm>>
    %dma_wait3A_756 = tpu.memref_squeeze %dma_wait3A_755 : memref<1x50x32xf32, #tpu.memory_space<hbm>> -> memref<50x32xf32, #tpu.memory_space<hbm>>
    %dma_wait3A_757 = arith.constant 650 : i32
    %dma_wait3A_758 = arith.constant 0 : i32
    %dma_wait3A_759 = tpu.memref_slice %arg8[%dma_wait3A_757, %dma_wait3A_758] : memref<1600x32xf32, #tpu.memory_space<vmem>> -> memref<50x32xf32, #tpu.memory_space<vmem>>
    tpu.wait_dma2 semaphore(%arg12 : memref<!tpu.dma_semaphore, #tpu.memory_space<semaphore_mem>>) src(%dma_wait3A_759 : memref<50x32xf32, #tpu.memory_space<vmem>>) dst(%dma_wait3A_756 : memref<50x32xf32, #tpu.memory_space<hbm>>)
    %add3A_760 = arith.constant 14 : i32
    %add3A_761 = arith.addi %add3A_535, %add3A_760 : i32
    %dma_wait3A_762 = arith.constant 700 : i32
    %dma_wait3A_763 = arith.constant 0 : i32
    %dma_wait3A_764 = tpu.memref_slice %arg8[%dma_wait3A_762, %dma_wait3A_763] : memref<1600x32xf32, #tpu.memory_space<vmem>> -> memref<50x32xf32, #tpu.memory_space<vmem>>
    %dma_wait3A_765 = arith.constant 0 : i32
    %dma_wait3A_766 = arith.constant 0 : i32
    %dma_wait3A_767 = tpu.memref_slice %arg4[%add3A_761, %dma_wait3A_765, %dma_wait3A_766] : memref<16384x50x32xf32, #tpu.memory_space<hbm>> -> memref<1x50x32xf32, #tpu.memory_space<hbm>>
    %dma_wait3A_768 = tpu.memref_squeeze %dma_wait3A_767 : memref<1x50x32xf32, #tpu.memory_space<hbm>> -> memref<50x32xf32, #tpu.memory_space<hbm>>
    %dma_wait3A_769 = arith.constant 0 : i32
    %dma_wait3A_770 = arith.constant 0 : i32
    %dma_wait3A_771 = tpu.memref_slice %arg4[%add3A_761, %dma_wait3A_769, %dma_wait3A_770] : memref<16384x50x32xf32, #tpu.memory_space<hbm>> -> memref<1x50x32xf32, #tpu.memory_space<hbm>>
    %dma_wait3A_772 = tpu.memref_squeeze %dma_wait3A_771 : memref<1x50x32xf32, #tpu.memory_space<hbm>> -> memref<50x32xf32, #tpu.memory_space<hbm>>
    %dma_wait3A_773 = arith.constant 700 : i32
    %dma_wait3A_774 = arith.constant 0 : i32
    %dma_wait3A_775 = tpu.memref_slice %arg8[%dma_wait3A_773, %dma_wait3A_774] : memref<1600x32xf32, #tpu.memory_space<vmem>> -> memref<50x32xf32, #tpu.memory_space<vmem>>
    tpu.wait_dma2 semaphore(%arg12 : memref<!tpu.dma_semaphore, #tpu.memory_space<semaphore_mem>>) src(%dma_wait3A_775 : memref<50x32xf32, #tpu.memory_space<vmem>>) dst(%dma_wait3A_772 : memref<50x32xf32, #tpu.memory_space<hbm>>)
    %add3A_776 = arith.constant 15 : i32
    %add3A_777 = arith.addi %add3A_535, %add3A_776 : i32
    %dma_wait3A_778 = arith.constant 750 : i32
    %dma_wait3A_779 = arith.constant 0 : i32
    %dma_wait3A_780 = tpu.memref_slice %arg8[%dma_wait3A_778, %dma_wait3A_779] : memref<1600x32xf32, #tpu.memory_space<vmem>> -> memref<50x32xf32, #tpu.memory_space<vmem>>
    %dma_wait3A_781 = arith.constant 0 : i32
    %dma_wait3A_782 = arith.constant 0 : i32
    %dma_wait3A_783 = tpu.memref_slice %arg4[%add3A_777, %dma_wait3A_781, %dma_wait3A_782] : memref<16384x50x32xf32, #tpu.memory_space<hbm>> -> memref<1x50x32xf32, #tpu.memory_space<hbm>>
    %dma_wait3A_784 = tpu.memref_squeeze %dma_wait3A_783 : memref<1x50x32xf32, #tpu.memory_space<hbm>> -> memref<50x32xf32, #tpu.memory_space<hbm>>
    %dma_wait3A_785 = arith.constant 0 : i32
    %dma_wait3A_786 = arith.constant 0 : i32
    %dma_wait3A_787 = tpu.memref_slice %arg4[%add3A_777, %dma_wait3A_785, %dma_wait3A_786] : memref<16384x50x32xf32, #tpu.memory_space<hbm>> -> memref<1x50x32xf32, #tpu.memory_space<hbm>>
    %dma_wait3A_788 = tpu.memref_squeeze %dma_wait3A_787 : memref<1x50x32xf32, #tpu.memory_space<hbm>> -> memref<50x32xf32, #tpu.memory_space<hbm>>
    %dma_wait3A_789 = arith.constant 750 : i32
    %dma_wait3A_790 = arith.constant 0 : i32
    %dma_wait3A_791 = tpu.memref_slice %arg8[%dma_wait3A_789, %dma_wait3A_790] : memref<1600x32xf32, #tpu.memory_space<vmem>> -> memref<50x32xf32, #tpu.memory_space<vmem>>
    tpu.wait_dma2 semaphore(%arg12 : memref<!tpu.dma_semaphore, #tpu.memory_space<semaphore_mem>>) src(%dma_wait3A_791 : memref<50x32xf32, #tpu.memory_space<vmem>>) dst(%dma_wait3A_788 : memref<50x32xf32, #tpu.memory_space<hbm>>)
    %add3A_792 = arith.constant 16 : i32
    %add3A_793 = arith.addi %add3A_535, %add3A_792 : i32
    %dma_wait3A_794 = arith.constant 800 : i32
    %dma_wait3A_795 = arith.constant 0 : i32
    %dma_wait3A_796 = tpu.memref_slice %arg8[%dma_wait3A_794, %dma_wait3A_795] : memref<1600x32xf32, #tpu.memory_space<vmem>> -> memref<50x32xf32, #tpu.memory_space<vmem>>
    %dma_wait3A_797 = arith.constant 0 : i32
    %dma_wait3A_798 = arith.constant 0 : i32
    %dma_wait3A_799 = tpu.memref_slice %arg4[%add3A_793, %dma_wait3A_797, %dma_wait3A_798] : memref<16384x50x32xf32, #tpu.memory_space<hbm>> -> memref<1x50x32xf32, #tpu.memory_space<hbm>>
    %dma_wait3A_800 = tpu.memref_squeeze %dma_wait3A_799 : memref<1x50x32xf32, #tpu.memory_space<hbm>> -> memref<50x32xf32, #tpu.memory_space<hbm>>
    %dma_wait3A_801 = arith.constant 0 : i32
    %dma_wait3A_802 = arith.constant 0 : i32
    %dma_wait3A_803 = tpu.memref_slice %arg4[%add3A_793, %dma_wait3A_801, %dma_wait3A_802] : memref<16384x50x32xf32, #tpu.memory_space<hbm>> -> memref<1x50x32xf32, #tpu.memory_space<hbm>>
    %dma_wait3A_804 = tpu.memref_squeeze %dma_wait3A_803 : memref<1x50x32xf32, #tpu.memory_space<hbm>> -> memref<50x32xf32, #tpu.memory_space<hbm>>
    %dma_wait3A_805 = arith.constant 800 : i32
    %dma_wait3A_806 = arith.constant 0 : i32
    %dma_wait3A_807 = tpu.memref_slice %arg8[%dma_wait3A_805, %dma_wait3A_806] : memref<1600x32xf32, #tpu.memory_space<vmem>> -> memref<50x32xf32, #tpu.memory_space<vmem>>
    tpu.wait_dma2 semaphore(%arg12 : memref<!tpu.dma_semaphore, #tpu.memory_space<semaphore_mem>>) src(%dma_wait3A_807 : memref<50x32xf32, #tpu.memory_space<vmem>>) dst(%dma_wait3A_804 : memref<50x32xf32, #tpu.memory_space<hbm>>)
    %add3A_808 = arith.constant 17 : i32
    %add3A_809 = arith.addi %add3A_535, %add3A_808 : i32
    %dma_wait3A_810 = arith.constant 850 : i32
    %dma_wait3A_811 = arith.constant 0 : i32
    %dma_wait3A_812 = tpu.memref_slice %arg8[%dma_wait3A_810, %dma_wait3A_811] : memref<1600x32xf32, #tpu.memory_space<vmem>> -> memref<50x32xf32, #tpu.memory_space<vmem>>
    %dma_wait3A_813 = arith.constant 0 : i32
    %dma_wait3A_814 = arith.constant 0 : i32
    %dma_wait3A_815 = tpu.memref_slice %arg4[%add3A_809, %dma_wait3A_813, %dma_wait3A_814] : memref<16384x50x32xf32, #tpu.memory_space<hbm>> -> memref<1x50x32xf32, #tpu.memory_space<hbm>>
    %dma_wait3A_816 = tpu.memref_squeeze %dma_wait3A_815 : memref<1x50x32xf32, #tpu.memory_space<hbm>> -> memref<50x32xf32, #tpu.memory_space<hbm>>
    %dma_wait3A_817 = arith.constant 0 : i32
    %dma_wait3A_818 = arith.constant 0 : i32
    %dma_wait3A_819 = tpu.memref_slice %arg4[%add3A_809, %dma_wait3A_817, %dma_wait3A_818] : memref<16384x50x32xf32, #tpu.memory_space<hbm>> -> memref<1x50x32xf32, #tpu.memory_space<hbm>>
    %dma_wait3A_820 = tpu.memref_squeeze %dma_wait3A_819 : memref<1x50x32xf32, #tpu.memory_space<hbm>> -> memref<50x32xf32, #tpu.memory_space<hbm>>
    %dma_wait3A_821 = arith.constant 850 : i32
    %dma_wait3A_822 = arith.constant 0 : i32
    %dma_wait3A_823 = tpu.memref_slice %arg8[%dma_wait3A_821, %dma_wait3A_822] : memref<1600x32xf32, #tpu.memory_space<vmem>> -> memref<50x32xf32, #tpu.memory_space<vmem>>
    tpu.wait_dma2 semaphore(%arg12 : memref<!tpu.dma_semaphore, #tpu.memory_space<semaphore_mem>>) src(%dma_wait3A_823 : memref<50x32xf32, #tpu.memory_space<vmem>>) dst(%dma_wait3A_820 : memref<50x32xf32, #tpu.memory_space<hbm>>)
    %add3A_824 = arith.constant 18 : i32
    %add3A_825 = arith.addi %add3A_535, %add3A_824 : i32
    %dma_wait3A_826 = arith.constant 900 : i32
    %dma_wait3A_827 = arith.constant 0 : i32
    %dma_wait3A_828 = tpu.memref_slice %arg8[%dma_wait3A_826, %dma_wait3A_827] : memref<1600x32xf32, #tpu.memory_space<vmem>> -> memref<50x32xf32, #tpu.memory_space<vmem>>
    %dma_wait3A_829 = arith.constant 0 : i32
    %dma_wait3A_830 = arith.constant 0 : i32
    %dma_wait3A_831 = tpu.memref_slice %arg4[%add3A_825, %dma_wait3A_829, %dma_wait3A_830] : memref<16384x50x32xf32, #tpu.memory_space<hbm>> -> memref<1x50x32xf32, #tpu.memory_space<hbm>>
    %dma_wait3A_832 = tpu.memref_squeeze %dma_wait3A_831 : memref<1x50x32xf32, #tpu.memory_space<hbm>> -> memref<50x32xf32, #tpu.memory_space<hbm>>
    %dma_wait3A_833 = arith.constant 0 : i32
    %dma_wait3A_834 = arith.constant 0 : i32
    %dma_wait3A_835 = tpu.memref_slice %arg4[%add3A_825, %dma_wait3A_833, %dma_wait3A_834] : memref<16384x50x32xf32, #tpu.memory_space<hbm>> -> memref<1x50x32xf32, #tpu.memory_space<hbm>>
    %dma_wait3A_836 = tpu.memref_squeeze %dma_wait3A_835 : memref<1x50x32xf32, #tpu.memory_space<hbm>> -> memref<50x32xf32, #tpu.memory_space<hbm>>
    %dma_wait3A_837 = arith.constant 900 : i32
    %dma_wait3A_838 = arith.constant 0 : i32
    %dma_wait3A_839 = tpu.memref_slice %arg8[%dma_wait3A_837, %dma_wait3A_838] : memref<1600x32xf32, #tpu.memory_space<vmem>> -> memref<50x32xf32, #tpu.memory_space<vmem>>
    tpu.wait_dma2 semaphore(%arg12 : memref<!tpu.dma_semaphore, #tpu.memory_space<semaphore_mem>>) src(%dma_wait3A_839 : memref<50x32xf32, #tpu.memory_space<vmem>>) dst(%dma_wait3A_836 : memref<50x32xf32, #tpu.memory_space<hbm>>)
    %add3A_840 = arith.constant 19 : i32
    %add3A_841 = arith.addi %add3A_535, %add3A_840 : i32
    %dma_wait3A_842 = arith.constant 950 : i32
    %dma_wait3A_843 = arith.constant 0 : i32
    %dma_wait3A_844 = tpu.memref_slice %arg8[%dma_wait3A_842, %dma_wait3A_843] : memref<1600x32xf32, #tpu.memory_space<vmem>> -> memref<50x32xf32, #tpu.memory_space<vmem>>
    %dma_wait3A_845 = arith.constant 0 : i32
    %dma_wait3A_846 = arith.constant 0 : i32
    %dma_wait3A_847 = tpu.memref_slice %arg4[%add3A_841, %dma_wait3A_845, %dma_wait3A_846] : memref<16384x50x32xf32, #tpu.memory_space<hbm>> -> memref<1x50x32xf32, #tpu.memory_space<hbm>>
    %dma_wait3A_848 = tpu.memref_squeeze %dma_wait3A_847 : memref<1x50x32xf32, #tpu.memory_space<hbm>> -> memref<50x32xf32, #tpu.memory_space<hbm>>
    %dma_wait3A_849 = arith.constant 0 : i32
    %dma_wait3A_850 = arith.constant 0 : i32
    %dma_wait3A_851 = tpu.memref_slice %arg4[%add3A_841, %dma_wait3A_849, %dma_wait3A_850] : memref<16384x50x32xf32, #tpu.memory_space<hbm>> -> memref<1x50x32xf32, #tpu.memory_space<hbm>>
    %dma_wait3A_852 = tpu.memref_squeeze %dma_wait3A_851 : memref<1x50x32xf32, #tpu.memory_space<hbm>> -> memref<50x32xf32, #tpu.memory_space<hbm>>
    %dma_wait3A_853 = arith.constant 950 : i32
    %dma_wait3A_854 = arith.constant 0 : i32
    %dma_wait3A_855 = tpu.memref_slice %arg8[%dma_wait3A_853, %dma_wait3A_854] : memref<1600x32xf32, #tpu.memory_space<vmem>> -> memref<50x32xf32, #tpu.memory_space<vmem>>
    tpu.wait_dma2 semaphore(%arg12 : memref<!tpu.dma_semaphore, #tpu.memory_space<semaphore_mem>>) src(%dma_wait3A_855 : memref<50x32xf32, #tpu.memory_space<vmem>>) dst(%dma_wait3A_852 : memref<50x32xf32, #tpu.memory_space<hbm>>)
    %add3A_856 = arith.constant 20 : i32
    %add3A_857 = arith.addi %add3A_535, %add3A_856 : i32
    %dma_wait3A_858 = arith.constant 1000 : i32
    %dma_wait3A_859 = arith.constant 0 : i32
    %dma_wait3A_860 = tpu.memref_slice %arg8[%dma_wait3A_858, %dma_wait3A_859] : memref<1600x32xf32, #tpu.memory_space<vmem>> -> memref<50x32xf32, #tpu.memory_space<vmem>>
    %dma_wait3A_861 = arith.constant 0 : i32
    %dma_wait3A_862 = arith.constant 0 : i32
    %dma_wait3A_863 = tpu.memref_slice %arg4[%add3A_857, %dma_wait3A_861, %dma_wait3A_862] : memref<16384x50x32xf32, #tpu.memory_space<hbm>> -> memref<1x50x32xf32, #tpu.memory_space<hbm>>
    %dma_wait3A_864 = tpu.memref_squeeze %dma_wait3A_863 : memref<1x50x32xf32, #tpu.memory_space<hbm>> -> memref<50x32xf32, #tpu.memory_space<hbm>>
    %dma_wait3A_865 = arith.constant 0 : i32
    %dma_wait3A_866 = arith.constant 0 : i32
    %dma_wait3A_867 = tpu.memref_slice %arg4[%add3A_857, %dma_wait3A_865, %dma_wait3A_866] : memref<16384x50x32xf32, #tpu.memory_space<hbm>> -> memref<1x50x32xf32, #tpu.memory_space<hbm>>
    %dma_wait3A_868 = tpu.memref_squeeze %dma_wait3A_867 : memref<1x50x32xf32, #tpu.memory_space<hbm>> -> memref<50x32xf32, #tpu.memory_space<hbm>>
    %dma_wait3A_869 = arith.constant 1000 : i32
    %dma_wait3A_870 = arith.constant 0 : i32
    %dma_wait3A_871 = tpu.memref_slice %arg8[%dma_wait3A_869, %dma_wait3A_870] : memref<1600x32xf32, #tpu.memory_space<vmem>> -> memref<50x32xf32, #tpu.memory_space<vmem>>
    tpu.wait_dma2 semaphore(%arg12 : memref<!tpu.dma_semaphore, #tpu.memory_space<semaphore_mem>>) src(%dma_wait3A_871 : memref<50x32xf32, #tpu.memory_space<vmem>>) dst(%dma_wait3A_868 : memref<50x32xf32, #tpu.memory_space<hbm>>)
    %add3A_872 = arith.constant 21 : i32
    %add3A_873 = arith.addi %add3A_535, %add3A_872 : i32
    %dma_wait3A_874 = arith.constant 1050 : i32
    %dma_wait3A_875 = arith.constant 0 : i32
    %dma_wait3A_876 = tpu.memref_slice %arg8[%dma_wait3A_874, %dma_wait3A_875] : memref<1600x32xf32, #tpu.memory_space<vmem>> -> memref<50x32xf32, #tpu.memory_space<vmem>>
    %dma_wait3A_877 = arith.constant 0 : i32
    %dma_wait3A_878 = arith.constant 0 : i32
    %dma_wait3A_879 = tpu.memref_slice %arg4[%add3A_873, %dma_wait3A_877, %dma_wait3A_878] : memref<16384x50x32xf32, #tpu.memory_space<hbm>> -> memref<1x50x32xf32, #tpu.memory_space<hbm>>
    %dma_wait3A_880 = tpu.memref_squeeze %dma_wait3A_879 : memref<1x50x32xf32, #tpu.memory_space<hbm>> -> memref<50x32xf32, #tpu.memory_space<hbm>>
    %dma_wait3A_881 = arith.constant 0 : i32
    %dma_wait3A_882 = arith.constant 0 : i32
    %dma_wait3A_883 = tpu.memref_slice %arg4[%add3A_873, %dma_wait3A_881, %dma_wait3A_882] : memref<16384x50x32xf32, #tpu.memory_space<hbm>> -> memref<1x50x32xf32, #tpu.memory_space<hbm>>
    %dma_wait3A_884 = tpu.memref_squeeze %dma_wait3A_883 : memref<1x50x32xf32, #tpu.memory_space<hbm>> -> memref<50x32xf32, #tpu.memory_space<hbm>>
    %dma_wait3A_885 = arith.constant 1050 : i32
    %dma_wait3A_886 = arith.constant 0 : i32
    %dma_wait3A_887 = tpu.memref_slice %arg8[%dma_wait3A_885, %dma_wait3A_886] : memref<1600x32xf32, #tpu.memory_space<vmem>> -> memref<50x32xf32, #tpu.memory_space<vmem>>
    tpu.wait_dma2 semaphore(%arg12 : memref<!tpu.dma_semaphore, #tpu.memory_space<semaphore_mem>>) src(%dma_wait3A_887 : memref<50x32xf32, #tpu.memory_space<vmem>>) dst(%dma_wait3A_884 : memref<50x32xf32, #tpu.memory_space<hbm>>)
    %add3A_888 = arith.constant 22 : i32
    %add3A_889 = arith.addi %add3A_535, %add3A_888 : i32
    %dma_wait3A_890 = arith.constant 1100 : i32
    %dma_wait3A_891 = arith.constant 0 : i32
    %dma_wait3A_892 = tpu.memref_slice %arg8[%dma_wait3A_890, %dma_wait3A_891] : memref<1600x32xf32, #tpu.memory_space<vmem>> -> memref<50x32xf32, #tpu.memory_space<vmem>>
    %dma_wait3A_893 = arith.constant 0 : i32
    %dma_wait3A_894 = arith.constant 0 : i32
    %dma_wait3A_895 = tpu.memref_slice %arg4[%add3A_889, %dma_wait3A_893, %dma_wait3A_894] : memref<16384x50x32xf32, #tpu.memory_space<hbm>> -> memref<1x50x32xf32, #tpu.memory_space<hbm>>
    %dma_wait3A_896 = tpu.memref_squeeze %dma_wait3A_895 : memref<1x50x32xf32, #tpu.memory_space<hbm>> -> memref<50x32xf32, #tpu.memory_space<hbm>>
    %dma_wait3A_897 = arith.constant 0 : i32
    %dma_wait3A_898 = arith.constant 0 : i32
    %dma_wait3A_899 = tpu.memref_slice %arg4[%add3A_889, %dma_wait3A_897, %dma_wait3A_898] : memref<16384x50x32xf32, #tpu.memory_space<hbm>> -> memref<1x50x32xf32, #tpu.memory_space<hbm>>
    %dma_wait3A_900 = tpu.memref_squeeze %dma_wait3A_899 : memref<1x50x32xf32, #tpu.memory_space<hbm>> -> memref<50x32xf32, #tpu.memory_space<hbm>>
    %dma_wait3A_901 = arith.constant 1100 : i32
    %dma_wait3A_902 = arith.constant 0 : i32
    %dma_wait3A_903 = tpu.memref_slice %arg8[%dma_wait3A_901, %dma_wait3A_902] : memref<1600x32xf32, #tpu.memory_space<vmem>> -> memref<50x32xf32, #tpu.memory_space<vmem>>
    tpu.wait_dma2 semaphore(%arg12 : memref<!tpu.dma_semaphore, #tpu.memory_space<semaphore_mem>>) src(%dma_wait3A_903 : memref<50x32xf32, #tpu.memory_space<vmem>>) dst(%dma_wait3A_900 : memref<50x32xf32, #tpu.memory_space<hbm>>)
    %add3A_904 = arith.constant 23 : i32
    %add3A_905 = arith.addi %add3A_535, %add3A_904 : i32
    %dma_wait3A_906 = arith.constant 1150 : i32
    %dma_wait3A_907 = arith.constant 0 : i32
    %dma_wait3A_908 = tpu.memref_slice %arg8[%dma_wait3A_906, %dma_wait3A_907] : memref<1600x32xf32, #tpu.memory_space<vmem>> -> memref<50x32xf32, #tpu.memory_space<vmem>>
    %dma_wait3A_909 = arith.constant 0 : i32
    %dma_wait3A_910 = arith.constant 0 : i32
    %dma_wait3A_911 = tpu.memref_slice %arg4[%add3A_905, %dma_wait3A_909, %dma_wait3A_910] : memref<16384x50x32xf32, #tpu.memory_space<hbm>> -> memref<1x50x32xf32, #tpu.memory_space<hbm>>
    %dma_wait3A_912 = tpu.memref_squeeze %dma_wait3A_911 : memref<1x50x32xf32, #tpu.memory_space<hbm>> -> memref<50x32xf32, #tpu.memory_space<hbm>>
    %dma_wait3A_913 = arith.constant 0 : i32
    %dma_wait3A_914 = arith.constant 0 : i32
    %dma_wait3A_915 = tpu.memref_slice %arg4[%add3A_905, %dma_wait3A_913, %dma_wait3A_914] : memref<16384x50x32xf32, #tpu.memory_space<hbm>> -> memref<1x50x32xf32, #tpu.memory_space<hbm>>
    %dma_wait3A_916 = tpu.memref_squeeze %dma_wait3A_915 : memref<1x50x32xf32, #tpu.memory_space<hbm>> -> memref<50x32xf32, #tpu.memory_space<hbm>>
    %dma_wait3A_917 = arith.constant 1150 : i32
    %dma_wait3A_918 = arith.constant 0 : i32
    %dma_wait3A_919 = tpu.memref_slice %arg8[%dma_wait3A_917, %dma_wait3A_918] : memref<1600x32xf32, #tpu.memory_space<vmem>> -> memref<50x32xf32, #tpu.memory_space<vmem>>
    tpu.wait_dma2 semaphore(%arg12 : memref<!tpu.dma_semaphore, #tpu.memory_space<semaphore_mem>>) src(%dma_wait3A_919 : memref<50x32xf32, #tpu.memory_space<vmem>>) dst(%dma_wait3A_916 : memref<50x32xf32, #tpu.memory_space<hbm>>)
    %add3A_920 = arith.constant 24 : i32
    %add3A_921 = arith.addi %add3A_535, %add3A_920 : i32
    %dma_wait3A_922 = arith.constant 1200 : i32
    %dma_wait3A_923 = arith.constant 0 : i32
    %dma_wait3A_924 = tpu.memref_slice %arg8[%dma_wait3A_922, %dma_wait3A_923] : memref<1600x32xf32, #tpu.memory_space<vmem>> -> memref<50x32xf32, #tpu.memory_space<vmem>>
    %dma_wait3A_925 = arith.constant 0 : i32
    %dma_wait3A_926 = arith.constant 0 : i32
    %dma_wait3A_927 = tpu.memref_slice %arg4[%add3A_921, %dma_wait3A_925, %dma_wait3A_926] : memref<16384x50x32xf32, #tpu.memory_space<hbm>> -> memref<1x50x32xf32, #tpu.memory_space<hbm>>
    %dma_wait3A_928 = tpu.memref_squeeze %dma_wait3A_927 : memref<1x50x32xf32, #tpu.memory_space<hbm>> -> memref<50x32xf32, #tpu.memory_space<hbm>>
    %dma_wait3A_929 = arith.constant 0 : i32
    %dma_wait3A_930 = arith.constant 0 : i32
    %dma_wait3A_931 = tpu.memref_slice %arg4[%add3A_921, %dma_wait3A_929, %dma_wait3A_930] : memref<16384x50x32xf32, #tpu.memory_space<hbm>> -> memref<1x50x32xf32, #tpu.memory_space<hbm>>
    %dma_wait3A_932 = tpu.memref_squeeze %dma_wait3A_931 : memref<1x50x32xf32, #tpu.memory_space<hbm>> -> memref<50x32xf32, #tpu.memory_space<hbm>>
    %dma_wait3A_933 = arith.constant 1200 : i32
    %dma_wait3A_934 = arith.constant 0 : i32
    %dma_wait3A_935 = tpu.memref_slice %arg8[%dma_wait3A_933, %dma_wait3A_934] : memref<1600x32xf32, #tpu.memory_space<vmem>> -> memref<50x32xf32, #tpu.memory_space<vmem>>
    tpu.wait_dma2 semaphore(%arg12 : memref<!tpu.dma_semaphore, #tpu.memory_space<semaphore_mem>>) src(%dma_wait3A_935 : memref<50x32xf32, #tpu.memory_space<vmem>>) dst(%dma_wait3A_932 : memref<50x32xf32, #tpu.memory_space<hbm>>)
    %add3A_936 = arith.constant 25 : i32
    %add3A_937 = arith.addi %add3A_535, %add3A_936 : i32
    %dma_wait3A_938 = arith.constant 1250 : i32
    %dma_wait3A_939 = arith.constant 0 : i32
    %dma_wait3A_940 = tpu.memref_slice %arg8[%dma_wait3A_938, %dma_wait3A_939] : memref<1600x32xf32, #tpu.memory_space<vmem>> -> memref<50x32xf32, #tpu.memory_space<vmem>>
    %dma_wait3A_941 = arith.constant 0 : i32
    %dma_wait3A_942 = arith.constant 0 : i32
    %dma_wait3A_943 = tpu.memref_slice %arg4[%add3A_937, %dma_wait3A_941, %dma_wait3A_942] : memref<16384x50x32xf32, #tpu.memory_space<hbm>> -> memref<1x50x32xf32, #tpu.memory_space<hbm>>
    %dma_wait3A_944 = tpu.memref_squeeze %dma_wait3A_943 : memref<1x50x32xf32, #tpu.memory_space<hbm>> -> memref<50x32xf32, #tpu.memory_space<hbm>>
    %dma_wait3A_945 = arith.constant 0 : i32
    %dma_wait3A_946 = arith.constant 0 : i32
    %dma_wait3A_947 = tpu.memref_slice %arg4[%add3A_937, %dma_wait3A_945, %dma_wait3A_946] : memref<16384x50x32xf32, #tpu.memory_space<hbm>> -> memref<1x50x32xf32, #tpu.memory_space<hbm>>
    %dma_wait3A_948 = tpu.memref_squeeze %dma_wait3A_947 : memref<1x50x32xf32, #tpu.memory_space<hbm>> -> memref<50x32xf32, #tpu.memory_space<hbm>>
    %dma_wait3A_949 = arith.constant 1250 : i32
    %dma_wait3A_950 = arith.constant 0 : i32
    %dma_wait3A_951 = tpu.memref_slice %arg8[%dma_wait3A_949, %dma_wait3A_950] : memref<1600x32xf32, #tpu.memory_space<vmem>> -> memref<50x32xf32, #tpu.memory_space<vmem>>
    tpu.wait_dma2 semaphore(%arg12 : memref<!tpu.dma_semaphore, #tpu.memory_space<semaphore_mem>>) src(%dma_wait3A_951 : memref<50x32xf32, #tpu.memory_space<vmem>>) dst(%dma_wait3A_948 : memref<50x32xf32, #tpu.memory_space<hbm>>)
    %add3A_952 = arith.constant 26 : i32
    %add3A_953 = arith.addi %add3A_535, %add3A_952 : i32
    %dma_wait3A_954 = arith.constant 1300 : i32
    %dma_wait3A_955 = arith.constant 0 : i32
    %dma_wait3A_956 = tpu.memref_slice %arg8[%dma_wait3A_954, %dma_wait3A_955] : memref<1600x32xf32, #tpu.memory_space<vmem>> -> memref<50x32xf32, #tpu.memory_space<vmem>>
    %dma_wait3A_957 = arith.constant 0 : i32
    %dma_wait3A_958 = arith.constant 0 : i32
    %dma_wait3A_959 = tpu.memref_slice %arg4[%add3A_953, %dma_wait3A_957, %dma_wait3A_958] : memref<16384x50x32xf32, #tpu.memory_space<hbm>> -> memref<1x50x32xf32, #tpu.memory_space<hbm>>
    %dma_wait3A_960 = tpu.memref_squeeze %dma_wait3A_959 : memref<1x50x32xf32, #tpu.memory_space<hbm>> -> memref<50x32xf32, #tpu.memory_space<hbm>>
    %dma_wait3A_961 = arith.constant 0 : i32
    %dma_wait3A_962 = arith.constant 0 : i32
    %dma_wait3A_963 = tpu.memref_slice %arg4[%add3A_953, %dma_wait3A_961, %dma_wait3A_962] : memref<16384x50x32xf32, #tpu.memory_space<hbm>> -> memref<1x50x32xf32, #tpu.memory_space<hbm>>
    %dma_wait3A_964 = tpu.memref_squeeze %dma_wait3A_963 : memref<1x50x32xf32, #tpu.memory_space<hbm>> -> memref<50x32xf32, #tpu.memory_space<hbm>>
    %dma_wait3A_965 = arith.constant 1300 : i32
    %dma_wait3A_966 = arith.constant 0 : i32
    %dma_wait3A_967 = tpu.memref_slice %arg8[%dma_wait3A_965, %dma_wait3A_966] : memref<1600x32xf32, #tpu.memory_space<vmem>> -> memref<50x32xf32, #tpu.memory_space<vmem>>
    tpu.wait_dma2 semaphore(%arg12 : memref<!tpu.dma_semaphore, #tpu.memory_space<semaphore_mem>>) src(%dma_wait3A_967 : memref<50x32xf32, #tpu.memory_space<vmem>>) dst(%dma_wait3A_964 : memref<50x32xf32, #tpu.memory_space<hbm>>)
    %add3A_968 = arith.constant 27 : i32
    %add3A_969 = arith.addi %add3A_535, %add3A_968 : i32
    %dma_wait3A_970 = arith.constant 1350 : i32
    %dma_wait3A_971 = arith.constant 0 : i32
    %dma_wait3A_972 = tpu.memref_slice %arg8[%dma_wait3A_970, %dma_wait3A_971] : memref<1600x32xf32, #tpu.memory_space<vmem>> -> memref<50x32xf32, #tpu.memory_space<vmem>>
    %dma_wait3A_973 = arith.constant 0 : i32
    %dma_wait3A_974 = arith.constant 0 : i32
    %dma_wait3A_975 = tpu.memref_slice %arg4[%add3A_969, %dma_wait3A_973, %dma_wait3A_974] : memref<16384x50x32xf32, #tpu.memory_space<hbm>> -> memref<1x50x32xf32, #tpu.memory_space<hbm>>
    %dma_wait3A_976 = tpu.memref_squeeze %dma_wait3A_975 : memref<1x50x32xf32, #tpu.memory_space<hbm>> -> memref<50x32xf32, #tpu.memory_space<hbm>>
    %dma_wait3A_977 = arith.constant 0 : i32
    %dma_wait3A_978 = arith.constant 0 : i32
    %dma_wait3A_979 = tpu.memref_slice %arg4[%add3A_969, %dma_wait3A_977, %dma_wait3A_978] : memref<16384x50x32xf32, #tpu.memory_space<hbm>> -> memref<1x50x32xf32, #tpu.memory_space<hbm>>
    %dma_wait3A_980 = tpu.memref_squeeze %dma_wait3A_979 : memref<1x50x32xf32, #tpu.memory_space<hbm>> -> memref<50x32xf32, #tpu.memory_space<hbm>>
    %dma_wait3A_981 = arith.constant 1350 : i32
    %dma_wait3A_982 = arith.constant 0 : i32
    %dma_wait3A_983 = tpu.memref_slice %arg8[%dma_wait3A_981, %dma_wait3A_982] : memref<1600x32xf32, #tpu.memory_space<vmem>> -> memref<50x32xf32, #tpu.memory_space<vmem>>
    tpu.wait_dma2 semaphore(%arg12 : memref<!tpu.dma_semaphore, #tpu.memory_space<semaphore_mem>>) src(%dma_wait3A_983 : memref<50x32xf32, #tpu.memory_space<vmem>>) dst(%dma_wait3A_980 : memref<50x32xf32, #tpu.memory_space<hbm>>)
    %add3A_984 = arith.constant 28 : i32
    %add3A_985 = arith.addi %add3A_535, %add3A_984 : i32
    %dma_wait3A_986 = arith.constant 1400 : i32
    %dma_wait3A_987 = arith.constant 0 : i32
    %dma_wait3A_988 = tpu.memref_slice %arg8[%dma_wait3A_986, %dma_wait3A_987] : memref<1600x32xf32, #tpu.memory_space<vmem>> -> memref<50x32xf32, #tpu.memory_space<vmem>>
    %dma_wait3A_989 = arith.constant 0 : i32
    %dma_wait3A_990 = arith.constant 0 : i32
    %dma_wait3A_991 = tpu.memref_slice %arg4[%add3A_985, %dma_wait3A_989, %dma_wait3A_990] : memref<16384x50x32xf32, #tpu.memory_space<hbm>> -> memref<1x50x32xf32, #tpu.memory_space<hbm>>
    %dma_wait3A_992 = tpu.memref_squeeze %dma_wait3A_991 : memref<1x50x32xf32, #tpu.memory_space<hbm>> -> memref<50x32xf32, #tpu.memory_space<hbm>>
    %dma_wait3A_993 = arith.constant 0 : i32
    %dma_wait3A_994 = arith.constant 0 : i32
    %dma_wait3A_995 = tpu.memref_slice %arg4[%add3A_985, %dma_wait3A_993, %dma_wait3A_994] : memref<16384x50x32xf32, #tpu.memory_space<hbm>> -> memref<1x50x32xf32, #tpu.memory_space<hbm>>
    %dma_wait3A_996 = tpu.memref_squeeze %dma_wait3A_995 : memref<1x50x32xf32, #tpu.memory_space<hbm>> -> memref<50x32xf32, #tpu.memory_space<hbm>>
    %dma_wait3A_997 = arith.constant 1400 : i32
    %dma_wait3A_998 = arith.constant 0 : i32
    %dma_wait3A_999 = tpu.memref_slice %arg8[%dma_wait3A_997, %dma_wait3A_998] : memref<1600x32xf32, #tpu.memory_space<vmem>> -> memref<50x32xf32, #tpu.memory_space<vmem>>
    tpu.wait_dma2 semaphore(%arg12 : memref<!tpu.dma_semaphore, #tpu.memory_space<semaphore_mem>>) src(%dma_wait3A_999 : memref<50x32xf32, #tpu.memory_space<vmem>>) dst(%dma_wait3A_996 : memref<50x32xf32, #tpu.memory_space<hbm>>)
    %add3A_1000 = arith.constant 29 : i32
    %add3A_1001 = arith.addi %add3A_535, %add3A_1000 : i32
    %dma_wait3A_1002 = arith.constant 1450 : i32
    %dma_wait3A_1003 = arith.constant 0 : i32
    %dma_wait3A_1004 = tpu.memref_slice %arg8[%dma_wait3A_1002, %dma_wait3A_1003] : memref<1600x32xf32, #tpu.memory_space<vmem>> -> memref<50x32xf32, #tpu.memory_space<vmem>>
    %dma_wait3A_1005 = arith.constant 0 : i32
    %dma_wait3A_1006 = arith.constant 0 : i32
    %dma_wait3A_1007 = tpu.memref_slice %arg4[%add3A_1001, %dma_wait3A_1005, %dma_wait3A_1006] : memref<16384x50x32xf32, #tpu.memory_space<hbm>> -> memref<1x50x32xf32, #tpu.memory_space<hbm>>
    %dma_wait3A_1008 = tpu.memref_squeeze %dma_wait3A_1007 : memref<1x50x32xf32, #tpu.memory_space<hbm>> -> memref<50x32xf32, #tpu.memory_space<hbm>>
    %dma_wait3A_1009 = arith.constant 0 : i32
    %dma_wait3A_1010 = arith.constant 0 : i32
    %dma_wait3A_1011 = tpu.memref_slice %arg4[%add3A_1001, %dma_wait3A_1009, %dma_wait3A_1010] : memref<16384x50x32xf32, #tpu.memory_space<hbm>> -> memref<1x50x32xf32, #tpu.memory_space<hbm>>
    %dma_wait3A_1012 = tpu.memref_squeeze %dma_wait3A_1011 : memref<1x50x32xf32, #tpu.memory_space<hbm>> -> memref<50x32xf32, #tpu.memory_space<hbm>>
    %dma_wait3A_1013 = arith.constant 1450 : i32
    %dma_wait3A_1014 = arith.constant 0 : i32
    %dma_wait3A_1015 = tpu.memref_slice %arg8[%dma_wait3A_1013, %dma_wait3A_1014] : memref<1600x32xf32, #tpu.memory_space<vmem>> -> memref<50x32xf32, #tpu.memory_space<vmem>>
    tpu.wait_dma2 semaphore(%arg12 : memref<!tpu.dma_semaphore, #tpu.memory_space<semaphore_mem>>) src(%dma_wait3A_1015 : memref<50x32xf32, #tpu.memory_space<vmem>>) dst(%dma_wait3A_1012 : memref<50x32xf32, #tpu.memory_space<hbm>>)
    %add3A_1016 = arith.constant 30 : i32
    %add3A_1017 = arith.addi %add3A_535, %add3A_1016 : i32
    %dma_wait3A_1018 = arith.constant 1500 : i32
    %dma_wait3A_1019 = arith.constant 0 : i32
    %dma_wait3A_1020 = tpu.memref_slice %arg8[%dma_wait3A_1018, %dma_wait3A_1019] : memref<1600x32xf32, #tpu.memory_space<vmem>> -> memref<50x32xf32, #tpu.memory_space<vmem>>
    %dma_wait3A_1021 = arith.constant 0 : i32
    %dma_wait3A_1022 = arith.constant 0 : i32
    %dma_wait3A_1023 = tpu.memref_slice %arg4[%add3A_1017, %dma_wait3A_1021, %dma_wait3A_1022] : memref<16384x50x32xf32, #tpu.memory_space<hbm>> -> memref<1x50x32xf32, #tpu.memory_space<hbm>>
    %dma_wait3A_1024 = tpu.memref_squeeze %dma_wait3A_1023 : memref<1x50x32xf32, #tpu.memory_space<hbm>> -> memref<50x32xf32, #tpu.memory_space<hbm>>
    %dma_wait3A_1025 = arith.constant 0 : i32
    %dma_wait3A_1026 = arith.constant 0 : i32
    %dma_wait3A_1027 = tpu.memref_slice %arg4[%add3A_1017, %dma_wait3A_1025, %dma_wait3A_1026] : memref<16384x50x32xf32, #tpu.memory_space<hbm>> -> memref<1x50x32xf32, #tpu.memory_space<hbm>>
    %dma_wait3A_1028 = tpu.memref_squeeze %dma_wait3A_1027 : memref<1x50x32xf32, #tpu.memory_space<hbm>> -> memref<50x32xf32, #tpu.memory_space<hbm>>
    %dma_wait3A_1029 = arith.constant 1500 : i32
    %dma_wait3A_1030 = arith.constant 0 : i32
    %dma_wait3A_1031 = tpu.memref_slice %arg8[%dma_wait3A_1029, %dma_wait3A_1030] : memref<1600x32xf32, #tpu.memory_space<vmem>> -> memref<50x32xf32, #tpu.memory_space<vmem>>
    tpu.wait_dma2 semaphore(%arg12 : memref<!tpu.dma_semaphore, #tpu.memory_space<semaphore_mem>>) src(%dma_wait3A_1031 : memref<50x32xf32, #tpu.memory_space<vmem>>) dst(%dma_wait3A_1028 : memref<50x32xf32, #tpu.memory_space<hbm>>)
    %add3A_1032 = arith.constant 31 : i32
    %add3A_1033 = arith.addi %add3A_535, %add3A_1032 : i32
    %dma_wait3A_1034 = arith.constant 1550 : i32
    %dma_wait3A_1035 = arith.constant 0 : i32
    %dma_wait3A_1036 = tpu.memref_slice %arg8[%dma_wait3A_1034, %dma_wait3A_1035] : memref<1600x32xf32, #tpu.memory_space<vmem>> -> memref<50x32xf32, #tpu.memory_space<vmem>>
    %dma_wait3A_1037 = arith.constant 0 : i32
    %dma_wait3A_1038 = arith.constant 0 : i32
    %dma_wait3A_1039 = tpu.memref_slice %arg4[%add3A_1033, %dma_wait3A_1037, %dma_wait3A_1038] : memref<16384x50x32xf32, #tpu.memory_space<hbm>> -> memref<1x50x32xf32, #tpu.memory_space<hbm>>
    %dma_wait3A_1040 = tpu.memref_squeeze %dma_wait3A_1039 : memref<1x50x32xf32, #tpu.memory_space<hbm>> -> memref<50x32xf32, #tpu.memory_space<hbm>>
    %dma_wait3A_1041 = arith.constant 0 : i32
    %dma_wait3A_1042 = arith.constant 0 : i32
    %dma_wait3A_1043 = tpu.memref_slice %arg4[%add3A_1033, %dma_wait3A_1041, %dma_wait3A_1042] : memref<16384x50x32xf32, #tpu.memory_space<hbm>> -> memref<1x50x32xf32, #tpu.memory_space<hbm>>
    %dma_wait3A_1044 = tpu.memref_squeeze %dma_wait3A_1043 : memref<1x50x32xf32, #tpu.memory_space<hbm>> -> memref<50x32xf32, #tpu.memory_space<hbm>>
    %dma_wait3A_1045 = arith.constant 1550 : i32
    %dma_wait3A_1046 = arith.constant 0 : i32
    %dma_wait3A_1047 = tpu.memref_slice %arg8[%dma_wait3A_1045, %dma_wait3A_1046] : memref<1600x32xf32, #tpu.memory_space<vmem>> -> memref<50x32xf32, #tpu.memory_space<vmem>>
    tpu.wait_dma2 semaphore(%arg12 : memref<!tpu.dma_semaphore, #tpu.memory_space<semaphore_mem>>) src(%dma_wait3A_1047 : memref<50x32xf32, #tpu.memory_space<vmem>>) dst(%dma_wait3A_1044 : memref<50x32xf32, #tpu.memory_space<hbm>>)
    return
  }
}

</mosaic_0001>

<sc_bundles>
// kernel: kernel.3.cloned.1.call-start
scs
__scs_entry_jumppad:
0x0: {  	(pc) =	sbr.rel $0x88, $3  }
0x1: {  	(tag) =	ssettag $0x0;
	lr =	simm.s32 $0x1  }
0x2: {  	[smem:$0x3F9F] =	sst lr;
	_ =	strace $0xD0000000  }
0x3: {  	_ = 	snop  }
0x4: {  	_ = 	snop  }
0x5: {  	_ = 	snop  }
0x6: {  	_ = 	snop  }
0x7: {  	_ = 	snop  }
__scs_overlays_trampoline_lowered:
0x8: {  	[smem:$0x3FAE] =	sst s0  }
0x9: {  	[smem:$0x3FAF] =	sst s1  }
0xa: {  	[smem:$0x3FB0] =	sst s2  }
0xb: {  	[smem:$0x3FB1] =	sst s3  }
0xc: {  	[smem:$0x3FB2] =	sst s4  }
0xd: {  	[smem:$0x3FB3] =	sst s5  }
0xe: {  	[smem:$0x3FB4] =	sst s6  }
0xf: {  	[smem:$0x3FB5] =	sst s7  }
0x10: {  	[smem:$0x3FB6] =	sst s8  }
0x11: {  	[smem:$0x3FB7] =	sst s9;
	s0 =	simm.s32 @!p0 $0x0  }
0x12: {  	s1 =	sld [smem:$0x3F9D];
	s0 =	simm.s32 @p0 $0x1  }
0x13: {  	[smem:$0x3FB8] =	sst s0;
	s0 =	simm.s32 @!p1 $0x0  }
0x14: {  	s2 =	sld [smem:$0x3F9C];
	s0 =	simm.s32 @p1 $0x1  }
0x15: {  	[smem:$0x3FB9] =	sst s0;
	s0 =	simm.s32 @!p2 $0x0  }
0x16: {  	s3 =	sld [smem:$0x3FDB];
	s0 =	simm.s32 @p2 $0x1  }
0x17: {  	s4 =	simm.s32 $0x1BF5;
	[smem:$0x3FBB] =	sst s0  }
0x18: {  	s0 =	sld [smem:$0x3F9E];
	_ =	swait.ge [sflag:s4], $0x0  }
0x19: {  	s7 =	sld [smem:$0x3F9F]  }
0x1a: {  	s8 =	sadd.s32 $0xFFFFE003, lr  }
0x1b: {  	s9 =	sadd.s32 $0xFFFFFEF7, lr;
	s5 =	simm.s32 $0xFFFFFFFF;
	p2 =	slt.u32 s8, $0xFFFFF086  }
0x1c: {  	p1 =	slt.u32 s9, $0xF7A;
	s5 =	simm.s32 @!p2 $0x0  }
0x1d: {  	s5 =	simm.s32 @p1 $0x1;
	p0 =	seq.s32 s7, s2  }
0x1e: {  	s7 =	smul.u32 @!p0 $0xF7A, s2;
	p2 =	seq.s32 @!p0 s5, $0x0  }
0x1f: {  	s9 =	smul.u32 $0xF7A, s1;
	s8 =	simm.s32 @!p0 $0x1BF5;
	p2 =	por !p2, p0  }
0x20: {  	[sflag:s8] =	ssyncset.s32 @!p0 $0xFFFFF086;
	s6 =	sadd.s32 @!p0 s3, s7;
	s7 =	simm.s32 @!p0 $0x108  }
0x21: {  	s3 =	sadd.s32 s3, s9;
	s6 =	sadd.s32 @!p0 $0x88, s6;
	s7 =	simm.s32 @p2 $0x1082  }
0x22: {  	[simem:s7], [sflag:s8] =	dma.local @!p0 [hbm:s6], $0xF7A  }
0x23: {  	s9 =	sor.u32 $0xD0000000, s2;
	s6 =	simm.s32 $0x108;
	_ =	swait.ge @!p0 [sflag:s8], $0x0  }
0x24: {  	s3 =	sadd.s32 $0x88, s3;
	s6 =	simm.s32 @!p1 $0x1082;
	[sflag:s4] =	ssyncset.s32 $0xFFFFF086  }
0x25: {  	[simem:s6], [sflag:s4] =	dma.local [hbm:s3], $0xF7A  }
0x26: {  	[smem:$0x3F9F] =	sst s1;
	(tag) =	ssettag s2;
	_ =	strace s9  }
0x27: {  	s1 =	sld [smem:$0x3FAF]  }
0x28: {  	s2 =	sld [smem:$0x3FB0]  }
0x29: {  	s4 =	sld [smem:$0x3FB2]  }
0x2a: {  	p0 =	seq.s32 s5, $0x0;
	s5 =	sld [smem:$0x3FB3]  }
0x2b: {  	s6 =	sld [smem:$0x3FB4]  }
0x2c: {  	s7 =	sld [smem:$0x3FB5]  }
0x2d: {  	s3 =	simm.s32 $0x108;
	s8 =	sld [smem:$0x3FB6]  }
0x2e: {  	s3 =	simm.s32 @!p0 $0x1082;
	s9 =	sld [smem:$0x3FB7]  }
0x2f: {  	lr =	sadd.s32 s0, s3;
	s0 =	sld [smem:$0x3FAE]  }
0x30: {  	s3 =	sld [smem:$0x3FB1]  }
0x31: {  	[smem:$0x3FBA] =	sst s10  }
0x32: {  	s10 =	sld [smem:$0x3FB8];
	_ =	sdelay $0x3  }
0x33: {  	p0 =	seq.s32 s10, $0x1;
	s10 =	sld [smem:$0x3FBA];
	_ =	sdelay $0x3  }
0x34: {  	[smem:$0x3FBA] =	sst s10  }
0x35: {  	s10 =	sld [smem:$0x3FB9];
	_ =	sdelay $0x3  }
0x36: {  	p1 =	seq.s32 s10, $0x1;
	s10 =	sld [smem:$0x3FBA];
	_ =	sdelay $0x3  }
0x37: {  	[smem:$0x3FBA] =	sst s10  }
0x38: {  	s10 =	sld [smem:$0x3FBB]  }
0x39: {  	_ = 	snop;
	(pc) =	sbr.ind lr, $3  }
0x3a: {  	_ = 	snop  }
0x3b: {  	_ = 	snop  }
0x3c: {  	p2 =	seq.s32 s10, $0x1;
	s10 =	sld [smem:$0x3FBA]  }
0x3d: {  	_ =	shalt  }
0x3e: {  	_ =	shalt  }
0x3f: {  	_ =	shalt  }
0x40: {  	_ =	shalt  }
0x41: {  	_ =	shalt  }
0x42: {  	_ =	shalt  }
0x43: {  	_ =	shalt  }
0x44: {  	_ =	shalt  }
0x45: {  	_ =	shalt  }
0x46: {  	_ =	shalt  }
0x47: {  	_ =	shalt  }
0x48: {  	_ =	shalt  }
0x49: {  	_ =	shalt  }
0x4a: {  	_ =	shalt  }
0x4b: {  	_ =	shalt  }
0x4c: {  	_ =	shalt  }
0x4d: {  	_ =	shalt  }
0x4e: {  	_ =	shalt  }
0x4f: {  	_ =	shalt  }
0x50: {  	_ =	shalt  }
0x51: {  	_ =	shalt  }
0x52: {  	_ =	shalt  }
0x53: {  	_ =	shalt  }
0x54: {  	_ =	shalt  }
0x55: {  	_ =	shalt  }
0x56: {  	_ =	shalt  }
0x57: {  	_ =	shalt  }
0x58: {  	_ =	shalt  }
0x59: {  	_ =	shalt  }
0x5a: {  	_ =	shalt  }
0x5b: {  	_ =	shalt  }
0x5c: {  	_ =	shalt  }
0x5d: {  	_ =	shalt  }
0x5e: {  	_ =	shalt  }
0x5f: {  	_ =	shalt  }
0x60: {  	_ =	shalt  }
0x61: {  	_ =	shalt  }
0x62: {  	_ =	shalt  }
0x63: {  	_ =	shalt  }
0x64: {  	_ =	shalt  }
0x65: {  	_ =	shalt  }
0x66: {  	_ =	shalt  }
0x67: {  	_ =	shalt  }
0x68: {  	_ =	shalt  }
0x69: {  	_ =	shalt  }
0x6a: {  	_ =	shalt  }
0x6b: {  	_ =	shalt  }
0x6c: {  	_ =	shalt  }
0x6d: {  	_ =	shalt  }
0x6e: {  	_ =	shalt  }
0x6f: {  	_ =	shalt  }
0x70: {  	_ =	shalt  }
0x71: {  	_ =	shalt  }
0x72: {  	_ =	shalt  }
0x73: {  	_ =	shalt  }
0x74: {  	_ =	shalt  }
0x75: {  	_ =	shalt  }
0x76: {  	_ =	shalt  }
0x77: {  	_ =	shalt  }
0x78: {  	_ =	shalt  }
0x79: {  	_ =	shalt  }
0x7a: {  	_ =	shalt  }
0x7b: {  	_ =	shalt  }
0x7c: {  	_ =	shalt  }
0x7d: {  	_ =	shalt  }
0x7e: {  	_ =	shalt  }
0x7f: {  	_ =	shalt  }
0x80: {  	_ =	shalt  }
0x81: {  	_ =	shalt  }
0x82: {  	_ =	shalt  }
0x83: {  	_ =	shalt  }
0x84: {  	_ =	shalt  }
0x85: {  	_ =	shalt  }
0x86: {  	_ =	shalt  }
0x87: {  	_ =	shalt  }
.Lfunc_end0:
.L_simem_size_0:
called_computation.1_lowered:
.L_overlay_start_0:
0x88: {  	s2 =	sld [smem:$0x3FD9]  }
0x89: {  	s3 =	sld [smem:$0x3FFE];
	_ =	sdelay $0x1  }
0x8a: {  	s1 =	srdreg.scid  }
0x8b: {  	s0 =	sand.u32 $0x1, s1  }
0x8c: {  	s17 =	sshll.u32 s0, $0xA;
	s2 =	sadd.s32 s3, s2  }
0x8d: {  	s2 =	sadd.s32 s2, s17  }
0x8e: {  	[smem:$0x3FC6] =	sst s2  }
0x8f: {  	_ = 	snop  }
0x90: {  	s2 =	sld [smem:$0x3FD0];
	(tm) =	ssettm $0x1  }
0x91: {  	s18 =	sld [smem:$0x3FFB];
	_ =	sdelay $0x3  }
0x92: {  	_ =	strace s18  }
0x93: {  	s3 =	sld [smem:$0x3FFC];
	_ =	sdelay $0x3  }
0x94: {  	_ =	strace s3  }
0x95: {  	s3 =	sld [smem:$0x3FFD];
	_ =	sdelay $0x3  }
0x96: {  	_ =	strace s3  }
0x97: {  	_ =	strace $0x8FFFFFFF  }
0x98: {  	s19 =	sld [smem:$0x3FDB];
	_ =	sdelay $0x1  }
0x99: {  	s4 =	simm.s32 $_scs_section_size  }
0x9a: {  	s5 =	simm.s32 $_size__tile_overlayer_lowered;
	s6 =	simm.s32 $_tile_overlayer_lowered  }
0x9b: {  	s22 =	simm.s32 $0x1BFF;
	s21 =	sshll.u32 s6, $0x1;
	s3 =	sadd.s32 s4, s19  }
0x9c: {  	s7 =	simm.s32 $0x0;
	s20 =	sshll.u32 s5, $0x1;
	s5 =	sadd.s32 s21, s3  }
0x9d: {  	[timem:s7], [sflag:s22] =	dma.local [hbm:s5], s20  }
0x9e: {  	_ =	swait.ge [sflag:s22], s20  }
0x9f: {  	s4 =	ssub.s32 $0x0, s20;
	[sflag:s22] =	ssyncset.done $0x0  }
0xa0: {  	[sflag:s22] =	ssyncadd.s32 s4;
	_ =	sdelay $0x1  }
0xa1: {  	s23 =	simm.s32 $0x1B8B  }
0xa2: {  	_ =	swait.ge [sflag:s23], $0x1  }
0xa3: {  	[sflag:s23] =	ssyncset.done $0x0  }
0xa4: {  	s25 =	simm.s32 $0x1B8E;
	s24 =	sld [smem:$0x3FFE];
	[sflag:s23] =	ssyncadd.s32 $0xFFFFFFFF  }
0xa5: {  	s26 =	simm.s32 $execute0_lowered;
	[smem:$0x3FD2] =	sst s25  }
0xa6: {  	s5 =	sshll.u32 s26, $0x1;
	_ =	strace $0x80000046;
	[dreg:$0x1] =	wrdreg $0xFFFFFFFF  }
0xa7: {  	s28 =	simm.s32 $_size_execute0_lowered;
	s3 =	sadd.s32 s3, s5;
	[dreg:$0x0] =	wrdreg $0x0  }
0xa8: {  	s5 =	sshll.u32 s28, $0x1;
	[dreg:$0x2] =	wrdreg s3  }
0xa9: {  	[dreg:$0x3] =	wrdreg s5  }
0xaa: {  	[dreg:$0x4] =	wrdreg $0xC0  }
0xab: {  	_ =	task [dreg:s7], $0x5FFFF  }
0xac: {  	[dreg:$0x1] =	wrdreg $0xFFFFFFFF  }
0xad: {  	[dreg:$0x0] =	wrdreg $0x60  }
0xae: {  	[dreg:$0x2] =	wrdreg s24  }
0xaf: {  	[dreg:$0x3] =	wrdreg s2  }
0xb0: {  	[dreg:$0x4] =	wrdreg $0x9  }
0xb1: {  	_ =	task.clear_ibuf [dreg:s7], $0x5FFFF;
	_ =	strace $0x90000046  }
0xb2: {  	s29 =	simm.s32 $0x9;
	_ =	strace $0x80000048  }
0xb3: {  	_ =	swait.ge [sflag:s29], $0x1  }
0xb4: {  	[sflag:s29] =	ssyncadd.s32 $0xFFFFFFFF  }
0xb5: {  	_ =	strace $0x90000048  }
0xb6: {  	_ =	sfence  }
0xb7: {  	s30 =	sld [smem:$0x0];
	_ =	sdelay $0x2  }
0xb8: {  	s31 =	sshll.u32 s1, $0xD;
	s1 =	sshrl.u32 s1, $0x2  }
0xb9: {  	s3 =	sand.u32 $0x4000, s31;
	s1 =	sadd.s32 s1, s30  }
0xba: {  	s0 =	sor.u32 s3, s0;
	s1 =	sshll.u32 s1, $0x11  }
0xbb: {  	s0 =	sor.u32 s1, s0  }
0xbc: {  	s0 =	sadd.s32 $0x8F2B, s0  }
0xbd: {  	[sflag:s0] =	ssyncadd.remote.s32 $0x1  }
0xbe: {  	_ =	sfence.sel $0xFFFF  }
0xbf: {  	[dreg:$0x0] =	wrdreg $0xFFFFFFFF;
	(pc) =	sbr.abs _section_cstart, $3  }
0xc0: {  	[dreg:$0x1] =	wrdreg $0xFFFFFFFF  }
0xc1: {  	_ =	task.clear_ibuf [dreg:s7], $0x2FFFF;
	_ =	strace $0x9FFFFFFF  }
0xc2: {  	(tm) =	ssettm $0x7FFFFFFF  }
0xc3: {  	_ =	shalt  }
tec
execute0_lowered:
.L_overlay_start_1:
0x0: {  	(tag) =	ssettag $0x1  }
0x1: {  	s0 =	rddreg [dreg:$0x0];
	s1 =	srdreg.scid  }
0x2: {  	s3 =	stileid.u32;
	s2 =	rddreg [dreg:$0x1]  }
0x3: {  	s14 =	simm.s32 $0x5;
	s15 =	simm.s32 $0x640;
	s16 =	simm.s32 $0xC80  }
0x4: {  	s17 =	simm.s32 $0xD480;
	s18 =	simm.s32 $0x1;
	s19 =	simm.s32 $0x15E00  }
0x5: {  	s20 =	simm.s32 $0x16440;
	s21 =	simm.s32 $0x16A80;
	s22 =	simm.s32 $0x170C0  }
0x6: {  	s23 =	simm.s32 $0x17700;
	s28 =	simm.s32 $0x19000;
	s29 =	simm.s32 $0x19640  }
0x7: {  	s30 =	simm.s32 $0x3;
	s31 =	simm.s32 $0x4;
	s1 =	sand.u32 $0x1, s1  }
0x8: {  	s4 =	sshll.u32 s3, $0x1;
	s3 =	simm.s32 $0x0;
	s5 =	sadd.s32 $0xF42E00, s0  }
0x9: {  	s10 =	sadd.s32 $0x190, s2;
	s6 =	sor.u32 s1, s4;
	s1 =	ssub.s32 $0x2, s1  }
0xa: {  	[smem:$0x7FF] =	sst s3;
	s8 =	smul.u32 $0x6400, s6;
	s7 =	sshrl.u32 s1, $0x1  }
0xb: {  	s4 =	sadd.s32 $0xA00, s0;
	_ =	strace $0x80000047;
	s24 =	ssub.s32 s1, s7  }
0xc: {  	s7 =	sshll.u32 s6, $0x9;
	s6 =	simm.s32 $0x0;
	s9 =	sshrl.u32 s8, $0x3  }
.Ltmp0:
0xd: {  	s26 =	sadd.s32 $0xC80, s8;
	s12 =	sadd.s32 $0x12C0, s8;
	(pc) =	sbr.rel .LBB2_1-.Ltmp0, $4  }
0xe: {  	s0 =	smax.u32 s24, $0x1;
	s24 =	simm.s32 $0x17D40;
	[dreg:$0x5] =	wrdreg s26  }
0xf: {  	s25 =	sadd.s32 s4, s9;
	s9 =	sadd.s32 $0xC8, s2;
	[dreg:$0x6] =	wrdreg s0  }
0x10: {  	s0 =	simm.s32 $0x2;
	[dreg:$0x3] =	wrdreg s25;
	s1 =	sadd.s32 $0xC8, s25  }
0x11: {  	s26 =	simm.s32 $0x189C0;
	s25 =	simm.s32 $0x18380;
	[dreg:$0x4] =	wrdreg s1  }
.LBB2_10:
0x12: {  	_ =	swait.ge [sflag:s30], $0x640  }
0x13: {  	[sflag:s30] =	ssyncset.done $0x0  }
0x14: {  	[sflag:s30] =	ssyncadd.s32 $0xFFFFF9C0  }
0x15: {  	_ =	swait.ge [sflag:s30], $0x640  }
0x16: {  	[sflag:s30] =	ssyncset.done $0x0  }
0x17: {  	[sflag:s30] =	ssyncadd.s32 $0xFFFFF9C0  }
0x18: {  	_ =	swait.ge [sflag:s30], $0x640  }
0x19: {  	[sflag:s30] =	ssyncset.done $0x0  }
0x1a: {  	[sflag:s30] =	ssyncadd.s32 $0xFFFFF9C0  }
0x1b: {  	_ =	swait.ge [sflag:s30], $0x640  }
0x1c: {  	[sflag:s30] =	ssyncset.done $0x0  }
0x1d: {  	[sflag:s30] =	ssyncadd.s32 $0xFFFFF9C0  }
0x1e: {  	_ =	swait.ge [sflag:s30], $0x640  }
0x1f: {  	[sflag:s30] =	ssyncset.done $0x0  }
0x20: {  	[sflag:s30] =	ssyncadd.s32 $0xFFFFF9C0  }
0x21: {  	_ =	swait.ge [sflag:s30], $0x640  }
0x22: {  	[sflag:s30] =	ssyncset.done $0x0  }
0x23: {  	[sflag:s30] =	ssyncadd.s32 $0xFFFFF9C0  }
0x24: {  	_ =	swait.ge [sflag:s30], $0x640  }
0x25: {  	[sflag:s30] =	ssyncset.done $0x0  }
0x26: {  	[sflag:s30] =	ssyncadd.s32 $0xFFFFF9C0  }
0x27: {  	_ =	swait.ge [sflag:s30], $0x640  }
0x28: {  	[sflag:s30] =	ssyncset.done $0x0  }
0x29: {  	[sflag:s30] =	ssyncadd.s32 $0xFFFFF9C0  }
0x2a: {  	_ =	swait.ge [sflag:s30], $0x640  }
0x2b: {  	[sflag:s30] =	ssyncset.done $0x0  }
0x2c: {  	[sflag:s30] =	ssyncadd.s32 $0xFFFFF9C0  }
0x2d: {  	_ =	swait.ge [sflag:s30], $0x640  }
0x2e: {  	[sflag:s30] =	ssyncset.done $0x0  }
0x2f: {  	[sflag:s30] =	ssyncadd.s32 $0xFFFFF9C0  }
0x30: {  	_ =	swait.ge [sflag:s30], $0x640  }
0x31: {  	[sflag:s30] =	ssyncset.done $0x0  }
0x32: {  	[sflag:s30] =	ssyncadd.s32 $0xFFFFF9C0  }
0x33: {  	_ =	swait.ge [sflag:s30], $0x640  }
0x34: {  	[sflag:s30] =	ssyncset.done $0x0  }
0x35: {  	[sflag:s30] =	ssyncadd.s32 $0xFFFFF9C0  }
0x36: {  	_ =	swait.ge [sflag:s30], $0x640  }
0x37: {  	[sflag:s30] =	ssyncset.done $0x0  }
0x38: {  	[sflag:s30] =	ssyncadd.s32 $0xFFFFF9C0  }
0x39: {  	_ =	swait.ge [sflag:s30], $0x640  }
0x3a: {  	[sflag:s30] =	ssyncset.done $0x0  }
0x3b: {  	[sflag:s30] =	ssyncadd.s32 $0xFFFFF9C0  }
0x3c: {  	_ =	swait.ge [sflag:s30], $0x640  }
0x3d: {  	[sflag:s30] =	ssyncset.done $0x0  }
0x3e: {  	[sflag:s30] =	ssyncadd.s32 $0xFFFFF9C0  }
0x3f: {  	_ =	swait.ge [sflag:s30], $0x640  }
0x40: {  	[sflag:s30] =	ssyncset.done $0x0  }
0x41: {  	[sflag:s30] =	ssyncadd.s32 $0xFFFFF9C0  }
0x42: {  	_ =	swait.ge [sflag:s30], $0x640  }
0x43: {  	[sflag:s30] =	ssyncset.done $0x0  }
0x44: {  	[sflag:s30] =	ssyncadd.s32 $0xFFFFF9C0  }
0x45: {  	_ =	swait.ge [sflag:s30], $0x640  }
0x46: {  	[sflag:s30] =	ssyncset.done $0x0  }
0x47: {  	[sflag:s30] =	ssyncadd.s32 $0xFFFFF9C0  }
0x48: {  	_ =	swait.ge [sflag:s30], $0x640  }
0x49: {  	[sflag:s30] =	ssyncset.done $0x0  }
0x4a: {  	[sflag:s30] =	ssyncadd.s32 $0xFFFFF9C0  }
0x4b: {  	_ =	swait.ge [sflag:s30], $0x640  }
0x4c: {  	[sflag:s30] =	ssyncset.done $0x0  }
0x4d: {  	[sflag:s30] =	ssyncadd.s32 $0xFFFFF9C0  }
0x4e: {  	_ =	swait.ge [sflag:s30], $0x640  }
0x4f: {  	[sflag:s30] =	ssyncset.done $0x0  }
0x50: {  	[sflag:s30] =	ssyncadd.s32 $0xFFFFF9C0  }
0x51: {  	_ =	swait.ge [sflag:s30], $0x640  }
0x52: {  	[sflag:s30] =	ssyncset.done $0x0  }
0x53: {  	[sflag:s30] =	ssyncadd.s32 $0xFFFFF9C0  }
0x54: {  	_ =	swait.ge [sflag:s30], $0x640  }
0x55: {  	[sflag:s30] =	ssyncset.done $0x0  }
0x56: {  	[sflag:s30] =	ssyncadd.s32 $0xFFFFF9C0  }
0x57: {  	_ =	swait.ge [sflag:s30], $0x640  }
0x58: {  	[sflag:s30] =	ssyncset.done $0x0  }
0x59: {  	[sflag:s30] =	ssyncadd.s32 $0xFFFFF9C0  }
0x5a: {  	_ =	swait.ge [sflag:s30], $0x640  }
0x5b: {  	[sflag:s30] =	ssyncset.done $0x0  }
0x5c: {  	[sflag:s30] =	ssyncadd.s32 $0xFFFFF9C0  }
0x5d: {  	_ =	swait.ge [sflag:s30], $0x640  }
0x5e: {  	[sflag:s30] =	ssyncset.done $0x0  }
0x5f: {  	[sflag:s30] =	ssyncadd.s32 $0xFFFFF9C0  }
0x60: {  	_ =	swait.ge [sflag:s30], $0x640  }
0x61: {  	[sflag:s30] =	ssyncset.done $0x0  }
0x62: {  	[sflag:s30] =	ssyncadd.s32 $0xFFFFF9C0  }
0x63: {  	_ =	swait.ge [sflag:s30], $0x640  }
0x64: {  	[sflag:s30] =	ssyncset.done $0x0  }
0x65: {  	[sflag:s30] =	ssyncadd.s32 $0xFFFFF9C0  }
0x66: {  	_ =	swait.ge [sflag:s30], $0x640  }
0x67: {  	[sflag:s30] =	ssyncset.done $0x0  }
0x68: {  	[sflag:s30] =	ssyncadd.s32 $0xFFFFF9C0  }
0x69: {  	_ =	swait.ge [sflag:s30], $0x640  }
0x6a: {  	[sflag:s30] =	ssyncset.done $0x0  }
0x6b: {  	[sflag:s30] =	ssyncadd.s32 $0xFFFFF9C0  }
0x6c: {  	_ =	swait.ge [sflag:s30], $0x640  }
0x6d: {  	[sflag:s30] =	ssyncset.done $0x0  }
0x6e: {  	[sflag:s30] =	ssyncadd.s32 $0xFFFFF9C0  }
0x6f: {  	_ =	swait.ge [sflag:s30], $0x640  }
0x70: {  	[sflag:s30] =	ssyncset.done $0x0  }
0x71: {  	[sflag:s30] =	ssyncadd.s32 $0xFFFFF9C0  }
0x72: {  	_ =	swait.ge [sflag:s31], $0x640  }
0x73: {  	[sflag:s31] =	ssyncset.done $0x0  }
0x74: {  	[sflag:s31] =	ssyncadd.s32 $0xFFFFF9C0  }
0x75: {  	_ =	swait.ge [sflag:s31], $0x640  }
0x76: {  	[sflag:s31] =	ssyncset.done $0x0  }
0x77: {  	[sflag:s31] =	ssyncadd.s32 $0xFFFFF9C0  }
0x78: {  	_ =	swait.ge [sflag:s31], $0x640  }
0x79: {  	[sflag:s31] =	ssyncset.done $0x0  }
0x7a: {  	[sflag:s31] =	ssyncadd.s32 $0xFFFFF9C0  }
0x7b: {  	_ =	swait.ge [sflag:s31], $0x640  }
0x7c: {  	[sflag:s31] =	ssyncset.done $0x0  }
0x7d: {  	[sflag:s31] =	ssyncadd.s32 $0xFFFFF9C0  }
0x7e: {  	_ =	swait.ge [sflag:s31], $0x640  }
0x7f: {  	[sflag:s31] =	ssyncset.done $0x0  }
0x80: {  	[sflag:s31] =	ssyncadd.s32 $0xFFFFF9C0  }
0x81: {  	_ =	swait.ge [sflag:s31], $0x640  }
0x82: {  	[sflag:s31] =	ssyncset.done $0x0  }
0x83: {  	[sflag:s31] =	ssyncadd.s32 $0xFFFFF9C0  }
0x84: {  	_ =	swait.ge [sflag:s31], $0x640  }
0x85: {  	[sflag:s31] =	ssyncset.done $0x0  }
0x86: {  	[sflag:s31] =	ssyncadd.s32 $0xFFFFF9C0  }
0x87: {  	_ =	swait.ge [sflag:s31], $0x640  }
0x88: {  	[sflag:s31] =	ssyncset.done $0x0  }
0x89: {  	[sflag:s31] =	ssyncadd.s32 $0xFFFFF9C0  }
0x8a: {  	_ =	swait.ge [sflag:s31], $0x640  }
0x8b: {  	[sflag:s31] =	ssyncset.done $0x0  }
0x8c: {  	[sflag:s31] =	ssyncadd.s32 $0xFFFFF9C0  }
0x8d: {  	_ =	swait.ge [sflag:s31], $0x640  }
0x8e: {  	[sflag:s31] =	ssyncset.done $0x0  }
0x8f: {  	[sflag:s31] =	ssyncadd.s32 $0xFFFFF9C0  }
0x90: {  	_ =	swait.ge [sflag:s31], $0x640  }
0x91: {  	[sflag:s31] =	ssyncset.done $0x0  }
0x92: {  	[sflag:s31] =	ssyncadd.s32 $0xFFFFF9C0  }
0x93: {  	_ =	swait.ge [sflag:s31], $0x640  }
0x94: {  	[sflag:s31] =	ssyncset.done $0x0  }
0x95: {  	[sflag:s31] =	ssyncadd.s32 $0xFFFFF9C0  }
0x96: {  	_ =	swait.ge [sflag:s31], $0x640  }
0x97: {  	[sflag:s31] =	ssyncset.done $0x0  }
0x98: {  	[sflag:s31] =	ssyncadd.s32 $0xFFFFF9C0  }
0x99: {  	_ =	swait.ge [sflag:s31], $0x640  }
0x9a: {  	[sflag:s31] =	ssyncset.done $0x0  }
0x9b: {  	[sflag:s31] =	ssyncadd.s32 $0xFFFFF9C0  }
0x9c: {  	_ =	swait.ge [sflag:s31], $0x640  }
0x9d: {  	[sflag:s31] =	ssyncset.done $0x0  }
0x9e: {  	[sflag:s31] =	ssyncadd.s32 $0xFFFFF9C0  }
0x9f: {  	_ =	swait.ge [sflag:s31], $0x640  }
0xa0: {  	[sflag:s31] =	ssyncset.done $0x0  }
0xa1: {  	[sflag:s31] =	ssyncadd.s32 $0xFFFFF9C0  }
0xa2: {  	_ =	swait.ge [sflag:s31], $0x640  }
0xa3: {  	[sflag:s31] =	ssyncset.done $0x0  }
0xa4: {  	[sflag:s31] =	ssyncadd.s32 $0xFFFFF9C0  }
0xa5: {  	_ =	swait.ge [sflag:s31], $0x640  }
0xa6: {  	[sflag:s31] =	ssyncset.done $0x0  }
0xa7: {  	[sflag:s31] =	ssyncadd.s32 $0xFFFFF9C0  }
0xa8: {  	_ =	swait.ge [sflag:s31], $0x640  }
0xa9: {  	[sflag:s31] =	ssyncset.done $0x0  }
0xaa: {  	[sflag:s31] =	ssyncadd.s32 $0xFFFFF9C0  }
0xab: {  	_ =	swait.ge [sflag:s31], $0x640  }
0xac: {  	[sflag:s31] =	ssyncset.done $0x0  }
0xad: {  	[sflag:s31] =	ssyncadd.s32 $0xFFFFF9C0  }
0xae: {  	_ =	swait.ge [sflag:s31], $0x640  }
0xaf: {  	[sflag:s31] =	ssyncset.done $0x0  }
0xb0: {  	[sflag:s31] =	ssyncadd.s32 $0xFFFFF9C0  }
0xb1: {  	_ =	swait.ge [sflag:s31], $0x640  }
0xb2: {  	[sflag:s31] =	ssyncset.done $0x0  }
0xb3: {  	[sflag:s31] =	ssyncadd.s32 $0xFFFFF9C0  }
0xb4: {  	_ =	swait.ge [sflag:s31], $0x640  }
0xb5: {  	[sflag:s31] =	ssyncset.done $0x0  }
0xb6: {  	[sflag:s31] =	ssyncadd.s32 $0xFFFFF9C0  }
0xb7: {  	_ =	swait.ge [sflag:s31], $0x640  }
0xb8: {  	[sflag:s31] =	ssyncset.done $0x0  }
0xb9: {  	[sflag:s31] =	ssyncadd.s32 $0xFFFFF9C0  }
0xba: {  	_ =	swait.ge [sflag:s31], $0x640  }
0xbb: {  	[sflag:s31] =	ssyncset.done $0x0  }
0xbc: {  	[sflag:s31] =	ssyncadd.s32 $0xFFFFF9C0  }
0xbd: {  	_ =	swait.ge [sflag:s31], $0x640  }
0xbe: {  	[sflag:s31] =	ssyncset.done $0x0  }
0xbf: {  	[sflag:s31] =	ssyncadd.s32 $0xFFFFF9C0  }
0xc0: {  	_ =	swait.ge [sflag:s31], $0x640  }
0xc1: {  	[sflag:s31] =	ssyncset.done $0x0  }
0xc2: {  	[sflag:s31] =	ssyncadd.s32 $0xFFFFF9C0  }
0xc3: {  	_ =	swait.ge [sflag:s31], $0x640  }
0xc4: {  	[sflag:s31] =	ssyncset.done $0x0  }
0xc5: {  	[sflag:s31] =	ssyncadd.s32 $0xFFFFF9C0  }
0xc6: {  	_ =	swait.ge [sflag:s31], $0x640  }
0xc7: {  	[sflag:s31] =	ssyncset.done $0x0  }
0xc8: {  	[sflag:s31] =	ssyncadd.s32 $0xFFFFF9C0  }
0xc9: {  	_ =	swait.ge [sflag:s31], $0x640  }
0xca: {  	[sflag:s31] =	ssyncset.done $0x0  }
0xcb: {  	[sflag:s31] =	ssyncadd.s32 $0xFFFFF9C0  }
0xcc: {  	_ =	swait.ge [sflag:s31], $0x640  }
0xcd: {  	[sflag:s31] =	ssyncset.done $0x0  }
0xce: {  	[sflag:s31] =	ssyncadd.s32 $0xFFFFF9C0  }
0xcf: {  	_ =	swait.ge [sflag:s31], $0x640  }
0xd0: {  	s6 =	rddreg [dreg:$0x7]  }
0xd1: {  	s1 =	rddreg [dreg:$0x6];
	s6 =	sadd.s32 $0x1, s6  }
0xd2: {  	p0 =	sne.s32 s6, s1  }
.Ltmp1:
0xd3: {  	_ = 	snop;
	(pc) =	sbr.rel @!p0 .LBB2_11-.Ltmp1, $3  }
0xd4: {  	_ =	sdelay $0x1  }
0xd5: {  	[sflag:s31] =	ssyncset.done $0x0  }
0xd6: {  	[sflag:s31] =	ssyncadd.s32 $0xFFFFF9C0  }
.LBB2_1:
0xd7: {  	[dreg:$0x7] =	wrdreg s6  }
0xd8: {  	s1 =	rddreg [dreg:$0x3]  }
0xd9: {  	[tilespmem:s3], [sflag:$0x5] =	stream.linear.gather [hbm4b:s1+s3], $0x640, $0x38;
	[tilespmem:$0x19C80] =	vst v63  }
0xda: {  	_ =	swait.ge [sflag:s14], $0x640  }
0xdb: {  	[sflag:s14] =	ssyncset.done $0x0  }
0xdc: {  	[sflag:s14] =	ssyncadd.s32 $0xFFFFF9C0  }
0xdd: {  	[tilespmem:s16], [sflag:$0x1] =	stream.indirect.gather [hbm4b:s5+s15], $0x20, s3, s15, $0xb8;
	[tilespmem:$0x19C80] =	vst v63  }
0xde: {  	s13 =	rddreg [dreg:$0x4]  }
0xdf: {  	[tilespmem:s15], [sflag:$0x5] =	stream.linear.gather [hbm4b:s13+s3], $0x640, $0x38;
	[tilespmem:$0x19C80] =	vst v63  }
0xe0: {  	_ =	swait.ge [sflag:s14], $0x640  }
0xe1: {  	[sflag:s14] =	ssyncset.done $0x0  }
0xe2: {  	s1 =	simm.s32 $0x0;
	[sflag:s14] =	ssyncadd.s32 $0xFFFFF9C0  }
0xe3: {  	[tilespmem:s17], [sflag:$0x2] =	stream.indirect.gather [hbm4b:s5+s15], $0x20, s15, s15, $0xb8;
	[tilespmem:$0x19C80] =	vst v63  }
.LBB2_2:
0xe4: {  	_ =	swait.ge [sflag:s18], $0xC800  }
0xe5: {  	[sflag:s18] =	ssyncset.done $0x0  }
0xe6: {  	s13 =	simm.s32 $0xD00;
	[sflag:s18] =	ssyncadd.s32 $0xFFFF3800  }
0xe7: {  	v0 =	vld [tilespmem:s13+$0xFFFFFF80]  }
0xe8: {  	v1 =	vld [tilespmem:s13+$0xFFFFFF90]  }
0xe9: {  	v2 =	vld [tilespmem:s13+$0xFFFFFFA0]  }
0xea: {  	v3 =	vld [tilespmem:s13+$0xFFFFFFB0]  }
0xeb: {  	v4 =	vld [tilespmem:s13+$0xFFFFFFC0]  }
0xec: {  	v5 =	vld [tilespmem:s13+$0xFFFFFFD0];
	v0 =	vmul.f32 $5.656854150e+00, v0  }
0xed: {  	v6 =	vld [tilespmem:s13+$0xFFFFFFE0];
	v1 =	vmul.f32 $5.656854150e+00, v1  }
0xee: {  	[tilespmem:s13+$0xFFFFFF80] =	vst v0;
	v0 =	vmul.f32 $5.656854150e+00, v2;
	v2 =	vld [tilespmem:s13+$0x0]  }
0xef: {  	[tilespmem:s13+$0xFFFFFF90] =	vst v1;
	v1 =	vmul.f32 $5.656854150e+00, v3;
	v3 =	vld [tilespmem:s13+$0x10]  }
0xf0: {  	[tilespmem:s13+$0xFFFFFFA0] =	vst v0;
	v0 =	vmul.f32 $5.656854150e+00, v4;
	v4 =	vld [tilespmem:s13+$0x20]  }
0xf1: {  	v7 =	vld [tilespmem:s13+$0x30];
	v5 =	vmul.f32 $5.656854150e+00, v5;
	[tilespmem:s13+$0xFFFFFFB0] =	vst v1  }
0xf2: {  	v1 =	vld [tilespmem:s13+$0x40];
	[tilespmem:s13+$0xFFFFFFC0] =	vst v0;
	v0 =	vmul.f32 $5.656854150e+00, v6  }
0xf3: {  	[tilespmem:s13+$0xFFFFFFD0] =	vst v5;
	v5 =	vmul.f32 $5.656854150e+00, v2;
	v2 =	vld [tilespmem:s13+$0x50]  }
0xf4: {  	v6 =	vmul.f32 $5.656854150e+00, v3;
	v3 =	vld [tilespmem:s13+$0x60];
	[tilespmem:s13+$0xFFFFFFE0] =	vst v0  }
0xf5: {  	[tilespmem:s13+$0x0] =	vst v5;
	v5 =	vmul.f32 $5.656854150e+00, v4;
	v4 =	vld [tilespmem:s13+$0x70]  }
0xf6: {  	s8 =	simm.s32 $0x0;
	s6 =	simm.s32 $0xE00;
	v0 =	vld [tilespmem:s13+$0xFFFFFFF0];
	[tilespmem:s13+$0x10] =	vst v6;
	v6 =	vmul.f32 $5.656854150e+00, v7  }
.LBB2_3:
0xf7: {  	v7 =	vld [tilespmem:s6+$0xFFFFFF80];
	[tilespmem:s13+$0x20] =	vst v5;
	v1 =	vmul.f32 $5.656854150e+00, v1  }
0xf8: {  	v5 =	vld [tilespmem:s6+$0xFFFFFF90];
	[tilespmem:s13+$0x30] =	vst v6;
	v2 =	vmul.f32 $5.656854150e+00, v2  }
0xf9: {  	v6 =	vld [tilespmem:s6+$0xFFFFFFA0];
	[tilespmem:s13+$0x40] =	vst v1;
	v1 =	vmul.f32 $5.656854150e+00, v3  }
0xfa: {  	v3 =	vld [tilespmem:s6+$0xFFFFFFB0];
	[tilespmem:s13+$0x50] =	vst v2;
	v2 =	vmul.f32 $5.656854150e+00, v4  }
0xfb: {  	v4 =	vld [tilespmem:s6+$0xFFFFFFC0];
	v0 =	vmul.f32 $5.656854150e+00, v0;
	[tilespmem:s13+$0x60] =	vst v1  }
0xfc: {  	v1 =	vmul.f32 $5.656854150e+00, v7;
	v7 =	vld [tilespmem:s6+$0xFFFFFFD0];
	[tilespmem:s13+$0x70] =	vst v2  }
0xfd: {  	v2 =	vmul.f32 $5.656854150e+00, v5;
	v5 =	vld [tilespmem:s6+$0xFFFFFFE0];
	[tilespmem:s13+$0xFFFFFFF0] =	vst v0;
	s13 =	smov.u32 s6  }
0xfe: {  	[tilespmem:s6+$0xFFFFFF80] =	vst v1;
	v0 =	vmul.f32 $5.656854150e+00, v6;
	v6 =	vld [tilespmem:s6+$0x0]  }
0xff: {  	[tilespmem:s6+$0xFFFFFF90] =	vst v2;
	v1 =	vmul.f32 $5.656854150e+00, v3;
	v3 =	vld [tilespmem:s6+$0x10]  }
0x100: {  	s8 =	sadd.s32 $0x8, s8;
	[tilespmem:s6+$0xFFFFFFA0] =	vst v0;
	v0 =	vmul.f32 $5.656854150e+00, v4;
	v4 =	vld [tilespmem:s6+$0x20]  }
0x101: {  	p0 =	slt.u32 s8, $0x638;
	[tilespmem:s6+$0xFFFFFFB0] =	vst v1;
	v2 =	vmul.f32 $5.656854150e+00, v7;
	v7 =	vld [tilespmem:s6+$0x30]  }
.Ltmp2:
0x102: {  	[tilespmem:s6+$0xFFFFFFC0] =	vst v0;
	v0 =	vmul.f32 $5.656854150e+00, v5;
	v1 =	vld [tilespmem:s6+$0x40];
	(pc) =	sbr.rel @p0 .LBB2_3-.Ltmp2, $4  }
0x103: {  	[tilespmem:s6+$0xFFFFFFD0] =	vst v2;
	v5 =	vmul.f32 $5.656854150e+00, v6;
	v2 =	vld [tilespmem:s6+$0x50]  }
0x104: {  	[tilespmem:s6+$0xFFFFFFE0] =	vst v0;
	v6 =	vmul.f32 $5.656854150e+00, v3;
	v3 =	vld [tilespmem:s6+$0x60]  }
0x105: {  	[tilespmem:s6+$0x0] =	vst v5;
	v5 =	vmul.f32 $5.656854150e+00, v4;
	v4 =	vld [tilespmem:s6+$0x70]  }
0x106: {  	s6 =	sadd.s32 $0x100, s6;
	v0 =	vld [tilespmem:s13+$0xFFFFFFF0];
	[tilespmem:s13+$0x10] =	vst v6;
	v6 =	vmul.f32 $5.656854150e+00, v7  }
0x107: {  	[tilespmem:s13+$0x20] =	vst v5;
	v1 =	vmul.f32 $5.656854150e+00, v1  }
0x108: {  	[tilespmem:s13+$0x30] =	vst v6;
	v2 =	vmul.f32 $5.656854150e+00, v2  }
0x109: {  	s6 =	sshll.u32 s1, $0x6;
	[tilespmem:s13+$0x40] =	vst v1;
	v62 =	vmul.f32 $5.656854150e+00, v3  }
0x10a: {  	s8 =	sor.u32 s7, s6;
	[tilespmem:s13+$0x50] =	vst v2;
	v63 =	vmul.f32 $5.656854150e+00, v4  }
0x10b: {  	s6 =	smul.u32 $0xC8, s8;
	v0 =	vmul.f32 $5.656854150e+00, v0;
	[tilespmem:s13+$0x60] =	vst v62  }
0x10c: {  	[tilespmem:s13+$0x70] =	vst v63  }
0x10d: {  	s11 =	sadd.s32 s2, s6;
	[tilespmem:s13+$0xFFFFFFF0] =	vst v0  }
0x10e: {  	[hbm4b:s11+s3] =	stream.linear.scatter [tilespmem:s16], [sflag:$0x3], $0x640, $0x38;
	[tilespmem:$0x19C80] =	vst v63  }
0x10f: {  	s13 =	simm.s32 $0x12C0;
	s11 =	sadd.s32 s6, s9  }
0x110: {  	[hbm4b:s11+s3] =	stream.linear.scatter [tilespmem:s13], [sflag:$0x3], $0x640, $0x38;
	[tilespmem:$0x19C80] =	vst v63  }
0x111: {  	s6 =	sadd.s32 s6, s10;
	s11 =	smul.u32 $0x640, s8;
	s13 =	simm.s32 $0x1900  }
0x112: {  	[hbm4b:s6+s3] =	stream.linear.scatter [tilespmem:s13], [sflag:$0x3], $0x640, $0x38;
	[tilespmem:$0x19C80] =	vst v63  }
0x113: {  	s11 =	sshrl.u32 s11, $0x3  }
0x114: {  	s6 =	sadd.s32 s2, s11  }
0x115: {  	s13 =	simm.s32 $0x1F40;
	s11 =	sadd.s32 $0x258, s6  }
0x116: {  	[hbm4b:s11+s3] =	stream.linear.scatter [tilespmem:s13], [sflag:$0x3], $0x640, $0x38;
	[tilespmem:$0x19C80] =	vst v63  }
0x117: {  	s11 =	sadd.s32 $0x320, s6;
	s13 =	simm.s32 $0x2580  }
0x118: {  	[hbm4b:s11+s3] =	stream.linear.scatter [tilespmem:s13], [sflag:$0x3], $0x640, $0x38;
	[tilespmem:$0x19C80] =	vst v63  }
0x119: {  	s11 =	sadd.s32 $0x3E8, s6;
	s13 =	simm.s32 $0x2BC0  }
0x11a: {  	[hbm4b:s11+s3] =	stream.linear.scatter [tilespmem:s13], [sflag:$0x3], $0x640, $0x38;
	[tilespmem:$0x19C80] =	vst v63  }
0x11b: {  	s11 =	sadd.s32 $0x4B0, s6;
	s13 =	simm.s32 $0x3200  }
0x11c: {  	[hbm4b:s11+s3] =	stream.linear.scatter [tilespmem:s13], [sflag:$0x3], $0x640, $0x38;
	[tilespmem:$0x19C80] =	vst v63  }
0x11d: {  	s11 =	sadd.s32 $0x578, s6;
	s13 =	simm.s32 $0x3840  }
0x11e: {  	[hbm4b:s11+s3] =	stream.linear.scatter [tilespmem:s13], [sflag:$0x3], $0x640, $0x38;
	[tilespmem:$0x19C80] =	vst v63  }
0x11f: {  	s11 =	sadd.s32 $0x640, s6;
	s13 =	simm.s32 $0x3E80  }
0x120: {  	[hbm4b:s11+s3] =	stream.linear.scatter [tilespmem:s13], [sflag:$0x3], $0x640, $0x38;
	[tilespmem:$0x19C80] =	vst v63  }
0x121: {  	s11 =	sadd.s32 $0x708, s6;
	s13 =	simm.s32 $0x44C0  }
0x122: {  	[hbm4b:s11+s3] =	stream.linear.scatter [tilespmem:s13], [sflag:$0x3], $0x640, $0x38;
	[tilespmem:$0x19C80] =	vst v63  }
0x123: {  	s11 =	sadd.s32 $0x7D0, s6;
	s13 =	simm.s32 $0x4B00  }
0x124: {  	[hbm4b:s11+s3] =	stream.linear.scatter [tilespmem:s13], [sflag:$0x3], $0x640, $0x38;
	[tilespmem:$0x19C80] =	vst v63  }
0x125: {  	s11 =	sadd.s32 $0x898, s6;
	s13 =	simm.s32 $0x5140  }
0x126: {  	[hbm4b:s11+s3] =	stream.linear.scatter [tilespmem:s13], [sflag:$0x3], $0x640, $0x38;
	[tilespmem:$0x19C80] =	vst v63  }
0x127: {  	s11 =	sadd.s32 $0x960, s6;
	s13 =	simm.s32 $0x5780  }
0x128: {  	[hbm4b:s11+s3] =	stream.linear.scatter [tilespmem:s13], [sflag:$0x3], $0x640, $0x38;
	[tilespmem:$0x19C80] =	vst v63  }
0x129: {  	s11 =	sadd.s32 $0xA28, s6;
	s13 =	simm.s32 $0x5DC0  }
0x12a: {  	[hbm4b:s11+s3] =	stream.linear.scatter [tilespmem:s13], [sflag:$0x3], $0x640, $0x38;
	[tilespmem:$0x19C80] =	vst v63  }
0x12b: {  	s11 =	sadd.s32 $0xAF0, s6;
	s13 =	simm.s32 $0x6400  }
0x12c: {  	[hbm4b:s11+s3] =	stream.linear.scatter [tilespmem:s13], [sflag:$0x3], $0x640, $0x38;
	[tilespmem:$0x19C80] =	vst v63  }
0x12d: {  	s11 =	sadd.s32 $0xBB8, s6;
	s13 =	simm.s32 $0x6A40  }
0x12e: {  	[hbm4b:s11+s3] =	stream.linear.scatter [tilespmem:s13], [sflag:$0x3], $0x640, $0x38;
	[tilespmem:$0x19C80] =	vst v63  }
0x12f: {  	s11 =	sadd.s32 $0xC80, s6;
	s13 =	simm.s32 $0x7080  }
0x130: {  	[hbm4b:s11+s3] =	stream.linear.scatter [tilespmem:s13], [sflag:$0x3], $0x640, $0x38;
	[tilespmem:$0x19C80] =	vst v63  }
0x131: {  	s11 =	sadd.s32 $0xD48, s6;
	s13 =	simm.s32 $0x76C0  }
0x132: {  	[hbm4b:s11+s3] =	stream.linear.scatter [tilespmem:s13], [sflag:$0x3], $0x640, $0x38;
	[tilespmem:$0x19C80] =	vst v63  }
0x133: {  	s11 =	sadd.s32 $0xE10, s6;
	s13 =	simm.s32 $0x7D00  }
0x134: {  	[hbm4b:s11+s3] =	stream.linear.scatter [tilespmem:s13], [sflag:$0x3], $0x640, $0x38;
	[tilespmem:$0x19C80] =	vst v63  }
0x135: {  	s11 =	sadd.s32 $0xED8, s6;
	s13 =	simm.s32 $0x8340  }
0x136: {  	[hbm4b:s11+s3] =	stream.linear.scatter [tilespmem:s13], [sflag:$0x3], $0x640, $0x38;
	[tilespmem:$0x19C80] =	vst v63  }
0x137: {  	s11 =	sadd.s32 $0xFA0, s6;
	s13 =	simm.s32 $0x8980  }
0x138: {  	[hbm4b:s11+s3] =	stream.linear.scatter [tilespmem:s13], [sflag:$0x3], $0x640, $0x38;
	[tilespmem:$0x19C80] =	vst v63  }
0x139: {  	s11 =	sadd.s32 $0x1068, s6;
	s13 =	simm.s32 $0x8FC0  }
0x13a: {  	[hbm4b:s11+s3] =	stream.linear.scatter [tilespmem:s13], [sflag:$0x3], $0x640, $0x38;
	[tilespmem:$0x19C80] =	vst v63  }
0x13b: {  	s11 =	sadd.s32 $0x1130, s6;
	s13 =	simm.s32 $0x9600  }
0x13c: {  	[hbm4b:s11+s3] =	stream.linear.scatter [tilespmem:s13], [sflag:$0x3], $0x640, $0x38;
	[tilespmem:$0x19C80] =	vst v63  }
0x13d: {  	s11 =	sadd.s32 $0x11F8, s6;
	s13 =	simm.s32 $0x9C40  }
0x13e: {  	[hbm4b:s11+s3] =	stream.linear.scatter [tilespmem:s13], [sflag:$0x3], $0x640, $0x38;
	[tilespmem:$0x19C80] =	vst v63  }
0x13f: {  	s11 =	sadd.s32 $0x12C0, s6;
	s13 =	simm.s32 $0xA280  }
0x140: {  	[hbm4b:s11+s3] =	stream.linear.scatter [tilespmem:s13], [sflag:$0x3], $0x640, $0x38;
	[tilespmem:$0x19C80] =	vst v63  }
0x141: {  	s11 =	sadd.s32 $0x1388, s6;
	s13 =	simm.s32 $0xA8C0  }
0x142: {  	[hbm4b:s11+s3] =	stream.linear.scatter [tilespmem:s13], [sflag:$0x3], $0x640, $0x38;
	[tilespmem:$0x19C80] =	vst v63  }
0x143: {  	s11 =	sadd.s32 $0x1450, s6;
	s13 =	simm.s32 $0xAF00  }
0x144: {  	[hbm4b:s11+s3] =	stream.linear.scatter [tilespmem:s13], [sflag:$0x3], $0x640, $0x38;
	[tilespmem:$0x19C80] =	vst v63  }
0x145: {  	s11 =	sadd.s32 $0x1518, s6;
	s13 =	simm.s32 $0xB540  }
0x146: {  	[hbm4b:s11+s3] =	stream.linear.scatter [tilespmem:s13], [sflag:$0x3], $0x640, $0x38;
	[tilespmem:$0x19C80] =	vst v63  }
0x147: {  	s11 =	sadd.s32 $0x15E0, s6;
	s13 =	simm.s32 $0xBB80  }
0x148: {  	[hbm4b:s11+s3] =	stream.linear.scatter [tilespmem:s13], [sflag:$0x3], $0x640, $0x38;
	[tilespmem:$0x19C80] =	vst v63  }
0x149: {  	p0 =	seq.s32 s1, $0x7;
	s11 =	sadd.s32 $0x16A8, s6;
	s13 =	simm.s32 $0xC1C0  }
0x14a: {  	[hbm4b:s11+s3] =	stream.linear.scatter [tilespmem:s13], [sflag:$0x3], $0x640, $0x38;
	[tilespmem:$0x19C80] =	vst v63  }
.Ltmp3:
0x14b: {  	_ = 	snop;
	(pc) =	sbr.rel @p0 .LBB2_6-.Ltmp3, $4  }
0x14c: {  	s11 =	sadd.s32 $0x1770, s6;
	s13 =	simm.s32 $0xC800  }
0x14d: {  	[hbm4b:s11+s3] =	stream.linear.scatter [tilespmem:s13], [sflag:$0x3], $0x640, $0x38;
	[tilespmem:$0x19C80] =	vst v63  }
0x14e: {  	s6 =	sadd.s32 $0x1838, s6;
	s13 =	simm.s32 $0xCE40  }
0x14f: {  	[hbm4b:s6+s3] =	stream.linear.scatter [tilespmem:s13], [sflag:$0x3], $0x640, $0x38;
	[tilespmem:$0x19C80] =	vst v63  }
0x150: {  	s6 =	smul.u32 $0xC80, s1  }
0x151: {  	s11 =	rddreg [dreg:$0x5]  }
0x152: {  	s6 =	sadd.s32 s6, s11  }
0x153: {  	s6 =	sshrl.u32 s6, $0x3  }
0x154: {  	s6 =	sadd.s32 s4, s6  }
0x155: {  	[tilespmem:s3], [sflag:$0x5] =	stream.linear.gather [hbm4b:s6+s3], $0x640, $0x38;
	[tilespmem:$0x19C80] =	vst v63  }
0x156: {  	_ =	swait.ge [sflag:s14], $0x640  }
0x157: {  	[sflag:s14] =	ssyncset.done $0x0  }
0x158: {  	[sflag:s14] =	ssyncadd.s32 $0xFFFFF9C0  }
0x159: {  	_ =	swait.ge [sflag:s30], $0x640  }
0x15a: {  	[sflag:s30] =	ssyncset.done $0x0  }
0x15b: {  	[sflag:s30] =	ssyncadd.s32 $0xFFFFF9C0  }
0x15c: {  	_ =	swait.ge [sflag:s30], $0x640  }
0x15d: {  	[sflag:s30] =	ssyncset.done $0x0  }
0x15e: {  	[sflag:s30] =	ssyncadd.s32 $0xFFFFF9C0  }
0x15f: {  	_ =	swait.ge [sflag:s30], $0x640  }
0x160: {  	[sflag:s30] =	ssyncset.done $0x0  }
0x161: {  	[sflag:s30] =	ssyncadd.s32 $0xFFFFF9C0  }
0x162: {  	_ =	swait.ge [sflag:s30], $0x640  }
0x163: {  	[sflag:s30] =	ssyncset.done $0x0  }
0x164: {  	[sflag:s30] =	ssyncadd.s32 $0xFFFFF9C0  }
0x165: {  	_ =	swait.ge [sflag:s30], $0x640  }
0x166: {  	[sflag:s30] =	ssyncset.done $0x0  }
0x167: {  	[sflag:s30] =	ssyncadd.s32 $0xFFFFF9C0  }
0x168: {  	_ =	swait.ge [sflag:s30], $0x640  }
0x169: {  	[sflag:s30] =	ssyncset.done $0x0  }
0x16a: {  	[sflag:s30] =	ssyncadd.s32 $0xFFFFF9C0  }
0x16b: {  	_ =	swait.ge [sflag:s30], $0x640  }
0x16c: {  	[sflag:s30] =	ssyncset.done $0x0  }
0x16d: {  	[sflag:s30] =	ssyncadd.s32 $0xFFFFF9C0  }
0x16e: {  	_ =	swait.ge [sflag:s30], $0x640  }
0x16f: {  	[sflag:s30] =	ssyncset.done $0x0  }
0x170: {  	[sflag:s30] =	ssyncadd.s32 $0xFFFFF9C0  }
0x171: {  	_ =	swait.ge [sflag:s30], $0x640  }
0x172: {  	[sflag:s30] =	ssyncset.done $0x0  }
0x173: {  	[sflag:s30] =	ssyncadd.s32 $0xFFFFF9C0  }
0x174: {  	_ =	swait.ge [sflag:s30], $0x640  }
0x175: {  	[sflag:s30] =	ssyncset.done $0x0  }
0x176: {  	[sflag:s30] =	ssyncadd.s32 $0xFFFFF9C0  }
0x177: {  	_ =	swait.ge [sflag:s30], $0x640  }
0x178: {  	[sflag:s30] =	ssyncset.done $0x0  }
0x179: {  	[sflag:s30] =	ssyncadd.s32 $0xFFFFF9C0  }
0x17a: {  	_ =	swait.ge [sflag:s30], $0x640  }
0x17b: {  	[sflag:s30] =	ssyncset.done $0x0  }
0x17c: {  	[sflag:s30] =	ssyncadd.s32 $0xFFFFF9C0  }
0x17d: {  	_ =	swait.ge [sflag:s30], $0x640  }
0x17e: {  	[sflag:s30] =	ssyncset.done $0x0  }
0x17f: {  	[sflag:s30] =	ssyncadd.s32 $0xFFFFF9C0  }
0x180: {  	_ =	swait.ge [sflag:s30], $0x640  }
0x181: {  	[sflag:s30] =	ssyncset.done $0x0  }
0x182: {  	[sflag:s30] =	ssyncadd.s32 $0xFFFFF9C0  }
0x183: {  	_ =	swait.ge [sflag:s30], $0x640  }
0x184: {  	[sflag:s30] =	ssyncset.done $0x0  }
0x185: {  	[sflag:s30] =	ssyncadd.s32 $0xFFFFF9C0  }
0x186: {  	_ =	swait.ge [sflag:s30], $0x640  }
0x187: {  	[sflag:s30] =	ssyncset.done $0x0  }
0x188: {  	[sflag:s30] =	ssyncadd.s32 $0xFFFFF9C0  }
0x189: {  	_ =	swait.ge [sflag:s30], $0x640  }
0x18a: {  	[sflag:s30] =	ssyncset.done $0x0  }
0x18b: {  	[sflag:s30] =	ssyncadd.s32 $0xFFFFF9C0  }
0x18c: {  	_ =	swait.ge [sflag:s30], $0x640  }
0x18d: {  	[sflag:s30] =	ssyncset.done $0x0  }
0x18e: {  	[sflag:s30] =	ssyncadd.s32 $0xFFFFF9C0  }
0x18f: {  	_ =	swait.ge [sflag:s30], $0x640  }
0x190: {  	[sflag:s30] =	ssyncset.done $0x0  }
0x191: {  	[sflag:s30] =	ssyncadd.s32 $0xFFFFF9C0  }
0x192: {  	_ =	swait.ge [sflag:s30], $0x640  }
0x193: {  	[sflag:s30] =	ssyncset.done $0x0  }
0x194: {  	[sflag:s30] =	ssyncadd.s32 $0xFFFFF9C0  }
0x195: {  	_ =	swait.ge [sflag:s30], $0x640  }
0x196: {  	[sflag:s30] =	ssyncset.done $0x0  }
0x197: {  	[sflag:s30] =	ssyncadd.s32 $0xFFFFF9C0  }
0x198: {  	_ =	swait.ge [sflag:s30], $0x640  }
0x199: {  	[sflag:s30] =	ssyncset.done $0x0  }
0x19a: {  	[sflag:s30] =	ssyncadd.s32 $0xFFFFF9C0  }
0x19b: {  	_ =	swait.ge [sflag:s30], $0x640  }
0x19c: {  	[sflag:s30] =	ssyncset.done $0x0  }
0x19d: {  	[sflag:s30] =	ssyncadd.s32 $0xFFFFF9C0  }
0x19e: {  	_ =	swait.ge [sflag:s30], $0x640  }
0x19f: {  	[sflag:s30] =	ssyncset.done $0x0  }
0x1a0: {  	[sflag:s30] =	ssyncadd.s32 $0xFFFFF9C0  }
0x1a1: {  	_ =	swait.ge [sflag:s30], $0x640  }
0x1a2: {  	[sflag:s30] =	ssyncset.done $0x0  }
0x1a3: {  	[sflag:s30] =	ssyncadd.s32 $0xFFFFF9C0  }
0x1a4: {  	_ =	swait.ge [sflag:s30], $0x640  }
0x1a5: {  	[sflag:s30] =	ssyncset.done $0x0  }
0x1a6: {  	[sflag:s30] =	ssyncadd.s32 $0xFFFFF9C0  }
0x1a7: {  	_ =	swait.ge [sflag:s30], $0x640  }
0x1a8: {  	[sflag:s30] =	ssyncset.done $0x0  }
0x1a9: {  	[sflag:s30] =	ssyncadd.s32 $0xFFFFF9C0  }
0x1aa: {  	_ =	swait.ge [sflag:s30], $0x640  }
0x1ab: {  	[sflag:s30] =	ssyncset.done $0x0  }
0x1ac: {  	[sflag:s30] =	ssyncadd.s32 $0xFFFFF9C0  }
0x1ad: {  	_ =	swait.ge [sflag:s30], $0x640  }
0x1ae: {  	[sflag:s30] =	ssyncset.done $0x0  }
0x1af: {  	[sflag:s30] =	ssyncadd.s32 $0xFFFFF9C0  }
0x1b0: {  	_ =	swait.ge [sflag:s30], $0x640  }
0x1b1: {  	[sflag:s30] =	ssyncset.done $0x0  }
0x1b2: {  	[sflag:s30] =	ssyncadd.s32 $0xFFFFF9C0  }
0x1b3: {  	_ =	swait.ge [sflag:s30], $0x640  }
0x1b4: {  	[sflag:s30] =	ssyncset.done $0x0  }
0x1b5: {  	[sflag:s30] =	ssyncadd.s32 $0xFFFFF9C0  }
0x1b6: {  	_ =	swait.ge [sflag:s30], $0x640  }
0x1b7: {  	[sflag:s30] =	ssyncset.done $0x0  }
0x1b8: {  	[sflag:s30] =	ssyncadd.s32 $0xFFFFF9C0  }
0x1b9: {  	[tilespmem:s16], [sflag:$0x1] =	stream.indirect.gather [hbm4b:s5+s15], $0x20, s3, s15, $0xb8;
	[tilespmem:$0x19C80] =	vst v63  }
.LBB2_6:
0x1ba: {  	_ =	swait.ge [sflag:s0], $0xC800  }
0x1bb: {  	[sflag:s0] =	ssyncset.done $0x0  }
0x1bc: {  	s13 =	simm.s32 $0xD500;
	[sflag:s0] =	ssyncadd.s32 $0xFFFF3800  }
0x1bd: {  	v0 =	vld [tilespmem:s13+$0xFFFFFF80]  }
0x1be: {  	v1 =	vld [tilespmem:s13+$0xFFFFFF90]  }
0x1bf: {  	v2 =	vld [tilespmem:s13+$0xFFFFFFA0]  }
0x1c0: {  	v3 =	vld [tilespmem:s13+$0xFFFFFFB0]  }
0x1c1: {  	v4 =	vld [tilespmem:s13+$0xFFFFFFC0]  }
0x1c2: {  	v5 =	vld [tilespmem:s13+$0xFFFFFFD0];
	v0 =	vmul.f32 $5.656854150e+00, v0  }
0x1c3: {  	v6 =	vld [tilespmem:s13+$0xFFFFFFE0];
	v1 =	vmul.f32 $5.656854150e+00, v1  }
0x1c4: {  	[tilespmem:s13+$0xFFFFFF80] =	vst v0;
	v0 =	vmul.f32 $5.656854150e+00, v2;
	v2 =	vld [tilespmem:s13+$0x0]  }
0x1c5: {  	[tilespmem:s13+$0xFFFFFF90] =	vst v1;
	v1 =	vmul.f32 $5.656854150e+00, v3;
	v3 =	vld [tilespmem:s13+$0x10]  }
0x1c6: {  	[tilespmem:s13+$0xFFFFFFA0] =	vst v0;
	v0 =	vmul.f32 $5.656854150e+00, v4;
	v4 =	vld [tilespmem:s13+$0x20]  }
0x1c7: {  	v7 =	vld [tilespmem:s13+$0x30];
	[tilespmem:s13+$0xFFFFFFB0] =	vst v1;
	v1 =	vmul.f32 $5.656854150e+00, v5  }
0x1c8: {  	v5 =	vmul.f32 $5.656854150e+00, v6;
	[tilespmem:s13+$0xFFFFFFC0] =	vst v0;
	v0 =	vld [tilespmem:s13+$0x40]  }
0x1c9: {  	[tilespmem:s13+$0xFFFFFFD0] =	vst v1;
	v1 =	vmul.f32 $5.656854150e+00, v2;
	v2 =	vld [tilespmem:s13+$0x50]  }
0x1ca: {  	[tilespmem:s13+$0xFFFFFFE0] =	vst v5;
	v6 =	vmul.f32 $5.656854150e+00, v3;
	v3 =	vld [tilespmem:s13+$0x60]  }
0x1cb: {  	[tilespmem:s13+$0x0] =	vst v1;
	v5 =	vmul.f32 $5.656854150e+00, v4;
	v4 =	vld [tilespmem:s13+$0x70]  }
0x1cc: {  	s6 =	simm.s32 $0x0;
	s11 =	simm.s32 $0xD600;
	v1 =	vld [tilespmem:s13+$0xFFFFFFF0];
	[tilespmem:s13+$0x10] =	vst v6;
	v6 =	vmul.f32 $5.656854150e+00, v7  }
.LBB2_7:
0x1cd: {  	v7 =	vld [tilespmem:s11+$0xFFFFFF80];
	[tilespmem:s13+$0x20] =	vst v5;
	v0 =	vmul.f32 $5.656854150e+00, v0  }
0x1ce: {  	v5 =	vld [tilespmem:s11+$0xFFFFFF90];
	[tilespmem:s13+$0x30] =	vst v6;
	v2 =	vmul.f32 $5.656854150e+00, v2  }
0x1cf: {  	v6 =	vld [tilespmem:s11+$0xFFFFFFA0];
	[tilespmem:s13+$0x40] =	vst v0;
	v0 =	vmul.f32 $5.656854150e+00, v3  }
0x1d0: {  	v3 =	vld [tilespmem:s11+$0xFFFFFFB0];
	[tilespmem:s13+$0x50] =	vst v2;
	v2 =	vmul.f32 $5.656854150e+00, v4  }
0x1d1: {  	v4 =	vld [tilespmem:s11+$0xFFFFFFC0];
	v1 =	vmul.f32 $5.656854150e+00, v1;
	[tilespmem:s13+$0x60] =	vst v0  }
0x1d2: {  	v0 =	vmul.f32 $5.656854150e+00, v7;
	v7 =	vld [tilespmem:s11+$0xFFFFFFD0];
	[tilespmem:s13+$0x70] =	vst v2  }
0x1d3: {  	v2 =	vmul.f32 $5.656854150e+00, v5;
	v5 =	vld [tilespmem:s11+$0xFFFFFFE0];
	[tilespmem:s13+$0xFFFFFFF0] =	vst v1;
	s13 =	smov.u32 s11  }
0x1d4: {  	[tilespmem:s11+$0xFFFFFF80] =	vst v0;
	v0 =	vmul.f32 $5.656854150e+00, v6;
	v1 =	vld [tilespmem:s11+$0x0]  }
0x1d5: {  	[tilespmem:s11+$0xFFFFFF90] =	vst v2;
	v2 =	vmul.f32 $5.656854150e+00, v3;
	v3 =	vld [tilespmem:s11+$0x10]  }
0x1d6: {  	s6 =	sadd.s32 $0x8, s6;
	[tilespmem:s11+$0xFFFFFFA0] =	vst v0;
	v0 =	vmul.f32 $5.656854150e+00, v4;
	v4 =	vld [tilespmem:s11+$0x20]  }
0x1d7: {  	p1 =	slt.u32 s6, $0x638;
	[tilespmem:s11+$0xFFFFFFB0] =	vst v2;
	v2 =	vmul.f32 $5.656854150e+00, v7;
	v6 =	vld [tilespmem:s11+$0x30]  }
.Ltmp4:
0x1d8: {  	[tilespmem:s11+$0xFFFFFFC0] =	vst v0;
	v5 =	vmul.f32 $5.656854150e+00, v5;
	v0 =	vld [tilespmem:s11+$0x40];
	(pc) =	sbr.rel @p1 .LBB2_7-.Ltmp4, $4  }
0x1d9: {  	[tilespmem:s11+$0xFFFFFFD0] =	vst v2;
	v1 =	vmul.f32 $5.656854150e+00, v1;
	v2 =	vld [tilespmem:s11+$0x50]  }
0x1da: {  	[tilespmem:s11+$0xFFFFFFE0] =	vst v5;
	v7 =	vmul.f32 $5.656854150e+00, v3;
	v3 =	vld [tilespmem:s11+$0x60]  }
0x1db: {  	[tilespmem:s11+$0x0] =	vst v1;
	v5 =	vmul.f32 $5.656854150e+00, v4;
	v4 =	vld [tilespmem:s11+$0x70]  }
0x1dc: {  	s11 =	sadd.s32 $0x100, s11;
	v1 =	vld [tilespmem:s13+$0xFFFFFFF0];
	[tilespmem:s13+$0x10] =	vst v7;
	v6 =	vmul.f32 $5.656854150e+00, v6  }
0x1dd: {  	[tilespmem:s13+$0x20] =	vst v5;
	v0 =	vmul.f32 $5.656854150e+00, v0  }
0x1de: {  	[tilespmem:s13+$0x30] =	vst v6;
	v2 =	vmul.f32 $5.656854150e+00, v2  }
0x1df: {  	s6 =	sor.u32 $0x20, s8;
	[tilespmem:s13+$0x40] =	vst v0;
	v62 =	vmul.f32 $5.656854150e+00, v3  }
0x1e0: {  	s8 =	smul.u32 $0xC8, s6;
	[tilespmem:s13+$0x50] =	vst v2;
	v63 =	vmul.f32 $5.656854150e+00, v4  }
0x1e1: {  	s6 =	smul.u32 $0x640, s6;
	v1 =	vmul.f32 $5.656854150e+00, v1;
	[tilespmem:s13+$0x60] =	vst v62  }
0x1e2: {  	[tilespmem:s13+$0x70] =	vst v63  }
0x1e3: {  	s11 =	sadd.s32 s2, s8;
	s6 =	sshrl.u32 s6, $0x3;
	[tilespmem:s13+$0xFFFFFFF0] =	vst v1  }
0x1e4: {  	[hbm4b:s11+s3] =	stream.linear.scatter [tilespmem:s17], [sflag:$0x4], $0x640, $0x38;
	[tilespmem:$0x19C80] =	vst v63  }
0x1e5: {  	s8 =	sadd.s32 s8, s9;
	s6 =	sadd.s32 s2, s6;
	s13 =	simm.s32 $0xDAC0  }
0x1e6: {  	[hbm4b:s8+s3] =	stream.linear.scatter [tilespmem:s13], [sflag:$0x4], $0x640, $0x38;
	[tilespmem:$0x19C80] =	vst v63  }
0x1e7: {  	s11 =	sadd.s32 $0x190, s6;
	s13 =	simm.s32 $0xE100  }
0x1e8: {  	[hbm4b:s11+s3] =	stream.linear.scatter [tilespmem:s13], [sflag:$0x4], $0x640, $0x38;
	[tilespmem:$0x19C80] =	vst v63  }
0x1e9: {  	s11 =	sadd.s32 $0x258, s6;
	s13 =	simm.s32 $0xE740  }
0x1ea: {  	[hbm4b:s11+s3] =	stream.linear.scatter [tilespmem:s13], [sflag:$0x4], $0x640, $0x38;
	[tilespmem:$0x19C80] =	vst v63  }
0x1eb: {  	s11 =	sadd.s32 $0x320, s6;
	s13 =	simm.s32 $0xED80  }
0x1ec: {  	[hbm4b:s11+s3] =	stream.linear.scatter [tilespmem:s13], [sflag:$0x4], $0x640, $0x38;
	[tilespmem:$0x19C80] =	vst v63  }
0x1ed: {  	s11 =	sadd.s32 $0x3E8, s6;
	s13 =	simm.s32 $0xF3C0  }
0x1ee: {  	[hbm4b:s11+s3] =	stream.linear.scatter [tilespmem:s13], [sflag:$0x4], $0x640, $0x38;
	[tilespmem:$0x19C80] =	vst v63  }
0x1ef: {  	s11 =	sadd.s32 $0x4B0, s6;
	s13 =	simm.s32 $0xFA00  }
0x1f0: {  	[hbm4b:s11+s3] =	stream.linear.scatter [tilespmem:s13], [sflag:$0x4], $0x640, $0x38;
	[tilespmem:$0x19C80] =	vst v63  }
0x1f1: {  	s11 =	sadd.s32 $0x578, s6;
	s13 =	simm.s32 $0x10040  }
0x1f2: {  	[hbm4b:s11+s3] =	stream.linear.scatter [tilespmem:s13], [sflag:$0x4], $0x640, $0x38;
	[tilespmem:$0x19C80] =	vst v63  }
0x1f3: {  	s11 =	sadd.s32 $0x640, s6;
	s13 =	simm.s32 $0x10680  }
0x1f4: {  	[hbm4b:s11+s3] =	stream.linear.scatter [tilespmem:s13], [sflag:$0x4], $0x640, $0x38;
	[tilespmem:$0x19C80] =	vst v63  }
0x1f5: {  	s11 =	sadd.s32 $0x708, s6;
	s13 =	simm.s32 $0x10CC0  }
0x1f6: {  	[hbm4b:s11+s3] =	stream.linear.scatter [tilespmem:s13], [sflag:$0x4], $0x640, $0x38;
	[tilespmem:$0x19C80] =	vst v63  }
0x1f7: {  	s11 =	sadd.s32 $0x7D0, s6;
	s13 =	simm.s32 $0x11300  }
0x1f8: {  	[hbm4b:s11+s3] =	stream.linear.scatter [tilespmem:s13], [sflag:$0x4], $0x640, $0x38;
	[tilespmem:$0x19C80] =	vst v63  }
0x1f9: {  	s11 =	sadd.s32 $0x898, s6;
	s13 =	simm.s32 $0x11940  }
0x1fa: {  	[hbm4b:s11+s3] =	stream.linear.scatter [tilespmem:s13], [sflag:$0x4], $0x640, $0x38;
	[tilespmem:$0x19C80] =	vst v63  }
0x1fb: {  	s11 =	sadd.s32 $0x960, s6;
	s13 =	simm.s32 $0x11F80  }
0x1fc: {  	[hbm4b:s11+s3] =	stream.linear.scatter [tilespmem:s13], [sflag:$0x4], $0x640, $0x38;
	[tilespmem:$0x19C80] =	vst v63  }
0x1fd: {  	s11 =	sadd.s32 $0xA28, s6;
	s13 =	simm.s32 $0x125C0  }
0x1fe: {  	[hbm4b:s11+s3] =	stream.linear.scatter [tilespmem:s13], [sflag:$0x4], $0x640, $0x38;
	[tilespmem:$0x19C80] =	vst v63  }
0x1ff: {  	s11 =	sadd.s32 $0xAF0, s6;
	s13 =	simm.s32 $0x12C00  }
0x200: {  	[hbm4b:s11+s3] =	stream.linear.scatter [tilespmem:s13], [sflag:$0x4], $0x640, $0x38;
	[tilespmem:$0x19C80] =	vst v63  }
0x201: {  	s11 =	sadd.s32 $0xBB8, s6;
	s13 =	simm.s32 $0x13240  }
0x202: {  	[hbm4b:s11+s3] =	stream.linear.scatter [tilespmem:s13], [sflag:$0x4], $0x640, $0x38;
	[tilespmem:$0x19C80] =	vst v63  }
0x203: {  	s11 =	sadd.s32 $0xC80, s6;
	s13 =	simm.s32 $0x13880  }
0x204: {  	[hbm4b:s11+s3] =	stream.linear.scatter [tilespmem:s13], [sflag:$0x4], $0x640, $0x38;
	[tilespmem:$0x19C80] =	vst v63  }
0x205: {  	s11 =	sadd.s32 $0xD48, s6;
	s13 =	simm.s32 $0x13EC0  }
0x206: {  	[hbm4b:s11+s3] =	stream.linear.scatter [tilespmem:s13], [sflag:$0x4], $0x640, $0x38;
	[tilespmem:$0x19C80] =	vst v63  }
0x207: {  	s11 =	sadd.s32 $0xE10, s6;
	s13 =	simm.s32 $0x14500  }
0x208: {  	[hbm4b:s11+s3] =	stream.linear.scatter [tilespmem:s13], [sflag:$0x4], $0x640, $0x38;
	[tilespmem:$0x19C80] =	vst v63  }
0x209: {  	s11 =	sadd.s32 $0xED8, s6;
	s13 =	simm.s32 $0x14B40  }
0x20a: {  	[hbm4b:s11+s3] =	stream.linear.scatter [tilespmem:s13], [sflag:$0x4], $0x640, $0x38;
	[tilespmem:$0x19C80] =	vst v63  }
0x20b: {  	s11 =	sadd.s32 $0xFA0, s6;
	s13 =	simm.s32 $0x15180  }
0x20c: {  	[hbm4b:s11+s3] =	stream.linear.scatter [tilespmem:s13], [sflag:$0x4], $0x640, $0x38;
	[tilespmem:$0x19C80] =	vst v63  }
0x20d: {  	s11 =	sadd.s32 $0x1068, s6;
	s13 =	simm.s32 $0x157C0  }
0x20e: {  	[hbm4b:s11+s3] =	stream.linear.scatter [tilespmem:s13], [sflag:$0x4], $0x640, $0x38;
	[tilespmem:$0x19C80] =	vst v63  }
0x20f: {  	s13 =	sadd.s32 $0x1130, s6  }
0x210: {  	[hbm4b:s13+s3] =	stream.linear.scatter [tilespmem:s19], [sflag:$0x4], $0x640, $0x38;
	[tilespmem:$0x19C80] =	vst v63  }
0x211: {  	s11 =	sadd.s32 $0x11F8, s6  }
0x212: {  	[hbm4b:s11+s3] =	stream.linear.scatter [tilespmem:s20], [sflag:$0x4], $0x640, $0x38;
	[tilespmem:$0x19C80] =	vst v63  }
0x213: {  	s13 =	sadd.s32 $0x12C0, s6  }
0x214: {  	[hbm4b:s13+s3] =	stream.linear.scatter [tilespmem:s21], [sflag:$0x4], $0x640, $0x38;
	[tilespmem:$0x19C80] =	vst v63  }
0x215: {  	s11 =	sadd.s32 $0x1388, s6  }
0x216: {  	[hbm4b:s11+s3] =	stream.linear.scatter [tilespmem:s22], [sflag:$0x4], $0x640, $0x38;
	[tilespmem:$0x19C80] =	vst v63  }
0x217: {  	s13 =	sadd.s32 $0x1450, s6  }
0x218: {  	[hbm4b:s13+s3] =	stream.linear.scatter [tilespmem:s23], [sflag:$0x4], $0x640, $0x38;
	[tilespmem:$0x19C80] =	vst v63  }
0x219: {  	s11 =	sadd.s32 $0x1518, s6  }
0x21a: {  	[hbm4b:s11+s3] =	stream.linear.scatter [tilespmem:s24], [sflag:$0x4], $0x640, $0x38;
	[tilespmem:$0x19C80] =	vst v63  }
0x21b: {  	s13 =	sadd.s32 $0x15E0, s6  }
0x21c: {  	[hbm4b:s13+s3] =	stream.linear.scatter [tilespmem:s25], [sflag:$0x4], $0x640, $0x38;
	[tilespmem:$0x19C80] =	vst v63  }
0x21d: {  	s11 =	sadd.s32 $0x16A8, s6  }
0x21e: {  	[hbm4b:s11+s3] =	stream.linear.scatter [tilespmem:s26], [sflag:$0x4], $0x640, $0x38;
	[tilespmem:$0x19C80] =	vst v63  }
.Ltmp5:
0x21f: {  	_ = 	snop;
	(pc) =	sbr.rel @p0 .LBB2_10-.Ltmp5, $4  }
0x220: {  	s13 =	sadd.s32 $0x1770, s6  }
0x221: {  	[hbm4b:s13+s3] =	stream.linear.scatter [tilespmem:s28], [sflag:$0x4], $0x640, $0x38;
	[tilespmem:$0x19C80] =	vst v63  }
0x222: {  	s6 =	sadd.s32 $0x1838, s6  }
0x223: {  	[hbm4b:s6+s3] =	stream.linear.scatter [tilespmem:s29], [sflag:$0x4], $0x640, $0x38;
	[tilespmem:$0x19C80] =	vst v63  }
0x224: {  	s6 =	smul.u32 $0xC80, s1;
	_ =	sdelay $0x1  }
0x225: {  	s6 =	sadd.s32 s6, s12  }
0x226: {  	s6 =	sshrl.u32 s6, $0x3  }
0x227: {  	s6 =	sadd.s32 s4, s6  }
0x228: {  	[tilespmem:s15], [sflag:$0x5] =	stream.linear.gather [hbm4b:s6+s3], $0x640, $0x38;
	[tilespmem:$0x19C80] =	vst v63  }
0x229: {  	_ =	swait.ge [sflag:s14], $0x640  }
0x22a: {  	[sflag:s14] =	ssyncset.done $0x0  }
0x22b: {  	[sflag:s14] =	ssyncadd.s32 $0xFFFFF9C0  }
0x22c: {  	_ =	swait.ge [sflag:s31], $0x640  }
0x22d: {  	[sflag:s31] =	ssyncset.done $0x0  }
0x22e: {  	[sflag:s31] =	ssyncadd.s32 $0xFFFFF9C0  }
0x22f: {  	_ =	swait.ge [sflag:s31], $0x640  }
0x230: {  	[sflag:s31] =	ssyncset.done $0x0  }
0x231: {  	[sflag:s31] =	ssyncadd.s32 $0xFFFFF9C0  }
0x232: {  	_ =	swait.ge [sflag:s31], $0x640  }
0x233: {  	[sflag:s31] =	ssyncset.done $0x0  }
0x234: {  	[sflag:s31] =	ssyncadd.s32 $0xFFFFF9C0  }
0x235: {  	_ =	swait.ge [sflag:s31], $0x640  }
0x236: {  	[sflag:s31] =	ssyncset.done $0x0  }
0x237: {  	[sflag:s31] =	ssyncadd.s32 $0xFFFFF9C0  }
0x238: {  	_ =	swait.ge [sflag:s31], $0x640  }
0x239: {  	[sflag:s31] =	ssyncset.done $0x0  }
0x23a: {  	[sflag:s31] =	ssyncadd.s32 $0xFFFFF9C0  }
0x23b: {  	_ =	swait.ge [sflag:s31], $0x640  }
0x23c: {  	[sflag:s31] =	ssyncset.done $0x0  }
0x23d: {  	[sflag:s31] =	ssyncadd.s32 $0xFFFFF9C0  }
0x23e: {  	_ =	swait.ge [sflag:s31], $0x640  }
0x23f: {  	[sflag:s31] =	ssyncset.done $0x0  }
0x240: {  	[sflag:s31] =	ssyncadd.s32 $0xFFFFF9C0  }
0x241: {  	_ =	swait.ge [sflag:s31], $0x640  }
0x242: {  	[sflag:s31] =	ssyncset.done $0x0  }
0x243: {  	[sflag:s31] =	ssyncadd.s32 $0xFFFFF9C0  }
0x244: {  	_ =	swait.ge [sflag:s31], $0x640  }
0x245: {  	[sflag:s31] =	ssyncset.done $0x0  }
0x246: {  	[sflag:s31] =	ssyncadd.s32 $0xFFFFF9C0  }
0x247: {  	_ =	swait.ge [sflag:s31], $0x640  }
0x248: {  	[sflag:s31] =	ssyncset.done $0x0  }
0x249: {  	[sflag:s31] =	ssyncadd.s32 $0xFFFFF9C0  }
0x24a: {  	_ =	swait.ge [sflag:s31], $0x640  }
0x24b: {  	[sflag:s31] =	ssyncset.done $0x0  }
0x24c: {  	[sflag:s31] =	ssyncadd.s32 $0xFFFFF9C0  }
0x24d: {  	_ =	swait.ge [sflag:s31], $0x640  }
0x24e: {  	[sflag:s31] =	ssyncset.done $0x0  }
0x24f: {  	[sflag:s31] =	ssyncadd.s32 $0xFFFFF9C0  }
0x250: {  	_ =	swait.ge [sflag:s31], $0x640  }
0x251: {  	[sflag:s31] =	ssyncset.done $0x0  }
0x252: {  	[sflag:s31] =	ssyncadd.s32 $0xFFFFF9C0  }
0x253: {  	_ =	swait.ge [sflag:s31], $0x640  }
0x254: {  	[sflag:s31] =	ssyncset.done $0x0  }
0x255: {  	[sflag:s31] =	ssyncadd.s32 $0xFFFFF9C0  }
0x256: {  	_ =	swait.ge [sflag:s31], $0x640  }
0x257: {  	[sflag:s31] =	ssyncset.done $0x0  }
0x258: {  	[sflag:s31] =	ssyncadd.s32 $0xFFFFF9C0  }
0x259: {  	_ =	swait.ge [sflag:s31], $0x640  }
0x25a: {  	[sflag:s31] =	ssyncset.done $0x0  }
0x25b: {  	[sflag:s31] =	ssyncadd.s32 $0xFFFFF9C0  }
0x25c: {  	_ =	swait.ge [sflag:s31], $0x640  }
0x25d: {  	[sflag:s31] =	ssyncset.done $0x0  }
0x25e: {  	[sflag:s31] =	ssyncadd.s32 $0xFFFFF9C0  }
0x25f: {  	_ =	swait.ge [sflag:s31], $0x640  }
0x260: {  	[sflag:s31] =	ssyncset.done $0x0  }
0x261: {  	[sflag:s31] =	ssyncadd.s32 $0xFFFFF9C0  }
0x262: {  	_ =	swait.ge [sflag:s31], $0x640  }
0x263: {  	[sflag:s31] =	ssyncset.done $0x0  }
0x264: {  	[sflag:s31] =	ssyncadd.s32 $0xFFFFF9C0  }
0x265: {  	_ =	swait.ge [sflag:s31], $0x640  }
0x266: {  	[sflag:s31] =	ssyncset.done $0x0  }
0x267: {  	[sflag:s31] =	ssyncadd.s32 $0xFFFFF9C0  }
0x268: {  	_ =	swait.ge [sflag:s31], $0x640  }
0x269: {  	[sflag:s31] =	ssyncset.done $0x0  }
0x26a: {  	[sflag:s31] =	ssyncadd.s32 $0xFFFFF9C0  }
0x26b: {  	_ =	swait.ge [sflag:s31], $0x640  }
0x26c: {  	[sflag:s31] =	ssyncset.done $0x0  }
0x26d: {  	[sflag:s31] =	ssyncadd.s32 $0xFFFFF9C0  }
0x26e: {  	_ =	swait.ge [sflag:s31], $0x640  }
0x26f: {  	[sflag:s31] =	ssyncset.done $0x0  }
0x270: {  	[sflag:s31] =	ssyncadd.s32 $0xFFFFF9C0  }
0x271: {  	_ =	swait.ge [sflag:s31], $0x640  }
0x272: {  	[sflag:s31] =	ssyncset.done $0x0  }
0x273: {  	[sflag:s31] =	ssyncadd.s32 $0xFFFFF9C0  }
0x274: {  	_ =	swait.ge [sflag:s31], $0x640  }
0x275: {  	[sflag:s31] =	ssyncset.done $0x0  }
0x276: {  	[sflag:s31] =	ssyncadd.s32 $0xFFFFF9C0  }
0x277: {  	_ =	swait.ge [sflag:s31], $0x640  }
0x278: {  	[sflag:s31] =	ssyncset.done $0x0  }
0x279: {  	[sflag:s31] =	ssyncadd.s32 $0xFFFFF9C0  }
0x27a: {  	_ =	swait.ge [sflag:s31], $0x640  }
0x27b: {  	[sflag:s31] =	ssyncset.done $0x0  }
0x27c: {  	[sflag:s31] =	ssyncadd.s32 $0xFFFFF9C0  }
0x27d: {  	_ =	swait.ge [sflag:s31], $0x640  }
0x27e: {  	[sflag:s31] =	ssyncset.done $0x0  }
0x27f: {  	[sflag:s31] =	ssyncadd.s32 $0xFFFFF9C0  }
0x280: {  	_ =	swait.ge [sflag:s31], $0x640  }
0x281: {  	[sflag:s31] =	ssyncset.done $0x0  }
0x282: {  	[sflag:s31] =	ssyncadd.s32 $0xFFFFF9C0  }
0x283: {  	_ =	swait.ge [sflag:s31], $0x640  }
0x284: {  	[sflag:s31] =	ssyncset.done $0x0  }
0x285: {  	[sflag:s31] =	ssyncadd.s32 $0xFFFFF9C0  }
0x286: {  	_ =	swait.ge [sflag:s31], $0x640  }
0x287: {  	[sflag:s31] =	ssyncset.done $0x0  }
.Ltmp6:
0x288: {  	[sflag:s31] =	ssyncadd.s32 $0xFFFFF9C0;
	(pc) =	sbr.rel .LBB2_2-.Ltmp6, $4  }
0x289: {  	_ =	swait.ge [sflag:s31], $0x640  }
0x28a: {  	[sflag:s31] =	ssyncset.done $0x0  }
0x28b: {  	s1 =	sadd.s32 $0x1, s1;
	[sflag:s31] =	ssyncadd.s32 $0xFFFFF9C0  }
0x28c: {  	[tilespmem:s17], [sflag:$0x2] =	stream.indirect.gather [hbm4b:s5+s15], $0x20, s15, s15, $0xb8;
	[tilespmem:$0x19C80] =	vst v63  }
.LBB2_11:
0x28d: {  	_ =	sfence.sel $0x180000  }
0x28e: {  	[bflag:$0x0] =	sbarrier.arrive $0xFFFF  }
0x28f: {  	_ =	strace $0x90000047  }
0x290: {  	s0 =	stileid.u32;
	[bflag:$0x2] =	sbarrier.arrive $0xFFFF  }
0x291: {  	p0 =	sne.s32 s0, $0x0;
	s0 =	rddreg [dreg:$0x2]  }
0x292: {  	s0 =	sadd.s32 @!p0 $0x100000, s0  }
0x293: {  	[sflag:s0] =	ssyncadd.tile.s32 @!p0 $0x1;
	_ =	shalt  }
.Lfunc_end2:
_tile_overlayer_lowered:
.L_overlay_start_2:
0x294: {  	(tag) =	ssettag $0x2  }
0x295: {  	s0 =	rddreg [dreg:$0x0];
	s2 =	stileid.u32  }
0x296: {  	s1 =	rddreg [dreg:$0x1];
	p0 =	sne.s32 s2, $0x0  }
0x297: {  	s3 =	rddreg [dreg:$0x2];
	[bflag:$0x3] =	sbarrier.arrive $0xFFFF;
	s2 =	simm.s32 @!p0 $0x1C05  }
0x298: {  	[timem:s3], [sflag:s2] =	dma.local @!p0 [hbm:s0], s1  }
0x299: {  	s0 =	simm.s32 @!p0 $0x5  }
0x29a: {  	_ =	swait.ge @!p0 [sflag:s0], s1  }
0x29b: {  	s1 =	ssub.s32 @!p0 $0x0, s1;
	[sflag:s0] =	ssyncset.done @!p0 $0x0  }
0x29c: {  	[sflag:s0] =	ssyncadd.s32 @!p0 s1  }
0x29d: {  	[bflag:$0x3] =	sbarrier.arrive $0xFFFF  }
0x29e: {  	_ =	shalt  }

// kernel: sparse-core-data-format-call.cloned.1.call-start
scs
called_computation_lowered:
.L_overlay_start_0:
0x0: {  	s2 =	sld [smem:$0x3FD9]  }
0x1: {  	s3 =	sld [smem:$0x3FFE];
	_ =	sdelay $0x1  }
0x2: {  	s1 =	srdreg.scid  }
0x3: {  	s0 =	sand.u32 $0x1, s1  }
0x4: {  	s18 =	sshll.u32 s0, $0xA;
	s2 =	sadd.s32 s3, s2  }
0x5: {  	s2 =	sadd.s32 s2, s18  }
0x6: {  	[smem:$0x3FC6] =	sst s2  }
0x7: {  	_ = 	snop  }
0x8: {  	s2 =	sld [smem:$0x3FD0];
	(tm) =	ssettm $0x1  }
0x9: {  	s19 =	sld [smem:$0x3FFB];
	_ =	sdelay $0x3  }
0xa: {  	_ =	strace s19  }
0xb: {  	s3 =	sld [smem:$0x3FFC];
	_ =	sdelay $0x3  }
0xc: {  	_ =	strace s3  }
0xd: {  	s3 =	sld [smem:$0x3FFD];
	_ =	sdelay $0x3  }
0xe: {  	_ =	strace s3  }
0xf: {  	_ =	strace $0x8FFFFFFF  }
0x10: {  	s20 =	sld [smem:$0x3FDB];
	_ =	sdelay $0x1  }
0x11: {  	s4 =	simm.s32 $_scs_section_size  }
0x12: {  	s5 =	simm.s32 $_size__tile_overlayer_lowered;
	s6 =	simm.s32 $_tile_overlayer_lowered  }
0x13: {  	s23 =	simm.s32 $0x1BFF;
	s22 =	sshll.u32 s6, $0x1;
	s3 =	sadd.s32 s4, s20  }
0x14: {  	s7 =	simm.s32 $0x0;
	s21 =	sshll.u32 s5, $0x1;
	s5 =	sadd.s32 s22, s3  }
0x15: {  	[timem:s7], [sflag:s23] =	dma.local [hbm:s5], s21  }
0x16: {  	_ =	swait.ge [sflag:s23], s21  }
0x17: {  	s4 =	ssub.s32 $0x0, s21;
	[sflag:s23] =	ssyncset.done $0x0  }
0x18: {  	[sflag:s23] =	ssyncadd.s32 s4;
	_ =	sdelay $0x1  }
0x19: {  	s24 =	simm.s32 $0x1B8B  }
0x1a: {  	_ =	swait.ge [sflag:s24], $0x1  }
0x1b: {  	[sflag:s24] =	ssyncset.done $0x0  }
0x1c: {  	s26 =	simm.s32 $0x1B8E;
	s25 =	sld [smem:$0x3FFE];
	[sflag:s24] =	ssyncadd.s32 $0xFFFFFFFF  }
0x1d: {  	s27 =	simm.s32 $execute0_lowered;
	[smem:$0x3FD2] =	sst s26  }
0x1e: {  	s5 =	sshll.u32 s27, $0x1;
	_ =	strace $0x80000049;
	[dreg:$0x1] =	wrdreg $0xFFFFFFFF  }
0x1f: {  	s28 =	simm.s32 $_size_execute0_lowered;
	s3 =	sadd.s32 s3, s5;
	[dreg:$0x0] =	wrdreg $0x0  }
0x20: {  	s5 =	sshll.u32 s28, $0x1;
	[dreg:$0x2] =	wrdreg s3  }
0x21: {  	[dreg:$0x3] =	wrdreg s5  }
0x22: {  	[dreg:$0x4] =	wrdreg $0xC0  }
0x23: {  	_ =	task [dreg:s7], $0x5FFFF  }
0x24: {  	[dreg:$0x1] =	wrdreg $0xFFFFFFFF  }
0x25: {  	[dreg:$0x0] =	wrdreg $0x60  }
0x26: {  	[dreg:$0x2] =	wrdreg s25  }
0x27: {  	[dreg:$0x3] =	wrdreg s2  }
0x28: {  	[dreg:$0x4] =	wrdreg $0x9  }
0x29: {  	_ =	task.clear_ibuf [dreg:s7], $0x5FFFF;
	_ =	strace $0x90000049  }
0x2a: {  	s29 =	simm.s32 $0x9;
	_ =	strace $0x8000004B  }
0x2b: {  	_ =	swait.ge [sflag:s29], $0x1  }
0x2c: {  	[sflag:s29] =	ssyncadd.s32 $0xFFFFFFFF  }
0x2d: {  	_ =	strace $0x9000004B  }
0x2e: {  	_ =	sfence  }
0x2f: {  	s30 =	sld [smem:$0x0];
	_ =	sdelay $0x2  }
0x30: {  	s31 =	sshll.u32 s1, $0xD;
	s1 =	sshrl.u32 s1, $0x2  }
0x31: {  	s3 =	sand.u32 $0x4000, s31;
	s1 =	sadd.s32 s1, s30  }
0x32: {  	s0 =	sor.u32 s3, s0;
	s1 =	sshll.u32 s1, $0x11  }
0x33: {  	s0 =	sor.u32 s1, s0  }
0x34: {  	s0 =	sadd.s32 $0x8F2B, s0  }
0x35: {  	[sflag:s0] =	ssyncadd.remote.s32 $0x1  }
0x36: {  	_ =	sfence.sel $0xFFFF  }
0x37: {  	[dreg:$0x0] =	wrdreg $0xFFFFFFFF;
	(pc) =	sbr.abs _section_cstart, $3  }
0x38: {  	[dreg:$0x1] =	wrdreg $0xFFFFFFFF  }
0x39: {  	_ =	task.clear_ibuf [dreg:s7], $0x2FFFF;
	_ =	strace $0x9FFFFFFF  }
0x3a: {  	(tm) =	ssettm $0x7FFFFFFF  }
0x3b: {  	_ =	shalt  }
tec
execute0_lowered:
.L_overlay_start_1:
0x0: {  	(tag) =	ssettag $0x1  }
0x1: {  	s0 =	srdreg.scid  }
0x2: {  	s1 =	sshll.u32 s0, $0x4  }
0x3: {  	s0 =	stileid.u32;
	s1 =	sand.u32 $0x10, s1  }
0x4: {  	s1 =	sor.u32 s0, s1  }
0x5: {  	s6 =	rddreg [dreg:$0x0];
	s4 =	simm.s32 $0x1;
	s2 =	sshll.u32 s1, $0x7  }
0x6: {  	s7 =	simm.s32 $0x2;
	s12 =	simm.s32 $0x0;
	s1 =	ssub.s32 $0x4000, s2  }
0x7: {  	s8 =	simm.s32 $0x20000;
	s13 =	simm.s32 $0x0;
	s3 =	sand.u32 $0xF80, s1  }
0x8: {  	s9 =	simm.s32 $0x0;
	s5 =	sshrl.u32 s1, $0xC;
	p0 =	sne.s32 s3, $0x0  }
.Ltmp0:
0x9: {  	s1 =	rddreg [dreg:$0x2];
	s4 =	simm.s32 @!p0 $0x0;
	(pc) =	sbr.rel .LBB1_1-.Ltmp0, $4  }
0xa: {  	s11 =	simm.s32 $0x0;
	s3 =	rddreg [dreg:$0x1];
	s5 =	sadd.s32 s4, s5  }
0xb: {  	_ =	strace $0x8000004A;
	s4 =	simm.s32 $0x1;
	s5 =	smul.u32 $0x32, s5  }
0xc: {  	s6 =	sadd.s32 $0xA00, s6;
	s10 =	smov.u32 s2;
	[sflag:s4] =	ssyncpa.u1 $0x0  }
0xd: {  	p0 =	por $0x0, $0x0;
	[sflag:s7] =	ssyncpa.u1 $0x0;
	s7 =	sor.u32 $0x1, s5  }
.LBB1_4:
0xe: {  	s16 =	sshll.u32 s13, $0x3;
	s17 =	sand.u32 $0x78, s13  }
0xf: {  	s30 =	sand.u32 $0xF800, s13;
	s12 =	sshll.u32 s12, $0x10;
	s16 =	sand.u32 $0x3C00, s16  }
0x10: {  	s31 =	sand.u32 $0x7, s13;
	s16 =	sor.u32 s17, s16;
	s17 =	sadd.s32 s3, s30  }
0x11: {  	s13 =	sshll.u32 s31, $0x12;
	s16 =	sshrl.u32 s16, $0x3;
	s12 =	sadd.s32 s12, s17  }
0x12: {  	[tilespmem:s15+$0x0 ss:$0x81] =	vst.msk $0xffff, v0;
	s13 =	sor.u32 $0x400, s13;
	s12 =	sadd.s32 s16, s12  }
0x13: {  	[hbm4b:s12+s13] =	stream.strided.scatter [tilespmem:s14], [sflag:$0x2], $0x1000, s8, s13, $0x20;
	[tilespmem:$0x4040] =	vst v63  }
.LBB1_5:
0x14: {  	s14 =	sadd.s32 $0x1, s9  }
0x15: {  	s12 =	sadd.s32 $0x1000, s10;
	s16 =	smov.u32 s10;
	p2 =	sgt.s32 s14, $0x31  }
0x16: {  	s16 =	smov.u32 @p2 s12  }
0x17: {  	s14 =	simm.s32 @p2 $0x0;
	p2 =	sgt.s32 s16, $0x3FFF  }
0x18: {  	s16 =	smov.u32 @p2 s2;
	p2 =	sne.s32 s11, s7  }
.Ltmp1:
0x19: {  	p1 =	slt.u32 s11, $0x2;
	(pc) =	sbr.rel @!p2 .LBB1_6-.Ltmp1, $4  }
0x1a: {  	s15 =	simm.s32 @!p1 $0x2  }
0x1b: {  	s13 =	smov.u32 s10;
	p0 =	por !p0, !p0;
	_ =	swait.ge @!p1 [sflag:s15], $0x1000  }
0x1c: {  	s12 =	smov.u32 s9;
	[sflag:s15] =	ssyncset.done @!p1 $0x0;
	s9 =	smov.u32 s14  }
0x1d: {  	s11 =	sadd.s32 $0x1, s11;
	[sflag:s15] =	ssyncadd.s32 @!p1 $0xFFFFF000;
	s10 =	smov.u32 s16  }
.LBB1_1:
0x1e: {  	p1 =	sge.u32 s11, s5  }
0x1f: {  	s14 =	sand.u32 @!p1 $0x1FFFFFF, s9  }
0x20: {  	s15 =	smulhi.u32 @!p1 $0x4924925, s14;
	_ =	sdelay $0x1  }
0x21: {  	s15 =	smul.u32 @!p1 $0x38, s15  }
0x22: {  	s16 =	sxor.u32 @!p1 $0xFFFFFFFF, s11;
	s17 =	smul.u32 @!p1 $0x380, s10  }
0x23: {  	s31 =	sadd.s32 $0xFFFFFFFF, s11;
	s16 =	sshll.u32 @!p1 s16, $0xC;
	s14 =	ssub.s32 @!p1 s14, s15  }
0x24: {  	s15 =	sand.u32 @!p1 $0x1000, s16;
	s16 =	sadd.s32 @!p1 s6, s17;
	s14 =	sshll.u32 @!p1 s14, $0x4  }
0x25: {  	s17 =	simm.s32 @!p1 $0x1C00;
	s14 =	sadd.s32 @!p1 s14, s16;
	s16 =	simm.s32 @!p1 $0x20  }
0x26: {  	[tilespmem:s15], [sflag:$0x1] =	stream.strided.gather @!p1 [hbm4b:s14+s16], $0x1000, s17, s16, $0x38;
	[tilespmem:$0x4040] =	vst v63  }
0x27: {  	p1 =	sge.u32 s31, s5  }
.Ltmp2:
0x28: {  	_ = 	snop;
	(pc) =	sbr.rel @p1 .LBB1_5-.Ltmp2, $1  }
0x29: {  	_ =	sdelay $0x3  }
0x2a: {  	s14 =	simm.s32 $0x1  }
0x2b: {  	_ =	swait.ge [sflag:s4], $0x1000;
	s14 =	simm.s32 @!p0 $0x0  }
0x2c: {  	[sflag:s4] =	ssyncset.done $0x0;
	s15 =	sshll.u32 s14, $0xC  }
0x2d: {  	[sflag:s4] =	ssyncadd.s32 $0xFFFFF000;
	s18 =	sor.u32 $0x10, s15  }
0x2e: {  	s14 =	smul.u32 $0x4080, s14;
	v1 =	vld [tilespmem:s18+$0x0]  }
0x2f: {  	s30 =	sand.u32 $0x1, s11;
	v0 =	vld [tilespmem:s18+$0xFFFFFFF0]  }
0x30: {  	s15 =	smul.u32 $0x4080, s30;
	s14 =	sshrl.u32 s14, $0x2  }
0x31: {  	s16 =	sor.u32 $0x2000, s14  }
0x32: {  	s31 =	sshrl.u32 s15, $0x2;
	s15 =	sadd.s32 $0x0, s16  }
0x33: {  	s17 =	simm.s32 $0x4;
	s18 =	sadd.s32 $0x20, s18;
	s14 =	sor.u32 $0x2000, s31;
	[tilespmem:s15+$0x810 ss:$0x81] =	vst.msk $0xffff, v1  }
.LBB1_3:
0x34: {  	v1 =	vld [tilespmem:s18+$0x0];
	p1 =	sne.s32 s17, $0x1FC;
	[tilespmem:s15+$0x0 ss:$0x81] =	vst.msk $0xffff, v0;
	s15 =	smov.u32 s17;
	s17 =	sadd.s32 $0x4, s17  }
.Ltmp3:
0x35: {  	v0 =	vld [tilespmem:s18+$0xFFFFFFF0];
	(pc) =	sbr.rel @p1 .LBB1_3-.Ltmp3, $4  }
0x36: {  	_ = 	snop  }
0x37: {  	s15 =	sshra.s32 s15, $0x2  }
0x38: {  	s15 =	sadd.s32 s15, s16  }
0x39: {  	s18 =	sadd.s32 $0x20, s18;
	[tilespmem:s15+$0x810 ss:$0x81] =	vst.msk $0xffff, v1  }
.Ltmp4:
0x3a: {  	_ = 	snop;
	(pc) =	sbr.rel .LBB1_4-.Ltmp4, $1  }
0x3b: {  	_ =	sdelay $0x3  }
.LBB1_6:
0x3c: {  	_ =	sfence.sel $0x180000  }
0x3d: {  	s2 =	simm.s32 $0x1;
	[bflag:$0x0] =	sbarrier.arrive $0xFFFF  }
0x3e: {  	s31 =	simm.s32 $0x2;
	[sflag:s2] =	ssyncpa.u1 $0x1  }
0x3f: {  	[sflag:s31] =	ssyncpa.u1 $0x1  }
0x40: {  	p0 =	sne.s32 s0, $0x0;
	_ =	strace $0x9000004A  }
0x41: {  	s0 =	sadd.s32 @!p0 $0x100000, s1;
	[bflag:$0x2] =	sbarrier.arrive $0xFFFF  }
0x42: {  	[sflag:s0] =	ssyncadd.tile.s32 @!p0 $0x1;
	_ =	shalt  }
.Lfunc_end1:
_tile_overlayer_lowered:
.L_overlay_start_2:
0x43: {  	(tag) =	ssettag $0x2  }
0x44: {  	s0 =	rddreg [dreg:$0x0];
	s2 =	stileid.u32  }
0x45: {  	s1 =	rddreg [dreg:$0x1];
	p0 =	sne.s32 s2, $0x0  }
0x46: {  	s3 =	rddreg [dreg:$0x2];
	[bflag:$0x3] =	sbarrier.arrive $0xFFFF;
	s2 =	simm.s32 @!p0 $0x1C01  }
0x47: {  	[timem:s3], [sflag:s2] =	dma.local @!p0 [hbm:s0], s1  }
0x48: {  	s0 =	simm.s32 @!p0 $0x1  }
0x49: {  	_ =	swait.ge @!p0 [sflag:s0], s1  }
0x4a: {  	s1 =	ssub.s32 @!p0 $0x0, s1;
	[sflag:s0] =	ssyncset.done @!p0 $0x0  }
0x4b: {  	[sflag:s0] =	ssyncadd.s32 @!p0 s1  }
0x4c: {  	[bflag:$0x3] =	sbarrier.arrive $0xFFFF  }
0x4d: {  	_ =	shalt  }

</sc_bundles>
